<compile_context>
chip_gen: v7x
topology: tpu7x:2x2x1
jax: 0.10.2.dev20260603
libtpu: 0.0.44.dev20260713+nightly
codegen_flags: <defaults>
</compile_context>

<pallas_src>
import jax
import jax.numpy as jnp
from jax import lax
from jax.experimental import pallas as pl
from jax.experimental.pallas import tpu as pltpu
from jax.experimental.pallas import tpu_sc as plsc

N = 50000
E = 1600000
NP = 51200
NC = 2
NS = 16
NW = NC * NS
GRP = 512
CG = 2
CHUNKS = 98
EP = NS * CHUNKS * CG * GRP
ROWS_PER_TILE = NP // NS
HF = 16


def _sc_mesh():
    return plsc.VectorSubcoreMesh(core_axis_name="c", subcore_axis_name="s")


CE = CG * GRP


def _scale_rows(rows_v, ew_v, r, d):
    rbase = r * CE
    ebase = d * CE

    @pl.loop(0, CE // 16, unroll=2)
    def _scale(g):
        ew16 = ew_v[pl.ds(ebase + g * 16, 16)]
        for k in range(16):
            e = rbase + g * 16 + k
            w16 = ew16.at[jnp.full((16,), k, jnp.int32)].get(
                mode="promise_in_bounds")
            v0 = rows_v[e, pl.ds(0, HF)]
            rows_v[e, pl.ds(0, HF)] = v0 * w16


def _msg_body(y_hbm, row_hbm, col_hbm, ew_hbm, zeros_hbm, zp_hbm,
              row_v, col_v, ew_v, rows_v, z_sh, isem, gsem, ssem):
    c = lax.axis_index("c")
    s = lax.axis_index("s")
    base_row = s * ROWS_PER_TILE
    pltpu.sync_copy(zeros_hbm, z_sh.at[pl.ds(base_row, ROWS_PER_TILE)])
    plsc.subcore_barrier()

    def start_idx(ch, d):
        pltpu.async_copy(row_hbm.at[c, s, ch], row_v.at[d], isem)
        pltpu.async_copy(col_hbm.at[s, ch], col_v.at[d], isem)
        pltpu.async_copy(ew_hbm.at[s, pl.ds(ch * CE, CE)],
                         ew_v.at[pl.ds(d * CE, CE)], isem)

    def wait_idx(d):
        pltpu.make_async_copy(row_hbm.at[c, s, 0], row_v.at[d], isem).wait()
        pltpu.make_async_copy(col_hbm.at[s, 0], col_v.at[d], isem).wait()
        pltpu.make_async_copy(ew_hbm.at[s, pl.ds(0, CE)],
                              ew_v.at[pl.ds(d * CE, CE)], isem).wait()

    def start_gather(r, d):
        for j in range(CG):
            pltpu.async_copy(y_hbm.at[row_v.at[d, j]],
                             rows_v.at[pl.ds(r * CE + j * GRP, GRP)], gsem)

    def wait_gather(r):
        pltpu.make_async_copy(y_hbm.at[pl.ds(0, CE)],
                              rows_v.at[pl.ds(r * CE, CE)], gsem).wait()

    def start_scatter(r, d):
        for j in range(CG):
            pltpu.async_copy(rows_v.at[pl.ds(r * CE + j * GRP, GRP)],
                             z_sh.at[col_v.at[d, j]], ssem, add=True)

    def wait_scatter(r):
        pltpu.make_async_copy(rows_v.at[pl.ds(r * CE, CE)],
                              z_sh.at[pl.ds(0, CE)], ssem).wait()

    start_idx(0, 0)
    start_idx(1, 1)
    wait_idx(0)
    start_gather(0, 0)

    @pl.loop(0, CHUNKS)
    def _chunk(i):
        r = lax.rem(i, 3)
        rn = lax.rem(i + 1, 3)
        d = lax.bitwise_and(i, 3)
        dn = lax.bitwise_and(i + 1, 3)
        d2 = lax.bitwise_and(i + 2, 3)
        wait_gather(r)

        @pl.when(i >= 2)
        def _():
            wait_scatter(lax.rem(i + 1, 3))

        @pl.when(i + 1 < CHUNKS)
        def _():
            wait_idx(dn)
            start_gather(rn, dn)

        @pl.when(i + 2 < CHUNKS)
        def _():
            start_idx(i + 2, d2)

        _scale_rows(rows_v, ew_v, r, d)
        start_scatter(r, d)

    wait_scatter(lax.rem(CHUNKS - 2, 3))
    wait_scatter(lax.rem(CHUNKS - 1, 3))

    plsc.subcore_barrier()
    pltpu.sync_copy(z_sh.at[pl.ds(base_row, ROWS_PER_TILE)],
                    zp_hbm.at[c, pl.ds(base_row, ROWS_PER_TILE)])


def _msg_call(y2, row_r2, col_r2, ew_r2, zeros_rt):
    k = pl.kernel(
        _msg_body,
        out_type=jax.ShapeDtypeStruct((NC, NP, HF), jnp.float32),
        mesh=_sc_mesh(),
        compiler_params=pltpu.CompilerParams(use_tc_tiling_on_sc=False),
        scratch_types=[
            pltpu.VMEM((4, CG, GRP), jnp.int32),
            pltpu.VMEM((4, CG, GRP), jnp.int32),
            pltpu.VMEM((4 * CE,), jnp.float32),
            pltpu.VMEM((3 * CE, HF), jnp.float32),
            pltpu.VMEM_SHARED((NP, HF), jnp.float32),
            pltpu.SemaphoreType.DMA,
            pltpu.SemaphoreType.DMA,
            pltpu.SemaphoreType.DMA,
        ],
    )
    args = [pltpu.with_memory_space_constraint(a, pltpu.HBM)
            for a in (y2, row_r2, col_r2, ew_r2, zeros_rt)]
    return k(*args)


DCHUNKS = CHUNKS // 2


def _deg_body(col_hbm, ew_hbm, zeros_hbm, zp_hbm,
              col_v, ew_v, rows_v, z_sh, isem, ssem):
    c = lax.axis_index("c")
    s = lax.axis_index("s")
    base_row = s * ROWS_PER_TILE
    pltpu.sync_copy(zeros_hbm, z_sh.at[pl.ds(base_row, ROWS_PER_TILE)])
    plsc.subcore_barrier()

    def start_idx(ch, d):
        chg = c * DCHUNKS + ch
        pltpu.async_copy(col_hbm.at[s, chg], col_v.at[d], isem)
        pltpu.async_copy(ew_hbm.at[s, pl.ds(chg * CE, CE)],
                         ew_v.at[pl.ds(d * CE, CE)], isem)

    def wait_idx(d):
        pltpu.make_async_copy(col_hbm.at[s, 0], col_v.at[d], isem).wait()
        pltpu.make_async_copy(ew_hbm.at[s, pl.ds(0, CE)],
                              ew_v.at[pl.ds(d * CE, CE)], isem).wait()

    def start_scatter(r, d):
        for j in range(CG):
            pltpu.async_copy(rows_v.at[pl.ds(r * CE + j * GRP, GRP)],
                             z_sh.at[col_v.at[d, j]], ssem, add=True)

    def wait_scatter(r):
        pltpu.make_async_copy(rows_v.at[pl.ds(r * CE, CE)],
                              z_sh.at[pl.ds(0, CE)], ssem).wait()

    start_idx(0, 0)
    start_idx(1, 1)

    @pl.loop(0, DCHUNKS)
    def _chunk(i):
        r = lax.bitwise_and(i, 1)
        d = lax.bitwise_and(i, 3)

        @pl.when(i >= 2)
        def _():
            wait_scatter(lax.bitwise_and(i, 1))

        wait_idx(d)

        rbase = r * CE
        ebase = d * CE

        @pl.loop(0, CE // 16)
        def _fill(g):
            ew16 = ew_v[pl.ds(ebase + g * 16, 16)]
            for k in range(16):
                e = rbase + g * 16 + k
                w16 = ew16.at[jnp.full((16,), k, jnp.int32)].get(
                    mode="promise_in_bounds")
                v0 = rows_v[e, pl.ds(0, HF)]
                rows_v[e, pl.ds(0, HF)] = v0 * 0.0 + w16

        @pl.when(i + 2 < DCHUNKS)
        def _():
            start_idx(i + 2, lax.bitwise_and(i + 2, 3))

        start_scatter(r, d)

    wait_scatter(lax.bitwise_and(DCHUNKS - 2, 1))
    wait_scatter(lax.bitwise_and(DCHUNKS - 1, 1))

    plsc.subcore_barrier()
    pltpu.sync_copy(z_sh.at[pl.ds(base_row, ROWS_PER_TILE)],
                    zp_hbm.at[c, pl.ds(base_row, ROWS_PER_TILE)])


def _deg_call(col_r2, ew_r2, zeros_rt):
    k = pl.kernel(
        _deg_body,
        out_type=jax.ShapeDtypeStruct((NC, NP, HF), jnp.float32),
        mesh=_sc_mesh(),
        compiler_params=pltpu.CompilerParams(use_tc_tiling_on_sc=False),
        scratch_types=[
            pltpu.VMEM((4, CG, GRP), jnp.int32),
            pltpu.VMEM((4 * CE,), jnp.float32),
            pltpu.VMEM((2 * CE, HF), jnp.float32),
            pltpu.VMEM_SHARED((NP, HF), jnp.float32),
            pltpu.SemaphoreType.DMA,
            pltpu.SemaphoreType.DMA,
        ],
    )
    args = [pltpu.with_memory_space_constraint(a, pltpu.HBM)
            for a in (col_r2, ew_r2, zeros_rt)]
    return k(*args)


BLK = 2048
GRID = NP // BLK


def _mm(a, b):
    return lax.dot_general(a, b, (((1,), (0,)), ((), ())),
                           preferred_element_type=jnp.float32)


def _tc_ab_body(c_ref, x_ref, degp_ref, we1_ref, be1_ref, we2_ref, be2_ref,
                w1a_ref, w1b_ref, y1s_ref, dinv_ref, xw1_ref):
    emb = _mm(jax.nn.relu(_mm(c_ref[...], we1_ref[...]) + be1_ref[...]),
              we2_ref[...]) + be2_ref[...]
    xw1 = _mm(x_ref[...], w1a_ref[...]) + _mm(emb, w1b_ref[...])
    xw1_ref[...] = xw1
    deg = degp_ref[0, :, 0:1] + degp_ref[1, :, 0:1] + 1.0
    dinv = lax.rsqrt(deg)
    dinv_ref[...] = dinv
    y1 = xw1 * dinv
    y1s_ref[0] = y1[:, :HF]
    y1s_ref[1] = y1[:, HF:]


def _tc_c_body(zp_ref, dinv_ref, xw1_ref, b1_ref, w2_ref, y2s_ref, xw2_ref):
    dinv = dinv_ref[...]
    z1 = jnp.concatenate([zp_ref[0], zp_ref[1]], axis=1)
    h1 = jax.nn.relu((z1 + dinv * xw1_ref[...]) * dinv + b1_ref[...])
    xw2 = _mm(h1, w2_ref[...])
    xw2_ref[...] = xw2
    y2 = xw2 * dinv
    y2s_ref[0] = y2[:, :HF]
    y2s_ref[1] = y2[:, HF:]


def _tc_d_body(zp_ref, dinv_ref, xw2_ref, b2_ref, wf_ref, bf_ref, out_ref):
    dinv = dinv_ref[...]
    z2 = jnp.concatenate([zp_ref[0], zp_ref[1]], axis=1)
    h2 = jax.nn.relu((z2 + dinv * xw2_ref[...]) * dinv + b2_ref[...])
    out_ref[...] = _mm(h2, wf_ref[...]) + bf_ref[...]


def _row_spec(width):
    return pl.BlockSpec((BLK, width), lambda i: (i, 0))


def _part_spec(width):
    return pl.BlockSpec((NC, BLK, width), lambda i: (0, i, 0))


def _full_spec(shape):
    nd = len(shape)
    return pl.BlockSpec(shape, lambda i: (0,) * nd)


def kernel(x, c, ei, ew, W_enc1, b_enc1, W_enc2, b_enc2, W1, b1, W2, b2, Wf, bf):
    f32 = jnp.float32
    x = x.astype(f32)
    c = c.astype(f32)
    ew = ew.astype(f32)

    pad_e = EP - E
    row = jnp.concatenate([ei[0].astype(jnp.int32),
                           jnp.zeros((pad_e,), jnp.int32)])
    col = jnp.concatenate([ei[1].astype(jnp.int32),
                           jnp.zeros((pad_e,), jnp.int32)])
    ewp = jnp.concatenate([ew, jnp.zeros((pad_e,), f32)])
    row_t = row.reshape(NS, CHUNKS, CG, GRP)
    row_r2 = jnp.stack([row_t, row_t + NP])
    col_r2 = col.reshape(NS, CHUNKS, CG, GRP)
    ew_r2 = ewp.reshape(NS, CHUNKS * CE)

    pad_n = NP - N
    xp = jnp.concatenate([x, jnp.zeros((pad_n, x.shape[1]), f32)])
    cp = jnp.concatenate([c, jnp.zeros((pad_n, c.shape[1]), f32)])

    zeros_rt = jnp.zeros((ROWS_PER_TILE, HF), f32)

    be1 = b_enc1.reshape(1, -1)
    be2 = b_enc2.reshape(1, -1)
    W1a = W1[:3]
    W1b = W1[3:]
    b1r = b1.reshape(1, -1)
    b2r = b2.reshape(1, -1)
    bfr = bf.reshape(1, -1)

    degp = _deg_call(col_r2, ew_r2, zeros_rt)

    y1s, dinv, xw1 = pl.pallas_call(
        _tc_ab_body,
        grid=(GRID,),
        in_specs=[_row_spec(2), _row_spec(3), _part_spec(HF),
                  _full_spec(W_enc1.shape), _full_spec(be1.shape),
                  _full_spec(W_enc2.shape), _full_spec(be2.shape),
                  _full_spec(W1a.shape), _full_spec(W1b.shape)],
        out_specs=[_part_spec(HF), _row_spec(1), _row_spec(32)],
        out_shape=[jax.ShapeDtypeStruct((NC, NP, HF), f32),
                   jax.ShapeDtypeStruct((NP, 1), f32),
                   jax.ShapeDtypeStruct((NP, 32), f32)],
    )(cp, xp, degp, W_enc1, be1, W_enc2, be2, W1a, W1b)

    z1p = _msg_call(y1s.reshape(2 * NP, HF), row_r2, col_r2, ew_r2, zeros_rt)

    y2s, xw2 = pl.pallas_call(
        _tc_c_body,
        grid=(GRID,),
        in_specs=[_part_spec(HF), _row_spec(1), _row_spec(32),
                  _full_spec(b1r.shape), _full_spec(W2.shape)],
        out_specs=[_part_spec(HF), _row_spec(32)],
        out_shape=[jax.ShapeDtypeStruct((NC, NP, HF), f32),
                   jax.ShapeDtypeStruct((NP, 32), f32)],
    )(z1p, dinv, xw1, b1r, W2)

    z2p = _msg_call(y2s.reshape(2 * NP, HF), row_r2, col_r2, ew_r2, zeros_rt)

    out = pl.pallas_call(
        _tc_d_body,
        grid=(GRID,),
        in_specs=[_part_spec(HF), _row_spec(1), _row_spec(32),
                  _full_spec(b2r.shape), _full_spec(Wf.shape),
                  _full_spec(bfr.shape)],
        out_specs=_row_spec(1),
        out_shape=jax.ShapeDtypeStruct((NP, 1), f32),
    )(z2p, dinv, xw2, b2r, Wf, bfr)

    return out[:N]

# --- scband reference (transcript-rebuilt; emitter-appended) ---
"""Pipeline reference for scband-pegcn-53824530153898 (READ-ONLY COPY).

The authoritative reference and input builder live on the scoring server;
editing this copy changes nothing except your own understanding.
"""

import jax, jax.numpy as jnp
import numpy as np

N = 50000
E = 1600000
NUM_FEATURES_IN = 3
NUM_FEATURES_OUT = 1
EMB_HIDDEN_DIM = 128
EMB_DIM = 16
H1 = 32
H2 = 32


def setup_inputs(seed: int = 0) -> dict:
    key = jax.random.key(seed)
    ks = jax.random.split(key, 14)
    x = jax.random.normal(ks[0], (N, NUM_FEATURES_IN), dtype=jnp.float32)
    c = jax.random.uniform(ks[1], (N, 2), dtype=jnp.float32)
    ei = jax.random.randint(ks[2], (2, E), 0, N, dtype=jnp.int32)
    ew = jax.random.uniform(ks[3], (E,), dtype=jnp.float32)
    # positional (location) encoder MLP: 2 -> emb_hidden_dim -> emb_dim
    W_enc1 = jax.random.normal(ks[4], (2, EMB_HIDDEN_DIM), dtype=jnp.float32) * 0.1
    b_enc1 = jnp.zeros((EMB_HIDDEN_DIM,), dtype=jnp.float32)
    W_enc2 = jax.random.normal(ks[5], (EMB_HIDDEN_DIM, EMB_DIM), dtype=jnp.float32) * 0.1
    b_enc2 = jnp.zeros((EMB_DIM,), dtype=jnp.float32)
    # GCNConv layers
    W1 = jax.random.normal(ks[6], (NUM_FEATURES_IN + EMB_DIM, H1), dtype=jnp.float32) * 0.1
    b1 = jnp.zeros((H1,), dtype=jnp.float32)
    W2 = jax.random.normal(ks[7], (H1, H2), dtype=jnp.float32) * 0.1
    b2 = jnp.zeros((H2,), dtype=jnp.float32)
    # output fc
    Wf = jax.random.normal(ks[8], (H2, NUM_FEATURES_OUT), dtype=jnp.float32) * 0.1
    bf = jnp.zeros((NUM_FEATURES_OUT,), dtype=jnp.float32)
    return {"x": x, "c": c, "ei": ei, "ew": ew,
            "W_enc1": W_enc1, "b_enc1": b_enc1, "W_enc2": W_enc2, "b_enc2": b_enc2,
            "W1": W1, "b1": b1, "W2": W2, "b2": b2, "Wf": Wf, "bf": bf}


def _gcn_conv(x, edge_index, edge_weight, W, b):
    """PyG-style GCNConv with edge weights: lin -> add self-loops (w=1) ->
    symmetric deg normalization -> scatter-add aggregation -> bias."""
    n = x.shape[0]
    xw = x @ W
    row = edge_index[0]
    col = edge_index[1]
    loop = jnp.arange(n, dtype=row.dtype)
    row2 = jnp.concatenate([row, loop])
    col2 = jnp.concatenate([col, loop])
    ew2 = jnp.concatenate([edge_weight, jnp.ones((n,), dtype=x.dtype)])
    deg = jax.ops.segment_sum(ew2, col2, num_segments=n)
    dinv = jnp.where(deg > 0, jax.lax.rsqrt(jnp.maximum(deg, 1e-12)), 0.0)
    norm = dinv[row2] * ew2 * dinv[col2]
    msgs = xw[row2] * norm[:, None]
    out = jax.ops.segment_sum(msgs, col2, num_segments=n)
    return out + b


def reference(x, c, ei, ew, W_enc1, b_enc1, W_enc2, b_enc2, W1, b1, W2, b2, Wf, bf):
    x = x.astype(jnp.float32)
    c = c.astype(jnp.float32)
    # positional encoder (per-node MLP on coordinates)
    emb = jax.nn.relu(c @ W_enc1 + b_enc1) @ W_enc2 + b_enc2
    emb = emb.astype(jnp.float32)
    h = jnp.concatenate([x, emb], axis=1)
    h1 = jax.nn.relu(_gcn_conv(h, ei, ew, W1, b1))
    # dropout is identity in eval mode
    h2 = jax.nn.relu(_gcn_conv(h1, ei, ew, W2, b2))
    out = h2 @ Wf + bf
    return out

if __name__ == "__main__":
    import jax
    _d = setup_inputs()
    print(jax.jit(kernel)(*tuple(_d.values())))

</pallas_src>

<mosaic_0001>
#map = affine_map<(d0, d1) -> (0, 0)>
#map1 = affine_map<(d0, d1) -> (0, 0, 0, 0, 0)>
#map2 = affine_map<(d0, d1) -> (0, 0, 0, 0)>
#map3 = affine_map<(d0, d1) -> (0, 0, 0)>
module attributes {stable_mosaic.version = 14 : i64} {
  func.func @_msg_body(%arg0: i32, %arg1: i32, %arg2: memref<102400x16xf32, #tpu.memory_space<hbm>>, %arg3: memref<2x16x98x2x512xi32, #tpu.memory_space<hbm>>, %arg4: memref<16x98x2x512xi32, #tpu.memory_space<hbm>>, %arg5: memref<16x100352xf32, #tpu.memory_space<hbm>>, %arg6: memref<3200x16xf32, #tpu.memory_space<hbm>>, %arg7: memref<2x51200x16xf32, #tpu.memory_space<hbm>>, %arg8: memref<4x2x512xi32, #tpu.memory_space<vmem>>, %arg9: memref<4x2x512xi32, #tpu.memory_space<vmem>>, %arg10: memref<4096xf32, #tpu.memory_space<vmem>>, %arg11: memref<3072x16xf32, #tpu.memory_space<vmem>>, %arg12: memref<51200x16xf32, #tpu.memory_space<vmem_shared>>, %arg13: memref<!tpu.dma_semaphore, #tpu.memory_space<semaphore_mem>>, %arg14: memref<!tpu.dma_semaphore, #tpu.memory_space<semaphore_mem>>, %arg15: memref<!tpu.dma_semaphore, #tpu.memory_space<semaphore_mem>>) attributes {dimension_semantics = [#tpu.dimension_semantics<core_parallel>, #tpu.dimension_semantics<subcore_parallel>], iteration_bounds = array<i64: 2, 16>, scalar_prefetch = 0 : i64, scratch_operands = 8 : i64, tpu.core_type = #tpu.core_type<sc_vector_subcore>, window_params = [{transform_indices = #map}, {transform_indices = #map1}, {transform_indices = #map2}, {transform_indices = #map}, {transform_indices = #map}, {transform_indices = #map3}]} {
    %mul3A = arith.constant 3200 : i32
    %mul3A_0 = arith.muli %arg1, %mul3A : i32
    "tpu.region"() ({
      %run_scoped3A = tpu.sem_alloc : memref<!tpu.dma_semaphore, #tpu.memory_space<semaphore_mem>>
      %dma_start3A_193 = arith.constant 0 : i32
      %dma_start3A_194 = tpu.memref_slice %arg12[%mul3A_0, %dma_start3A_193] : memref<51200x16xf32, #tpu.memory_space<vmem_shared>> -> memref<3200x16xf32, #tpu.memory_space<vmem_shared>>
      tpu.enqueue_dma source(%arg6 : memref<3200x16xf32, #tpu.memory_space<hbm>>) target(%dma_start3A_194 : memref<3200x16xf32, #tpu.memory_space<vmem_shared>>) target_semaphore(%run_scoped3A : memref<!tpu.dma_semaphore, #tpu.memory_space<semaphore_mem>>)
      %dma_wait3A_195 = arith.constant 0 : i32
      %dma_wait3A_196 = tpu.memref_slice %arg12[%mul3A_0, %dma_wait3A_195] : memref<51200x16xf32, #tpu.memory_space<vmem_shared>> -> memref<3200x16xf32, #tpu.memory_space<vmem_shared>>
      tpu.wait_dma2 semaphore(%run_scoped3A : memref<!tpu.dma_semaphore, #tpu.memory_space<semaphore_mem>>) src(%arg6 : memref<3200x16xf32, #tpu.memory_space<hbm>>) dst(%dma_wait3A_196 : memref<3200x16xf32, #tpu.memory_space<vmem_shared>>)
      tpu.yield
    }) : () -> ()
    %barrier3A = arith.constant 0 : index
    tpu.barrier barrier_id(%barrier3A)
    %dma_start3A = arith.constant 0 : i32
    %dma_start3A_1 = arith.constant 0 : i32
    %dma_start3A_2 = arith.constant 0 : i32
    %dma_start3A_3 = arith.constant 0 : i32
    %dma_start3A_4 = tpu.memref_slice %arg8[%dma_start3A_1, %dma_start3A_2, %dma_start3A_3] : memref<4x2x512xi32, #tpu.memory_space<vmem>> -> memref<1x2x512xi32, #tpu.memory_space<vmem>>
    %dma_start3A_5 = tpu.memref_squeeze %dma_start3A_4 : memref<1x2x512xi32, #tpu.memory_space<vmem>> -> memref<2x512xi32, #tpu.memory_space<vmem>>
    %dma_start3A_6 = arith.constant 0 : i32
    %dma_start3A_7 = arith.constant 0 : i32
    %dma_start3A_8 = tpu.memref_slice %arg3[%arg0, %arg1, %dma_start3A, %dma_start3A_6, %dma_start3A_7] : memref<2x16x98x2x512xi32, #tpu.memory_space<hbm>> -> memref<1x1x1x2x512xi32, #tpu.memory_space<hbm>>
    %dma_start3A_9 = tpu.memref_squeeze %dma_start3A_8 : memref<1x1x1x2x512xi32, #tpu.memory_space<hbm>> -> memref<2x512xi32, #tpu.memory_space<hbm>>
    %dma_start3A_10 = arith.constant 0 : i32
    %dma_start3A_11 = arith.constant 0 : i32
    %dma_start3A_12 = tpu.memref_slice %arg8[%dma_start3A_1, %dma_start3A_10, %dma_start3A_11] : memref<4x2x512xi32, #tpu.memory_space<vmem>> -> memref<1x2x512xi32, #tpu.memory_space<vmem>>
    %dma_start3A_13 = tpu.memref_squeeze %dma_start3A_12 : memref<1x2x512xi32, #tpu.memory_space<vmem>> -> memref<2x512xi32, #tpu.memory_space<vmem>>
    %dma_start3A_14 = arith.constant 0 : i32
    %dma_start3A_15 = arith.constant 0 : i32
    %dma_start3A_16 = tpu.memref_slice %arg3[%arg0, %arg1, %dma_start3A, %dma_start3A_14, %dma_start3A_15] : memref<2x16x98x2x512xi32, #tpu.memory_space<hbm>> -> memref<1x1x1x2x512xi32, #tpu.memory_space<hbm>>
    %dma_start3A_17 = tpu.memref_squeeze %dma_start3A_16 : memref<1x1x1x2x512xi32, #tpu.memory_space<hbm>> -> memref<2x512xi32, #tpu.memory_space<hbm>>
    tpu.enqueue_dma source(%dma_start3A_17 : memref<2x512xi32, #tpu.memory_space<hbm>>) target(%dma_start3A_13 : memref<2x512xi32, #tpu.memory_space<vmem>>) target_semaphore(%arg13 : memref<!tpu.dma_semaphore, #tpu.memory_space<semaphore_mem>>)
    %dma_start3A_18 = arith.constant 0 : i32
    %dma_start3A_19 = arith.constant 0 : i32
    %dma_start3A_20 = arith.constant 0 : i32
    %dma_start3A_21 = arith.constant 0 : i32
    %dma_start3A_22 = tpu.memref_slice %arg9[%dma_start3A_19, %dma_start3A_20, %dma_start3A_21] : memref<4x2x512xi32, #tpu.memory_space<vmem>> -> memref<1x2x512xi32, #tpu.memory_space<vmem>>
    %dma_start3A_23 = tpu.memref_squeeze %dma_start3A_22 : memref<1x2x512xi32, #tpu.memory_space<vmem>> -> memref<2x512xi32, #tpu.memory_space<vmem>>
    %dma_start3A_24 = arith.constant 0 : i32
    %dma_start3A_25 = arith.constant 0 : i32
    %dma_start3A_26 = tpu.memref_slice %arg4[%arg1, %dma_start3A_18, %dma_start3A_24, %dma_start3A_25] : memref<16x98x2x512xi32, #tpu.memory_space<hbm>> -> memref<1x1x2x512xi32, #tpu.memory_space<hbm>>
    %dma_start3A_27 = tpu.memref_squeeze %dma_start3A_26 : memref<1x1x2x512xi32, #tpu.memory_space<hbm>> -> memref<2x512xi32, #tpu.memory_space<hbm>>
    %dma_start3A_28 = arith.constant 0 : i32
    %dma_start3A_29 = arith.constant 0 : i32
    %dma_start3A_30 = tpu.memref_slice %arg9[%dma_start3A_19, %dma_start3A_28, %dma_start3A_29] : memref<4x2x512xi32, #tpu.memory_space<vmem>> -> memref<1x2x512xi32, #tpu.memory_space<vmem>>
    %dma_start3A_31 = tpu.memref_squeeze %dma_start3A_30 : memref<1x2x512xi32, #tpu.memory_space<vmem>> -> memref<2x512xi32, #tpu.memory_space<vmem>>
    %dma_start3A_32 = arith.constant 0 : i32
    %dma_start3A_33 = arith.constant 0 : i32
    %dma_start3A_34 = tpu.memref_slice %arg4[%arg1, %dma_start3A_18, %dma_start3A_32, %dma_start3A_33] : memref<16x98x2x512xi32, #tpu.memory_space<hbm>> -> memref<1x1x2x512xi32, #tpu.memory_space<hbm>>
    %dma_start3A_35 = tpu.memref_squeeze %dma_start3A_34 : memref<1x1x2x512xi32, #tpu.memory_space<hbm>> -> memref<2x512xi32, #tpu.memory_space<hbm>>
    tpu.enqueue_dma source(%dma_start3A_35 : memref<2x512xi32, #tpu.memory_space<hbm>>) target(%dma_start3A_31 : memref<2x512xi32, #tpu.memory_space<vmem>>) target_semaphore(%arg13 : memref<!tpu.dma_semaphore, #tpu.memory_space<semaphore_mem>>)
    %dma_start3A_36 = arith.constant 0 : i32
    %dma_start3A_37 = tpu.memref_slice %arg10[%dma_start3A_36] : memref<4096xf32, #tpu.memory_space<vmem>> -> memref<1024xf32, #tpu.memory_space<vmem>>
    %dma_start3A_38 = arith.constant 0 : i32
    %dma_start3A_39 = tpu.memref_slice %arg5[%arg1, %dma_start3A_38] : memref<16x100352xf32, #tpu.memory_space<hbm>> -> memref<1x1024xf32, #tpu.memory_space<hbm>>
    %dma_start3A_40 = tpu.memref_squeeze %dma_start3A_39 : memref<1x1024xf32, #tpu.memory_space<hbm>> -> memref<1024xf32, #tpu.memory_space<hbm>>
    %dma_start3A_41 = arith.constant 0 : i32
    %dma_start3A_42 = tpu.memref_slice %arg10[%dma_start3A_41] : memref<4096xf32, #tpu.memory_space<vmem>> -> memref<1024xf32, #tpu.memory_space<vmem>>
    %dma_start3A_43 = arith.constant 0 : i32
    %dma_start3A_44 = tpu.memref_slice %arg5[%arg1, %dma_start3A_43] : memref<16x100352xf32, #tpu.memory_space<hbm>> -> memref<1x1024xf32, #tpu.memory_space<hbm>>
    %dma_start3A_45 = tpu.memref_squeeze %dma_start3A_44 : memref<1x1024xf32, #tpu.memory_space<hbm>> -> memref<1024xf32, #tpu.memory_space<hbm>>
    tpu.enqueue_dma source(%dma_start3A_45 : memref<1024xf32, #tpu.memory_space<hbm>>) target(%dma_start3A_42 : memref<1024xf32, #tpu.memory_space<vmem>>) target_semaphore(%arg13 : memref<!tpu.dma_semaphore, #tpu.memory_space<semaphore_mem>>)
    %dma_start3A_46 = arith.constant 1 : i32
    %dma_start3A_47 = arith.constant 1 : i32
    %dma_start3A_48 = arith.constant 0 : i32
    %dma_start3A_49 = arith.constant 0 : i32
    %dma_start3A_50 = tpu.memref_slice %arg8[%dma_start3A_47, %dma_start3A_48, %dma_start3A_49] : memref<4x2x512xi32, #tpu.memory_space<vmem>> -> memref<1x2x512xi32, #tpu.memory_space<vmem>>
    %dma_start3A_51 = tpu.memref_squeeze %dma_start3A_50 : memref<1x2x512xi32, #tpu.memory_space<vmem>> -> memref<2x512xi32, #tpu.memory_space<vmem>>
    %dma_start3A_52 = arith.constant 0 : i32
    %dma_start3A_53 = arith.constant 0 : i32
    %dma_start3A_54 = tpu.memref_slice %arg3[%arg0, %arg1, %dma_start3A_46, %dma_start3A_52, %dma_start3A_53] : memref<2x16x98x2x512xi32, #tpu.memory_space<hbm>> -> memref<1x1x1x2x512xi32, #tpu.memory_space<hbm>>
    %dma_start3A_55 = tpu.memref_squeeze %dma_start3A_54 : memref<1x1x1x2x512xi32, #tpu.memory_space<hbm>> -> memref<2x512xi32, #tpu.memory_space<hbm>>
    %dma_start3A_56 = arith.constant 0 : i32
    %dma_start3A_57 = arith.constant 0 : i32
    %dma_start3A_58 = tpu.memref_slice %arg8[%dma_start3A_47, %dma_start3A_56, %dma_start3A_57] : memref<4x2x512xi32, #tpu.memory_space<vmem>> -> memref<1x2x512xi32, #tpu.memory_space<vmem>>
    %dma_start3A_59 = tpu.memref_squeeze %dma_start3A_58 : memref<1x2x512xi32, #tpu.memory_space<vmem>> -> memref<2x512xi32, #tpu.memory_space<vmem>>
    %dma_start3A_60 = arith.constant 0 : i32
    %dma_start3A_61 = arith.constant 0 : i32
    %dma_start3A_62 = tpu.memref_slice %arg3[%arg0, %arg1, %dma_start3A_46, %dma_start3A_60, %dma_start3A_61] : memref<2x16x98x2x512xi32, #tpu.memory_space<hbm>> -> memref<1x1x1x2x512xi32, #tpu.memory_space<hbm>>
    %dma_start3A_63 = tpu.memref_squeeze %dma_start3A_62 : memref<1x1x1x2x512xi32, #tpu.memory_space<hbm>> -> memref<2x512xi32, #tpu.memory_space<hbm>>
    tpu.enqueue_dma source(%dma_start3A_63 : memref<2x512xi32, #tpu.memory_space<hbm>>) target(%dma_start3A_59 : memref<2x512xi32, #tpu.memory_space<vmem>>) target_semaphore(%arg13 : memref<!tpu.dma_semaphore, #tpu.memory_space<semaphore_mem>>)
    %dma_start3A_64 = arith.constant 1 : i32
    %dma_start3A_65 = arith.constant 1 : i32
    %dma_start3A_66 = arith.constant 0 : i32
    %dma_start3A_67 = arith.constant 0 : i32
    %dma_start3A_68 = tpu.memref_slice %arg9[%dma_start3A_65, %dma_start3A_66, %dma_start3A_67] : memref<4x2x512xi32, #tpu.memory_space<vmem>> -> memref<1x2x512xi32, #tpu.memory_space<vmem>>
    %dma_start3A_69 = tpu.memref_squeeze %dma_start3A_68 : memref<1x2x512xi32, #tpu.memory_space<vmem>> -> memref<2x512xi32, #tpu.memory_space<vmem>>
    %dma_start3A_70 = arith.constant 0 : i32
    %dma_start3A_71 = arith.constant 0 : i32
    %dma_start3A_72 = tpu.memref_slice %arg4[%arg1, %dma_start3A_64, %dma_start3A_70, %dma_start3A_71] : memref<16x98x2x512xi32, #tpu.memory_space<hbm>> -> memref<1x1x2x512xi32, #tpu.memory_space<hbm>>
    %dma_start3A_73 = tpu.memref_squeeze %dma_start3A_72 : memref<1x1x2x512xi32, #tpu.memory_space<hbm>> -> memref<2x512xi32, #tpu.memory_space<hbm>>
    %dma_start3A_74 = arith.constant 0 : i32
    %dma_start3A_75 = arith.constant 0 : i32
    %dma_start3A_76 = tpu.memref_slice %arg9[%dma_start3A_65, %dma_start3A_74, %dma_start3A_75] : memref<4x2x512xi32, #tpu.memory_space<vmem>> -> memref<1x2x512xi32, #tpu.memory_space<vmem>>
    %dma_start3A_77 = tpu.memref_squeeze %dma_start3A_76 : memref<1x2x512xi32, #tpu.memory_space<vmem>> -> memref<2x512xi32, #tpu.memory_space<vmem>>
    %dma_start3A_78 = arith.constant 0 : i32
    %dma_start3A_79 = arith.constant 0 : i32
    %dma_start3A_80 = tpu.memref_slice %arg4[%arg1, %dma_start3A_64, %dma_start3A_78, %dma_start3A_79] : memref<16x98x2x512xi32, #tpu.memory_space<hbm>> -> memref<1x1x2x512xi32, #tpu.memory_space<hbm>>
    %dma_start3A_81 = tpu.memref_squeeze %dma_start3A_80 : memref<1x1x2x512xi32, #tpu.memory_space<hbm>> -> memref<2x512xi32, #tpu.memory_space<hbm>>
    tpu.enqueue_dma source(%dma_start3A_81 : memref<2x512xi32, #tpu.memory_space<hbm>>) target(%dma_start3A_77 : memref<2x512xi32, #tpu.memory_space<vmem>>) target_semaphore(%arg13 : memref<!tpu.dma_semaphore, #tpu.memory_space<semaphore_mem>>)
    %dma_start3A_82 = arith.constant 1024 : i32
    %dma_start3A_83 = tpu.memref_slice %arg10[%dma_start3A_82] : memref<4096xf32, #tpu.memory_space<vmem>> -> memref<1024xf32, #tpu.memory_space<vmem>>
    %dma_start3A_84 = arith.constant 1024 : i32
    %dma_start3A_85 = tpu.memref_slice %arg5[%arg1, %dma_start3A_84] : memref<16x100352xf32, #tpu.memory_space<hbm>> -> memref<1x1024xf32, #tpu.memory_space<hbm>>
    %dma_start3A_86 = tpu.memref_squeeze %dma_start3A_85 : memref<1x1024xf32, #tpu.memory_space<hbm>> -> memref<1024xf32, #tpu.memory_space<hbm>>
    %dma_start3A_87 = arith.constant 1024 : i32
    %dma_start3A_88 = tpu.memref_slice %arg10[%dma_start3A_87] : memref<4096xf32, #tpu.memory_space<vmem>> -> memref<1024xf32, #tpu.memory_space<vmem>>
    %dma_start3A_89 = arith.constant 1024 : i32
    %dma_start3A_90 = tpu.memref_slice %arg5[%arg1, %dma_start3A_89] : memref<16x100352xf32, #tpu.memory_space<hbm>> -> memref<1x1024xf32, #tpu.memory_space<hbm>>
    %dma_start3A_91 = tpu.memref_squeeze %dma_start3A_90 : memref<1x1024xf32, #tpu.memory_space<hbm>> -> memref<1024xf32, #tpu.memory_space<hbm>>
    tpu.enqueue_dma source(%dma_start3A_91 : memref<1024xf32, #tpu.memory_space<hbm>>) target(%dma_start3A_88 : memref<1024xf32, #tpu.memory_space<vmem>>) target_semaphore(%arg13 : memref<!tpu.dma_semaphore, #tpu.memory_space<semaphore_mem>>)
    %dma_wait3A = arith.constant 0 : i32
    %dma_wait3A_92 = arith.constant 0 : i32
    %dma_wait3A_93 = arith.constant 0 : i32
    %dma_wait3A_94 = arith.constant 0 : i32
    %dma_wait3A_95 = tpu.memref_slice %arg8[%dma_wait3A_92, %dma_wait3A_93, %dma_wait3A_94] : memref<4x2x512xi32, #tpu.memory_space<vmem>> -> memref<1x2x512xi32, #tpu.memory_space<vmem>>
    %dma_wait3A_96 = tpu.memref_squeeze %dma_wait3A_95 : memref<1x2x512xi32, #tpu.memory_space<vmem>> -> memref<2x512xi32, #tpu.memory_space<vmem>>
    %dma_wait3A_97 = arith.constant 0 : i32
    %dma_wait3A_98 = arith.constant 0 : i32
    %dma_wait3A_99 = tpu.memref_slice %arg3[%arg0, %arg1, %dma_wait3A, %dma_wait3A_97, %dma_wait3A_98] : memref<2x16x98x2x512xi32, #tpu.memory_space<hbm>> -> memref<1x1x1x2x512xi32, #tpu.memory_space<hbm>>
    %dma_wait3A_100 = tpu.memref_squeeze %dma_wait3A_99 : memref<1x1x1x2x512xi32, #tpu.memory_space<hbm>> -> memref<2x512xi32, #tpu.memory_space<hbm>>
    %dma_wait3A_101 = arith.constant 0 : i32
    %dma_wait3A_102 = arith.constant 0 : i32
    %dma_wait3A_103 = tpu.memref_slice %arg8[%dma_wait3A_92, %dma_wait3A_101, %dma_wait3A_102] : memref<4x2x512xi32, #tpu.memory_space<vmem>> -> memref<1x2x512xi32, #tpu.memory_space<vmem>>
    %dma_wait3A_104 = tpu.memref_squeeze %dma_wait3A_103 : memref<1x2x512xi32, #tpu.memory_space<vmem>> -> memref<2x512xi32, #tpu.memory_space<vmem>>
    %dma_wait3A_105 = arith.constant 0 : i32
    %dma_wait3A_106 = arith.constant 0 : i32
    %dma_wait3A_107 = tpu.memref_slice %arg3[%arg0, %arg1, %dma_wait3A, %dma_wait3A_105, %dma_wait3A_106] : memref<2x16x98x2x512xi32, #tpu.memory_space<hbm>> -> memref<1x1x1x2x512xi32, #tpu.memory_space<hbm>>
    %dma_wait3A_108 = tpu.memref_squeeze %dma_wait3A_107 : memref<1x1x1x2x512xi32, #tpu.memory_space<hbm>> -> memref<2x512xi32, #tpu.memory_space<hbm>>
    tpu.wait_dma2 semaphore(%arg13 : memref<!tpu.dma_semaphore, #tpu.memory_space<semaphore_mem>>) src(%dma_wait3A_108 : memref<2x512xi32, #tpu.memory_space<hbm>>) dst(%dma_wait3A_104 : memref<2x512xi32, #tpu.memory_space<vmem>>)
    %dma_wait3A_109 = arith.constant 0 : i32
    %dma_wait3A_110 = arith.constant 0 : i32
    %dma_wait3A_111 = arith.constant 0 : i32
    %dma_wait3A_112 = arith.constant 0 : i32
    %dma_wait3A_113 = tpu.memref_slice %arg9[%dma_wait3A_110, %dma_wait3A_111, %dma_wait3A_112] : memref<4x2x512xi32, #tpu.memory_space<vmem>> -> memref<1x2x512xi32, #tpu.memory_space<vmem>>
    %dma_wait3A_114 = tpu.memref_squeeze %dma_wait3A_113 : memref<1x2x512xi32, #tpu.memory_space<vmem>> -> memref<2x512xi32, #tpu.memory_space<vmem>>
    %dma_wait3A_115 = arith.constant 0 : i32
    %dma_wait3A_116 = arith.constant 0 : i32
    %dma_wait3A_117 = tpu.memref_slice %arg4[%arg1, %dma_wait3A_109, %dma_wait3A_115, %dma_wait3A_116] : memref<16x98x2x512xi32, #tpu.memory_space<hbm>> -> memref<1x1x2x512xi32, #tpu.memory_space<hbm>>
    %dma_wait3A_118 = tpu.memref_squeeze %dma_wait3A_117 : memref<1x1x2x512xi32, #tpu.memory_space<hbm>> -> memref<2x512xi32, #tpu.memory_space<hbm>>
    %dma_wait3A_119 = arith.constant 0 : i32
    %dma_wait3A_120 = arith.constant 0 : i32
    %dma_wait3A_121 = tpu.memref_slice %arg9[%dma_wait3A_110, %dma_wait3A_119, %dma_wait3A_120] : memref<4x2x512xi32, #tpu.memory_space<vmem>> -> memref<1x2x512xi32, #tpu.memory_space<vmem>>
    %dma_wait3A_122 = tpu.memref_squeeze %dma_wait3A_121 : memref<1x2x512xi32, #tpu.memory_space<vmem>> -> memref<2x512xi32, #tpu.memory_space<vmem>>
    %dma_wait3A_123 = arith.constant 0 : i32
    %dma_wait3A_124 = arith.constant 0 : i32
    %dma_wait3A_125 = tpu.memref_slice %arg4[%arg1, %dma_wait3A_109, %dma_wait3A_123, %dma_wait3A_124] : memref<16x98x2x512xi32, #tpu.memory_space<hbm>> -> memref<1x1x2x512xi32, #tpu.memory_space<hbm>>
    %dma_wait3A_126 = tpu.memref_squeeze %dma_wait3A_125 : memref<1x1x2x512xi32, #tpu.memory_space<hbm>> -> memref<2x512xi32, #tpu.memory_space<hbm>>
    tpu.wait_dma2 semaphore(%arg13 : memref<!tpu.dma_semaphore, #tpu.memory_space<semaphore_mem>>) src(%dma_wait3A_126 : memref<2x512xi32, #tpu.memory_space<hbm>>) dst(%dma_wait3A_122 : memref<2x512xi32, #tpu.memory_space<vmem>>)
    %dma_wait3A_127 = arith.constant 0 : i32
    %dma_wait3A_128 = tpu.memref_slice %arg10[%dma_wait3A_127] : memref<4096xf32, #tpu.memory_space<vmem>> -> memref<1024xf32, #tpu.memory_space<vmem>>
    %dma_wait3A_129 = arith.constant 0 : i32
    %dma_wait3A_130 = tpu.memref_slice %arg5[%arg1, %dma_wait3A_129] : memref<16x100352xf32, #tpu.memory_space<hbm>> -> memref<1x1024xf32, #tpu.memory_space<hbm>>
    %dma_wait3A_131 = tpu.memref_squeeze %dma_wait3A_130 : memref<1x1024xf32, #tpu.memory_space<hbm>> -> memref<1024xf32, #tpu.memory_space<hbm>>
    %dma_wait3A_132 = arith.constant 0 : i32
    %dma_wait3A_133 = tpu.memref_slice %arg10[%dma_wait3A_132] : memref<4096xf32, #tpu.memory_space<vmem>> -> memref<1024xf32, #tpu.memory_space<vmem>>
    %dma_wait3A_134 = arith.constant 0 : i32
    %dma_wait3A_135 = tpu.memref_slice %arg5[%arg1, %dma_wait3A_134] : memref<16x100352xf32, #tpu.memory_space<hbm>> -> memref<1x1024xf32, #tpu.memory_space<hbm>>
    %dma_wait3A_136 = tpu.memref_squeeze %dma_wait3A_135 : memref<1x1024xf32, #tpu.memory_space<hbm>> -> memref<1024xf32, #tpu.memory_space<hbm>>
    tpu.wait_dma2 semaphore(%arg13 : memref<!tpu.dma_semaphore, #tpu.memory_space<semaphore_mem>>) src(%dma_wait3A_136 : memref<1024xf32, #tpu.memory_space<hbm>>) dst(%dma_wait3A_133 : memref<1024xf32, #tpu.memory_space<vmem>>)
    %dma_start3A_137 = arith.constant 0 : i32
    %dma_start3A_138 = arith.constant 0 : i32
    %dma_start3A_139 = arith.constant 0 : i32
    %dma_start3A_140 = arith.constant 0 : i32
    %dma_start3A_141 = tpu.memref_slice %arg11[%dma_start3A_139, %dma_start3A_140] : memref<3072x16xf32, #tpu.memory_space<vmem>> -> memref<512x16xf32, #tpu.memory_space<vmem>>
    %dma_start3A_142 = arith.constant 0 : i32
    %dma_start3A_143 = tpu.memref_slice %arg8[%dma_start3A_137, %dma_start3A_138, %dma_start3A_142] : memref<4x2x512xi32, #tpu.memory_space<vmem>> -> memref<1x1x512xi32, #tpu.memory_space<vmem>>
    %dma_start3A_144 = tpu.memref_squeeze %dma_start3A_143 : memref<1x1x512xi32, #tpu.memory_space<vmem>> -> memref<512xi32, #tpu.memory_space<vmem>>
    %dma_start3A_145 = arith.constant 0 : i32
    %dma_start3A_146 = arith.constant 0 : i32
    %dma_start3A_147 = tpu.memref_slice %arg2[%dma_start3A_145, %dma_start3A_146] : memref<102400x16xf32, #tpu.memory_space<hbm>> -> memref<102400x16xf32, #tpu.memory_space<hbm>>
    tpu.enqueue_indirect_dma source(%dma_start3A_147 : memref<102400x16xf32, #tpu.memory_space<hbm>>) target(%dma_start3A_141 : memref<512x16xf32, #tpu.memory_space<vmem>>) offsets(%dma_start3A_144 : memref<512xi32, #tpu.memory_space<vmem>>) semaphore(%arg14 : memref<!tpu.dma_semaphore, #tpu.memory_space<semaphore_mem>>)
    %dma_start3A_148 = arith.constant 0 : i32
    %dma_start3A_149 = arith.constant 1 : i32
    %dma_start3A_150 = arith.constant 512 : i32
    %dma_start3A_151 = arith.constant 0 : i32
    %dma_start3A_152 = tpu.memref_slice %arg11[%dma_start3A_150, %dma_start3A_151] : memref<3072x16xf32, #tpu.memory_space<vmem>> -> memref<512x16xf32, #tpu.memory_space<vmem>>
    %dma_start3A_153 = arith.constant 0 : i32
    %dma_start3A_154 = tpu.memref_slice %arg8[%dma_start3A_148, %dma_start3A_149, %dma_start3A_153] : memref<4x2x512xi32, #tpu.memory_space<vmem>> -> memref<1x1x512xi32, #tpu.memory_space<vmem>>
    %dma_start3A_155 = tpu.memref_squeeze %dma_start3A_154 : memref<1x1x512xi32, #tpu.memory_space<vmem>> -> memref<512xi32, #tpu.memory_space<vmem>>
    %dma_start3A_156 = arith.constant 0 : i32
    %dma_start3A_157 = arith.constant 0 : i32
    %dma_start3A_158 = tpu.memref_slice %arg2[%dma_start3A_156, %dma_start3A_157] : memref<102400x16xf32, #tpu.memory_space<hbm>> -> memref<102400x16xf32, #tpu.memory_space<hbm>>
    tpu.enqueue_indirect_dma source(%dma_start3A_158 : memref<102400x16xf32, #tpu.memory_space<hbm>>) target(%dma_start3A_152 : memref<512x16xf32, #tpu.memory_space<vmem>>) offsets(%dma_start3A_155 : memref<512xi32, #tpu.memory_space<vmem>>) semaphore(%arg14 : memref<!tpu.dma_semaphore, #tpu.memory_space<semaphore_mem>>)
    %scan3A = arith.constant 0 : i32
    %scan3A_159 = arith.constant 98 : i32
    %scan3A_160 = arith.addi %scan3A, %scan3A_159 : i32
    %scan3A_161 = arith.constant 1 : i32
    scf.for %scan3A_193 = %scan3A to %scan3A_160 step %scan3A_161  : i32 {
      %mul3A_194 = arith.constant 1 : i32
      %mul3A_195 = arith.muli %scan3A_193, %mul3A_194 : i32
      %add3A = arith.constant 0 : i32
      %add3A_196 = arith.addi %add3A, %mul3A_195 : i32
      %rem3A_197 = arith.constant 3 : i32
      %rem3A_198 = arith.remsi %add3A_196, %rem3A_197 : i32
      %add3A_199 = arith.constant 1 : i32
      %add3A_200 = arith.addi %add3A_196, %add3A_199 : i32
      %rem3A_201 = arith.constant 3 : i32
      %rem3A_202 = arith.remsi %add3A_200, %rem3A_201 : i32
      %and3A = arith.constant 3 : i32
      %and3A_203 = arith.andi %add3A_196, %and3A : i32
      %add3A_204 = arith.constant 1 : i32
      %add3A_205 = arith.addi %add3A_196, %add3A_204 : i32
      %and3A_206 = arith.constant 3 : i32
      %and3A_207 = arith.andi %add3A_205, %and3A_206 : i32
      %add3A_208 = arith.constant 2 : i32
      %add3A_209 = arith.addi %add3A_196, %add3A_208 : i32
      %and3A_210 = arith.constant 3 : i32
      %and3A_211 = arith.andi %add3A_209, %and3A_210 : i32
      %mul3A_212 = arith.constant 1024 : i32
      %mul3A_213 = arith.muli %rem3A_198, %mul3A_212 : i32
      %dma_wait3A_214 = arith.constant 0 : i32
      %dma_wait3A_215 = tpu.memref_slice %arg11[%mul3A_213, %dma_wait3A_214] : memref<3072x16xf32, #tpu.memory_space<vmem>> -> memref<1024x16xf32, #tpu.memory_space<vmem>>
      %dma_wait3A_216 = arith.constant 0 : i32
      %dma_wait3A_217 = arith.constant 0 : i32
      %dma_wait3A_218 = tpu.memref_slice %arg2[%dma_wait3A_216, %dma_wait3A_217] : memref<102400x16xf32, #tpu.memory_space<hbm>> -> memref<1024x16xf32, #tpu.memory_space<hbm>>
      %dma_wait3A_219 = arith.constant 0 : i32
      %dma_wait3A_220 = tpu.memref_slice %arg11[%mul3A_213, %dma_wait3A_219] : memref<3072x16xf32, #tpu.memory_space<vmem>> -> memref<1024x16xf32, #tpu.memory_space<vmem>>
      %dma_wait3A_221 = arith.constant 0 : i32
      %dma_wait3A_222 = arith.constant 0 : i32
      %dma_wait3A_223 = tpu.memref_slice %arg2[%dma_wait3A_221, %dma_wait3A_222] : memref<102400x16xf32, #tpu.memory_space<hbm>> -> memref<1024x16xf32, #tpu.memory_space<hbm>>
      tpu.wait_dma2 semaphore(%arg14 : memref<!tpu.dma_semaphore, #tpu.memory_space<semaphore_mem>>) src(%dma_wait3A_223 : memref<1024x16xf32, #tpu.memory_space<hbm>>) dst(%dma_wait3A_220 : memref<1024x16xf32, #tpu.memory_space<vmem>>)
      %ge3A = arith.constant 2 : i32
      %ge3A_224 = arith.cmpi sge, %add3A_196, %ge3A : i32
      %convert_element_type3A = arith.extui %ge3A_224 : i1 to i32
      %cond3A = arith.constant 0 : i32
      %cond3A_225 = arith.cmpi ne, %convert_element_type3A, %cond3A : i32
      scf.if %cond3A_225 {
        %add3A_274 = arith.constant 1 : i32
        %add3A_275 = arith.addi %add3A_196, %add3A_274 : i32
        %rem3A_276 = arith.constant 3 : i32
        %rem3A_277 = arith.remsi %add3A_275, %rem3A_276 : i32
        %mul3A_278 = arith.constant 1024 : i32
        %mul3A_279 = arith.muli %rem3A_277, %mul3A_278 : i32
        %dma_wait3A_280 = arith.constant 0 : i32
        %dma_wait3A_281 = tpu.memref_slice %arg11[%mul3A_279, %dma_wait3A_280] : memref<3072x16xf32, #tpu.memory_space<vmem>> -> memref<1024x16xf32, #tpu.memory_space<vmem>>
        %dma_wait3A_282 = arith.constant 0 : i32
        %dma_wait3A_283 = arith.constant 0 : i32
        %dma_wait3A_284 = tpu.memref_slice %arg12[%dma_wait3A_282, %dma_wait3A_283] : memref<51200x16xf32, #tpu.memory_space<vmem_shared>> -> memref<1024x16xf32, #tpu.memory_space<vmem_shared>>
        %dma_wait3A_285 = arith.constant 0 : i32
        %dma_wait3A_286 = arith.constant 0 : i32
        %dma_wait3A_287 = tpu.memref_slice %arg12[%dma_wait3A_285, %dma_wait3A_286] : memref<51200x16xf32, #tpu.memory_space<vmem_shared>> -> memref<1024x16xf32, #tpu.memory_space<vmem_shared>>
        %dma_wait3A_288 = arith.constant 0 : i32
        %dma_wait3A_289 = tpu.memref_slice %arg11[%mul3A_279, %dma_wait3A_288] : memref<3072x16xf32, #tpu.memory_space<vmem>> -> memref<1024x16xf32, #tpu.memory_space<vmem>>
        tpu.wait_dma2 semaphore(%arg15 : memref<!tpu.dma_semaphore, #tpu.memory_space<semaphore_mem>>) src(%dma_wait3A_289 : memref<1024x16xf32, #tpu.memory_space<vmem>>) dst(%dma_wait3A_287 : memref<1024x16xf32, #tpu.memory_space<vmem_shared>>)
      } else {
      }
      %add3A_226 = arith.constant 1 : i32
      %add3A_227 = arith.addi %add3A_196, %add3A_226 : i32
      %lt3A = arith.constant 98 : i32
      %lt3A_228 = arith.cmpi slt, %add3A_227, %lt3A : i32
      %convert_element_type3A_229 = arith.extui %lt3A_228 : i1 to i32
      %cond3A_230 = arith.constant 0 : i32
      %cond3A_231 = arith.cmpi ne, %convert_element_type3A_229, %cond3A_230 : i32
      scf.if %cond3A_231 {
        %dma_wait3A_274 = arith.constant 0 : i32
        %dma_wait3A_275 = arith.constant 0 : i32
        %dma_wait3A_276 = arith.constant 0 : i32
        %dma_wait3A_277 = tpu.memref_slice %arg8[%and3A_207, %dma_wait3A_275, %dma_wait3A_276] : memref<4x2x512xi32, #tpu.memory_space<vmem>> -> memref<1x2x512xi32, #tpu.memory_space<vmem>>
        %dma_wait3A_278 = tpu.memref_squeeze %dma_wait3A_277 : memref<1x2x512xi32, #tpu.memory_space<vmem>> -> memref<2x512xi32, #tpu.memory_space<vmem>>
        %dma_wait3A_279 = arith.constant 0 : i32
        %dma_wait3A_280 = arith.constant 0 : i32
        %dma_wait3A_281 = tpu.memref_slice %arg3[%arg0, %arg1, %dma_wait3A_274, %dma_wait3A_279, %dma_wait3A_280] : memref<2x16x98x2x512xi32, #tpu.memory_space<hbm>> -> memref<1x1x1x2x512xi32, #tpu.memory_space<hbm>>
        %dma_wait3A_282 = tpu.memref_squeeze %dma_wait3A_281 : memref<1x1x1x2x512xi32, #tpu.memory_space<hbm>> -> memref<2x512xi32, #tpu.memory_space<hbm>>
        %dma_wait3A_283 = arith.constant 0 : i32
        %dma_wait3A_284 = arith.constant 0 : i32
        %dma_wait3A_285 = tpu.memref_slice %arg8[%and3A_207, %dma_wait3A_283, %dma_wait3A_284] : memref<4x2x512xi32, #tpu.memory_space<vmem>> -> memref<1x2x512xi32, #tpu.memory_space<vmem>>
        %dma_wait3A_286 = tpu.memref_squeeze %dma_wait3A_285 : memref<1x2x512xi32, #tpu.memory_space<vmem>> -> memref<2x512xi32, #tpu.memory_space<vmem>>
        %dma_wait3A_287 = arith.constant 0 : i32
        %dma_wait3A_288 = arith.constant 0 : i32
        %dma_wait3A_289 = tpu.memref_slice %arg3[%arg0, %arg1, %dma_wait3A_274, %dma_wait3A_287, %dma_wait3A_288] : memref<2x16x98x2x512xi32, #tpu.memory_space<hbm>> -> memref<1x1x1x2x512xi32, #tpu.memory_space<hbm>>
        %dma_wait3A_290 = tpu.memref_squeeze %dma_wait3A_289 : memref<1x1x1x2x512xi32, #tpu.memory_space<hbm>> -> memref<2x512xi32, #tpu.memory_space<hbm>>
        tpu.wait_dma2 semaphore(%arg13 : memref<!tpu.dma_semaphore, #tpu.memory_space<semaphore_mem>>) src(%dma_wait3A_290 : memref<2x512xi32, #tpu.memory_space<hbm>>) dst(%dma_wait3A_286 : memref<2x512xi32, #tpu.memory_space<vmem>>)
        %dma_wait3A_291 = arith.constant 0 : i32
        %dma_wait3A_292 = arith.constant 0 : i32
        %dma_wait3A_293 = arith.constant 0 : i32
        %dma_wait3A_294 = tpu.memref_slice %arg9[%and3A_207, %dma_wait3A_292, %dma_wait3A_293] : memref<4x2x512xi32, #tpu.memory_space<vmem>> -> memref<1x2x512xi32, #tpu.memory_space<vmem>>
        %dma_wait3A_295 = tpu.memref_squeeze %dma_wait3A_294 : memref<1x2x512xi32, #tpu.memory_space<vmem>> -> memref<2x512xi32, #tpu.memory_space<vmem>>
        %dma_wait3A_296 = arith.constant 0 : i32
        %dma_wait3A_297 = arith.constant 0 : i32
        %dma_wait3A_298 = tpu.memref_slice %arg4[%arg1, %dma_wait3A_291, %dma_wait3A_296, %dma_wait3A_297] : memref<16x98x2x512xi32, #tpu.memory_space<hbm>> -> memref<1x1x2x512xi32, #tpu.memory_space<hbm>>
        %dma_wait3A_299 = tpu.memref_squeeze %dma_wait3A_298 : memref<1x1x2x512xi32, #tpu.memory_space<hbm>> -> memref<2x512xi32, #tpu.memory_space<hbm>>
        %dma_wait3A_300 = arith.constant 0 : i32
        %dma_wait3A_301 = arith.constant 0 : i32
        %dma_wait3A_302 = tpu.memref_slice %arg9[%and3A_207, %dma_wait3A_300, %dma_wait3A_301] : memref<4x2x512xi32, #tpu.memory_space<vmem>> -> memref<1x2x512xi32, #tpu.memory_space<vmem>>
        %dma_wait3A_303 = tpu.memref_squeeze %dma_wait3A_302 : memref<1x2x512xi32, #tpu.memory_space<vmem>> -> memref<2x512xi32, #tpu.memory_space<vmem>>
        %dma_wait3A_304 = arith.constant 0 : i32
        %dma_wait3A_305 = arith.constant 0 : i32
        %dma_wait3A_306 = tpu.memref_slice %arg4[%arg1, %dma_wait3A_291, %dma_wait3A_304, %dma_wait3A_305] : memref<16x98x2x512xi32, #tpu.memory_space<hbm>> -> memref<1x1x2x512xi32, #tpu.memory_space<hbm>>
        %dma_wait3A_307 = tpu.memref_squeeze %dma_wait3A_306 : memref<1x1x2x512xi32, #tpu.memory_space<hbm>> -> memref<2x512xi32, #tpu.memory_space<hbm>>
        tpu.wait_dma2 semaphore(%arg13 : memref<!tpu.dma_semaphore, #tpu.memory_space<semaphore_mem>>) src(%dma_wait3A_307 : memref<2x512xi32, #tpu.memory_space<hbm>>) dst(%dma_wait3A_303 : memref<2x512xi32, #tpu.memory_space<vmem>>)
        %mul3A_308 = arith.constant 1024 : i32
        %mul3A_309 = arith.muli %and3A_207, %mul3A_308 : i32
        %dma_wait3A_310 = tpu.memref_slice %arg10[%mul3A_309] : memref<4096xf32, #tpu.memory_space<vmem>> -> memref<1024xf32, #tpu.memory_space<vmem>>
        %dma_wait3A_311 = arith.constant 0 : i32
        %dma_wait3A_312 = tpu.memref_slice %arg5[%arg1, %dma_wait3A_311] : memref<16x100352xf32, #tpu.memory_space<hbm>> -> memref<1x1024xf32, #tpu.memory_space<hbm>>
        %dma_wait3A_313 = tpu.memref_squeeze %dma_wait3A_312 : memref<1x1024xf32, #tpu.memory_space<hbm>> -> memref<1024xf32, #tpu.memory_space<hbm>>
        %dma_wait3A_314 = tpu.memref_slice %arg10[%mul3A_309] : memref<4096xf32, #tpu.memory_space<vmem>> -> memref<1024xf32, #tpu.memory_space<vmem>>
        %dma_wait3A_315 = arith.constant 0 : i32
        %dma_wait3A_316 = tpu.memref_slice %arg5[%arg1, %dma_wait3A_315] : memref<16x100352xf32, #tpu.memory_space<hbm>> -> memref<1x1024xf32, #tpu.memory_space<hbm>>
        %dma_wait3A_317 = tpu.memref_squeeze %dma_wait3A_316 : memref<1x1024xf32, #tpu.memory_space<hbm>> -> memref<1024xf32, #tpu.memory_space<hbm>>
        tpu.wait_dma2 semaphore(%arg13 : memref<!tpu.dma_semaphore, #tpu.memory_space<semaphore_mem>>) src(%dma_wait3A_317 : memref<1024xf32, #tpu.memory_space<hbm>>) dst(%dma_wait3A_314 : memref<1024xf32, #tpu.memory_space<vmem>>)
        %mul3A_318 = arith.constant 1024 : i32
        %mul3A_319 = arith.muli %rem3A_202, %mul3A_318 : i32
        %add3A_320 = arith.constant 0 : i32
        %add3A_321 = arith.addi %mul3A_319, %add3A_320 : i32
        %dma_start3A_322 = arith.constant 0 : i32
        %dma_start3A_323 = arith.constant 0 : i32
        %dma_start3A_324 = tpu.memref_slice %arg11[%add3A_321, %dma_start3A_323] : memref<3072x16xf32, #tpu.memory_space<vmem>> -> memref<512x16xf32, #tpu.memory_space<vmem>>
        %dma_start3A_325 = arith.constant 0 : i32
        %dma_start3A_326 = tpu.memref_slice %arg8[%and3A_207, %dma_start3A_322, %dma_start3A_325] : memref<4x2x512xi32, #tpu.memory_space<vmem>> -> memref<1x1x512xi32, #tpu.memory_space<vmem>>
        %dma_start3A_327 = tpu.memref_squeeze %dma_start3A_326 : memref<1x1x512xi32, #tpu.memory_space<vmem>> -> memref<512xi32, #tpu.memory_space<vmem>>
        %dma_start3A_328 = arith.constant 0 : i32
        %dma_start3A_329 = arith.constant 0 : i32
        %dma_start3A_330 = tpu.memref_slice %arg2[%dma_start3A_328, %dma_start3A_329] : memref<102400x16xf32, #tpu.memory_space<hbm>> -> memref<102400x16xf32, #tpu.memory_space<hbm>>
        tpu.enqueue_indirect_dma source(%dma_start3A_330 : memref<102400x16xf32, #tpu.memory_space<hbm>>) target(%dma_start3A_324 : memref<512x16xf32, #tpu.memory_space<vmem>>) offsets(%dma_start3A_327 : memref<512xi32, #tpu.memory_space<vmem>>) semaphore(%arg14 : memref<!tpu.dma_semaphore, #tpu.memory_space<semaphore_mem>>)
        %mul3A_331 = arith.constant 1024 : i32
        %mul3A_332 = arith.muli %rem3A_202, %mul3A_331 : i32
        %add3A_333 = arith.constant 512 : i32
        %add3A_334 = arith.addi %mul3A_332, %add3A_333 : i32
        %dma_start3A_335 = arith.constant 1 : i32
        %dma_start3A_336 = arith.constant 0 : i32
        %dma_start3A_337 = tpu.memref_slice %arg11[%add3A_334, %dma_start3A_336] : memref<3072x16xf32, #tpu.memory_space<vmem>> -> memref<512x16xf32, #tpu.memory_space<vmem>>
        %dma_start3A_338 = arith.constant 0 : i32
        %dma_start3A_339 = tpu.memref_slice %arg8[%and3A_207, %dma_start3A_335, %dma_start3A_338] : memref<4x2x512xi32, #tpu.memory_space<vmem>> -> memref<1x1x512xi32, #tpu.memory_space<vmem>>
        %dma_start3A_340 = tpu.memref_squeeze %dma_start3A_339 : memref<1x1x512xi32, #tpu.memory_space<vmem>> -> memref<512xi32, #tpu.memory_space<vmem>>
        %dma_start3A_341 = arith.constant 0 : i32
        %dma_start3A_342 = arith.constant 0 : i32
        %dma_start3A_343 = tpu.memref_slice %arg2[%dma_start3A_341, %dma_start3A_342] : memref<102400x16xf32, #tpu.memory_space<hbm>> -> memref<102400x16xf32, #tpu.memory_space<hbm>>
        tpu.enqueue_indirect_dma source(%dma_start3A_343 : memref<102400x16xf32, #tpu.memory_space<hbm>>) target(%dma_start3A_337 : memref<512x16xf32, #tpu.memory_space<vmem>>) offsets(%dma_start3A_340 : memref<512xi32, #tpu.memory_space<vmem>>) semaphore(%arg14 : memref<!tpu.dma_semaphore, #tpu.memory_space<semaphore_mem>>)
      } else {
      }
      %add3A_232 = arith.constant 2 : i32
      %add3A_233 = arith.addi %add3A_196, %add3A_232 : i32
      %lt3A_234 = arith.constant 98 : i32
      %lt3A_235 = arith.cmpi slt, %add3A_233, %lt3A_234 : i32
      %convert_element_type3A_236 = arith.extui %lt3A_235 : i1 to i32
      %cond3A_237 = arith.constant 0 : i32
      %cond3A_238 = arith.cmpi ne, %convert_element_type3A_236, %cond3A_237 : i32
      scf.if %cond3A_238 {
        %add3A_274 = arith.constant 2 : i32
        %add3A_275 = arith.addi %add3A_196, %add3A_274 : i32
        %dma_start3A_276 = arith.constant 0 : i32
        %dma_start3A_277 = arith.constant 0 : i32
        %dma_start3A_278 = tpu.memref_slice %arg8[%and3A_211, %dma_start3A_276, %dma_start3A_277] : memref<4x2x512xi32, #tpu.memory_space<vmem>> -> memref<1x2x512xi32, #tpu.memory_space<vmem>>
        %dma_start3A_279 = tpu.memref_squeeze %dma_start3A_278 : memref<1x2x512xi32, #tpu.memory_space<vmem>> -> memref<2x512xi32, #tpu.memory_space<vmem>>
        %dma_start3A_280 = arith.constant 0 : i32
        %dma_start3A_281 = arith.constant 0 : i32
        %dma_start3A_282 = tpu.memref_slice %arg3[%arg0, %arg1, %add3A_275, %dma_start3A_280, %dma_start3A_281] : memref<2x16x98x2x512xi32, #tpu.memory_space<hbm>> -> memref<1x1x1x2x512xi32, #tpu.memory_space<hbm>>
        %dma_start3A_283 = tpu.memref_squeeze %dma_start3A_282 : memref<1x1x1x2x512xi32, #tpu.memory_space<hbm>> -> memref<2x512xi32, #tpu.memory_space<hbm>>
        %dma_start3A_284 = arith.constant 0 : i32
        %dma_start3A_285 = arith.constant 0 : i32
        %dma_start3A_286 = tpu.memref_slice %arg8[%and3A_211, %dma_start3A_284, %dma_start3A_285] : memref<4x2x512xi32, #tpu.memory_space<vmem>> -> memref<1x2x512xi32, #tpu.memory_space<vmem>>
        %dma_start3A_287 = tpu.memref_squeeze %dma_start3A_286 : memref<1x2x512xi32, #tpu.memory_space<vmem>> -> memref<2x512xi32, #tpu.memory_space<vmem>>
        %dma_start3A_288 = arith.constant 0 : i32
        %dma_start3A_289 = arith.constant 0 : i32
        %dma_start3A_290 = tpu.memref_slice %arg3[%arg0, %arg1, %add3A_275, %dma_start3A_288, %dma_start3A_289] : memref<2x16x98x2x512xi32, #tpu.memory_space<hbm>> -> memref<1x1x1x2x512xi32, #tpu.memory_space<hbm>>
        %dma_start3A_291 = tpu.memref_squeeze %dma_start3A_290 : memref<1x1x1x2x512xi32, #tpu.memory_space<hbm>> -> memref<2x512xi32, #tpu.memory_space<hbm>>
        tpu.enqueue_dma source(%dma_start3A_291 : memref<2x512xi32, #tpu.memory_space<hbm>>) target(%dma_start3A_287 : memref<2x512xi32, #tpu.memory_space<vmem>>) target_semaphore(%arg13 : memref<!tpu.dma_semaphore, #tpu.memory_space<semaphore_mem>>)
        %dma_start3A_292 = arith.constant 0 : i32
        %dma_start3A_293 = arith.constant 0 : i32
        %dma_start3A_294 = tpu.memref_slice %arg9[%and3A_211, %dma_start3A_292, %dma_start3A_293] : memref<4x2x512xi32, #tpu.memory_space<vmem>> -> memref<1x2x512xi32, #tpu.memory_space<vmem>>
        %dma_start3A_295 = tpu.memref_squeeze %dma_start3A_294 : memref<1x2x512xi32, #tpu.memory_space<vmem>> -> memref<2x512xi32, #tpu.memory_space<vmem>>
        %dma_start3A_296 = arith.constant 0 : i32
        %dma_start3A_297 = arith.constant 0 : i32
        %dma_start3A_298 = tpu.memref_slice %arg4[%arg1, %add3A_275, %dma_start3A_296, %dma_start3A_297] : memref<16x98x2x512xi32, #tpu.memory_space<hbm>> -> memref<1x1x2x512xi32, #tpu.memory_space<hbm>>
        %dma_start3A_299 = tpu.memref_squeeze %dma_start3A_298 : memref<1x1x2x512xi32, #tpu.memory_space<hbm>> -> memref<2x512xi32, #tpu.memory_space<hbm>>
        %dma_start3A_300 = arith.constant 0 : i32
        %dma_start3A_301 = arith.constant 0 : i32
        %dma_start3A_302 = tpu.memref_slice %arg9[%and3A_211, %dma_start3A_300, %dma_start3A_301] : memref<4x2x512xi32, #tpu.memory_space<vmem>> -> memref<1x2x512xi32, #tpu.memory_space<vmem>>
        %dma_start3A_303 = tpu.memref_squeeze %dma_start3A_302 : memref<1x2x512xi32, #tpu.memory_space<vmem>> -> memref<2x512xi32, #tpu.memory_space<vmem>>
        %dma_start3A_304 = arith.constant 0 : i32
        %dma_start3A_305 = arith.constant 0 : i32
        %dma_start3A_306 = tpu.memref_slice %arg4[%arg1, %add3A_275, %dma_start3A_304, %dma_start3A_305] : memref<16x98x2x512xi32, #tpu.memory_space<hbm>> -> memref<1x1x2x512xi32, #tpu.memory_space<hbm>>
        %dma_start3A_307 = tpu.memref_squeeze %dma_start3A_306 : memref<1x1x2x512xi32, #tpu.memory_space<hbm>> -> memref<2x512xi32, #tpu.memory_space<hbm>>
        tpu.enqueue_dma source(%dma_start3A_307 : memref<2x512xi32, #tpu.memory_space<hbm>>) target(%dma_start3A_303 : memref<2x512xi32, #tpu.memory_space<vmem>>) target_semaphore(%arg13 : memref<!tpu.dma_semaphore, #tpu.memory_space<semaphore_mem>>)
        %mul3A_308 = arith.constant 1024 : i32
        %mul3A_309 = arith.muli %add3A_275, %mul3A_308 : i32
        %mul3A_310 = arith.constant 1024 : i32
        %mul3A_311 = arith.muli %and3A_211, %mul3A_310 : i32
        %dma_start3A_312 = tpu.memref_slice %arg10[%mul3A_311] : memref<4096xf32, #tpu.memory_space<vmem>> -> memref<1024xf32, #tpu.memory_space<vmem>>
        %dma_start3A_313 = tpu.memref_slice %arg5[%arg1, %mul3A_309] : memref<16x100352xf32, #tpu.memory_space<hbm>> -> memref<1x1024xf32, #tpu.memory_space<hbm>>
        %dma_start3A_314 = tpu.memref_squeeze %dma_start3A_313 : memref<1x1024xf32, #tpu.memory_space<hbm>> -> memref<1024xf32, #tpu.memory_space<hbm>>
        %dma_start3A_315 = tpu.memref_slice %arg10[%mul3A_311] : memref<4096xf32, #tpu.memory_space<vmem>> -> memref<1024xf32, #tpu.memory_space<vmem>>
        %dma_start3A_316 = tpu.memref_slice %arg5[%arg1, %mul3A_309] : memref<16x100352xf32, #tpu.memory_space<hbm>> -> memref<1x1024xf32, #tpu.memory_space<hbm>>
        %dma_start3A_317 = tpu.memref_squeeze %dma_start3A_316 : memref<1x1024xf32, #tpu.memory_space<hbm>> -> memref<1024xf32, #tpu.memory_space<hbm>>
        tpu.enqueue_dma source(%dma_start3A_317 : memref<1024xf32, #tpu.memory_space<hbm>>) target(%dma_start3A_315 : memref<1024xf32, #tpu.memory_space<vmem>>) target_semaphore(%arg13 : memref<!tpu.dma_semaphore, #tpu.memory_space<semaphore_mem>>)
      } else {
      }
      %mul3A_239 = arith.constant 1024 : i32
      %mul3A_240 = arith.muli %rem3A_198, %mul3A_239 : i32
      %mul3A_241 = arith.constant 1024 : i32
      %mul3A_242 = arith.muli %and3A_203, %mul3A_241 : i32
      %scan3A_243 = arith.constant 0 : i32
      %scan3A_244 = arith.constant 64 : i32
      %scan3A_245 = arith.addi %scan3A_243, %scan3A_244 : i32
      %scan3A_246 = arith.constant 2 : i32
      scf.for %scan3A_274 = %scan3A_243 to %scan3A_245 step %scan3A_246  : i32 {
        %mul3A_275 = arith.constant 1 : i32
        %mul3A_276 = arith.muli %scan3A_274, %mul3A_275 : i32
        %add3A_277 = arith.constant 0 : i32
        %add3A_278 = arith.addi %add3A_277, %mul3A_276 : i32
        %mul3A_279 = arith.constant 16 : i32
        %mul3A_280 = arith.muli %add3A_278, %mul3A_279 : i32
        %add3A_281 = arith.addi %mul3A_242, %mul3A_280 : i32
        %get3A = arith.index_cast %add3A_281 : i32 to index
        %get3A_282 = tpu.vector_load %arg10[%get3A] {strides = array<i32>} : memref<4096xf32, #tpu.memory_space<vmem>>, vector<16xf32>,
        %get3A_283 = vector.shape_cast %get3A_282 : vector<16xf32> to vector<16xf32>
        %mul3A_284 = arith.constant 16 : i32
        %mul3A_285 = arith.muli %add3A_278, %mul3A_284 : i32
        %add3A_286 = arith.addi %mul3A_240, %mul3A_285 : i32
        %add3A_287 = arith.constant 0 : i32
        %add3A_288 = arith.addi %add3A_286, %add3A_287 : i32
        %broadcast_in_dim3A = arith.constant 0 : i32
        %broadcast_in_dim3A_289 = vector.broadcast %broadcast_in_dim3A : i32 to vector<16xi32>
        %lt3A_290 = arith.constant 0 : i32
        %lt3A_291 = vector.broadcast %lt3A_290 : i32 to vector<16xi32>
        %lt3A_292 = arith.cmpi slt, %broadcast_in_dim3A_289, %lt3A_291 : vector<16xi32>
        %add3A_293 = arith.constant 16 : i32
        %add3A_294 = vector.broadcast %add3A_293 : i32 to vector<16xi32>
        %add3A_295 = arith.addi %broadcast_in_dim3A_289, %add3A_294 : vector<16xi32>
        %select_n3A = arith.select %lt3A_292, %add3A_295, %broadcast_in_dim3A_289 : vector<16xi1>, vector<16xi32>
        %broadcast_in_dim3A_296 = vector.shape_cast %select_n3A : vector<16xi32> to vector<16x1xi32>
        %gather3A = vector.shape_cast %broadcast_in_dim3A_296 : vector<16x1xi32> to vector<16xi32>
        %gather3A_297 = tpu.dynamic_gather %get3A_283[%gather3A] in [0] : vector<16xf32>, vector<16xi32> -> vector<16xf32>
        %get3A_298 = arith.index_cast %add3A_288 : i32 to index
        %get3A_299 = arith.constant 0 : index
        %get3A_300 = tpu.vector_load %arg11[%get3A_298, %get3A_299] {strides = array<i32>} : memref<3072x16xf32, #tpu.memory_space<vmem>>, vector<1x16xf32>,
        %get3A_301 = vector.shape_cast %get3A_300 : vector<1x16xf32> to vector<16xf32>
        %mul3A_302 = arith.mulf %get3A_301, %gather3A_297 : vector<16xf32>
        %swap3A = arith.index_cast %add3A_288 : i32 to index
        %swap3A_303 = arith.constant 0 : index
        %swap3A_304 = tpu.vector_load %arg11[%swap3A, %swap3A_303] {strides = array<i32>} : memref<3072x16xf32, #tpu.memory_space<vmem>>, vector<1x16xf32>,
        %swap3A_305 = vector.shape_cast %swap3A_304 : vector<1x16xf32> to vector<16xf32>
        %swap3A_306 = vector.shape_cast %mul3A_302 : vector<16xf32> to vector<1x16xf32>
        tpu.vector_store %arg11[%swap3A, %swap3A_303], %swap3A_306 {strides = array<i32>} : memref<3072x16xf32, #tpu.memory_space<vmem>>, vector<1x16xf32>,
        %mul3A_307 = arith.constant 16 : i32
        %mul3A_308 = arith.muli %add3A_278, %mul3A_307 : i32
        %add3A_309 = arith.addi %mul3A_240, %mul3A_308 : i32
        %add3A_310 = arith.constant 1 : i32
        %add3A_311 = arith.addi %add3A_309, %add3A_310 : i32
        %broadcast_in_dim3A_312 = arith.constant 1 : i32
        %broadcast_in_dim3A_313 = vector.broadcast %broadcast_in_dim3A_312 : i32 to vector<16xi32>
        %lt3A_314 = arith.constant 0 : i32
        %lt3A_315 = vector.broadcast %lt3A_314 : i32 to vector<16xi32>
        %lt3A_316 = arith.cmpi slt, %broadcast_in_dim3A_313, %lt3A_315 : vector<16xi32>
        %add3A_317 = arith.constant 16 : i32
        %add3A_318 = vector.broadcast %add3A_317 : i32 to vector<16xi32>
        %add3A_319 = arith.addi %broadcast_in_dim3A_313, %add3A_318 : vector<16xi32>
        %select_n3A_320 = arith.select %lt3A_316, %add3A_319, %broadcast_in_dim3A_313 : vector<16xi1>, vector<16xi32>
        %broadcast_in_dim3A_321 = vector.shape_cast %select_n3A_320 : vector<16xi32> to vector<16x1xi32>
        %gather3A_322 = vector.shape_cast %broadcast_in_dim3A_321 : vector<16x1xi32> to vector<16xi32>
        %gather3A_323 = tpu.dynamic_gather %get3A_283[%gather3A_322] in [0] : vector<16xf32>, vector<16xi32> -> vector<16xf32>
        %get3A_324 = arith.index_cast %add3A_311 : i32 to index
        %get3A_325 = arith.constant 0 : index
        %get3A_326 = tpu.vector_load %arg11[%get3A_324, %get3A_325] {strides = array<i32>} : memref<3072x16xf32, #tpu.memory_space<vmem>>, vector<1x16xf32>,
        %get3A_327 = vector.shape_cast %get3A_326 : vector<1x16xf32> to vector<16xf32>
        %mul3A_328 = arith.mulf %get3A_327, %gather3A_323 : vector<16xf32>
        %swap3A_329 = arith.index_cast %add3A_311 : i32 to index
        %swap3A_330 = arith.constant 0 : index
        %swap3A_331 = tpu.vector_load %arg11[%swap3A_329, %swap3A_330] {strides = array<i32>} : memref<3072x16xf32, #tpu.memory_space<vmem>>, vector<1x16xf32>,
        %swap3A_332 = vector.shape_cast %swap3A_331 : vector<1x16xf32> to vector<16xf32>
        %swap3A_333 = vector.shape_cast %mul3A_328 : vector<16xf32> to vector<1x16xf32>
        tpu.vector_store %arg11[%swap3A_329, %swap3A_330], %swap3A_333 {strides = array<i32>} : memref<3072x16xf32, #tpu.memory_space<vmem>>, vector<1x16xf32>,
        %mul3A_334 = arith.constant 16 : i32
        %mul3A_335 = arith.muli %add3A_278, %mul3A_334 : i32
        %add3A_336 = arith.addi %mul3A_240, %mul3A_335 : i32
        %add3A_337 = arith.constant 2 : i32
        %add3A_338 = arith.addi %add3A_336, %add3A_337 : i32
        %broadcast_in_dim3A_339 = arith.constant 2 : i32
        %broadcast_in_dim3A_340 = vector.broadcast %broadcast_in_dim3A_339 : i32 to vector<16xi32>
        %lt3A_341 = arith.constant 0 : i32
        %lt3A_342 = vector.broadcast %lt3A_341 : i32 to vector<16xi32>
        %lt3A_343 = arith.cmpi slt, %broadcast_in_dim3A_340, %lt3A_342 : vector<16xi32>
        %add3A_344 = arith.constant 16 : i32
        %add3A_345 = vector.broadcast %add3A_344 : i32 to vector<16xi32>
        %add3A_346 = arith.addi %broadcast_in_dim3A_340, %add3A_345 : vector<16xi32>
        %select_n3A_347 = arith.select %lt3A_343, %add3A_346, %broadcast_in_dim3A_340 : vector<16xi1>, vector<16xi32>
        %broadcast_in_dim3A_348 = vector.shape_cast %select_n3A_347 : vector<16xi32> to vector<16x1xi32>
        %gather3A_349 = vector.shape_cast %broadcast_in_dim3A_348 : vector<16x1xi32> to vector<16xi32>
        %gather3A_350 = tpu.dynamic_gather %get3A_283[%gather3A_349] in [0] : vector<16xf32>, vector<16xi32> -> vector<16xf32>
        %get3A_351 = arith.index_cast %add3A_338 : i32 to index
        %get3A_352 = arith.constant 0 : index
        %get3A_353 = tpu.vector_load %arg11[%get3A_351, %get3A_352] {strides = array<i32>} : memref<3072x16xf32, #tpu.memory_space<vmem>>, vector<1x16xf32>,
        %get3A_354 = vector.shape_cast %get3A_353 : vector<1x16xf32> to vector<16xf32>
        %mul3A_355 = arith.mulf %get3A_354, %gather3A_350 : vector<16xf32>
        %swap3A_356 = arith.index_cast %add3A_338 : i32 to index
        %swap3A_357 = arith.constant 0 : index
        %swap3A_358 = tpu.vector_load %arg11[%swap3A_356, %swap3A_357] {strides = array<i32>} : memref<3072x16xf32, #tpu.memory_space<vmem>>, vector<1x16xf32>,
        %swap3A_359 = vector.shape_cast %swap3A_358 : vector<1x16xf32> to vector<16xf32>
        %swap3A_360 = vector.shape_cast %mul3A_355 : vector<16xf32> to vector<1x16xf32>
        tpu.vector_store %arg11[%swap3A_356, %swap3A_357], %swap3A_360 {strides = array<i32>} : memref<3072x16xf32, #tpu.memory_space<vmem>>, vector<1x16xf32>,
        %mul3A_361 = arith.constant 16 : i32
        %mul3A_362 = arith.muli %add3A_278, %mul3A_361 : i32
        %add3A_363 = arith.addi %mul3A_240, %mul3A_362 : i32
        %add3A_364 = arith.constant 3 : i32
        %add3A_365 = arith.addi %add3A_363, %add3A_364 : i32
        %broadcast_in_dim3A_366 = arith.constant 3 : i32
        %broadcast_in_dim3A_367 = vector.broadcast %broadcast_in_dim3A_366 : i32 to vector<16xi32>
        %lt3A_368 = arith.constant 0 : i32
        %lt3A_369 = vector.broadcast %lt3A_368 : i32 to vector<16xi32>
        %lt3A_370 = arith.cmpi slt, %broadcast_in_dim3A_367, %lt3A_369 : vector<16xi32>
        %add3A_371 = arith.constant 16 : i32
        %add3A_372 = vector.broadcast %add3A_371 : i32 to vector<16xi32>
        %add3A_373 = arith.addi %broadcast_in_dim3A_367, %add3A_372 : vector<16xi32>
        %select_n3A_374 = arith.select %lt3A_370, %add3A_373, %broadcast_in_dim3A_367 : vector<16xi1>, vector<16xi32>
        %broadcast_in_dim3A_375 = vector.shape_cast %select_n3A_374 : vector<16xi32> to vector<16x1xi32>
        %gather3A_376 = vector.shape_cast %broadcast_in_dim3A_375 : vector<16x1xi32> to vector<16xi32>
        %gather3A_377 = tpu.dynamic_gather %get3A_283[%gather3A_376] in [0] : vector<16xf32>, vector<16xi32> -> vector<16xf32>
        %get3A_378 = arith.index_cast %add3A_365 : i32 to index
        %get3A_379 = arith.constant 0 : index
        %get3A_380 = tpu.vector_load %arg11[%get3A_378, %get3A_379] {strides = array<i32>} : memref<3072x16xf32, #tpu.memory_space<vmem>>, vector<1x16xf32>,
        %get3A_381 = vector.shape_cast %get3A_380 : vector<1x16xf32> to vector<16xf32>
        %mul3A_382 = arith.mulf %get3A_381, %gather3A_377 : vector<16xf32>
        %swap3A_383 = arith.index_cast %add3A_365 : i32 to index
        %swap3A_384 = arith.constant 0 : index
        %swap3A_385 = tpu.vector_load %arg11[%swap3A_383, %swap3A_384] {strides = array<i32>} : memref<3072x16xf32, #tpu.memory_space<vmem>>, vector<1x16xf32>,
        %swap3A_386 = vector.shape_cast %swap3A_385 : vector<1x16xf32> to vector<16xf32>
        %swap3A_387 = vector.shape_cast %mul3A_382 : vector<16xf32> to vector<1x16xf32>
        tpu.vector_store %arg11[%swap3A_383, %swap3A_384], %swap3A_387 {strides = array<i32>} : memref<3072x16xf32, #tpu.memory_space<vmem>>, vector<1x16xf32>,
        %mul3A_388 = arith.constant 16 : i32
        %mul3A_389 = arith.muli %add3A_278, %mul3A_388 : i32
        %add3A_390 = arith.addi %mul3A_240, %mul3A_389 : i32
        %add3A_391 = arith.constant 4 : i32
        %add3A_392 = arith.addi %add3A_390, %add3A_391 : i32
        %broadcast_in_dim3A_393 = arith.constant 4 : i32
        %broadcast_in_dim3A_394 = vector.broadcast %broadcast_in_dim3A_393 : i32 to vector<16xi32>
        %lt3A_395 = arith.constant 0 : i32
        %lt3A_396 = vector.broadcast %lt3A_395 : i32 to vector<16xi32>
        %lt3A_397 = arith.cmpi slt, %broadcast_in_dim3A_394, %lt3A_396 : vector<16xi32>
        %add3A_398 = arith.constant 16 : i32
        %add3A_399 = vector.broadcast %add3A_398 : i32 to vector<16xi32>
        %add3A_400 = arith.addi %broadcast_in_dim3A_394, %add3A_399 : vector<16xi32>
        %select_n3A_401 = arith.select %lt3A_397, %add3A_400, %broadcast_in_dim3A_394 : vector<16xi1>, vector<16xi32>
        %broadcast_in_dim3A_402 = vector.shape_cast %select_n3A_401 : vector<16xi32> to vector<16x1xi32>
        %gather3A_403 = vector.shape_cast %broadcast_in_dim3A_402 : vector<16x1xi32> to vector<16xi32>
        %gather3A_404 = tpu.dynamic_gather %get3A_283[%gather3A_403] in [0] : vector<16xf32>, vector<16xi32> -> vector<16xf32>
        %get3A_405 = arith.index_cast %add3A_392 : i32 to index
        %get3A_406 = arith.constant 0 : index
        %get3A_407 = tpu.vector_load %arg11[%get3A_405, %get3A_406] {strides = array<i32>} : memref<3072x16xf32, #tpu.memory_space<vmem>>, vector<1x16xf32>,
        %get3A_408 = vector.shape_cast %get3A_407 : vector<1x16xf32> to vector<16xf32>
        %mul3A_409 = arith.mulf %get3A_408, %gather3A_404 : vector<16xf32>
        %swap3A_410 = arith.index_cast %add3A_392 : i32 to index
        %swap3A_411 = arith.constant 0 : index
        %swap3A_412 = tpu.vector_load %arg11[%swap3A_410, %swap3A_411] {strides = array<i32>} : memref<3072x16xf32, #tpu.memory_space<vmem>>, vector<1x16xf32>,
        %swap3A_413 = vector.shape_cast %swap3A_412 : vector<1x16xf32> to vector<16xf32>
        %swap3A_414 = vector.shape_cast %mul3A_409 : vector<16xf32> to vector<1x16xf32>
        tpu.vector_store %arg11[%swap3A_410, %swap3A_411], %swap3A_414 {strides = array<i32>} : memref<3072x16xf32, #tpu.memory_space<vmem>>, vector<1x16xf32>,
        %mul3A_415 = arith.constant 16 : i32
        %mul3A_416 = arith.muli %add3A_278, %mul3A_415 : i32
        %add3A_417 = arith.addi %mul3A_240, %mul3A_416 : i32
        %add3A_418 = arith.constant 5 : i32
        %add3A_419 = arith.addi %add3A_417, %add3A_418 : i32
        %broadcast_in_dim3A_420 = arith.constant 5 : i32
        %broadcast_in_dim3A_421 = vector.broadcast %broadcast_in_dim3A_420 : i32 to vector<16xi32>
        %lt3A_422 = arith.constant 0 : i32
        %lt3A_423 = vector.broadcast %lt3A_422 : i32 to vector<16xi32>
        %lt3A_424 = arith.cmpi slt, %broadcast_in_dim3A_421, %lt3A_423 : vector<16xi32>
        %add3A_425 = arith.constant 16 : i32
        %add3A_426 = vector.broadcast %add3A_425 : i32 to vector<16xi32>
        %add3A_427 = arith.addi %broadcast_in_dim3A_421, %add3A_426 : vector<16xi32>
        %select_n3A_428 = arith.select %lt3A_424, %add3A_427, %broadcast_in_dim3A_421 : vector<16xi1>, vector<16xi32>
        %broadcast_in_dim3A_429 = vector.shape_cast %select_n3A_428 : vector<16xi32> to vector<16x1xi32>
        %gather3A_430 = vector.shape_cast %broadcast_in_dim3A_429 : vector<16x1xi32> to vector<16xi32>
        %gather3A_431 = tpu.dynamic_gather %get3A_283[%gather3A_430] in [0] : vector<16xf32>, vector<16xi32> -> vector<16xf32>
        %get3A_432 = arith.index_cast %add3A_419 : i32 to index
        %get3A_433 = arith.constant 0 : index
        %get3A_434 = tpu.vector_load %arg11[%get3A_432, %get3A_433] {strides = array<i32>} : memref<3072x16xf32, #tpu.memory_space<vmem>>, vector<1x16xf32>,
        %get3A_435 = vector.shape_cast %get3A_434 : vector<1x16xf32> to vector<16xf32>
        %mul3A_436 = arith.mulf %get3A_435, %gather3A_431 : vector<16xf32>
        %swap3A_437 = arith.index_cast %add3A_419 : i32 to index
        %swap3A_438 = arith.constant 0 : index
        %swap3A_439 = tpu.vector_load %arg11[%swap3A_437, %swap3A_438] {strides = array<i32>} : memref<3072x16xf32, #tpu.memory_space<vmem>>, vector<1x16xf32>,
        %swap3A_440 = vector.shape_cast %swap3A_439 : vector<1x16xf32> to vector<16xf32>
        %swap3A_441 = vector.shape_cast %mul3A_436 : vector<16xf32> to vector<1x16xf32>
        tpu.vector_store %arg11[%swap3A_437, %swap3A_438], %swap3A_441 {strides = array<i32>} : memref<3072x16xf32, #tpu.memory_space<vmem>>, vector<1x16xf32>,
        %mul3A_442 = arith.constant 16 : i32
        %mul3A_443 = arith.muli %add3A_278, %mul3A_442 : i32
        %add3A_444 = arith.addi %mul3A_240, %mul3A_443 : i32
        %add3A_445 = arith.constant 6 : i32
        %add3A_446 = arith.addi %add3A_444, %add3A_445 : i32
        %broadcast_in_dim3A_447 = arith.constant 6 : i32
        %broadcast_in_dim3A_448 = vector.broadcast %broadcast_in_dim3A_447 : i32 to vector<16xi32>
        %lt3A_449 = arith.constant 0 : i32
        %lt3A_450 = vector.broadcast %lt3A_449 : i32 to vector<16xi32>
        %lt3A_451 = arith.cmpi slt, %broadcast_in_dim3A_448, %lt3A_450 : vector<16xi32>
        %add3A_452 = arith.constant 16 : i32
        %add3A_453 = vector.broadcast %add3A_452 : i32 to vector<16xi32>
        %add3A_454 = arith.addi %broadcast_in_dim3A_448, %add3A_453 : vector<16xi32>
        %select_n3A_455 = arith.select %lt3A_451, %add3A_454, %broadcast_in_dim3A_448 : vector<16xi1>, vector<16xi32>
        %broadcast_in_dim3A_456 = vector.shape_cast %select_n3A_455 : vector<16xi32> to vector<16x1xi32>
        %gather3A_457 = vector.shape_cast %broadcast_in_dim3A_456 : vector<16x1xi32> to vector<16xi32>
        %gather3A_458 = tpu.dynamic_gather %get3A_283[%gather3A_457] in [0] : vector<16xf32>, vector<16xi32> -> vector<16xf32>
        %get3A_459 = arith.index_cast %add3A_446 : i32 to index
        %get3A_460 = arith.constant 0 : index
        %get3A_461 = tpu.vector_load %arg11[%get3A_459, %get3A_460] {strides = array<i32>} : memref<3072x16xf32, #tpu.memory_space<vmem>>, vector<1x16xf32>,
        %get3A_462 = vector.shape_cast %get3A_461 : vector<1x16xf32> to vector<16xf32>
        %mul3A_463 = arith.mulf %get3A_462, %gather3A_458 : vector<16xf32>
        %swap3A_464 = arith.index_cast %add3A_446 : i32 to index
        %swap3A_465 = arith.constant 0 : index
        %swap3A_466 = tpu.vector_load %arg11[%swap3A_464, %swap3A_465] {strides = array<i32>} : memref<3072x16xf32, #tpu.memory_space<vmem>>, vector<1x16xf32>,
        %swap3A_467 = vector.shape_cast %swap3A_466 : vector<1x16xf32> to vector<16xf32>
        %swap3A_468 = vector.shape_cast %mul3A_463 : vector<16xf32> to vector<1x16xf32>
        tpu.vector_store %arg11[%swap3A_464, %swap3A_465], %swap3A_468 {strides = array<i32>} : memref<3072x16xf32, #tpu.memory_space<vmem>>, vector<1x16xf32>,
        %mul3A_469 = arith.constant 16 : i32
        %mul3A_470 = arith.muli %add3A_278, %mul3A_469 : i32
        %add3A_471 = arith.addi %mul3A_240, %mul3A_470 : i32
        %add3A_472 = arith.constant 7 : i32
        %add3A_473 = arith.addi %add3A_471, %add3A_472 : i32
        %broadcast_in_dim3A_474 = arith.constant 7 : i32
        %broadcast_in_dim3A_475 = vector.broadcast %broadcast_in_dim3A_474 : i32 to vector<16xi32>
        %lt3A_476 = arith.constant 0 : i32
        %lt3A_477 = vector.broadcast %lt3A_476 : i32 to vector<16xi32>
        %lt3A_478 = arith.cmpi slt, %broadcast_in_dim3A_475, %lt3A_477 : vector<16xi32>
        %add3A_479 = arith.constant 16 : i32
        %add3A_480 = vector.broadcast %add3A_479 : i32 to vector<16xi32>
        %add3A_481 = arith.addi %broadcast_in_dim3A_475, %add3A_480 : vector<16xi32>
        %select_n3A_482 = arith.select %lt3A_478, %add3A_481, %broadcast_in_dim3A_475 : vector<16xi1>, vector<16xi32>
        %broadcast_in_dim3A_483 = vector.shape_cast %select_n3A_482 : vector<16xi32> to vector<16x1xi32>
        %gather3A_484 = vector.shape_cast %broadcast_in_dim3A_483 : vector<16x1xi32> to vector<16xi32>
        %gather3A_485 = tpu.dynamic_gather %get3A_283[%gather3A_484] in [0] : vector<16xf32>, vector<16xi32> -> vector<16xf32>
        %get3A_486 = arith.index_cast %add3A_473 : i32 to index
        %get3A_487 = arith.constant 0 : index
        %get3A_488 = tpu.vector_load %arg11[%get3A_486, %get3A_487] {strides = array<i32>} : memref<3072x16xf32, #tpu.memory_space<vmem>>, vector<1x16xf32>,
        %get3A_489 = vector.shape_cast %get3A_488 : vector<1x16xf32> to vector<16xf32>
        %mul3A_490 = arith.mulf %get3A_489, %gather3A_485 : vector<16xf32>
        %swap3A_491 = arith.index_cast %add3A_473 : i32 to index
        %swap3A_492 = arith.constant 0 : index
        %swap3A_493 = tpu.vector_load %arg11[%swap3A_491, %swap3A_492] {strides = array<i32>} : memref<3072x16xf32, #tpu.memory_space<vmem>>, vector<1x16xf32>,
        %swap3A_494 = vector.shape_cast %swap3A_493 : vector<1x16xf32> to vector<16xf32>
        %swap3A_495 = vector.shape_cast %mul3A_490 : vector<16xf32> to vector<1x16xf32>
        tpu.vector_store %arg11[%swap3A_491, %swap3A_492], %swap3A_495 {strides = array<i32>} : memref<3072x16xf32, #tpu.memory_space<vmem>>, vector<1x16xf32>,
        %mul3A_496 = arith.constant 16 : i32
        %mul3A_497 = arith.muli %add3A_278, %mul3A_496 : i32
        %add3A_498 = arith.addi %mul3A_240, %mul3A_497 : i32
        %add3A_499 = arith.constant 8 : i32
        %add3A_500 = arith.addi %add3A_498, %add3A_499 : i32
        %broadcast_in_dim3A_501 = arith.constant 8 : i32
        %broadcast_in_dim3A_502 = vector.broadcast %broadcast_in_dim3A_501 : i32 to vector<16xi32>
        %lt3A_503 = arith.constant 0 : i32
        %lt3A_504 = vector.broadcast %lt3A_503 : i32 to vector<16xi32>
        %lt3A_505 = arith.cmpi slt, %broadcast_in_dim3A_502, %lt3A_504 : vector<16xi32>
        %add3A_506 = arith.constant 16 : i32
        %add3A_507 = vector.broadcast %add3A_506 : i32 to vector<16xi32>
        %add3A_508 = arith.addi %broadcast_in_dim3A_502, %add3A_507 : vector<16xi32>
        %select_n3A_509 = arith.select %lt3A_505, %add3A_508, %broadcast_in_dim3A_502 : vector<16xi1>, vector<16xi32>
        %broadcast_in_dim3A_510 = vector.shape_cast %select_n3A_509 : vector<16xi32> to vector<16x1xi32>
        %gather3A_511 = vector.shape_cast %broadcast_in_dim3A_510 : vector<16x1xi32> to vector<16xi32>
        %gather3A_512 = tpu.dynamic_gather %get3A_283[%gather3A_511] in [0] : vector<16xf32>, vector<16xi32> -> vector<16xf32>
        %get3A_513 = arith.index_cast %add3A_500 : i32 to index
        %get3A_514 = arith.constant 0 : index
        %get3A_515 = tpu.vector_load %arg11[%get3A_513, %get3A_514] {strides = array<i32>} : memref<3072x16xf32, #tpu.memory_space<vmem>>, vector<1x16xf32>,
        %get3A_516 = vector.shape_cast %get3A_515 : vector<1x16xf32> to vector<16xf32>
        %mul3A_517 = arith.mulf %get3A_516, %gather3A_512 : vector<16xf32>
        %swap3A_518 = arith.index_cast %add3A_500 : i32 to index
        %swap3A_519 = arith.constant 0 : index
        %swap3A_520 = tpu.vector_load %arg11[%swap3A_518, %swap3A_519] {strides = array<i32>} : memref<3072x16xf32, #tpu.memory_space<vmem>>, vector<1x16xf32>,
        %swap3A_521 = vector.shape_cast %swap3A_520 : vector<1x16xf32> to vector<16xf32>
        %swap3A_522 = vector.shape_cast %mul3A_517 : vector<16xf32> to vector<1x16xf32>
        tpu.vector_store %arg11[%swap3A_518, %swap3A_519], %swap3A_522 {strides = array<i32>} : memref<3072x16xf32, #tpu.memory_space<vmem>>, vector<1x16xf32>,
        %mul3A_523 = arith.constant 16 : i32
        %mul3A_524 = arith.muli %add3A_278, %mul3A_523 : i32
        %add3A_525 = arith.addi %mul3A_240, %mul3A_524 : i32
        %add3A_526 = arith.constant 9 : i32
        %add3A_527 = arith.addi %add3A_525, %add3A_526 : i32
        %broadcast_in_dim3A_528 = arith.constant 9 : i32
        %broadcast_in_dim3A_529 = vector.broadcast %broadcast_in_dim3A_528 : i32 to vector<16xi32>
        %lt3A_530 = arith.constant 0 : i32
        %lt3A_531 = vector.broadcast %lt3A_530 : i32 to vector<16xi32>
        %lt3A_532 = arith.cmpi slt, %broadcast_in_dim3A_529, %lt3A_531 : vector<16xi32>
        %add3A_533 = arith.constant 16 : i32
        %add3A_534 = vector.broadcast %add3A_533 : i32 to vector<16xi32>
        %add3A_535 = arith.addi %broadcast_in_dim3A_529, %add3A_534 : vector<16xi32>
        %select_n3A_536 = arith.select %lt3A_532, %add3A_535, %broadcast_in_dim3A_529 : vector<16xi1>, vector<16xi32>
        %broadcast_in_dim3A_537 = vector.shape_cast %select_n3A_536 : vector<16xi32> to vector<16x1xi32>
        %gather3A_538 = vector.shape_cast %broadcast_in_dim3A_537 : vector<16x1xi32> to vector<16xi32>
        %gather3A_539 = tpu.dynamic_gather %get3A_283[%gather3A_538] in [0] : vector<16xf32>, vector<16xi32> -> vector<16xf32>
        %get3A_540 = arith.index_cast %add3A_527 : i32 to index
        %get3A_541 = arith.constant 0 : index
        %get3A_542 = tpu.vector_load %arg11[%get3A_540, %get3A_541] {strides = array<i32>} : memref<3072x16xf32, #tpu.memory_space<vmem>>, vector<1x16xf32>,
        %get3A_543 = vector.shape_cast %get3A_542 : vector<1x16xf32> to vector<16xf32>
        %mul3A_544 = arith.mulf %get3A_543, %gather3A_539 : vector<16xf32>
        %swap3A_545 = arith.index_cast %add3A_527 : i32 to index
        %swap3A_546 = arith.constant 0 : index
        %swap3A_547 = tpu.vector_load %arg11[%swap3A_545, %swap3A_546] {strides = array<i32>} : memref<3072x16xf32, #tpu.memory_space<vmem>>, vector<1x16xf32>,
        %swap3A_548 = vector.shape_cast %swap3A_547 : vector<1x16xf32> to vector<16xf32>
        %swap3A_549 = vector.shape_cast %mul3A_544 : vector<16xf32> to vector<1x16xf32>
        tpu.vector_store %arg11[%swap3A_545, %swap3A_546], %swap3A_549 {strides = array<i32>} : memref<3072x16xf32, #tpu.memory_space<vmem>>, vector<1x16xf32>,
        %mul3A_550 = arith.constant 16 : i32
        %mul3A_551 = arith.muli %add3A_278, %mul3A_550 : i32
        %add3A_552 = arith.addi %mul3A_240, %mul3A_551 : i32
        %add3A_553 = arith.constant 10 : i32
        %add3A_554 = arith.addi %add3A_552, %add3A_553 : i32
        %broadcast_in_dim3A_555 = arith.constant 10 : i32
        %broadcast_in_dim3A_556 = vector.broadcast %broadcast_in_dim3A_555 : i32 to vector<16xi32>
        %lt3A_557 = arith.constant 0 : i32
        %lt3A_558 = vector.broadcast %lt3A_557 : i32 to vector<16xi32>
        %lt3A_559 = arith.cmpi slt, %broadcast_in_dim3A_556, %lt3A_558 : vector<16xi32>
        %add3A_560 = arith.constant 16 : i32
        %add3A_561 = vector.broadcast %add3A_560 : i32 to vector<16xi32>
        %add3A_562 = arith.addi %broadcast_in_dim3A_556, %add3A_561 : vector<16xi32>
        %select_n3A_563 = arith.select %lt3A_559, %add3A_562, %broadcast_in_dim3A_556 : vector<16xi1>, vector<16xi32>
        %broadcast_in_dim3A_564 = vector.shape_cast %select_n3A_563 : vector<16xi32> to vector<16x1xi32>
        %gather3A_565 = vector.shape_cast %broadcast_in_dim3A_564 : vector<16x1xi32> to vector<16xi32>
        %gather3A_566 = tpu.dynamic_gather %get3A_283[%gather3A_565] in [0] : vector<16xf32>, vector<16xi32> -> vector<16xf32>
        %get3A_567 = arith.index_cast %add3A_554 : i32 to index
        %get3A_568 = arith.constant 0 : index
        %get3A_569 = tpu.vector_load %arg11[%get3A_567, %get3A_568] {strides = array<i32>} : memref<3072x16xf32, #tpu.memory_space<vmem>>, vector<1x16xf32>,
        %get3A_570 = vector.shape_cast %get3A_569 : vector<1x16xf32> to vector<16xf32>
        %mul3A_571 = arith.mulf %get3A_570, %gather3A_566 : vector<16xf32>
        %swap3A_572 = arith.index_cast %add3A_554 : i32 to index
        %swap3A_573 = arith.constant 0 : index
        %swap3A_574 = tpu.vector_load %arg11[%swap3A_572, %swap3A_573] {strides = array<i32>} : memref<3072x16xf32, #tpu.memory_space<vmem>>, vector<1x16xf32>,
        %swap3A_575 = vector.shape_cast %swap3A_574 : vector<1x16xf32> to vector<16xf32>
        %swap3A_576 = vector.shape_cast %mul3A_571 : vector<16xf32> to vector<1x16xf32>
        tpu.vector_store %arg11[%swap3A_572, %swap3A_573], %swap3A_576 {strides = array<i32>} : memref<3072x16xf32, #tpu.memory_space<vmem>>, vector<1x16xf32>,
        %mul3A_577 = arith.constant 16 : i32
        %mul3A_578 = arith.muli %add3A_278, %mul3A_577 : i32
        %add3A_579 = arith.addi %mul3A_240, %mul3A_578 : i32
        %add3A_580 = arith.constant 11 : i32
        %add3A_581 = arith.addi %add3A_579, %add3A_580 : i32
        %broadcast_in_dim3A_582 = arith.constant 11 : i32
        %broadcast_in_dim3A_583 = vector.broadcast %broadcast_in_dim3A_582 : i32 to vector<16xi32>
        %lt3A_584 = arith.constant 0 : i32
        %lt3A_585 = vector.broadcast %lt3A_584 : i32 to vector<16xi32>
        %lt3A_586 = arith.cmpi slt, %broadcast_in_dim3A_583, %lt3A_585 : vector<16xi32>
        %add3A_587 = arith.constant 16 : i32
        %add3A_588 = vector.broadcast %add3A_587 : i32 to vector<16xi32>
        %add3A_589 = arith.addi %broadcast_in_dim3A_583, %add3A_588 : vector<16xi32>
        %select_n3A_590 = arith.select %lt3A_586, %add3A_589, %broadcast_in_dim3A_583 : vector<16xi1>, vector<16xi32>
        %broadcast_in_dim3A_591 = vector.shape_cast %select_n3A_590 : vector<16xi32> to vector<16x1xi32>
        %gather3A_592 = vector.shape_cast %broadcast_in_dim3A_591 : vector<16x1xi32> to vector<16xi32>
        %gather3A_593 = tpu.dynamic_gather %get3A_283[%gather3A_592] in [0] : vector<16xf32>, vector<16xi32> -> vector<16xf32>
        %get3A_594 = arith.index_cast %add3A_581 : i32 to index
        %get3A_595 = arith.constant 0 : index
        %get3A_596 = tpu.vector_load %arg11[%get3A_594, %get3A_595] {strides = array<i32>} : memref<3072x16xf32, #tpu.memory_space<vmem>>, vector<1x16xf32>,
        %get3A_597 = vector.shape_cast %get3A_596 : vector<1x16xf32> to vector<16xf32>
        %mul3A_598 = arith.mulf %get3A_597, %gather3A_593 : vector<16xf32>
        %swap3A_599 = arith.index_cast %add3A_581 : i32 to index
        %swap3A_600 = arith.constant 0 : index
        %swap3A_601 = tpu.vector_load %arg11[%swap3A_599, %swap3A_600] {strides = array<i32>} : memref<3072x16xf32, #tpu.memory_space<vmem>>, vector<1x16xf32>,
        %swap3A_602 = vector.shape_cast %swap3A_601 : vector<1x16xf32> to vector<16xf32>
        %swap3A_603 = vector.shape_cast %mul3A_598 : vector<16xf32> to vector<1x16xf32>
        tpu.vector_store %arg11[%swap3A_599, %swap3A_600], %swap3A_603 {strides = array<i32>} : memref<3072x16xf32, #tpu.memory_space<vmem>>, vector<1x16xf32>,
        %mul3A_604 = arith.constant 16 : i32
        %mul3A_605 = arith.muli %add3A_278, %mul3A_604 : i32
        %add3A_606 = arith.addi %mul3A_240, %mul3A_605 : i32
        %add3A_607 = arith.constant 12 : i32
        %add3A_608 = arith.addi %add3A_606, %add3A_607 : i32
        %broadcast_in_dim3A_609 = arith.constant 12 : i32
        %broadcast_in_dim3A_610 = vector.broadcast %broadcast_in_dim3A_609 : i32 to vector<16xi32>
        %lt3A_611 = arith.constant 0 : i32
        %lt3A_612 = vector.broadcast %lt3A_611 : i32 to vector<16xi32>
        %lt3A_613 = arith.cmpi slt, %broadcast_in_dim3A_610, %lt3A_612 : vector<16xi32>
        %add3A_614 = arith.constant 16 : i32
        %add3A_615 = vector.broadcast %add3A_614 : i32 to vector<16xi32>
        %add3A_616 = arith.addi %broadcast_in_dim3A_610, %add3A_615 : vector<16xi32>
        %select_n3A_617 = arith.select %lt3A_613, %add3A_616, %broadcast_in_dim3A_610 : vector<16xi1>, vector<16xi32>
        %broadcast_in_dim3A_618 = vector.shape_cast %select_n3A_617 : vector<16xi32> to vector<16x1xi32>
        %gather3A_619 = vector.shape_cast %broadcast_in_dim3A_618 : vector<16x1xi32> to vector<16xi32>
        %gather3A_620 = tpu.dynamic_gather %get3A_283[%gather3A_619] in [0] : vector<16xf32>, vector<16xi32> -> vector<16xf32>
        %get3A_621 = arith.index_cast %add3A_608 : i32 to index
        %get3A_622 = arith.constant 0 : index
        %get3A_623 = tpu.vector_load %arg11[%get3A_621, %get3A_622] {strides = array<i32>} : memref<3072x16xf32, #tpu.memory_space<vmem>>, vector<1x16xf32>,
        %get3A_624 = vector.shape_cast %get3A_623 : vector<1x16xf32> to vector<16xf32>
        %mul3A_625 = arith.mulf %get3A_624, %gather3A_620 : vector<16xf32>
        %swap3A_626 = arith.index_cast %add3A_608 : i32 to index
        %swap3A_627 = arith.constant 0 : index
        %swap3A_628 = tpu.vector_load %arg11[%swap3A_626, %swap3A_627] {strides = array<i32>} : memref<3072x16xf32, #tpu.memory_space<vmem>>, vector<1x16xf32>,
        %swap3A_629 = vector.shape_cast %swap3A_628 : vector<1x16xf32> to vector<16xf32>
        %swap3A_630 = vector.shape_cast %mul3A_625 : vector<16xf32> to vector<1x16xf32>
        tpu.vector_store %arg11[%swap3A_626, %swap3A_627], %swap3A_630 {strides = array<i32>} : memref<3072x16xf32, #tpu.memory_space<vmem>>, vector<1x16xf32>,
        %mul3A_631 = arith.constant 16 : i32
        %mul3A_632 = arith.muli %add3A_278, %mul3A_631 : i32
        %add3A_633 = arith.addi %mul3A_240, %mul3A_632 : i32
        %add3A_634 = arith.constant 13 : i32
        %add3A_635 = arith.addi %add3A_633, %add3A_634 : i32
        %broadcast_in_dim3A_636 = arith.constant 13 : i32
        %broadcast_in_dim3A_637 = vector.broadcast %broadcast_in_dim3A_636 : i32 to vector<16xi32>
        %lt3A_638 = arith.constant 0 : i32
        %lt3A_639 = vector.broadcast %lt3A_638 : i32 to vector<16xi32>
        %lt3A_640 = arith.cmpi slt, %broadcast_in_dim3A_637, %lt3A_639 : vector<16xi32>
        %add3A_641 = arith.constant 16 : i32
        %add3A_642 = vector.broadcast %add3A_641 : i32 to vector<16xi32>
        %add3A_643 = arith.addi %broadcast_in_dim3A_637, %add3A_642 : vector<16xi32>
        %select_n3A_644 = arith.select %lt3A_640, %add3A_643, %broadcast_in_dim3A_637 : vector<16xi1>, vector<16xi32>
        %broadcast_in_dim3A_645 = vector.shape_cast %select_n3A_644 : vector<16xi32> to vector<16x1xi32>
        %gather3A_646 = vector.shape_cast %broadcast_in_dim3A_645 : vector<16x1xi32> to vector<16xi32>
        %gather3A_647 = tpu.dynamic_gather %get3A_283[%gather3A_646] in [0] : vector<16xf32>, vector<16xi32> -> vector<16xf32>
        %get3A_648 = arith.index_cast %add3A_635 : i32 to index
        %get3A_649 = arith.constant 0 : index
        %get3A_650 = tpu.vector_load %arg11[%get3A_648, %get3A_649] {strides = array<i32>} : memref<3072x16xf32, #tpu.memory_space<vmem>>, vector<1x16xf32>,
        %get3A_651 = vector.shape_cast %get3A_650 : vector<1x16xf32> to vector<16xf32>
        %mul3A_652 = arith.mulf %get3A_651, %gather3A_647 : vector<16xf32>
        %swap3A_653 = arith.index_cast %add3A_635 : i32 to index
        %swap3A_654 = arith.constant 0 : index
        %swap3A_655 = tpu.vector_load %arg11[%swap3A_653, %swap3A_654] {strides = array<i32>} : memref<3072x16xf32, #tpu.memory_space<vmem>>, vector<1x16xf32>,
        %swap3A_656 = vector.shape_cast %swap3A_655 : vector<1x16xf32> to vector<16xf32>
        %swap3A_657 = vector.shape_cast %mul3A_652 : vector<16xf32> to vector<1x16xf32>
        tpu.vector_store %arg11[%swap3A_653, %swap3A_654], %swap3A_657 {strides = array<i32>} : memref<3072x16xf32, #tpu.memory_space<vmem>>, vector<1x16xf32>,
        %mul3A_658 = arith.constant 16 : i32
        %mul3A_659 = arith.muli %add3A_278, %mul3A_658 : i32
        %add3A_660 = arith.addi %mul3A_240, %mul3A_659 : i32
        %add3A_661 = arith.constant 14 : i32
        %add3A_662 = arith.addi %add3A_660, %add3A_661 : i32
        %broadcast_in_dim3A_663 = arith.constant 14 : i32
        %broadcast_in_dim3A_664 = vector.broadcast %broadcast_in_dim3A_663 : i32 to vector<16xi32>
        %lt3A_665 = arith.constant 0 : i32
        %lt3A_666 = vector.broadcast %lt3A_665 : i32 to vector<16xi32>
        %lt3A_667 = arith.cmpi slt, %broadcast_in_dim3A_664, %lt3A_666 : vector<16xi32>
        %add3A_668 = arith.constant 16 : i32
        %add3A_669 = vector.broadcast %add3A_668 : i32 to vector<16xi32>
        %add3A_670 = arith.addi %broadcast_in_dim3A_664, %add3A_669 : vector<16xi32>
        %select_n3A_671 = arith.select %lt3A_667, %add3A_670, %broadcast_in_dim3A_664 : vector<16xi1>, vector<16xi32>
        %broadcast_in_dim3A_672 = vector.shape_cast %select_n3A_671 : vector<16xi32> to vector<16x1xi32>
        %gather3A_673 = vector.shape_cast %broadcast_in_dim3A_672 : vector<16x1xi32> to vector<16xi32>
        %gather3A_674 = tpu.dynamic_gather %get3A_283[%gather3A_673] in [0] : vector<16xf32>, vector<16xi32> -> vector<16xf32>
        %get3A_675 = arith.index_cast %add3A_662 : i32 to index
        %get3A_676 = arith.constant 0 : index
        %get3A_677 = tpu.vector_load %arg11[%get3A_675, %get3A_676] {strides = array<i32>} : memref<3072x16xf32, #tpu.memory_space<vmem>>, vector<1x16xf32>,
        %get3A_678 = vector.shape_cast %get3A_677 : vector<1x16xf32> to vector<16xf32>
        %mul3A_679 = arith.mulf %get3A_678, %gather3A_674 : vector<16xf32>
        %swap3A_680 = arith.index_cast %add3A_662 : i32 to index
        %swap3A_681 = arith.constant 0 : index
        %swap3A_682 = tpu.vector_load %arg11[%swap3A_680, %swap3A_681] {strides = array<i32>} : memref<3072x16xf32, #tpu.memory_space<vmem>>, vector<1x16xf32>,
        %swap3A_683 = vector.shape_cast %swap3A_682 : vector<1x16xf32> to vector<16xf32>
        %swap3A_684 = vector.shape_cast %mul3A_679 : vector<16xf32> to vector<1x16xf32>
        tpu.vector_store %arg11[%swap3A_680, %swap3A_681], %swap3A_684 {strides = array<i32>} : memref<3072x16xf32, #tpu.memory_space<vmem>>, vector<1x16xf32>,
        %mul3A_685 = arith.constant 16 : i32
        %mul3A_686 = arith.muli %add3A_278, %mul3A_685 : i32
        %add3A_687 = arith.addi %mul3A_240, %mul3A_686 : i32
        %add3A_688 = arith.constant 15 : i32
        %add3A_689 = arith.addi %add3A_687, %add3A_688 : i32
        %broadcast_in_dim3A_690 = arith.constant 15 : i32
        %broadcast_in_dim3A_691 = vector.broadcast %broadcast_in_dim3A_690 : i32 to vector<16xi32>
        %lt3A_692 = arith.constant 0 : i32
        %lt3A_693 = vector.broadcast %lt3A_692 : i32 to vector<16xi32>
        %lt3A_694 = arith.cmpi slt, %broadcast_in_dim3A_691, %lt3A_693 : vector<16xi32>
        %add3A_695 = arith.constant 16 : i32
        %add3A_696 = vector.broadcast %add3A_695 : i32 to vector<16xi32>
        %add3A_697 = arith.addi %broadcast_in_dim3A_691, %add3A_696 : vector<16xi32>
        %select_n3A_698 = arith.select %lt3A_694, %add3A_697, %broadcast_in_dim3A_691 : vector<16xi1>, vector<16xi32>
        %broadcast_in_dim3A_699 = vector.shape_cast %select_n3A_698 : vector<16xi32> to vector<16x1xi32>
        %gather3A_700 = vector.shape_cast %broadcast_in_dim3A_699 : vector<16x1xi32> to vector<16xi32>
        %gather3A_701 = tpu.dynamic_gather %get3A_283[%gather3A_700] in [0] : vector<16xf32>, vector<16xi32> -> vector<16xf32>
        %get3A_702 = arith.index_cast %add3A_689 : i32 to index
        %get3A_703 = arith.constant 0 : index
        %get3A_704 = tpu.vector_load %arg11[%get3A_702, %get3A_703] {strides = array<i32>} : memref<3072x16xf32, #tpu.memory_space<vmem>>, vector<1x16xf32>,
        %get3A_705 = vector.shape_cast %get3A_704 : vector<1x16xf32> to vector<16xf32>
        %mul3A_706 = arith.mulf %get3A_705, %gather3A_701 : vector<16xf32>
        %swap3A_707 = arith.index_cast %add3A_689 : i32 to index
        %swap3A_708 = arith.constant 0 : index
        %swap3A_709 = tpu.vector_load %arg11[%swap3A_707, %swap3A_708] {strides = array<i32>} : memref<3072x16xf32, #tpu.memory_space<vmem>>, vector<1x16xf32>,
        %swap3A_710 = vector.shape_cast %swap3A_709 : vector<1x16xf32> to vector<16xf32>
        %swap3A_711 = vector.shape_cast %mul3A_706 : vector<16xf32> to vector<1x16xf32>
        tpu.vector_store %arg11[%swap3A_707, %swap3A_708], %swap3A_711 {strides = array<i32>} : memref<3072x16xf32, #tpu.memory_space<vmem>>, vector<1x16xf32>,
        %scan3A_712 = arith.constant 1 : i32
        %scan3A_713 = arith.addi %scan3A_274, %scan3A_712 : i32
        %mul3A_714 = arith.constant 1 : i32
        %mul3A_715 = arith.muli %scan3A_713, %mul3A_714 : i32
        %add3A_716 = arith.constant 0 : i32
        %add3A_717 = arith.addi %add3A_716, %mul3A_715 : i32
        %mul3A_718 = arith.constant 16 : i32
        %mul3A_719 = arith.muli %add3A_717, %mul3A_718 : i32
        %add3A_720 = arith.addi %mul3A_242, %mul3A_719 : i32
        %get3A_721 = arith.index_cast %add3A_720 : i32 to index
        %get3A_722 = tpu.vector_load %arg10[%get3A_721] {strides = array<i32>} : memref<4096xf32, #tpu.memory_space<vmem>>, vector<16xf32>,
        %get3A_723 = vector.shape_cast %get3A_722 : vector<16xf32> to vector<16xf32>
        %mul3A_724 = arith.constant 16 : i32
        %mul3A_725 = arith.muli %add3A_717, %mul3A_724 : i32
        %add3A_726 = arith.addi %mul3A_240, %mul3A_725 : i32
        %add3A_727 = arith.constant 0 : i32
        %add3A_728 = arith.addi %add3A_726, %add3A_727 : i32
        %broadcast_in_dim3A_729 = arith.constant 0 : i32
        %broadcast_in_dim3A_730 = vector.broadcast %broadcast_in_dim3A_729 : i32 to vector<16xi32>
        %lt3A_731 = arith.constant 0 : i32
        %lt3A_732 = vector.broadcast %lt3A_731 : i32 to vector<16xi32>
        %lt3A_733 = arith.cmpi slt, %broadcast_in_dim3A_730, %lt3A_732 : vector<16xi32>
        %add3A_734 = arith.constant 16 : i32
        %add3A_735 = vector.broadcast %add3A_734 : i32 to vector<16xi32>
        %add3A_736 = arith.addi %broadcast_in_dim3A_730, %add3A_735 : vector<16xi32>
        %select_n3A_737 = arith.select %lt3A_733, %add3A_736, %broadcast_in_dim3A_730 : vector<16xi1>, vector<16xi32>
        %broadcast_in_dim3A_738 = vector.shape_cast %select_n3A_737 : vector<16xi32> to vector<16x1xi32>
        %gather3A_739 = vector.shape_cast %broadcast_in_dim3A_738 : vector<16x1xi32> to vector<16xi32>
        %gather3A_740 = tpu.dynamic_gather %get3A_723[%gather3A_739] in [0] : vector<16xf32>, vector<16xi32> -> vector<16xf32>
        %get3A_741 = arith.index_cast %add3A_728 : i32 to index
        %get3A_742 = arith.constant 0 : index
        %get3A_743 = tpu.vector_load %arg11[%get3A_741, %get3A_742] {strides = array<i32>} : memref<3072x16xf32, #tpu.memory_space<vmem>>, vector<1x16xf32>,
        %get3A_744 = vector.shape_cast %get3A_743 : vector<1x16xf32> to vector<16xf32>
        %mul3A_745 = arith.mulf %get3A_744, %gather3A_740 : vector<16xf32>
        %swap3A_746 = arith.index_cast %add3A_728 : i32 to index
        %swap3A_747 = arith.constant 0 : index
        %swap3A_748 = tpu.vector_load %arg11[%swap3A_746, %swap3A_747] {strides = array<i32>} : memref<3072x16xf32, #tpu.memory_space<vmem>>, vector<1x16xf32>,
        %swap3A_749 = vector.shape_cast %swap3A_748 : vector<1x16xf32> to vector<16xf32>
        %swap3A_750 = vector.shape_cast %mul3A_745 : vector<16xf32> to vector<1x16xf32>
        tpu.vector_store %arg11[%swap3A_746, %swap3A_747], %swap3A_750 {strides = array<i32>} : memref<3072x16xf32, #tpu.memory_space<vmem>>, vector<1x16xf32>,
        %mul3A_751 = arith.constant 16 : i32
        %mul3A_752 = arith.muli %add3A_717, %mul3A_751 : i32
        %add3A_753 = arith.addi %mul3A_240, %mul3A_752 : i32
        %add3A_754 = arith.constant 1 : i32
        %add3A_755 = arith.addi %add3A_753, %add3A_754 : i32
        %broadcast_in_dim3A_756 = arith.constant 1 : i32
        %broadcast_in_dim3A_757 = vector.broadcast %broadcast_in_dim3A_756 : i32 to vector<16xi32>
        %lt3A_758 = arith.constant 0 : i32
        %lt3A_759 = vector.broadcast %lt3A_758 : i32 to vector<16xi32>
        %lt3A_760 = arith.cmpi slt, %broadcast_in_dim3A_757, %lt3A_759 : vector<16xi32>
        %add3A_761 = arith.constant 16 : i32
        %add3A_762 = vector.broadcast %add3A_761 : i32 to vector<16xi32>
        %add3A_763 = arith.addi %broadcast_in_dim3A_757, %add3A_762 : vector<16xi32>
        %select_n3A_764 = arith.select %lt3A_760, %add3A_763, %broadcast_in_dim3A_757 : vector<16xi1>, vector<16xi32>
        %broadcast_in_dim3A_765 = vector.shape_cast %select_n3A_764 : vector<16xi32> to vector<16x1xi32>
        %gather3A_766 = vector.shape_cast %broadcast_in_dim3A_765 : vector<16x1xi32> to vector<16xi32>
        %gather3A_767 = tpu.dynamic_gather %get3A_723[%gather3A_766] in [0] : vector<16xf32>, vector<16xi32> -> vector<16xf32>
        %get3A_768 = arith.index_cast %add3A_755 : i32 to index
        %get3A_769 = arith.constant 0 : index
        %get3A_770 = tpu.vector_load %arg11[%get3A_768, %get3A_769] {strides = array<i32>} : memref<3072x16xf32, #tpu.memory_space<vmem>>, vector<1x16xf32>,
        %get3A_771 = vector.shape_cast %get3A_770 : vector<1x16xf32> to vector<16xf32>
        %mul3A_772 = arith.mulf %get3A_771, %gather3A_767 : vector<16xf32>
        %swap3A_773 = arith.index_cast %add3A_755 : i32 to index
        %swap3A_774 = arith.constant 0 : index
        %swap3A_775 = tpu.vector_load %arg11[%swap3A_773, %swap3A_774] {strides = array<i32>} : memref<3072x16xf32, #tpu.memory_space<vmem>>, vector<1x16xf32>,
        %swap3A_776 = vector.shape_cast %swap3A_775 : vector<1x16xf32> to vector<16xf32>
        %swap3A_777 = vector.shape_cast %mul3A_772 : vector<16xf32> to vector<1x16xf32>
        tpu.vector_store %arg11[%swap3A_773, %swap3A_774], %swap3A_777 {strides = array<i32>} : memref<3072x16xf32, #tpu.memory_space<vmem>>, vector<1x16xf32>,
        %mul3A_778 = arith.constant 16 : i32
        %mul3A_779 = arith.muli %add3A_717, %mul3A_778 : i32
        %add3A_780 = arith.addi %mul3A_240, %mul3A_779 : i32
        %add3A_781 = arith.constant 2 : i32
        %add3A_782 = arith.addi %add3A_780, %add3A_781 : i32
        %broadcast_in_dim3A_783 = arith.constant 2 : i32
        %broadcast_in_dim3A_784 = vector.broadcast %broadcast_in_dim3A_783 : i32 to vector<16xi32>
        %lt3A_785 = arith.constant 0 : i32
        %lt3A_786 = vector.broadcast %lt3A_785 : i32 to vector<16xi32>
        %lt3A_787 = arith.cmpi slt, %broadcast_in_dim3A_784, %lt3A_786 : vector<16xi32>
        %add3A_788 = arith.constant 16 : i32
        %add3A_789 = vector.broadcast %add3A_788 : i32 to vector<16xi32>
        %add3A_790 = arith.addi %broadcast_in_dim3A_784, %add3A_789 : vector<16xi32>
        %select_n3A_791 = arith.select %lt3A_787, %add3A_790, %broadcast_in_dim3A_784 : vector<16xi1>, vector<16xi32>
        %broadcast_in_dim3A_792 = vector.shape_cast %select_n3A_791 : vector<16xi32> to vector<16x1xi32>
        %gather3A_793 = vector.shape_cast %broadcast_in_dim3A_792 : vector<16x1xi32> to vector<16xi32>
        %gather3A_794 = tpu.dynamic_gather %get3A_723[%gather3A_793] in [0] : vector<16xf32>, vector<16xi32> -> vector<16xf32>
        %get3A_795 = arith.index_cast %add3A_782 : i32 to index
        %get3A_796 = arith.constant 0 : index
        %get3A_797 = tpu.vector_load %arg11[%get3A_795, %get3A_796] {strides = array<i32>} : memref<3072x16xf32, #tpu.memory_space<vmem>>, vector<1x16xf32>,
        %get3A_798 = vector.shape_cast %get3A_797 : vector<1x16xf32> to vector<16xf32>
        %mul3A_799 = arith.mulf %get3A_798, %gather3A_794 : vector<16xf32>
        %swap3A_800 = arith.index_cast %add3A_782 : i32 to index
        %swap3A_801 = arith.constant 0 : index
        %swap3A_802 = tpu.vector_load %arg11[%swap3A_800, %swap3A_801] {strides = array<i32>} : memref<3072x16xf32, #tpu.memory_space<vmem>>, vector<1x16xf32>,
        %swap3A_803 = vector.shape_cast %swap3A_802 : vector<1x16xf32> to vector<16xf32>
        %swap3A_804 = vector.shape_cast %mul3A_799 : vector<16xf32> to vector<1x16xf32>
        tpu.vector_store %arg11[%swap3A_800, %swap3A_801], %swap3A_804 {strides = array<i32>} : memref<3072x16xf32, #tpu.memory_space<vmem>>, vector<1x16xf32>,
        %mul3A_805 = arith.constant 16 : i32
        %mul3A_806 = arith.muli %add3A_717, %mul3A_805 : i32
        %add3A_807 = arith.addi %mul3A_240, %mul3A_806 : i32
        %add3A_808 = arith.constant 3 : i32
        %add3A_809 = arith.addi %add3A_807, %add3A_808 : i32
        %broadcast_in_dim3A_810 = arith.constant 3 : i32
        %broadcast_in_dim3A_811 = vector.broadcast %broadcast_in_dim3A_810 : i32 to vector<16xi32>
        %lt3A_812 = arith.constant 0 : i32
        %lt3A_813 = vector.broadcast %lt3A_812 : i32 to vector<16xi32>
        %lt3A_814 = arith.cmpi slt, %broadcast_in_dim3A_811, %lt3A_813 : vector<16xi32>
        %add3A_815 = arith.constant 16 : i32
        %add3A_816 = vector.broadcast %add3A_815 : i32 to vector<16xi32>
        %add3A_817 = arith.addi %broadcast_in_dim3A_811, %add3A_816 : vector<16xi32>
        %select_n3A_818 = arith.select %lt3A_814, %add3A_817, %broadcast_in_dim3A_811 : vector<16xi1>, vector<16xi32>
        %broadcast_in_dim3A_819 = vector.shape_cast %select_n3A_818 : vector<16xi32> to vector<16x1xi32>
        %gather3A_820 = vector.shape_cast %broadcast_in_dim3A_819 : vector<16x1xi32> to vector<16xi32>
        %gather3A_821 = tpu.dynamic_gather %get3A_723[%gather3A_820] in [0] : vector<16xf32>, vector<16xi32> -> vector<16xf32>
        %get3A_822 = arith.index_cast %add3A_809 : i32 to index
        %get3A_823 = arith.constant 0 : index
        %get3A_824 = tpu.vector_load %arg11[%get3A_822, %get3A_823] {strides = array<i32>} : memref<3072x16xf32, #tpu.memory_space<vmem>>, vector<1x16xf32>,
        %get3A_825 = vector.shape_cast %get3A_824 : vector<1x16xf32> to vector<16xf32>
        %mul3A_826 = arith.mulf %get3A_825, %gather3A_821 : vector<16xf32>
        %swap3A_827 = arith.index_cast %add3A_809 : i32 to index
        %swap3A_828 = arith.constant 0 : index
        %swap3A_829 = tpu.vector_load %arg11[%swap3A_827, %swap3A_828] {strides = array<i32>} : memref<3072x16xf32, #tpu.memory_space<vmem>>, vector<1x16xf32>,
        %swap3A_830 = vector.shape_cast %swap3A_829 : vector<1x16xf32> to vector<16xf32>
        %swap3A_831 = vector.shape_cast %mul3A_826 : vector<16xf32> to vector<1x16xf32>
        tpu.vector_store %arg11[%swap3A_827, %swap3A_828], %swap3A_831 {strides = array<i32>} : memref<3072x16xf32, #tpu.memory_space<vmem>>, vector<1x16xf32>,
        %mul3A_832 = arith.constant 16 : i32
        %mul3A_833 = arith.muli %add3A_717, %mul3A_832 : i32
        %add3A_834 = arith.addi %mul3A_240, %mul3A_833 : i32
        %add3A_835 = arith.constant 4 : i32
        %add3A_836 = arith.addi %add3A_834, %add3A_835 : i32
        %broadcast_in_dim3A_837 = arith.constant 4 : i32
        %broadcast_in_dim3A_838 = vector.broadcast %broadcast_in_dim3A_837 : i32 to vector<16xi32>
        %lt3A_839 = arith.constant 0 : i32
        %lt3A_840 = vector.broadcast %lt3A_839 : i32 to vector<16xi32>
        %lt3A_841 = arith.cmpi slt, %broadcast_in_dim3A_838, %lt3A_840 : vector<16xi32>
        %add3A_842 = arith.constant 16 : i32
        %add3A_843 = vector.broadcast %add3A_842 : i32 to vector<16xi32>
        %add3A_844 = arith.addi %broadcast_in_dim3A_838, %add3A_843 : vector<16xi32>
        %select_n3A_845 = arith.select %lt3A_841, %add3A_844, %broadcast_in_dim3A_838 : vector<16xi1>, vector<16xi32>
        %broadcast_in_dim3A_846 = vector.shape_cast %select_n3A_845 : vector<16xi32> to vector<16x1xi32>
        %gather3A_847 = vector.shape_cast %broadcast_in_dim3A_846 : vector<16x1xi32> to vector<16xi32>
        %gather3A_848 = tpu.dynamic_gather %get3A_723[%gather3A_847] in [0] : vector<16xf32>, vector<16xi32> -> vector<16xf32>
        %get3A_849 = arith.index_cast %add3A_836 : i32 to index
        %get3A_850 = arith.constant 0 : index
        %get3A_851 = tpu.vector_load %arg11[%get3A_849, %get3A_850] {strides = array<i32>} : memref<3072x16xf32, #tpu.memory_space<vmem>>, vector<1x16xf32>,
        %get3A_852 = vector.shape_cast %get3A_851 : vector<1x16xf32> to vector<16xf32>
        %mul3A_853 = arith.mulf %get3A_852, %gather3A_848 : vector<16xf32>
        %swap3A_854 = arith.index_cast %add3A_836 : i32 to index
        %swap3A_855 = arith.constant 0 : index
        %swap3A_856 = tpu.vector_load %arg11[%swap3A_854, %swap3A_855] {strides = array<i32>} : memref<3072x16xf32, #tpu.memory_space<vmem>>, vector<1x16xf32>,
        %swap3A_857 = vector.shape_cast %swap3A_856 : vector<1x16xf32> to vector<16xf32>
        %swap3A_858 = vector.shape_cast %mul3A_853 : vector<16xf32> to vector<1x16xf32>
        tpu.vector_store %arg11[%swap3A_854, %swap3A_855], %swap3A_858 {strides = array<i32>} : memref<3072x16xf32, #tpu.memory_space<vmem>>, vector<1x16xf32>,
        %mul3A_859 = arith.constant 16 : i32
        %mul3A_860 = arith.muli %add3A_717, %mul3A_859 : i32
        %add3A_861 = arith.addi %mul3A_240, %mul3A_860 : i32
        %add3A_862 = arith.constant 5 : i32
        %add3A_863 = arith.addi %add3A_861, %add3A_862 : i32
        %broadcast_in_dim3A_864 = arith.constant 5 : i32
        %broadcast_in_dim3A_865 = vector.broadcast %broadcast_in_dim3A_864 : i32 to vector<16xi32>
        %lt3A_866 = arith.constant 0 : i32
        %lt3A_867 = vector.broadcast %lt3A_866 : i32 to vector<16xi32>
        %lt3A_868 = arith.cmpi slt, %broadcast_in_dim3A_865, %lt3A_867 : vector<16xi32>
        %add3A_869 = arith.constant 16 : i32
        %add3A_870 = vector.broadcast %add3A_869 : i32 to vector<16xi32>
        %add3A_871 = arith.addi %broadcast_in_dim3A_865, %add3A_870 : vector<16xi32>
        %select_n3A_872 = arith.select %lt3A_868, %add3A_871, %broadcast_in_dim3A_865 : vector<16xi1>, vector<16xi32>
        %broadcast_in_dim3A_873 = vector.shape_cast %select_n3A_872 : vector<16xi32> to vector<16x1xi32>
        %gather3A_874 = vector.shape_cast %broadcast_in_dim3A_873 : vector<16x1xi32> to vector<16xi32>
        %gather3A_875 = tpu.dynamic_gather %get3A_723[%gather3A_874] in [0] : vector<16xf32>, vector<16xi32> -> vector<16xf32>
        %get3A_876 = arith.index_cast %add3A_863 : i32 to index
        %get3A_877 = arith.constant 0 : index
        %get3A_878 = tpu.vector_load %arg11[%get3A_876, %get3A_877] {strides = array<i32>} : memref<3072x16xf32, #tpu.memory_space<vmem>>, vector<1x16xf32>,
        %get3A_879 = vector.shape_cast %get3A_878 : vector<1x16xf32> to vector<16xf32>
        %mul3A_880 = arith.mulf %get3A_879, %gather3A_875 : vector<16xf32>
        %swap3A_881 = arith.index_cast %add3A_863 : i32 to index
        %swap3A_882 = arith.constant 0 : index
        %swap3A_883 = tpu.vector_load %arg11[%swap3A_881, %swap3A_882] {strides = array<i32>} : memref<3072x16xf32, #tpu.memory_space<vmem>>, vector<1x16xf32>,
        %swap3A_884 = vector.shape_cast %swap3A_883 : vector<1x16xf32> to vector<16xf32>
        %swap3A_885 = vector.shape_cast %mul3A_880 : vector<16xf32> to vector<1x16xf32>
        tpu.vector_store %arg11[%swap3A_881, %swap3A_882], %swap3A_885 {strides = array<i32>} : memref<3072x16xf32, #tpu.memory_space<vmem>>, vector<1x16xf32>,
        %mul3A_886 = arith.constant 16 : i32
        %mul3A_887 = arith.muli %add3A_717, %mul3A_886 : i32
        %add3A_888 = arith.addi %mul3A_240, %mul3A_887 : i32
        %add3A_889 = arith.constant 6 : i32
        %add3A_890 = arith.addi %add3A_888, %add3A_889 : i32
        %broadcast_in_dim3A_891 = arith.constant 6 : i32
        %broadcast_in_dim3A_892 = vector.broadcast %broadcast_in_dim3A_891 : i32 to vector<16xi32>
        %lt3A_893 = arith.constant 0 : i32
        %lt3A_894 = vector.broadcast %lt3A_893 : i32 to vector<16xi32>
        %lt3A_895 = arith.cmpi slt, %broadcast_in_dim3A_892, %lt3A_894 : vector<16xi32>
        %add3A_896 = arith.constant 16 : i32
        %add3A_897 = vector.broadcast %add3A_896 : i32 to vector<16xi32>
        %add3A_898 = arith.addi %broadcast_in_dim3A_892, %add3A_897 : vector<16xi32>
        %select_n3A_899 = arith.select %lt3A_895, %add3A_898, %broadcast_in_dim3A_892 : vector<16xi1>, vector<16xi32>
        %broadcast_in_dim3A_900 = vector.shape_cast %select_n3A_899 : vector<16xi32> to vector<16x1xi32>
        %gather3A_901 = vector.shape_cast %broadcast_in_dim3A_900 : vector<16x1xi32> to vector<16xi32>
        %gather3A_902 = tpu.dynamic_gather %get3A_723[%gather3A_901] in [0] : vector<16xf32>, vector<16xi32> -> vector<16xf32>
        %get3A_903 = arith.index_cast %add3A_890 : i32 to index
        %get3A_904 = arith.constant 0 : index
        %get3A_905 = tpu.vector_load %arg11[%get3A_903, %get3A_904] {strides = array<i32>} : memref<3072x16xf32, #tpu.memory_space<vmem>>, vector<1x16xf32>,
        %get3A_906 = vector.shape_cast %get3A_905 : vector<1x16xf32> to vector<16xf32>
        %mul3A_907 = arith.mulf %get3A_906, %gather3A_902 : vector<16xf32>
        %swap3A_908 = arith.index_cast %add3A_890 : i32 to index
        %swap3A_909 = arith.constant 0 : index
        %swap3A_910 = tpu.vector_load %arg11[%swap3A_908, %swap3A_909] {strides = array<i32>} : memref<3072x16xf32, #tpu.memory_space<vmem>>, vector<1x16xf32>,
        %swap3A_911 = vector.shape_cast %swap3A_910 : vector<1x16xf32> to vector<16xf32>
        %swap3A_912 = vector.shape_cast %mul3A_907 : vector<16xf32> to vector<1x16xf32>
        tpu.vector_store %arg11[%swap3A_908, %swap3A_909], %swap3A_912 {strides = array<i32>} : memref<3072x16xf32, #tpu.memory_space<vmem>>, vector<1x16xf32>,
        %mul3A_913 = arith.constant 16 : i32
        %mul3A_914 = arith.muli %add3A_717, %mul3A_913 : i32
        %add3A_915 = arith.addi %mul3A_240, %mul3A_914 : i32
        %add3A_916 = arith.constant 7 : i32
        %add3A_917 = arith.addi %add3A_915, %add3A_916 : i32
        %broadcast_in_dim3A_918 = arith.constant 7 : i32
        %broadcast_in_dim3A_919 = vector.broadcast %broadcast_in_dim3A_918 : i32 to vector<16xi32>
        %lt3A_920 = arith.constant 0 : i32
        %lt3A_921 = vector.broadcast %lt3A_920 : i32 to vector<16xi32>
        %lt3A_922 = arith.cmpi slt, %broadcast_in_dim3A_919, %lt3A_921 : vector<16xi32>
        %add3A_923 = arith.constant 16 : i32
        %add3A_924 = vector.broadcast %add3A_923 : i32 to vector<16xi32>
        %add3A_925 = arith.addi %broadcast_in_dim3A_919, %add3A_924 : vector<16xi32>
        %select_n3A_926 = arith.select %lt3A_922, %add3A_925, %broadcast_in_dim3A_919 : vector<16xi1>, vector<16xi32>
        %broadcast_in_dim3A_927 = vector.shape_cast %select_n3A_926 : vector<16xi32> to vector<16x1xi32>
        %gather3A_928 = vector.shape_cast %broadcast_in_dim3A_927 : vector<16x1xi32> to vector<16xi32>
        %gather3A_929 = tpu.dynamic_gather %get3A_723[%gather3A_928] in [0] : vector<16xf32>, vector<16xi32> -> vector<16xf32>
        %get3A_930 = arith.index_cast %add3A_917 : i32 to index
        %get3A_931 = arith.constant 0 : index
        %get3A_932 = tpu.vector_load %arg11[%get3A_930, %get3A_931] {strides = array<i32>} : memref<3072x16xf32, #tpu.memory_space<vmem>>, vector<1x16xf32>,
        %get3A_933 = vector.shape_cast %get3A_932 : vector<1x16xf32> to vector<16xf32>
        %mul3A_934 = arith.mulf %get3A_933, %gather3A_929 : vector<16xf32>
        %swap3A_935 = arith.index_cast %add3A_917 : i32 to index
        %swap3A_936 = arith.constant 0 : index
        %swap3A_937 = tpu.vector_load %arg11[%swap3A_935, %swap3A_936] {strides = array<i32>} : memref<3072x16xf32, #tpu.memory_space<vmem>>, vector<1x16xf32>,
        %swap3A_938 = vector.shape_cast %swap3A_937 : vector<1x16xf32> to vector<16xf32>
        %swap3A_939 = vector.shape_cast %mul3A_934 : vector<16xf32> to vector<1x16xf32>
        tpu.vector_store %arg11[%swap3A_935, %swap3A_936], %swap3A_939 {strides = array<i32>} : memref<3072x16xf32, #tpu.memory_space<vmem>>, vector<1x16xf32>,
        %mul3A_940 = arith.constant 16 : i32
        %mul3A_941 = arith.muli %add3A_717, %mul3A_940 : i32
        %add3A_942 = arith.addi %mul3A_240, %mul3A_941 : i32
        %add3A_943 = arith.constant 8 : i32
        %add3A_944 = arith.addi %add3A_942, %add3A_943 : i32
        %broadcast_in_dim3A_945 = arith.constant 8 : i32
        %broadcast_in_dim3A_946 = vector.broadcast %broadcast_in_dim3A_945 : i32 to vector<16xi32>
        %lt3A_947 = arith.constant 0 : i32
        %lt3A_948 = vector.broadcast %lt3A_947 : i32 to vector<16xi32>
        %lt3A_949 = arith.cmpi slt, %broadcast_in_dim3A_946, %lt3A_948 : vector<16xi32>
        %add3A_950 = arith.constant 16 : i32
        %add3A_951 = vector.broadcast %add3A_950 : i32 to vector<16xi32>
        %add3A_952 = arith.addi %broadcast_in_dim3A_946, %add3A_951 : vector<16xi32>
        %select_n3A_953 = arith.select %lt3A_949, %add3A_952, %broadcast_in_dim3A_946 : vector<16xi1>, vector<16xi32>
        %broadcast_in_dim3A_954 = vector.shape_cast %select_n3A_953 : vector<16xi32> to vector<16x1xi32>
        %gather3A_955 = vector.shape_cast %broadcast_in_dim3A_954 : vector<16x1xi32> to vector<16xi32>
        %gather3A_956 = tpu.dynamic_gather %get3A_723[%gather3A_955] in [0] : vector<16xf32>, vector<16xi32> -> vector<16xf32>
        %get3A_957 = arith.index_cast %add3A_944 : i32 to index
        %get3A_958 = arith.constant 0 : index
        %get3A_959 = tpu.vector_load %arg11[%get3A_957, %get3A_958] {strides = array<i32>} : memref<3072x16xf32, #tpu.memory_space<vmem>>, vector<1x16xf32>,
        %get3A_960 = vector.shape_cast %get3A_959 : vector<1x16xf32> to vector<16xf32>
        %mul3A_961 = arith.mulf %get3A_960, %gather3A_956 : vector<16xf32>
        %swap3A_962 = arith.index_cast %add3A_944 : i32 to index
        %swap3A_963 = arith.constant 0 : index
        %swap3A_964 = tpu.vector_load %arg11[%swap3A_962, %swap3A_963] {strides = array<i32>} : memref<3072x16xf32, #tpu.memory_space<vmem>>, vector<1x16xf32>,
        %swap3A_965 = vector.shape_cast %swap3A_964 : vector<1x16xf32> to vector<16xf32>
        %swap3A_966 = vector.shape_cast %mul3A_961 : vector<16xf32> to vector<1x16xf32>
        tpu.vector_store %arg11[%swap3A_962, %swap3A_963], %swap3A_966 {strides = array<i32>} : memref<3072x16xf32, #tpu.memory_space<vmem>>, vector<1x16xf32>,
        %mul3A_967 = arith.constant 16 : i32
        %mul3A_968 = arith.muli %add3A_717, %mul3A_967 : i32
        %add3A_969 = arith.addi %mul3A_240, %mul3A_968 : i32
        %add3A_970 = arith.constant 9 : i32
        %add3A_971 = arith.addi %add3A_969, %add3A_970 : i32
        %broadcast_in_dim3A_972 = arith.constant 9 : i32
        %broadcast_in_dim3A_973 = vector.broadcast %broadcast_in_dim3A_972 : i32 to vector<16xi32>
        %lt3A_974 = arith.constant 0 : i32
        %lt3A_975 = vector.broadcast %lt3A_974 : i32 to vector<16xi32>
        %lt3A_976 = arith.cmpi slt, %broadcast_in_dim3A_973, %lt3A_975 : vector<16xi32>
        %add3A_977 = arith.constant 16 : i32
        %add3A_978 = vector.broadcast %add3A_977 : i32 to vector<16xi32>
        %add3A_979 = arith.addi %broadcast_in_dim3A_973, %add3A_978 : vector<16xi32>
        %select_n3A_980 = arith.select %lt3A_976, %add3A_979, %broadcast_in_dim3A_973 : vector<16xi1>, vector<16xi32>
        %broadcast_in_dim3A_981 = vector.shape_cast %select_n3A_980 : vector<16xi32> to vector<16x1xi32>
        %gather3A_982 = vector.shape_cast %broadcast_in_dim3A_981 : vector<16x1xi32> to vector<16xi32>
        %gather3A_983 = tpu.dynamic_gather %get3A_723[%gather3A_982] in [0] : vector<16xf32>, vector<16xi32> -> vector<16xf32>
        %get3A_984 = arith.index_cast %add3A_971 : i32 to index
        %get3A_985 = arith.constant 0 : index
        %get3A_986 = tpu.vector_load %arg11[%get3A_984, %get3A_985] {strides = array<i32>} : memref<3072x16xf32, #tpu.memory_space<vmem>>, vector<1x16xf32>,
        %get3A_987 = vector.shape_cast %get3A_986 : vector<1x16xf32> to vector<16xf32>
        %mul3A_988 = arith.mulf %get3A_987, %gather3A_983 : vector<16xf32>
        %swap3A_989 = arith.index_cast %add3A_971 : i32 to index
        %swap3A_990 = arith.constant 0 : index
        %swap3A_991 = tpu.vector_load %arg11[%swap3A_989, %swap3A_990] {strides = array<i32>} : memref<3072x16xf32, #tpu.memory_space<vmem>>, vector<1x16xf32>,
        %swap3A_992 = vector.shape_cast %swap3A_991 : vector<1x16xf32> to vector<16xf32>
        %swap3A_993 = vector.shape_cast %mul3A_988 : vector<16xf32> to vector<1x16xf32>
        tpu.vector_store %arg11[%swap3A_989, %swap3A_990], %swap3A_993 {strides = array<i32>} : memref<3072x16xf32, #tpu.memory_space<vmem>>, vector<1x16xf32>,
        %mul3A_994 = arith.constant 16 : i32
        %mul3A_995 = arith.muli %add3A_717, %mul3A_994 : i32
        %add3A_996 = arith.addi %mul3A_240, %mul3A_995 : i32
        %add3A_997 = arith.constant 10 : i32
        %add3A_998 = arith.addi %add3A_996, %add3A_997 : i32
        %broadcast_in_dim3A_999 = arith.constant 10 : i32
        %broadcast_in_dim3A_1000 = vector.broadcast %broadcast_in_dim3A_999 : i32 to vector<16xi32>
        %lt3A_1001 = arith.constant 0 : i32
        %lt3A_1002 = vector.broadcast %lt3A_1001 : i32 to vector<16xi32>
        %lt3A_1003 = arith.cmpi slt, %broadcast_in_dim3A_1000, %lt3A_1002 : vector<16xi32>
        %add3A_1004 = arith.constant 16 : i32
        %add3A_1005 = vector.broadcast %add3A_1004 : i32 to vector<16xi32>
        %add3A_1006 = arith.addi %broadcast_in_dim3A_1000, %add3A_1005 : vector<16xi32>
        %select_n3A_1007 = arith.select %lt3A_1003, %add3A_1006, %broadcast_in_dim3A_1000 : vector<16xi1>, vector<16xi32>
        %broadcast_in_dim3A_1008 = vector.shape_cast %select_n3A_1007 : vector<16xi32> to vector<16x1xi32>
        %gather3A_1009 = vector.shape_cast %broadcast_in_dim3A_1008 : vector<16x1xi32> to vector<16xi32>
        %gather3A_1010 = tpu.dynamic_gather %get3A_723[%gather3A_1009] in [0] : vector<16xf32>, vector<16xi32> -> vector<16xf32>
        %get3A_1011 = arith.index_cast %add3A_998 : i32 to index
        %get3A_1012 = arith.constant 0 : index
        %get3A_1013 = tpu.vector_load %arg11[%get3A_1011, %get3A_1012] {strides = array<i32>} : memref<3072x16xf32, #tpu.memory_space<vmem>>, vector<1x16xf32>,
        %get3A_1014 = vector.shape_cast %get3A_1013 : vector<1x16xf32> to vector<16xf32>
        %mul3A_1015 = arith.mulf %get3A_1014, %gather3A_1010 : vector<16xf32>
        %swap3A_1016 = arith.index_cast %add3A_998 : i32 to index
        %swap3A_1017 = arith.constant 0 : index
        %swap3A_1018 = tpu.vector_load %arg11[%swap3A_1016, %swap3A_1017] {strides = array<i32>} : memref<3072x16xf32, #tpu.memory_space<vmem>>, vector<1x16xf32>,
        %swap3A_1019 = vector.shape_cast %swap3A_1018 : vector<1x16xf32> to vector<16xf32>
        %swap3A_1020 = vector.shape_cast %mul3A_1015 : vector<16xf32> to vector<1x16xf32>
        tpu.vector_store %arg11[%swap3A_1016, %swap3A_1017], %swap3A_1020 {strides = array<i32>} : memref<3072x16xf32, #tpu.memory_space<vmem>>, vector<1x16xf32>,
        %mul3A_1021 = arith.constant 16 : i32
        %mul3A_1022 = arith.muli %add3A_717, %mul3A_1021 : i32
        %add3A_1023 = arith.addi %mul3A_240, %mul3A_1022 : i32
        %add3A_1024 = arith.constant 11 : i32
        %add3A_1025 = arith.addi %add3A_1023, %add3A_1024 : i32
        %broadcast_in_dim3A_1026 = arith.constant 11 : i32
        %broadcast_in_dim3A_1027 = vector.broadcast %broadcast_in_dim3A_1026 : i32 to vector<16xi32>
        %lt3A_1028 = arith.constant 0 : i32
        %lt3A_1029 = vector.broadcast %lt3A_1028 : i32 to vector<16xi32>
        %lt3A_1030 = arith.cmpi slt, %broadcast_in_dim3A_1027, %lt3A_1029 : vector<16xi32>
        %add3A_1031 = arith.constant 16 : i32
        %add3A_1032 = vector.broadcast %add3A_1031 : i32 to vector<16xi32>
        %add3A_1033 = arith.addi %broadcast_in_dim3A_1027, %add3A_1032 : vector<16xi32>
        %select_n3A_1034 = arith.select %lt3A_1030, %add3A_1033, %broadcast_in_dim3A_1027 : vector<16xi1>, vector<16xi32>
        %broadcast_in_dim3A_1035 = vector.shape_cast %select_n3A_1034 : vector<16xi32> to vector<16x1xi32>
        %gather3A_1036 = vector.shape_cast %broadcast_in_dim3A_1035 : vector<16x1xi32> to vector<16xi32>
        %gather3A_1037 = tpu.dynamic_gather %get3A_723[%gather3A_1036] in [0] : vector<16xf32>, vector<16xi32> -> vector<16xf32>
        %get3A_1038 = arith.index_cast %add3A_1025 : i32 to index
        %get3A_1039 = arith.constant 0 : index
        %get3A_1040 = tpu.vector_load %arg11[%get3A_1038, %get3A_1039] {strides = array<i32>} : memref<3072x16xf32, #tpu.memory_space<vmem>>, vector<1x16xf32>,
        %get3A_1041 = vector.shape_cast %get3A_1040 : vector<1x16xf32> to vector<16xf32>
        %mul3A_1042 = arith.mulf %get3A_1041, %gather3A_1037 : vector<16xf32>
        %swap3A_1043 = arith.index_cast %add3A_1025 : i32 to index
        %swap3A_1044 = arith.constant 0 : index
        %swap3A_1045 = tpu.vector_load %arg11[%swap3A_1043, %swap3A_1044] {strides = array<i32>} : memref<3072x16xf32, #tpu.memory_space<vmem>>, vector<1x16xf32>,
        %swap3A_1046 = vector.shape_cast %swap3A_1045 : vector<1x16xf32> to vector<16xf32>
        %swap3A_1047 = vector.shape_cast %mul3A_1042 : vector<16xf32> to vector<1x16xf32>
        tpu.vector_store %arg11[%swap3A_1043, %swap3A_1044], %swap3A_1047 {strides = array<i32>} : memref<3072x16xf32, #tpu.memory_space<vmem>>, vector<1x16xf32>,
        %mul3A_1048 = arith.constant 16 : i32
        %mul3A_1049 = arith.muli %add3A_717, %mul3A_1048 : i32
        %add3A_1050 = arith.addi %mul3A_240, %mul3A_1049 : i32
        %add3A_1051 = arith.constant 12 : i32
        %add3A_1052 = arith.addi %add3A_1050, %add3A_1051 : i32
        %broadcast_in_dim3A_1053 = arith.constant 12 : i32
        %broadcast_in_dim3A_1054 = vector.broadcast %broadcast_in_dim3A_1053 : i32 to vector<16xi32>
        %lt3A_1055 = arith.constant 0 : i32
        %lt3A_1056 = vector.broadcast %lt3A_1055 : i32 to vector<16xi32>
        %lt3A_1057 = arith.cmpi slt, %broadcast_in_dim3A_1054, %lt3A_1056 : vector<16xi32>
        %add3A_1058 = arith.constant 16 : i32
        %add3A_1059 = vector.broadcast %add3A_1058 : i32 to vector<16xi32>
        %add3A_1060 = arith.addi %broadcast_in_dim3A_1054, %add3A_1059 : vector<16xi32>
        %select_n3A_1061 = arith.select %lt3A_1057, %add3A_1060, %broadcast_in_dim3A_1054 : vector<16xi1>, vector<16xi32>
        %broadcast_in_dim3A_1062 = vector.shape_cast %select_n3A_1061 : vector<16xi32> to vector<16x1xi32>
        %gather3A_1063 = vector.shape_cast %broadcast_in_dim3A_1062 : vector<16x1xi32> to vector<16xi32>
        %gather3A_1064 = tpu.dynamic_gather %get3A_723[%gather3A_1063] in [0] : vector<16xf32>, vector<16xi32> -> vector<16xf32>
        %get3A_1065 = arith.index_cast %add3A_1052 : i32 to index
        %get3A_1066 = arith.constant 0 : index
        %get3A_1067 = tpu.vector_load %arg11[%get3A_1065, %get3A_1066] {strides = array<i32>} : memref<3072x16xf32, #tpu.memory_space<vmem>>, vector<1x16xf32>,
        %get3A_1068 = vector.shape_cast %get3A_1067 : vector<1x16xf32> to vector<16xf32>
        %mul3A_1069 = arith.mulf %get3A_1068, %gather3A_1064 : vector<16xf32>
        %swap3A_1070 = arith.index_cast %add3A_1052 : i32 to index
        %swap3A_1071 = arith.constant 0 : index
        %swap3A_1072 = tpu.vector_load %arg11[%swap3A_1070, %swap3A_1071] {strides = array<i32>} : memref<3072x16xf32, #tpu.memory_space<vmem>>, vector<1x16xf32>,
        %swap3A_1073 = vector.shape_cast %swap3A_1072 : vector<1x16xf32> to vector<16xf32>
        %swap3A_1074 = vector.shape_cast %mul3A_1069 : vector<16xf32> to vector<1x16xf32>
        tpu.vector_store %arg11[%swap3A_1070, %swap3A_1071], %swap3A_1074 {strides = array<i32>} : memref<3072x16xf32, #tpu.memory_space<vmem>>, vector<1x16xf32>,
        %mul3A_1075 = arith.constant 16 : i32
        %mul3A_1076 = arith.muli %add3A_717, %mul3A_1075 : i32
        %add3A_1077 = arith.addi %mul3A_240, %mul3A_1076 : i32
        %add3A_1078 = arith.constant 13 : i32
        %add3A_1079 = arith.addi %add3A_1077, %add3A_1078 : i32
        %broadcast_in_dim3A_1080 = arith.constant 13 : i32
        %broadcast_in_dim3A_1081 = vector.broadcast %broadcast_in_dim3A_1080 : i32 to vector<16xi32>
        %lt3A_1082 = arith.constant 0 : i32
        %lt3A_1083 = vector.broadcast %lt3A_1082 : i32 to vector<16xi32>
        %lt3A_1084 = arith.cmpi slt, %broadcast_in_dim3A_1081, %lt3A_1083 : vector<16xi32>
        %add3A_1085 = arith.constant 16 : i32
        %add3A_1086 = vector.broadcast %add3A_1085 : i32 to vector<16xi32>
        %add3A_1087 = arith.addi %broadcast_in_dim3A_1081, %add3A_1086 : vector<16xi32>
        %select_n3A_1088 = arith.select %lt3A_1084, %add3A_1087, %broadcast_in_dim3A_1081 : vector<16xi1>, vector<16xi32>
        %broadcast_in_dim3A_1089 = vector.shape_cast %select_n3A_1088 : vector<16xi32> to vector<16x1xi32>
        %gather3A_1090 = vector.shape_cast %broadcast_in_dim3A_1089 : vector<16x1xi32> to vector<16xi32>
        %gather3A_1091 = tpu.dynamic_gather %get3A_723[%gather3A_1090] in [0] : vector<16xf32>, vector<16xi32> -> vector<16xf32>
        %get3A_1092 = arith.index_cast %add3A_1079 : i32 to index
        %get3A_1093 = arith.constant 0 : index
        %get3A_1094 = tpu.vector_load %arg11[%get3A_1092, %get3A_1093] {strides = array<i32>} : memref<3072x16xf32, #tpu.memory_space<vmem>>, vector<1x16xf32>,
        %get3A_1095 = vector.shape_cast %get3A_1094 : vector<1x16xf32> to vector<16xf32>
        %mul3A_1096 = arith.mulf %get3A_1095, %gather3A_1091 : vector<16xf32>
        %swap3A_1097 = arith.index_cast %add3A_1079 : i32 to index
        %swap3A_1098 = arith.constant 0 : index
        %swap3A_1099 = tpu.vector_load %arg11[%swap3A_1097, %swap3A_1098] {strides = array<i32>} : memref<3072x16xf32, #tpu.memory_space<vmem>>, vector<1x16xf32>,
        %swap3A_1100 = vector.shape_cast %swap3A_1099 : vector<1x16xf32> to vector<16xf32>
        %swap3A_1101 = vector.shape_cast %mul3A_1096 : vector<16xf32> to vector<1x16xf32>
        tpu.vector_store %arg11[%swap3A_1097, %swap3A_1098], %swap3A_1101 {strides = array<i32>} : memref<3072x16xf32, #tpu.memory_space<vmem>>, vector<1x16xf32>,
        %mul3A_1102 = arith.constant 16 : i32
        %mul3A_1103 = arith.muli %add3A_717, %mul3A_1102 : i32
        %add3A_1104 = arith.addi %mul3A_240, %mul3A_1103 : i32
        %add3A_1105 = arith.constant 14 : i32
        %add3A_1106 = arith.addi %add3A_1104, %add3A_1105 : i32
        %broadcast_in_dim3A_1107 = arith.constant 14 : i32
        %broadcast_in_dim3A_1108 = vector.broadcast %broadcast_in_dim3A_1107 : i32 to vector<16xi32>
        %lt3A_1109 = arith.constant 0 : i32
        %lt3A_1110 = vector.broadcast %lt3A_1109 : i32 to vector<16xi32>
        %lt3A_1111 = arith.cmpi slt, %broadcast_in_dim3A_1108, %lt3A_1110 : vector<16xi32>
        %add3A_1112 = arith.constant 16 : i32
        %add3A_1113 = vector.broadcast %add3A_1112 : i32 to vector<16xi32>
        %add3A_1114 = arith.addi %broadcast_in_dim3A_1108, %add3A_1113 : vector<16xi32>
        %select_n3A_1115 = arith.select %lt3A_1111, %add3A_1114, %broadcast_in_dim3A_1108 : vector<16xi1>, vector<16xi32>
        %broadcast_in_dim3A_1116 = vector.shape_cast %select_n3A_1115 : vector<16xi32> to vector<16x1xi32>
        %gather3A_1117 = vector.shape_cast %broadcast_in_dim3A_1116 : vector<16x1xi32> to vector<16xi32>
        %gather3A_1118 = tpu.dynamic_gather %get3A_723[%gather3A_1117] in [0] : vector<16xf32>, vector<16xi32> -> vector<16xf32>
        %get3A_1119 = arith.index_cast %add3A_1106 : i32 to index
        %get3A_1120 = arith.constant 0 : index
        %get3A_1121 = tpu.vector_load %arg11[%get3A_1119, %get3A_1120] {strides = array<i32>} : memref<3072x16xf32, #tpu.memory_space<vmem>>, vector<1x16xf32>,
        %get3A_1122 = vector.shape_cast %get3A_1121 : vector<1x16xf32> to vector<16xf32>
        %mul3A_1123 = arith.mulf %get3A_1122, %gather3A_1118 : vector<16xf32>
        %swap3A_1124 = arith.index_cast %add3A_1106 : i32 to index
        %swap3A_1125 = arith.constant 0 : index
        %swap3A_1126 = tpu.vector_load %arg11[%swap3A_1124, %swap3A_1125] {strides = array<i32>} : memref<3072x16xf32, #tpu.memory_space<vmem>>, vector<1x16xf32>,
        %swap3A_1127 = vector.shape_cast %swap3A_1126 : vector<1x16xf32> to vector<16xf32>
        %swap3A_1128 = vector.shape_cast %mul3A_1123 : vector<16xf32> to vector<1x16xf32>
        tpu.vector_store %arg11[%swap3A_1124, %swap3A_1125], %swap3A_1128 {strides = array<i32>} : memref<3072x16xf32, #tpu.memory_space<vmem>>, vector<1x16xf32>,
        %mul3A_1129 = arith.constant 16 : i32
        %mul3A_1130 = arith.muli %add3A_717, %mul3A_1129 : i32
        %add3A_1131 = arith.addi %mul3A_240, %mul3A_1130 : i32
        %add3A_1132 = arith.constant 15 : i32
        %add3A_1133 = arith.addi %add3A_1131, %add3A_1132 : i32
        %broadcast_in_dim3A_1134 = arith.constant 15 : i32
        %broadcast_in_dim3A_1135 = vector.broadcast %broadcast_in_dim3A_1134 : i32 to vector<16xi32>
        %lt3A_1136 = arith.constant 0 : i32
        %lt3A_1137 = vector.broadcast %lt3A_1136 : i32 to vector<16xi32>
        %lt3A_1138 = arith.cmpi slt, %broadcast_in_dim3A_1135, %lt3A_1137 : vector<16xi32>
        %add3A_1139 = arith.constant 16 : i32
        %add3A_1140 = vector.broadcast %add3A_1139 : i32 to vector<16xi32>
        %add3A_1141 = arith.addi %broadcast_in_dim3A_1135, %add3A_1140 : vector<16xi32>
        %select_n3A_1142 = arith.select %lt3A_1138, %add3A_1141, %broadcast_in_dim3A_1135 : vector<16xi1>, vector<16xi32>
        %broadcast_in_dim3A_1143 = vector.shape_cast %select_n3A_1142 : vector<16xi32> to vector<16x1xi32>
        %gather3A_1144 = vector.shape_cast %broadcast_in_dim3A_1143 : vector<16x1xi32> to vector<16xi32>
        %gather3A_1145 = tpu.dynamic_gather %get3A_723[%gather3A_1144] in [0] : vector<16xf32>, vector<16xi32> -> vector<16xf32>
        %get3A_1146 = arith.index_cast %add3A_1133 : i32 to index
        %get3A_1147 = arith.constant 0 : index
        %get3A_1148 = tpu.vector_load %arg11[%get3A_1146, %get3A_1147] {strides = array<i32>} : memref<3072x16xf32, #tpu.memory_space<vmem>>, vector<1x16xf32>,
        %get3A_1149 = vector.shape_cast %get3A_1148 : vector<1x16xf32> to vector<16xf32>
        %mul3A_1150 = arith.mulf %get3A_1149, %gather3A_1145 : vector<16xf32>
        %swap3A_1151 = arith.index_cast %add3A_1133 : i32 to index
        %swap3A_1152 = arith.constant 0 : index
        %swap3A_1153 = tpu.vector_load %arg11[%swap3A_1151, %swap3A_1152] {strides = array<i32>} : memref<3072x16xf32, #tpu.memory_space<vmem>>, vector<1x16xf32>,
        %swap3A_1154 = vector.shape_cast %swap3A_1153 : vector<1x16xf32> to vector<16xf32>
        %swap3A_1155 = vector.shape_cast %mul3A_1150 : vector<16xf32> to vector<1x16xf32>
        tpu.vector_store %arg11[%swap3A_1151, %swap3A_1152], %swap3A_1155 {strides = array<i32>} : memref<3072x16xf32, #tpu.memory_space<vmem>>, vector<1x16xf32>,
      }
      %scan3A_247 = arith.constant 64 : i32
      %mul3A_248 = arith.constant 1024 : i32
      %mul3A_249 = arith.muli %rem3A_198, %mul3A_248 : i32
      %add3A_250 = arith.constant 0 : i32
      %add3A_251 = arith.addi %mul3A_249, %add3A_250 : i32
      %dma_start3A_252 = arith.constant 0 : i32
      %dma_start3A_253 = arith.constant 0 : i32
      %dma_start3A_254 = tpu.memref_slice %arg11[%add3A_251, %dma_start3A_253] : memref<3072x16xf32, #tpu.memory_space<vmem>> -> memref<512x16xf32, #tpu.memory_space<vmem>>
      %dma_start3A_255 = arith.constant 0 : i32
      %dma_start3A_256 = tpu.memref_slice %arg9[%and3A_203, %dma_start3A_252, %dma_start3A_255] : memref<4x2x512xi32, #tpu.memory_space<vmem>> -> memref<1x1x512xi32, #tpu.memory_space<vmem>>
      %dma_start3A_257 = tpu.memref_squeeze %dma_start3A_256 : memref<1x1x512xi32, #tpu.memory_space<vmem>> -> memref<512xi32, #tpu.memory_space<vmem>>
      %dma_start3A_258 = arith.constant 0 : i32
      %dma_start3A_259 = arith.constant 0 : i32
      %dma_start3A_260 = tpu.memref_slice %arg12[%dma_start3A_258, %dma_start3A_259] : memref<51200x16xf32, #tpu.memory_space<vmem_shared>> -> memref<51200x16xf32, #tpu.memory_space<vmem_shared>>
      tpu.enqueue_indirect_dma source(%dma_start3A_254 : memref<512x16xf32, #tpu.memory_space<vmem>>) target(%dma_start3A_260 : memref<51200x16xf32, #tpu.memory_space<vmem_shared>>) offsets(%dma_start3A_257 : memref<512xi32, #tpu.memory_space<vmem>>) semaphore(%arg15 : memref<!tpu.dma_semaphore, #tpu.memory_space<semaphore_mem>>) {add = true}
      %mul3A_261 = arith.constant 1024 : i32
      %mul3A_262 = arith.muli %rem3A_198, %mul3A_261 : i32
      %add3A_263 = arith.constant 512 : i32
      %add3A_264 = arith.addi %mul3A_262, %add3A_263 : i32
      %dma_start3A_265 = arith.constant 1 : i32
      %dma_start3A_266 = arith.constant 0 : i32
      %dma_start3A_267 = tpu.memref_slice %arg11[%add3A_264, %dma_start3A_266] : memref<3072x16xf32, #tpu.memory_space<vmem>> -> memref<512x16xf32, #tpu.memory_space<vmem>>
      %dma_start3A_268 = arith.constant 0 : i32
      %dma_start3A_269 = tpu.memref_slice %arg9[%and3A_203, %dma_start3A_265, %dma_start3A_268] : memref<4x2x512xi32, #tpu.memory_space<vmem>> -> memref<1x1x512xi32, #tpu.memory_space<vmem>>
      %dma_start3A_270 = tpu.memref_squeeze %dma_start3A_269 : memref<1x1x512xi32, #tpu.memory_space<vmem>> -> memref<512xi32, #tpu.memory_space<vmem>>
      %dma_start3A_271 = arith.constant 0 : i32
      %dma_start3A_272 = arith.constant 0 : i32
      %dma_start3A_273 = tpu.memref_slice %arg12[%dma_start3A_271, %dma_start3A_272] : memref<51200x16xf32, #tpu.memory_space<vmem_shared>> -> memref<51200x16xf32, #tpu.memory_space<vmem_shared>>
      tpu.enqueue_indirect_dma source(%dma_start3A_267 : memref<512x16xf32, #tpu.memory_space<vmem>>) target(%dma_start3A_273 : memref<51200x16xf32, #tpu.memory_space<vmem_shared>>) offsets(%dma_start3A_270 : memref<512xi32, #tpu.memory_space<vmem>>) semaphore(%arg15 : memref<!tpu.dma_semaphore, #tpu.memory_space<semaphore_mem>>) {add = true}
    }
    %scan3A_162 = arith.constant 98 : i32
    %rem3A = arith.constant 96 : i32
    %rem3A_163 = arith.constant 3 : i32
    %rem3A_164 = arith.remsi %rem3A, %rem3A_163 : i32
    %mul3A_165 = arith.constant 1024 : i32
    %mul3A_166 = arith.muli %rem3A_164, %mul3A_165 : i32
    %dma_wait3A_167 = arith.constant 0 : i32
    %dma_wait3A_168 = tpu.memref_slice %arg11[%mul3A_166, %dma_wait3A_167] : memref<3072x16xf32, #tpu.memory_space<vmem>> -> memref<1024x16xf32, #tpu.memory_space<vmem>>
    %dma_wait3A_169 = arith.constant 0 : i32
    %dma_wait3A_170 = arith.constant 0 : i32
    %dma_wait3A_171 = tpu.memref_slice %arg12[%dma_wait3A_169, %dma_wait3A_170] : memref<51200x16xf32, #tpu.memory_space<vmem_shared>> -> memref<1024x16xf32, #tpu.memory_space<vmem_shared>>
    %dma_wait3A_172 = arith.constant 0 : i32
    %dma_wait3A_173 = arith.constant 0 : i32
    %dma_wait3A_174 = tpu.memref_slice %arg12[%dma_wait3A_172, %dma_wait3A_173] : memref<51200x16xf32, #tpu.memory_space<vmem_shared>> -> memref<1024x16xf32, #tpu.memory_space<vmem_shared>>
    %dma_wait3A_175 = arith.constant 0 : i32
    %dma_wait3A_176 = tpu.memref_slice %arg11[%mul3A_166, %dma_wait3A_175] : memref<3072x16xf32, #tpu.memory_space<vmem>> -> memref<1024x16xf32, #tpu.memory_space<vmem>>
    tpu.wait_dma2 semaphore(%arg15 : memref<!tpu.dma_semaphore, #tpu.memory_space<semaphore_mem>>) src(%dma_wait3A_176 : memref<1024x16xf32, #tpu.memory_space<vmem>>) dst(%dma_wait3A_174 : memref<1024x16xf32, #tpu.memory_space<vmem_shared>>)
    %rem3A_177 = arith.constant 97 : i32
    %rem3A_178 = arith.constant 3 : i32
    %rem3A_179 = arith.remsi %rem3A_177, %rem3A_178 : i32
    %mul3A_180 = arith.constant 1024 : i32
    %mul3A_181 = arith.muli %rem3A_179, %mul3A_180 : i32
    %dma_wait3A_182 = arith.constant 0 : i32
    %dma_wait3A_183 = tpu.memref_slice %arg11[%mul3A_181, %dma_wait3A_182] : memref<3072x16xf32, #tpu.memory_space<vmem>> -> memref<1024x16xf32, #tpu.memory_space<vmem>>
    %dma_wait3A_184 = arith.constant 0 : i32
    %dma_wait3A_185 = arith.constant 0 : i32
    %dma_wait3A_186 = tpu.memref_slice %arg12[%dma_wait3A_184, %dma_wait3A_185] : memref<51200x16xf32, #tpu.memory_space<vmem_shared>> -> memref<1024x16xf32, #tpu.memory_space<vmem_shared>>
    %dma_wait3A_187 = arith.constant 0 : i32
    %dma_wait3A_188 = arith.constant 0 : i32
    %dma_wait3A_189 = tpu.memref_slice %arg12[%dma_wait3A_187, %dma_wait3A_188] : memref<51200x16xf32, #tpu.memory_space<vmem_shared>> -> memref<1024x16xf32, #tpu.memory_space<vmem_shared>>
    %dma_wait3A_190 = arith.constant 0 : i32
    %dma_wait3A_191 = tpu.memref_slice %arg11[%mul3A_181, %dma_wait3A_190] : memref<3072x16xf32, #tpu.memory_space<vmem>> -> memref<1024x16xf32, #tpu.memory_space<vmem>>
    tpu.wait_dma2 semaphore(%arg15 : memref<!tpu.dma_semaphore, #tpu.memory_space<semaphore_mem>>) src(%dma_wait3A_191 : memref<1024x16xf32, #tpu.memory_space<vmem>>) dst(%dma_wait3A_189 : memref<1024x16xf32, #tpu.memory_space<vmem_shared>>)
    %barrier3A_192 = arith.constant 0 : index
    tpu.barrier barrier_id(%barrier3A_192)
    "tpu.region"() ({
      %run_scoped3A = tpu.sem_alloc : memref<!tpu.dma_semaphore, #tpu.memory_space<semaphore_mem>>
      %dma_start3A_193 = arith.constant 0 : i32
      %dma_start3A_194 = tpu.memref_slice %arg7[%arg0, %mul3A_0, %dma_start3A_193] : memref<2x51200x16xf32, #tpu.memory_space<hbm>> -> memref<1x3200x16xf32, #tpu.memory_space<hbm>>
      %dma_start3A_195 = tpu.memref_squeeze %dma_start3A_194 : memref<1x3200x16xf32, #tpu.memory_space<hbm>> -> memref<3200x16xf32, #tpu.memory_space<hbm>>
      %dma_start3A_196 = arith.constant 0 : i32
      %dma_start3A_197 = tpu.memref_slice %arg12[%mul3A_0, %dma_start3A_196] : memref<51200x16xf32, #tpu.memory_space<vmem_shared>> -> memref<3200x16xf32, #tpu.memory_space<vmem_shared>>
      tpu.enqueue_dma source(%dma_start3A_197 : memref<3200x16xf32, #tpu.memory_space<vmem_shared>>) target(%dma_start3A_195 : memref<3200x16xf32, #tpu.memory_space<hbm>>) target_semaphore(%run_scoped3A : memref<!tpu.dma_semaphore, #tpu.memory_space<semaphore_mem>>)
      %dma_wait3A_198 = arith.constant 0 : i32
      %dma_wait3A_199 = tpu.memref_slice %arg7[%arg0, %mul3A_0, %dma_wait3A_198] : memref<2x51200x16xf32, #tpu.memory_space<hbm>> -> memref<1x3200x16xf32, #tpu.memory_space<hbm>>
      %dma_wait3A_200 = tpu.memref_squeeze %dma_wait3A_199 : memref<1x3200x16xf32, #tpu.memory_space<hbm>> -> memref<3200x16xf32, #tpu.memory_space<hbm>>
      %dma_wait3A_201 = arith.constant 0 : i32
      %dma_wait3A_202 = tpu.memref_slice %arg12[%mul3A_0, %dma_wait3A_201] : memref<51200x16xf32, #tpu.memory_space<vmem_shared>> -> memref<3200x16xf32, #tpu.memory_space<vmem_shared>>
      tpu.wait_dma2 semaphore(%run_scoped3A : memref<!tpu.dma_semaphore, #tpu.memory_space<semaphore_mem>>) src(%dma_wait3A_202 : memref<3200x16xf32, #tpu.memory_space<vmem_shared>>) dst(%dma_wait3A_200 : memref<3200x16xf32, #tpu.memory_space<hbm>>)
      tpu.yield
    }) : () -> ()
    return
  }
}

#map = affine_map<(d0, d1) -> (0, 0, 0, 0)>
#map1 = affine_map<(d0, d1) -> (0, 0)>
#map2 = affine_map<(d0, d1) -> (0, 0, 0)>
module attributes {stable_mosaic.version = 14 : i64} {
  func.func @_deg_body(%arg0: i32, %arg1: i32, %arg2: memref<16x98x2x512xi32, #tpu.memory_space<hbm>>, %arg3: memref<16x100352xf32, #tpu.memory_space<hbm>>, %arg4: memref<3200x16xf32, #tpu.memory_space<hbm>>, %arg5: memref<2x51200x16xf32, #tpu.memory_space<hbm>>, %arg6: memref<4x2x512xi32, #tpu.memory_space<vmem>>, %arg7: memref<4096xf32, #tpu.memory_space<vmem>>, %arg8: memref<2048x16xf32, #tpu.memory_space<vmem>>, %arg9: memref<51200x16xf32, #tpu.memory_space<vmem_shared>>, %arg10: memref<!tpu.dma_semaphore, #tpu.memory_space<semaphore_mem>>, %arg11: memref<!tpu.dma_semaphore, #tpu.memory_space<semaphore_mem>>) attributes {dimension_semantics = [#tpu.dimension_semantics<core_parallel>, #tpu.dimension_semantics<subcore_parallel>], iteration_bounds = array<i64: 2, 16>, scalar_prefetch = 0 : i64, scratch_operands = 6 : i64, tpu.core_type = #tpu.core_type<sc_vector_subcore>, window_params = [{transform_indices = #map}, {transform_indices = #map1}, {transform_indices = #map1}, {transform_indices = #map2}]} {
    %mul3A = arith.constant 3200 : i32
    %mul3A_0 = arith.muli %arg1, %mul3A : i32
    "tpu.region"() ({
      %run_scoped3A = tpu.sem_alloc : memref<!tpu.dma_semaphore, #tpu.memory_space<semaphore_mem>>
      %dma_start3A_94 = arith.constant 0 : i32
      %dma_start3A_95 = tpu.memref_slice %arg9[%mul3A_0, %dma_start3A_94] : memref<51200x16xf32, #tpu.memory_space<vmem_shared>> -> memref<3200x16xf32, #tpu.memory_space<vmem_shared>>
      tpu.enqueue_dma source(%arg4 : memref<3200x16xf32, #tpu.memory_space<hbm>>) target(%dma_start3A_95 : memref<3200x16xf32, #tpu.memory_space<vmem_shared>>) target_semaphore(%run_scoped3A : memref<!tpu.dma_semaphore, #tpu.memory_space<semaphore_mem>>)
      %dma_wait3A_96 = arith.constant 0 : i32
      %dma_wait3A_97 = tpu.memref_slice %arg9[%mul3A_0, %dma_wait3A_96] : memref<51200x16xf32, #tpu.memory_space<vmem_shared>> -> memref<3200x16xf32, #tpu.memory_space<vmem_shared>>
      tpu.wait_dma2 semaphore(%run_scoped3A : memref<!tpu.dma_semaphore, #tpu.memory_space<semaphore_mem>>) src(%arg4 : memref<3200x16xf32, #tpu.memory_space<hbm>>) dst(%dma_wait3A_97 : memref<3200x16xf32, #tpu.memory_space<vmem_shared>>)
      tpu.yield
    }) : () -> ()
    %barrier3A = arith.constant 0 : index
    tpu.barrier barrier_id(%barrier3A)
    %mul3A_1 = arith.constant 49 : i32
    %mul3A_2 = arith.muli %arg0, %mul3A_1 : i32
    %add3A = arith.constant 0 : i32
    %add3A_3 = arith.addi %mul3A_2, %add3A : i32
    %dma_start3A = arith.constant 0 : i32
    %dma_start3A_4 = arith.constant 0 : i32
    %dma_start3A_5 = arith.constant 0 : i32
    %dma_start3A_6 = tpu.memref_slice %arg6[%dma_start3A, %dma_start3A_4, %dma_start3A_5] : memref<4x2x512xi32, #tpu.memory_space<vmem>> -> memref<1x2x512xi32, #tpu.memory_space<vmem>>
    %dma_start3A_7 = tpu.memref_squeeze %dma_start3A_6 : memref<1x2x512xi32, #tpu.memory_space<vmem>> -> memref<2x512xi32, #tpu.memory_space<vmem>>
    %dma_start3A_8 = arith.constant 0 : i32
    %dma_start3A_9 = arith.constant 0 : i32
    %dma_start3A_10 = tpu.memref_slice %arg2[%arg1, %add3A_3, %dma_start3A_8, %dma_start3A_9] : memref<16x98x2x512xi32, #tpu.memory_space<hbm>> -> memref<1x1x2x512xi32, #tpu.memory_space<hbm>>
    %dma_start3A_11 = tpu.memref_squeeze %dma_start3A_10 : memref<1x1x2x512xi32, #tpu.memory_space<hbm>> -> memref<2x512xi32, #tpu.memory_space<hbm>>
    %dma_start3A_12 = arith.constant 0 : i32
    %dma_start3A_13 = arith.constant 0 : i32
    %dma_start3A_14 = tpu.memref_slice %arg6[%dma_start3A, %dma_start3A_12, %dma_start3A_13] : memref<4x2x512xi32, #tpu.memory_space<vmem>> -> memref<1x2x512xi32, #tpu.memory_space<vmem>>
    %dma_start3A_15 = tpu.memref_squeeze %dma_start3A_14 : memref<1x2x512xi32, #tpu.memory_space<vmem>> -> memref<2x512xi32, #tpu.memory_space<vmem>>
    %dma_start3A_16 = arith.constant 0 : i32
    %dma_start3A_17 = arith.constant 0 : i32
    %dma_start3A_18 = tpu.memref_slice %arg2[%arg1, %add3A_3, %dma_start3A_16, %dma_start3A_17] : memref<16x98x2x512xi32, #tpu.memory_space<hbm>> -> memref<1x1x2x512xi32, #tpu.memory_space<hbm>>
    %dma_start3A_19 = tpu.memref_squeeze %dma_start3A_18 : memref<1x1x2x512xi32, #tpu.memory_space<hbm>> -> memref<2x512xi32, #tpu.memory_space<hbm>>
    tpu.enqueue_dma source(%dma_start3A_19 : memref<2x512xi32, #tpu.memory_space<hbm>>) target(%dma_start3A_15 : memref<2x512xi32, #tpu.memory_space<vmem>>) target_semaphore(%arg10 : memref<!tpu.dma_semaphore, #tpu.memory_space<semaphore_mem>>)
    %mul3A_20 = arith.constant 1024 : i32
    %mul3A_21 = arith.muli %add3A_3, %mul3A_20 : i32
    %dma_start3A_22 = arith.constant 0 : i32
    %dma_start3A_23 = tpu.memref_slice %arg7[%dma_start3A_22] : memref<4096xf32, #tpu.memory_space<vmem>> -> memref<1024xf32, #tpu.memory_space<vmem>>
    %dma_start3A_24 = tpu.memref_slice %arg3[%arg1, %mul3A_21] : memref<16x100352xf32, #tpu.memory_space<hbm>> -> memref<1x1024xf32, #tpu.memory_space<hbm>>
    %dma_start3A_25 = tpu.memref_squeeze %dma_start3A_24 : memref<1x1024xf32, #tpu.memory_space<hbm>> -> memref<1024xf32, #tpu.memory_space<hbm>>
    %dma_start3A_26 = arith.constant 0 : i32
    %dma_start3A_27 = tpu.memref_slice %arg7[%dma_start3A_26] : memref<4096xf32, #tpu.memory_space<vmem>> -> memref<1024xf32, #tpu.memory_space<vmem>>
    %dma_start3A_28 = tpu.memref_slice %arg3[%arg1, %mul3A_21] : memref<16x100352xf32, #tpu.memory_space<hbm>> -> memref<1x1024xf32, #tpu.memory_space<hbm>>
    %dma_start3A_29 = tpu.memref_squeeze %dma_start3A_28 : memref<1x1024xf32, #tpu.memory_space<hbm>> -> memref<1024xf32, #tpu.memory_space<hbm>>
    tpu.enqueue_dma source(%dma_start3A_29 : memref<1024xf32, #tpu.memory_space<hbm>>) target(%dma_start3A_27 : memref<1024xf32, #tpu.memory_space<vmem>>) target_semaphore(%arg10 : memref<!tpu.dma_semaphore, #tpu.memory_space<semaphore_mem>>)
    %mul3A_30 = arith.constant 49 : i32
    %mul3A_31 = arith.muli %arg0, %mul3A_30 : i32
    %add3A_32 = arith.constant 1 : i32
    %add3A_33 = arith.addi %mul3A_31, %add3A_32 : i32
    %dma_start3A_34 = arith.constant 1 : i32
    %dma_start3A_35 = arith.constant 0 : i32
    %dma_start3A_36 = arith.constant 0 : i32
    %dma_start3A_37 = tpu.memref_slice %arg6[%dma_start3A_34, %dma_start3A_35, %dma_start3A_36] : memref<4x2x512xi32, #tpu.memory_space<vmem>> -> memref<1x2x512xi32, #tpu.memory_space<vmem>>
    %dma_start3A_38 = tpu.memref_squeeze %dma_start3A_37 : memref<1x2x512xi32, #tpu.memory_space<vmem>> -> memref<2x512xi32, #tpu.memory_space<vmem>>
    %dma_start3A_39 = arith.constant 0 : i32
    %dma_start3A_40 = arith.constant 0 : i32
    %dma_start3A_41 = tpu.memref_slice %arg2[%arg1, %add3A_33, %dma_start3A_39, %dma_start3A_40] : memref<16x98x2x512xi32, #tpu.memory_space<hbm>> -> memref<1x1x2x512xi32, #tpu.memory_space<hbm>>
    %dma_start3A_42 = tpu.memref_squeeze %dma_start3A_41 : memref<1x1x2x512xi32, #tpu.memory_space<hbm>> -> memref<2x512xi32, #tpu.memory_space<hbm>>
    %dma_start3A_43 = arith.constant 0 : i32
    %dma_start3A_44 = arith.constant 0 : i32
    %dma_start3A_45 = tpu.memref_slice %arg6[%dma_start3A_34, %dma_start3A_43, %dma_start3A_44] : memref<4x2x512xi32, #tpu.memory_space<vmem>> -> memref<1x2x512xi32, #tpu.memory_space<vmem>>
    %dma_start3A_46 = tpu.memref_squeeze %dma_start3A_45 : memref<1x2x512xi32, #tpu.memory_space<vmem>> -> memref<2x512xi32, #tpu.memory_space<vmem>>
    %dma_start3A_47 = arith.constant 0 : i32
    %dma_start3A_48 = arith.constant 0 : i32
    %dma_start3A_49 = tpu.memref_slice %arg2[%arg1, %add3A_33, %dma_start3A_47, %dma_start3A_48] : memref<16x98x2x512xi32, #tpu.memory_space<hbm>> -> memref<1x1x2x512xi32, #tpu.memory_space<hbm>>
    %dma_start3A_50 = tpu.memref_squeeze %dma_start3A_49 : memref<1x1x2x512xi32, #tpu.memory_space<hbm>> -> memref<2x512xi32, #tpu.memory_space<hbm>>
    tpu.enqueue_dma source(%dma_start3A_50 : memref<2x512xi32, #tpu.memory_space<hbm>>) target(%dma_start3A_46 : memref<2x512xi32, #tpu.memory_space<vmem>>) target_semaphore(%arg10 : memref<!tpu.dma_semaphore, #tpu.memory_space<semaphore_mem>>)
    %mul3A_51 = arith.constant 1024 : i32
    %mul3A_52 = arith.muli %add3A_33, %mul3A_51 : i32
    %dma_start3A_53 = arith.constant 1024 : i32
    %dma_start3A_54 = tpu.memref_slice %arg7[%dma_start3A_53] : memref<4096xf32, #tpu.memory_space<vmem>> -> memref<1024xf32, #tpu.memory_space<vmem>>
    %dma_start3A_55 = tpu.memref_slice %arg3[%arg1, %mul3A_52] : memref<16x100352xf32, #tpu.memory_space<hbm>> -> memref<1x1024xf32, #tpu.memory_space<hbm>>
    %dma_start3A_56 = tpu.memref_squeeze %dma_start3A_55 : memref<1x1024xf32, #tpu.memory_space<hbm>> -> memref<1024xf32, #tpu.memory_space<hbm>>
    %dma_start3A_57 = arith.constant 1024 : i32
    %dma_start3A_58 = tpu.memref_slice %arg7[%dma_start3A_57] : memref<4096xf32, #tpu.memory_space<vmem>> -> memref<1024xf32, #tpu.memory_space<vmem>>
    %dma_start3A_59 = tpu.memref_slice %arg3[%arg1, %mul3A_52] : memref<16x100352xf32, #tpu.memory_space<hbm>> -> memref<1x1024xf32, #tpu.memory_space<hbm>>
    %dma_start3A_60 = tpu.memref_squeeze %dma_start3A_59 : memref<1x1024xf32, #tpu.memory_space<hbm>> -> memref<1024xf32, #tpu.memory_space<hbm>>
    tpu.enqueue_dma source(%dma_start3A_60 : memref<1024xf32, #tpu.memory_space<hbm>>) target(%dma_start3A_58 : memref<1024xf32, #tpu.memory_space<vmem>>) target_semaphore(%arg10 : memref<!tpu.dma_semaphore, #tpu.memory_space<semaphore_mem>>)
    %scan3A = arith.constant 0 : i32
    %scan3A_61 = arith.constant 49 : i32
    %scan3A_62 = arith.addi %scan3A, %scan3A_61 : i32
    %scan3A_63 = arith.constant 1 : i32
    scf.for %scan3A_94 = %scan3A to %scan3A_62 step %scan3A_63  : i32 {
      %mul3A_95 = arith.constant 1 : i32
      %mul3A_96 = arith.muli %scan3A_94, %mul3A_95 : i32
      %add3A_97 = arith.constant 0 : i32
      %add3A_98 = arith.addi %add3A_97, %mul3A_96 : i32
      %and3A_99 = arith.constant 1 : i32
      %and3A_100 = arith.andi %add3A_98, %and3A_99 : i32
      %and3A_101 = arith.constant 3 : i32
      %and3A_102 = arith.andi %add3A_98, %and3A_101 : i32
      %ge3A = arith.constant 2 : i32
      %ge3A_103 = arith.cmpi sge, %add3A_98, %ge3A : i32
      %convert_element_type3A = arith.extui %ge3A_103 : i1 to i32
      %cond3A = arith.constant 0 : i32
      %cond3A_104 = arith.cmpi ne, %convert_element_type3A, %cond3A : i32
      scf.if %cond3A_104 {
        %and3A_173 = arith.constant 1 : i32
        %and3A_174 = arith.andi %add3A_98, %and3A_173 : i32
        %mul3A_175 = arith.constant 1024 : i32
        %mul3A_176 = arith.muli %and3A_174, %mul3A_175 : i32
        %dma_wait3A_177 = arith.constant 0 : i32
        %dma_wait3A_178 = tpu.memref_slice %arg8[%mul3A_176, %dma_wait3A_177] : memref<2048x16xf32, #tpu.memory_space<vmem>> -> memref<1024x16xf32, #tpu.memory_space<vmem>>
        %dma_wait3A_179 = arith.constant 0 : i32
        %dma_wait3A_180 = arith.constant 0 : i32
        %dma_wait3A_181 = tpu.memref_slice %arg9[%dma_wait3A_179, %dma_wait3A_180] : memref<51200x16xf32, #tpu.memory_space<vmem_shared>> -> memref<1024x16xf32, #tpu.memory_space<vmem_shared>>
        %dma_wait3A_182 = arith.constant 0 : i32
        %dma_wait3A_183 = arith.constant 0 : i32
        %dma_wait3A_184 = tpu.memref_slice %arg9[%dma_wait3A_182, %dma_wait3A_183] : memref<51200x16xf32, #tpu.memory_space<vmem_shared>> -> memref<1024x16xf32, #tpu.memory_space<vmem_shared>>
        %dma_wait3A_185 = arith.constant 0 : i32
        %dma_wait3A_186 = tpu.memref_slice %arg8[%mul3A_176, %dma_wait3A_185] : memref<2048x16xf32, #tpu.memory_space<vmem>> -> memref<1024x16xf32, #tpu.memory_space<vmem>>
        tpu.wait_dma2 semaphore(%arg11 : memref<!tpu.dma_semaphore, #tpu.memory_space<semaphore_mem>>) src(%dma_wait3A_186 : memref<1024x16xf32, #tpu.memory_space<vmem>>) dst(%dma_wait3A_184 : memref<1024x16xf32, #tpu.memory_space<vmem_shared>>)
      } else {
      }
      %dma_wait3A_105 = arith.constant 0 : i32
      %dma_wait3A_106 = arith.constant 0 : i32
      %dma_wait3A_107 = arith.constant 0 : i32
      %dma_wait3A_108 = tpu.memref_slice %arg6[%and3A_102, %dma_wait3A_106, %dma_wait3A_107] : memref<4x2x512xi32, #tpu.memory_space<vmem>> -> memref<1x2x512xi32, #tpu.memory_space<vmem>>
      %dma_wait3A_109 = tpu.memref_squeeze %dma_wait3A_108 : memref<1x2x512xi32, #tpu.memory_space<vmem>> -> memref<2x512xi32, #tpu.memory_space<vmem>>
      %dma_wait3A_110 = arith.constant 0 : i32
      %dma_wait3A_111 = arith.constant 0 : i32
      %dma_wait3A_112 = tpu.memref_slice %arg2[%arg1, %dma_wait3A_105, %dma_wait3A_110, %dma_wait3A_111] : memref<16x98x2x512xi32, #tpu.memory_space<hbm>> -> memref<1x1x2x512xi32, #tpu.memory_space<hbm>>
      %dma_wait3A_113 = tpu.memref_squeeze %dma_wait3A_112 : memref<1x1x2x512xi32, #tpu.memory_space<hbm>> -> memref<2x512xi32, #tpu.memory_space<hbm>>
      %dma_wait3A_114 = arith.constant 0 : i32
      %dma_wait3A_115 = arith.constant 0 : i32
      %dma_wait3A_116 = tpu.memref_slice %arg6[%and3A_102, %dma_wait3A_114, %dma_wait3A_115] : memref<4x2x512xi32, #tpu.memory_space<vmem>> -> memref<1x2x512xi32, #tpu.memory_space<vmem>>
      %dma_wait3A_117 = tpu.memref_squeeze %dma_wait3A_116 : memref<1x2x512xi32, #tpu.memory_space<vmem>> -> memref<2x512xi32, #tpu.memory_space<vmem>>
      %dma_wait3A_118 = arith.constant 0 : i32
      %dma_wait3A_119 = arith.constant 0 : i32
      %dma_wait3A_120 = tpu.memref_slice %arg2[%arg1, %dma_wait3A_105, %dma_wait3A_118, %dma_wait3A_119] : memref<16x98x2x512xi32, #tpu.memory_space<hbm>> -> memref<1x1x2x512xi32, #tpu.memory_space<hbm>>
      %dma_wait3A_121 = tpu.memref_squeeze %dma_wait3A_120 : memref<1x1x2x512xi32, #tpu.memory_space<hbm>> -> memref<2x512xi32, #tpu.memory_space<hbm>>
      tpu.wait_dma2 semaphore(%arg10 : memref<!tpu.dma_semaphore, #tpu.memory_space<semaphore_mem>>) src(%dma_wait3A_121 : memref<2x512xi32, #tpu.memory_space<hbm>>) dst(%dma_wait3A_117 : memref<2x512xi32, #tpu.memory_space<vmem>>)
      %mul3A_122 = arith.constant 1024 : i32
      %mul3A_123 = arith.muli %and3A_102, %mul3A_122 : i32
      %dma_wait3A_124 = tpu.memref_slice %arg7[%mul3A_123] : memref<4096xf32, #tpu.memory_space<vmem>> -> memref<1024xf32, #tpu.memory_space<vmem>>
      %dma_wait3A_125 = arith.constant 0 : i32
      %dma_wait3A_126 = tpu.memref_slice %arg3[%arg1, %dma_wait3A_125] : memref<16x100352xf32, #tpu.memory_space<hbm>> -> memref<1x1024xf32, #tpu.memory_space<hbm>>
      %dma_wait3A_127 = tpu.memref_squeeze %dma_wait3A_126 : memref<1x1024xf32, #tpu.memory_space<hbm>> -> memref<1024xf32, #tpu.memory_space<hbm>>
      %dma_wait3A_128 = tpu.memref_slice %arg7[%mul3A_123] : memref<4096xf32, #tpu.memory_space<vmem>> -> memref<1024xf32, #tpu.memory_space<vmem>>
      %dma_wait3A_129 = arith.constant 0 : i32
      %dma_wait3A_130 = tpu.memref_slice %arg3[%arg1, %dma_wait3A_129] : memref<16x100352xf32, #tpu.memory_space<hbm>> -> memref<1x1024xf32, #tpu.memory_space<hbm>>
      %dma_wait3A_131 = tpu.memref_squeeze %dma_wait3A_130 : memref<1x1024xf32, #tpu.memory_space<hbm>> -> memref<1024xf32, #tpu.memory_space<hbm>>
      tpu.wait_dma2 semaphore(%arg10 : memref<!tpu.dma_semaphore, #tpu.memory_space<semaphore_mem>>) src(%dma_wait3A_131 : memref<1024xf32, #tpu.memory_space<hbm>>) dst(%dma_wait3A_128 : memref<1024xf32, #tpu.memory_space<vmem>>)
      %mul3A_132 = arith.constant 1024 : i32
      %mul3A_133 = arith.muli %and3A_100, %mul3A_132 : i32
      %mul3A_134 = arith.constant 1024 : i32
      %mul3A_135 = arith.muli %and3A_102, %mul3A_134 : i32
      %scan3A_136 = arith.constant 0 : i32
      %scan3A_137 = arith.constant 64 : i32
      %scan3A_138 = arith.addi %scan3A_136, %scan3A_137 : i32
      %scan3A_139 = arith.constant 1 : i32
      scf.for %scan3A_173 = %scan3A_136 to %scan3A_138 step %scan3A_139  : i32 {
        %mul3A_174 = arith.constant 1 : i32
        %mul3A_175 = arith.muli %scan3A_173, %mul3A_174 : i32
        %add3A_176 = arith.constant 0 : i32
        %add3A_177 = arith.addi %add3A_176, %mul3A_175 : i32
        %mul3A_178 = arith.constant 16 : i32
        %mul3A_179 = arith.muli %add3A_177, %mul3A_178 : i32
        %add3A_180 = arith.addi %mul3A_135, %mul3A_179 : i32
        %get3A = arith.index_cast %add3A_180 : i32 to index
        %get3A_181 = tpu.vector_load %arg7[%get3A] {strides = array<i32>} : memref<4096xf32, #tpu.memory_space<vmem>>, vector<16xf32>,
        %get3A_182 = vector.shape_cast %get3A_181 : vector<16xf32> to vector<16xf32>
        %mul3A_183 = arith.constant 16 : i32
        %mul3A_184 = arith.muli %add3A_177, %mul3A_183 : i32
        %add3A_185 = arith.addi %mul3A_133, %mul3A_184 : i32
        %add3A_186 = arith.constant 0 : i32
        %add3A_187 = arith.addi %add3A_185, %add3A_186 : i32
        %broadcast_in_dim3A = arith.constant 0 : i32
        %broadcast_in_dim3A_188 = vector.broadcast %broadcast_in_dim3A : i32 to vector<16xi32>
        %lt3A_189 = arith.constant 0 : i32
        %lt3A_190 = vector.broadcast %lt3A_189 : i32 to vector<16xi32>
        %lt3A_191 = arith.cmpi slt, %broadcast_in_dim3A_188, %lt3A_190 : vector<16xi32>
        %add3A_192 = arith.constant 16 : i32
        %add3A_193 = vector.broadcast %add3A_192 : i32 to vector<16xi32>
        %add3A_194 = arith.addi %broadcast_in_dim3A_188, %add3A_193 : vector<16xi32>
        %select_n3A = arith.select %lt3A_191, %add3A_194, %broadcast_in_dim3A_188 : vector<16xi1>, vector<16xi32>
        %broadcast_in_dim3A_195 = vector.shape_cast %select_n3A : vector<16xi32> to vector<16x1xi32>
        %gather3A = vector.shape_cast %broadcast_in_dim3A_195 : vector<16x1xi32> to vector<16xi32>
        %gather3A_196 = tpu.dynamic_gather %get3A_182[%gather3A] in [0] : vector<16xf32>, vector<16xi32> -> vector<16xf32>
        %get3A_197 = arith.index_cast %add3A_187 : i32 to index
        %get3A_198 = arith.constant 0 : index
        %get3A_199 = tpu.vector_load %arg8[%get3A_197, %get3A_198] {strides = array<i32>} : memref<2048x16xf32, #tpu.memory_space<vmem>>, vector<1x16xf32>,
        %get3A_200 = vector.shape_cast %get3A_199 : vector<1x16xf32> to vector<16xf32>
        %mul3A_201 = arith.constant 0.000000e+00 : f32
        %mul3A_202 = vector.broadcast %mul3A_201 : f32 to vector<16xf32>
        %mul3A_203 = arith.mulf %get3A_200, %mul3A_202 : vector<16xf32>
        %add3A_204 = arith.addf %mul3A_203, %gather3A_196 : vector<16xf32>
        %swap3A = arith.index_cast %add3A_187 : i32 to index
        %swap3A_205 = arith.constant 0 : index
        %swap3A_206 = tpu.vector_load %arg8[%swap3A, %swap3A_205] {strides = array<i32>} : memref<2048x16xf32, #tpu.memory_space<vmem>>, vector<1x16xf32>,
        %swap3A_207 = vector.shape_cast %swap3A_206 : vector<1x16xf32> to vector<16xf32>
        %swap3A_208 = vector.shape_cast %add3A_204 : vector<16xf32> to vector<1x16xf32>
        tpu.vector_store %arg8[%swap3A, %swap3A_205], %swap3A_208 {strides = array<i32>} : memref<2048x16xf32, #tpu.memory_space<vmem>>, vector<1x16xf32>,
        %mul3A_209 = arith.constant 16 : i32
        %mul3A_210 = arith.muli %add3A_177, %mul3A_209 : i32
        %add3A_211 = arith.addi %mul3A_133, %mul3A_210 : i32
        %add3A_212 = arith.constant 1 : i32
        %add3A_213 = arith.addi %add3A_211, %add3A_212 : i32
        %broadcast_in_dim3A_214 = arith.constant 1 : i32
        %broadcast_in_dim3A_215 = vector.broadcast %broadcast_in_dim3A_214 : i32 to vector<16xi32>
        %lt3A_216 = arith.constant 0 : i32
        %lt3A_217 = vector.broadcast %lt3A_216 : i32 to vector<16xi32>
        %lt3A_218 = arith.cmpi slt, %broadcast_in_dim3A_215, %lt3A_217 : vector<16xi32>
        %add3A_219 = arith.constant 16 : i32
        %add3A_220 = vector.broadcast %add3A_219 : i32 to vector<16xi32>
        %add3A_221 = arith.addi %broadcast_in_dim3A_215, %add3A_220 : vector<16xi32>
        %select_n3A_222 = arith.select %lt3A_218, %add3A_221, %broadcast_in_dim3A_215 : vector<16xi1>, vector<16xi32>
        %broadcast_in_dim3A_223 = vector.shape_cast %select_n3A_222 : vector<16xi32> to vector<16x1xi32>
        %gather3A_224 = vector.shape_cast %broadcast_in_dim3A_223 : vector<16x1xi32> to vector<16xi32>
        %gather3A_225 = tpu.dynamic_gather %get3A_182[%gather3A_224] in [0] : vector<16xf32>, vector<16xi32> -> vector<16xf32>
        %get3A_226 = arith.index_cast %add3A_213 : i32 to index
        %get3A_227 = arith.constant 0 : index
        %get3A_228 = tpu.vector_load %arg8[%get3A_226, %get3A_227] {strides = array<i32>} : memref<2048x16xf32, #tpu.memory_space<vmem>>, vector<1x16xf32>,
        %get3A_229 = vector.shape_cast %get3A_228 : vector<1x16xf32> to vector<16xf32>
        %mul3A_230 = arith.constant 0.000000e+00 : f32
        %mul3A_231 = vector.broadcast %mul3A_230 : f32 to vector<16xf32>
        %mul3A_232 = arith.mulf %get3A_229, %mul3A_231 : vector<16xf32>
        %add3A_233 = arith.addf %mul3A_232, %gather3A_225 : vector<16xf32>
        %swap3A_234 = arith.index_cast %add3A_213 : i32 to index
        %swap3A_235 = arith.constant 0 : index
        %swap3A_236 = tpu.vector_load %arg8[%swap3A_234, %swap3A_235] {strides = array<i32>} : memref<2048x16xf32, #tpu.memory_space<vmem>>, vector<1x16xf32>,
        %swap3A_237 = vector.shape_cast %swap3A_236 : vector<1x16xf32> to vector<16xf32>
        %swap3A_238 = vector.shape_cast %add3A_233 : vector<16xf32> to vector<1x16xf32>
        tpu.vector_store %arg8[%swap3A_234, %swap3A_235], %swap3A_238 {strides = array<i32>} : memref<2048x16xf32, #tpu.memory_space<vmem>>, vector<1x16xf32>,
        %mul3A_239 = arith.constant 16 : i32
        %mul3A_240 = arith.muli %add3A_177, %mul3A_239 : i32
        %add3A_241 = arith.addi %mul3A_133, %mul3A_240 : i32
        %add3A_242 = arith.constant 2 : i32
        %add3A_243 = arith.addi %add3A_241, %add3A_242 : i32
        %broadcast_in_dim3A_244 = arith.constant 2 : i32
        %broadcast_in_dim3A_245 = vector.broadcast %broadcast_in_dim3A_244 : i32 to vector<16xi32>
        %lt3A_246 = arith.constant 0 : i32
        %lt3A_247 = vector.broadcast %lt3A_246 : i32 to vector<16xi32>
        %lt3A_248 = arith.cmpi slt, %broadcast_in_dim3A_245, %lt3A_247 : vector<16xi32>
        %add3A_249 = arith.constant 16 : i32
        %add3A_250 = vector.broadcast %add3A_249 : i32 to vector<16xi32>
        %add3A_251 = arith.addi %broadcast_in_dim3A_245, %add3A_250 : vector<16xi32>
        %select_n3A_252 = arith.select %lt3A_248, %add3A_251, %broadcast_in_dim3A_245 : vector<16xi1>, vector<16xi32>
        %broadcast_in_dim3A_253 = vector.shape_cast %select_n3A_252 : vector<16xi32> to vector<16x1xi32>
        %gather3A_254 = vector.shape_cast %broadcast_in_dim3A_253 : vector<16x1xi32> to vector<16xi32>
        %gather3A_255 = tpu.dynamic_gather %get3A_182[%gather3A_254] in [0] : vector<16xf32>, vector<16xi32> -> vector<16xf32>
        %get3A_256 = arith.index_cast %add3A_243 : i32 to index
        %get3A_257 = arith.constant 0 : index
        %get3A_258 = tpu.vector_load %arg8[%get3A_256, %get3A_257] {strides = array<i32>} : memref<2048x16xf32, #tpu.memory_space<vmem>>, vector<1x16xf32>,
        %get3A_259 = vector.shape_cast %get3A_258 : vector<1x16xf32> to vector<16xf32>
        %mul3A_260 = arith.constant 0.000000e+00 : f32
        %mul3A_261 = vector.broadcast %mul3A_260 : f32 to vector<16xf32>
        %mul3A_262 = arith.mulf %get3A_259, %mul3A_261 : vector<16xf32>
        %add3A_263 = arith.addf %mul3A_262, %gather3A_255 : vector<16xf32>
        %swap3A_264 = arith.index_cast %add3A_243 : i32 to index
        %swap3A_265 = arith.constant 0 : index
        %swap3A_266 = tpu.vector_load %arg8[%swap3A_264, %swap3A_265] {strides = array<i32>} : memref<2048x16xf32, #tpu.memory_space<vmem>>, vector<1x16xf32>,
        %swap3A_267 = vector.shape_cast %swap3A_266 : vector<1x16xf32> to vector<16xf32>
        %swap3A_268 = vector.shape_cast %add3A_263 : vector<16xf32> to vector<1x16xf32>
        tpu.vector_store %arg8[%swap3A_264, %swap3A_265], %swap3A_268 {strides = array<i32>} : memref<2048x16xf32, #tpu.memory_space<vmem>>, vector<1x16xf32>,
        %mul3A_269 = arith.constant 16 : i32
        %mul3A_270 = arith.muli %add3A_177, %mul3A_269 : i32
        %add3A_271 = arith.addi %mul3A_133, %mul3A_270 : i32
        %add3A_272 = arith.constant 3 : i32
        %add3A_273 = arith.addi %add3A_271, %add3A_272 : i32
        %broadcast_in_dim3A_274 = arith.constant 3 : i32
        %broadcast_in_dim3A_275 = vector.broadcast %broadcast_in_dim3A_274 : i32 to vector<16xi32>
        %lt3A_276 = arith.constant 0 : i32
        %lt3A_277 = vector.broadcast %lt3A_276 : i32 to vector<16xi32>
        %lt3A_278 = arith.cmpi slt, %broadcast_in_dim3A_275, %lt3A_277 : vector<16xi32>
        %add3A_279 = arith.constant 16 : i32
        %add3A_280 = vector.broadcast %add3A_279 : i32 to vector<16xi32>
        %add3A_281 = arith.addi %broadcast_in_dim3A_275, %add3A_280 : vector<16xi32>
        %select_n3A_282 = arith.select %lt3A_278, %add3A_281, %broadcast_in_dim3A_275 : vector<16xi1>, vector<16xi32>
        %broadcast_in_dim3A_283 = vector.shape_cast %select_n3A_282 : vector<16xi32> to vector<16x1xi32>
        %gather3A_284 = vector.shape_cast %broadcast_in_dim3A_283 : vector<16x1xi32> to vector<16xi32>
        %gather3A_285 = tpu.dynamic_gather %get3A_182[%gather3A_284] in [0] : vector<16xf32>, vector<16xi32> -> vector<16xf32>
        %get3A_286 = arith.index_cast %add3A_273 : i32 to index
        %get3A_287 = arith.constant 0 : index
        %get3A_288 = tpu.vector_load %arg8[%get3A_286, %get3A_287] {strides = array<i32>} : memref<2048x16xf32, #tpu.memory_space<vmem>>, vector<1x16xf32>,
        %get3A_289 = vector.shape_cast %get3A_288 : vector<1x16xf32> to vector<16xf32>
        %mul3A_290 = arith.constant 0.000000e+00 : f32
        %mul3A_291 = vector.broadcast %mul3A_290 : f32 to vector<16xf32>
        %mul3A_292 = arith.mulf %get3A_289, %mul3A_291 : vector<16xf32>
        %add3A_293 = arith.addf %mul3A_292, %gather3A_285 : vector<16xf32>
        %swap3A_294 = arith.index_cast %add3A_273 : i32 to index
        %swap3A_295 = arith.constant 0 : index
        %swap3A_296 = tpu.vector_load %arg8[%swap3A_294, %swap3A_295] {strides = array<i32>} : memref<2048x16xf32, #tpu.memory_space<vmem>>, vector<1x16xf32>,
        %swap3A_297 = vector.shape_cast %swap3A_296 : vector<1x16xf32> to vector<16xf32>
        %swap3A_298 = vector.shape_cast %add3A_293 : vector<16xf32> to vector<1x16xf32>
        tpu.vector_store %arg8[%swap3A_294, %swap3A_295], %swap3A_298 {strides = array<i32>} : memref<2048x16xf32, #tpu.memory_space<vmem>>, vector<1x16xf32>,
        %mul3A_299 = arith.constant 16 : i32
        %mul3A_300 = arith.muli %add3A_177, %mul3A_299 : i32
        %add3A_301 = arith.addi %mul3A_133, %mul3A_300 : i32
        %add3A_302 = arith.constant 4 : i32
        %add3A_303 = arith.addi %add3A_301, %add3A_302 : i32
        %broadcast_in_dim3A_304 = arith.constant 4 : i32
        %broadcast_in_dim3A_305 = vector.broadcast %broadcast_in_dim3A_304 : i32 to vector<16xi32>
        %lt3A_306 = arith.constant 0 : i32
        %lt3A_307 = vector.broadcast %lt3A_306 : i32 to vector<16xi32>
        %lt3A_308 = arith.cmpi slt, %broadcast_in_dim3A_305, %lt3A_307 : vector<16xi32>
        %add3A_309 = arith.constant 16 : i32
        %add3A_310 = vector.broadcast %add3A_309 : i32 to vector<16xi32>
        %add3A_311 = arith.addi %broadcast_in_dim3A_305, %add3A_310 : vector<16xi32>
        %select_n3A_312 = arith.select %lt3A_308, %add3A_311, %broadcast_in_dim3A_305 : vector<16xi1>, vector<16xi32>
        %broadcast_in_dim3A_313 = vector.shape_cast %select_n3A_312 : vector<16xi32> to vector<16x1xi32>
        %gather3A_314 = vector.shape_cast %broadcast_in_dim3A_313 : vector<16x1xi32> to vector<16xi32>
        %gather3A_315 = tpu.dynamic_gather %get3A_182[%gather3A_314] in [0] : vector<16xf32>, vector<16xi32> -> vector<16xf32>
        %get3A_316 = arith.index_cast %add3A_303 : i32 to index
        %get3A_317 = arith.constant 0 : index
        %get3A_318 = tpu.vector_load %arg8[%get3A_316, %get3A_317] {strides = array<i32>} : memref<2048x16xf32, #tpu.memory_space<vmem>>, vector<1x16xf32>,
        %get3A_319 = vector.shape_cast %get3A_318 : vector<1x16xf32> to vector<16xf32>
        %mul3A_320 = arith.constant 0.000000e+00 : f32
        %mul3A_321 = vector.broadcast %mul3A_320 : f32 to vector<16xf32>
        %mul3A_322 = arith.mulf %get3A_319, %mul3A_321 : vector<16xf32>
        %add3A_323 = arith.addf %mul3A_322, %gather3A_315 : vector<16xf32>
        %swap3A_324 = arith.index_cast %add3A_303 : i32 to index
        %swap3A_325 = arith.constant 0 : index
        %swap3A_326 = tpu.vector_load %arg8[%swap3A_324, %swap3A_325] {strides = array<i32>} : memref<2048x16xf32, #tpu.memory_space<vmem>>, vector<1x16xf32>,
        %swap3A_327 = vector.shape_cast %swap3A_326 : vector<1x16xf32> to vector<16xf32>
        %swap3A_328 = vector.shape_cast %add3A_323 : vector<16xf32> to vector<1x16xf32>
        tpu.vector_store %arg8[%swap3A_324, %swap3A_325], %swap3A_328 {strides = array<i32>} : memref<2048x16xf32, #tpu.memory_space<vmem>>, vector<1x16xf32>,
        %mul3A_329 = arith.constant 16 : i32
        %mul3A_330 = arith.muli %add3A_177, %mul3A_329 : i32
        %add3A_331 = arith.addi %mul3A_133, %mul3A_330 : i32
        %add3A_332 = arith.constant 5 : i32
        %add3A_333 = arith.addi %add3A_331, %add3A_332 : i32
        %broadcast_in_dim3A_334 = arith.constant 5 : i32
        %broadcast_in_dim3A_335 = vector.broadcast %broadcast_in_dim3A_334 : i32 to vector<16xi32>
        %lt3A_336 = arith.constant 0 : i32
        %lt3A_337 = vector.broadcast %lt3A_336 : i32 to vector<16xi32>
        %lt3A_338 = arith.cmpi slt, %broadcast_in_dim3A_335, %lt3A_337 : vector<16xi32>
        %add3A_339 = arith.constant 16 : i32
        %add3A_340 = vector.broadcast %add3A_339 : i32 to vector<16xi32>
        %add3A_341 = arith.addi %broadcast_in_dim3A_335, %add3A_340 : vector<16xi32>
        %select_n3A_342 = arith.select %lt3A_338, %add3A_341, %broadcast_in_dim3A_335 : vector<16xi1>, vector<16xi32>
        %broadcast_in_dim3A_343 = vector.shape_cast %select_n3A_342 : vector<16xi32> to vector<16x1xi32>
        %gather3A_344 = vector.shape_cast %broadcast_in_dim3A_343 : vector<16x1xi32> to vector<16xi32>
        %gather3A_345 = tpu.dynamic_gather %get3A_182[%gather3A_344] in [0] : vector<16xf32>, vector<16xi32> -> vector<16xf32>
        %get3A_346 = arith.index_cast %add3A_333 : i32 to index
        %get3A_347 = arith.constant 0 : index
        %get3A_348 = tpu.vector_load %arg8[%get3A_346, %get3A_347] {strides = array<i32>} : memref<2048x16xf32, #tpu.memory_space<vmem>>, vector<1x16xf32>,
        %get3A_349 = vector.shape_cast %get3A_348 : vector<1x16xf32> to vector<16xf32>
        %mul3A_350 = arith.constant 0.000000e+00 : f32
        %mul3A_351 = vector.broadcast %mul3A_350 : f32 to vector<16xf32>
        %mul3A_352 = arith.mulf %get3A_349, %mul3A_351 : vector<16xf32>
        %add3A_353 = arith.addf %mul3A_352, %gather3A_345 : vector<16xf32>
        %swap3A_354 = arith.index_cast %add3A_333 : i32 to index
        %swap3A_355 = arith.constant 0 : index
        %swap3A_356 = tpu.vector_load %arg8[%swap3A_354, %swap3A_355] {strides = array<i32>} : memref<2048x16xf32, #tpu.memory_space<vmem>>, vector<1x16xf32>,
        %swap3A_357 = vector.shape_cast %swap3A_356 : vector<1x16xf32> to vector<16xf32>
        %swap3A_358 = vector.shape_cast %add3A_353 : vector<16xf32> to vector<1x16xf32>
        tpu.vector_store %arg8[%swap3A_354, %swap3A_355], %swap3A_358 {strides = array<i32>} : memref<2048x16xf32, #tpu.memory_space<vmem>>, vector<1x16xf32>,
        %mul3A_359 = arith.constant 16 : i32
        %mul3A_360 = arith.muli %add3A_177, %mul3A_359 : i32
        %add3A_361 = arith.addi %mul3A_133, %mul3A_360 : i32
        %add3A_362 = arith.constant 6 : i32
        %add3A_363 = arith.addi %add3A_361, %add3A_362 : i32
        %broadcast_in_dim3A_364 = arith.constant 6 : i32
        %broadcast_in_dim3A_365 = vector.broadcast %broadcast_in_dim3A_364 : i32 to vector<16xi32>
        %lt3A_366 = arith.constant 0 : i32
        %lt3A_367 = vector.broadcast %lt3A_366 : i32 to vector<16xi32>
        %lt3A_368 = arith.cmpi slt, %broadcast_in_dim3A_365, %lt3A_367 : vector<16xi32>
        %add3A_369 = arith.constant 16 : i32
        %add3A_370 = vector.broadcast %add3A_369 : i32 to vector<16xi32>
        %add3A_371 = arith.addi %broadcast_in_dim3A_365, %add3A_370 : vector<16xi32>
        %select_n3A_372 = arith.select %lt3A_368, %add3A_371, %broadcast_in_dim3A_365 : vector<16xi1>, vector<16xi32>
        %broadcast_in_dim3A_373 = vector.shape_cast %select_n3A_372 : vector<16xi32> to vector<16x1xi32>
        %gather3A_374 = vector.shape_cast %broadcast_in_dim3A_373 : vector<16x1xi32> to vector<16xi32>
        %gather3A_375 = tpu.dynamic_gather %get3A_182[%gather3A_374] in [0] : vector<16xf32>, vector<16xi32> -> vector<16xf32>
        %get3A_376 = arith.index_cast %add3A_363 : i32 to index
        %get3A_377 = arith.constant 0 : index
        %get3A_378 = tpu.vector_load %arg8[%get3A_376, %get3A_377] {strides = array<i32>} : memref<2048x16xf32, #tpu.memory_space<vmem>>, vector<1x16xf32>,
        %get3A_379 = vector.shape_cast %get3A_378 : vector<1x16xf32> to vector<16xf32>
        %mul3A_380 = arith.constant 0.000000e+00 : f32
        %mul3A_381 = vector.broadcast %mul3A_380 : f32 to vector<16xf32>
        %mul3A_382 = arith.mulf %get3A_379, %mul3A_381 : vector<16xf32>
        %add3A_383 = arith.addf %mul3A_382, %gather3A_375 : vector<16xf32>
        %swap3A_384 = arith.index_cast %add3A_363 : i32 to index
        %swap3A_385 = arith.constant 0 : index
        %swap3A_386 = tpu.vector_load %arg8[%swap3A_384, %swap3A_385] {strides = array<i32>} : memref<2048x16xf32, #tpu.memory_space<vmem>>, vector<1x16xf32>,
        %swap3A_387 = vector.shape_cast %swap3A_386 : vector<1x16xf32> to vector<16xf32>
        %swap3A_388 = vector.shape_cast %add3A_383 : vector<16xf32> to vector<1x16xf32>
        tpu.vector_store %arg8[%swap3A_384, %swap3A_385], %swap3A_388 {strides = array<i32>} : memref<2048x16xf32, #tpu.memory_space<vmem>>, vector<1x16xf32>,
        %mul3A_389 = arith.constant 16 : i32
        %mul3A_390 = arith.muli %add3A_177, %mul3A_389 : i32
        %add3A_391 = arith.addi %mul3A_133, %mul3A_390 : i32
        %add3A_392 = arith.constant 7 : i32
        %add3A_393 = arith.addi %add3A_391, %add3A_392 : i32
        %broadcast_in_dim3A_394 = arith.constant 7 : i32
        %broadcast_in_dim3A_395 = vector.broadcast %broadcast_in_dim3A_394 : i32 to vector<16xi32>
        %lt3A_396 = arith.constant 0 : i32
        %lt3A_397 = vector.broadcast %lt3A_396 : i32 to vector<16xi32>
        %lt3A_398 = arith.cmpi slt, %broadcast_in_dim3A_395, %lt3A_397 : vector<16xi32>
        %add3A_399 = arith.constant 16 : i32
        %add3A_400 = vector.broadcast %add3A_399 : i32 to vector<16xi32>
        %add3A_401 = arith.addi %broadcast_in_dim3A_395, %add3A_400 : vector<16xi32>
        %select_n3A_402 = arith.select %lt3A_398, %add3A_401, %broadcast_in_dim3A_395 : vector<16xi1>, vector<16xi32>
        %broadcast_in_dim3A_403 = vector.shape_cast %select_n3A_402 : vector<16xi32> to vector<16x1xi32>
        %gather3A_404 = vector.shape_cast %broadcast_in_dim3A_403 : vector<16x1xi32> to vector<16xi32>
        %gather3A_405 = tpu.dynamic_gather %get3A_182[%gather3A_404] in [0] : vector<16xf32>, vector<16xi32> -> vector<16xf32>
        %get3A_406 = arith.index_cast %add3A_393 : i32 to index
        %get3A_407 = arith.constant 0 : index
        %get3A_408 = tpu.vector_load %arg8[%get3A_406, %get3A_407] {strides = array<i32>} : memref<2048x16xf32, #tpu.memory_space<vmem>>, vector<1x16xf32>,
        %get3A_409 = vector.shape_cast %get3A_408 : vector<1x16xf32> to vector<16xf32>
        %mul3A_410 = arith.constant 0.000000e+00 : f32
        %mul3A_411 = vector.broadcast %mul3A_410 : f32 to vector<16xf32>
        %mul3A_412 = arith.mulf %get3A_409, %mul3A_411 : vector<16xf32>
        %add3A_413 = arith.addf %mul3A_412, %gather3A_405 : vector<16xf32>
        %swap3A_414 = arith.index_cast %add3A_393 : i32 to index
        %swap3A_415 = arith.constant 0 : index
        %swap3A_416 = tpu.vector_load %arg8[%swap3A_414, %swap3A_415] {strides = array<i32>} : memref<2048x16xf32, #tpu.memory_space<vmem>>, vector<1x16xf32>,
        %swap3A_417 = vector.shape_cast %swap3A_416 : vector<1x16xf32> to vector<16xf32>
        %swap3A_418 = vector.shape_cast %add3A_413 : vector<16xf32> to vector<1x16xf32>
        tpu.vector_store %arg8[%swap3A_414, %swap3A_415], %swap3A_418 {strides = array<i32>} : memref<2048x16xf32, #tpu.memory_space<vmem>>, vector<1x16xf32>,
        %mul3A_419 = arith.constant 16 : i32
        %mul3A_420 = arith.muli %add3A_177, %mul3A_419 : i32
        %add3A_421 = arith.addi %mul3A_133, %mul3A_420 : i32
        %add3A_422 = arith.constant 8 : i32
        %add3A_423 = arith.addi %add3A_421, %add3A_422 : i32
        %broadcast_in_dim3A_424 = arith.constant 8 : i32
        %broadcast_in_dim3A_425 = vector.broadcast %broadcast_in_dim3A_424 : i32 to vector<16xi32>
        %lt3A_426 = arith.constant 0 : i32
        %lt3A_427 = vector.broadcast %lt3A_426 : i32 to vector<16xi32>
        %lt3A_428 = arith.cmpi slt, %broadcast_in_dim3A_425, %lt3A_427 : vector<16xi32>
        %add3A_429 = arith.constant 16 : i32
        %add3A_430 = vector.broadcast %add3A_429 : i32 to vector<16xi32>
        %add3A_431 = arith.addi %broadcast_in_dim3A_425, %add3A_430 : vector<16xi32>
        %select_n3A_432 = arith.select %lt3A_428, %add3A_431, %broadcast_in_dim3A_425 : vector<16xi1>, vector<16xi32>
        %broadcast_in_dim3A_433 = vector.shape_cast %select_n3A_432 : vector<16xi32> to vector<16x1xi32>
        %gather3A_434 = vector.shape_cast %broadcast_in_dim3A_433 : vector<16x1xi32> to vector<16xi32>
        %gather3A_435 = tpu.dynamic_gather %get3A_182[%gather3A_434] in [0] : vector<16xf32>, vector<16xi32> -> vector<16xf32>
        %get3A_436 = arith.index_cast %add3A_423 : i32 to index
        %get3A_437 = arith.constant 0 : index
        %get3A_438 = tpu.vector_load %arg8[%get3A_436, %get3A_437] {strides = array<i32>} : memref<2048x16xf32, #tpu.memory_space<vmem>>, vector<1x16xf32>,
        %get3A_439 = vector.shape_cast %get3A_438 : vector<1x16xf32> to vector<16xf32>
        %mul3A_440 = arith.constant 0.000000e+00 : f32
        %mul3A_441 = vector.broadcast %mul3A_440 : f32 to vector<16xf32>
        %mul3A_442 = arith.mulf %get3A_439, %mul3A_441 : vector<16xf32>
        %add3A_443 = arith.addf %mul3A_442, %gather3A_435 : vector<16xf32>
        %swap3A_444 = arith.index_cast %add3A_423 : i32 to index
        %swap3A_445 = arith.constant 0 : index
        %swap3A_446 = tpu.vector_load %arg8[%swap3A_444, %swap3A_445] {strides = array<i32>} : memref<2048x16xf32, #tpu.memory_space<vmem>>, vector<1x16xf32>,
        %swap3A_447 = vector.shape_cast %swap3A_446 : vector<1x16xf32> to vector<16xf32>
        %swap3A_448 = vector.shape_cast %add3A_443 : vector<16xf32> to vector<1x16xf32>
        tpu.vector_store %arg8[%swap3A_444, %swap3A_445], %swap3A_448 {strides = array<i32>} : memref<2048x16xf32, #tpu.memory_space<vmem>>, vector<1x16xf32>,
        %mul3A_449 = arith.constant 16 : i32
        %mul3A_450 = arith.muli %add3A_177, %mul3A_449 : i32
        %add3A_451 = arith.addi %mul3A_133, %mul3A_450 : i32
        %add3A_452 = arith.constant 9 : i32
        %add3A_453 = arith.addi %add3A_451, %add3A_452 : i32
        %broadcast_in_dim3A_454 = arith.constant 9 : i32
        %broadcast_in_dim3A_455 = vector.broadcast %broadcast_in_dim3A_454 : i32 to vector<16xi32>
        %lt3A_456 = arith.constant 0 : i32
        %lt3A_457 = vector.broadcast %lt3A_456 : i32 to vector<16xi32>
        %lt3A_458 = arith.cmpi slt, %broadcast_in_dim3A_455, %lt3A_457 : vector<16xi32>
        %add3A_459 = arith.constant 16 : i32
        %add3A_460 = vector.broadcast %add3A_459 : i32 to vector<16xi32>
        %add3A_461 = arith.addi %broadcast_in_dim3A_455, %add3A_460 : vector<16xi32>
        %select_n3A_462 = arith.select %lt3A_458, %add3A_461, %broadcast_in_dim3A_455 : vector<16xi1>, vector<16xi32>
        %broadcast_in_dim3A_463 = vector.shape_cast %select_n3A_462 : vector<16xi32> to vector<16x1xi32>
        %gather3A_464 = vector.shape_cast %broadcast_in_dim3A_463 : vector<16x1xi32> to vector<16xi32>
        %gather3A_465 = tpu.dynamic_gather %get3A_182[%gather3A_464] in [0] : vector<16xf32>, vector<16xi32> -> vector<16xf32>
        %get3A_466 = arith.index_cast %add3A_453 : i32 to index
        %get3A_467 = arith.constant 0 : index
        %get3A_468 = tpu.vector_load %arg8[%get3A_466, %get3A_467] {strides = array<i32>} : memref<2048x16xf32, #tpu.memory_space<vmem>>, vector<1x16xf32>,
        %get3A_469 = vector.shape_cast %get3A_468 : vector<1x16xf32> to vector<16xf32>
        %mul3A_470 = arith.constant 0.000000e+00 : f32
        %mul3A_471 = vector.broadcast %mul3A_470 : f32 to vector<16xf32>
        %mul3A_472 = arith.mulf %get3A_469, %mul3A_471 : vector<16xf32>
        %add3A_473 = arith.addf %mul3A_472, %gather3A_465 : vector<16xf32>
        %swap3A_474 = arith.index_cast %add3A_453 : i32 to index
        %swap3A_475 = arith.constant 0 : index
        %swap3A_476 = tpu.vector_load %arg8[%swap3A_474, %swap3A_475] {strides = array<i32>} : memref<2048x16xf32, #tpu.memory_space<vmem>>, vector<1x16xf32>,
        %swap3A_477 = vector.shape_cast %swap3A_476 : vector<1x16xf32> to vector<16xf32>
        %swap3A_478 = vector.shape_cast %add3A_473 : vector<16xf32> to vector<1x16xf32>
        tpu.vector_store %arg8[%swap3A_474, %swap3A_475], %swap3A_478 {strides = array<i32>} : memref<2048x16xf32, #tpu.memory_space<vmem>>, vector<1x16xf32>,
        %mul3A_479 = arith.constant 16 : i32
        %mul3A_480 = arith.muli %add3A_177, %mul3A_479 : i32
        %add3A_481 = arith.addi %mul3A_133, %mul3A_480 : i32
        %add3A_482 = arith.constant 10 : i32
        %add3A_483 = arith.addi %add3A_481, %add3A_482 : i32
        %broadcast_in_dim3A_484 = arith.constant 10 : i32
        %broadcast_in_dim3A_485 = vector.broadcast %broadcast_in_dim3A_484 : i32 to vector<16xi32>
        %lt3A_486 = arith.constant 0 : i32
        %lt3A_487 = vector.broadcast %lt3A_486 : i32 to vector<16xi32>
        %lt3A_488 = arith.cmpi slt, %broadcast_in_dim3A_485, %lt3A_487 : vector<16xi32>
        %add3A_489 = arith.constant 16 : i32
        %add3A_490 = vector.broadcast %add3A_489 : i32 to vector<16xi32>
        %add3A_491 = arith.addi %broadcast_in_dim3A_485, %add3A_490 : vector<16xi32>
        %select_n3A_492 = arith.select %lt3A_488, %add3A_491, %broadcast_in_dim3A_485 : vector<16xi1>, vector<16xi32>
        %broadcast_in_dim3A_493 = vector.shape_cast %select_n3A_492 : vector<16xi32> to vector<16x1xi32>
        %gather3A_494 = vector.shape_cast %broadcast_in_dim3A_493 : vector<16x1xi32> to vector<16xi32>
        %gather3A_495 = tpu.dynamic_gather %get3A_182[%gather3A_494] in [0] : vector<16xf32>, vector<16xi32> -> vector<16xf32>
        %get3A_496 = arith.index_cast %add3A_483 : i32 to index
        %get3A_497 = arith.constant 0 : index
        %get3A_498 = tpu.vector_load %arg8[%get3A_496, %get3A_497] {strides = array<i32>} : memref<2048x16xf32, #tpu.memory_space<vmem>>, vector<1x16xf32>,
        %get3A_499 = vector.shape_cast %get3A_498 : vector<1x16xf32> to vector<16xf32>
        %mul3A_500 = arith.constant 0.000000e+00 : f32
        %mul3A_501 = vector.broadcast %mul3A_500 : f32 to vector<16xf32>
        %mul3A_502 = arith.mulf %get3A_499, %mul3A_501 : vector<16xf32>
        %add3A_503 = arith.addf %mul3A_502, %gather3A_495 : vector<16xf32>
        %swap3A_504 = arith.index_cast %add3A_483 : i32 to index
        %swap3A_505 = arith.constant 0 : index
        %swap3A_506 = tpu.vector_load %arg8[%swap3A_504, %swap3A_505] {strides = array<i32>} : memref<2048x16xf32, #tpu.memory_space<vmem>>, vector<1x16xf32>,
        %swap3A_507 = vector.shape_cast %swap3A_506 : vector<1x16xf32> to vector<16xf32>
        %swap3A_508 = vector.shape_cast %add3A_503 : vector<16xf32> to vector<1x16xf32>
        tpu.vector_store %arg8[%swap3A_504, %swap3A_505], %swap3A_508 {strides = array<i32>} : memref<2048x16xf32, #tpu.memory_space<vmem>>, vector<1x16xf32>,
        %mul3A_509 = arith.constant 16 : i32
        %mul3A_510 = arith.muli %add3A_177, %mul3A_509 : i32
        %add3A_511 = arith.addi %mul3A_133, %mul3A_510 : i32
        %add3A_512 = arith.constant 11 : i32
        %add3A_513 = arith.addi %add3A_511, %add3A_512 : i32
        %broadcast_in_dim3A_514 = arith.constant 11 : i32
        %broadcast_in_dim3A_515 = vector.broadcast %broadcast_in_dim3A_514 : i32 to vector<16xi32>
        %lt3A_516 = arith.constant 0 : i32
        %lt3A_517 = vector.broadcast %lt3A_516 : i32 to vector<16xi32>
        %lt3A_518 = arith.cmpi slt, %broadcast_in_dim3A_515, %lt3A_517 : vector<16xi32>
        %add3A_519 = arith.constant 16 : i32
        %add3A_520 = vector.broadcast %add3A_519 : i32 to vector<16xi32>
        %add3A_521 = arith.addi %broadcast_in_dim3A_515, %add3A_520 : vector<16xi32>
        %select_n3A_522 = arith.select %lt3A_518, %add3A_521, %broadcast_in_dim3A_515 : vector<16xi1>, vector<16xi32>
        %broadcast_in_dim3A_523 = vector.shape_cast %select_n3A_522 : vector<16xi32> to vector<16x1xi32>
        %gather3A_524 = vector.shape_cast %broadcast_in_dim3A_523 : vector<16x1xi32> to vector<16xi32>
        %gather3A_525 = tpu.dynamic_gather %get3A_182[%gather3A_524] in [0] : vector<16xf32>, vector<16xi32> -> vector<16xf32>
        %get3A_526 = arith.index_cast %add3A_513 : i32 to index
        %get3A_527 = arith.constant 0 : index
        %get3A_528 = tpu.vector_load %arg8[%get3A_526, %get3A_527] {strides = array<i32>} : memref<2048x16xf32, #tpu.memory_space<vmem>>, vector<1x16xf32>,
        %get3A_529 = vector.shape_cast %get3A_528 : vector<1x16xf32> to vector<16xf32>
        %mul3A_530 = arith.constant 0.000000e+00 : f32
        %mul3A_531 = vector.broadcast %mul3A_530 : f32 to vector<16xf32>
        %mul3A_532 = arith.mulf %get3A_529, %mul3A_531 : vector<16xf32>
        %add3A_533 = arith.addf %mul3A_532, %gather3A_525 : vector<16xf32>
        %swap3A_534 = arith.index_cast %add3A_513 : i32 to index
        %swap3A_535 = arith.constant 0 : index
        %swap3A_536 = tpu.vector_load %arg8[%swap3A_534, %swap3A_535] {strides = array<i32>} : memref<2048x16xf32, #tpu.memory_space<vmem>>, vector<1x16xf32>,
        %swap3A_537 = vector.shape_cast %swap3A_536 : vector<1x16xf32> to vector<16xf32>
        %swap3A_538 = vector.shape_cast %add3A_533 : vector<16xf32> to vector<1x16xf32>
        tpu.vector_store %arg8[%swap3A_534, %swap3A_535], %swap3A_538 {strides = array<i32>} : memref<2048x16xf32, #tpu.memory_space<vmem>>, vector<1x16xf32>,
        %mul3A_539 = arith.constant 16 : i32
        %mul3A_540 = arith.muli %add3A_177, %mul3A_539 : i32
        %add3A_541 = arith.addi %mul3A_133, %mul3A_540 : i32
        %add3A_542 = arith.constant 12 : i32
        %add3A_543 = arith.addi %add3A_541, %add3A_542 : i32
        %broadcast_in_dim3A_544 = arith.constant 12 : i32
        %broadcast_in_dim3A_545 = vector.broadcast %broadcast_in_dim3A_544 : i32 to vector<16xi32>
        %lt3A_546 = arith.constant 0 : i32
        %lt3A_547 = vector.broadcast %lt3A_546 : i32 to vector<16xi32>
        %lt3A_548 = arith.cmpi slt, %broadcast_in_dim3A_545, %lt3A_547 : vector<16xi32>
        %add3A_549 = arith.constant 16 : i32
        %add3A_550 = vector.broadcast %add3A_549 : i32 to vector<16xi32>
        %add3A_551 = arith.addi %broadcast_in_dim3A_545, %add3A_550 : vector<16xi32>
        %select_n3A_552 = arith.select %lt3A_548, %add3A_551, %broadcast_in_dim3A_545 : vector<16xi1>, vector<16xi32>
        %broadcast_in_dim3A_553 = vector.shape_cast %select_n3A_552 : vector<16xi32> to vector<16x1xi32>
        %gather3A_554 = vector.shape_cast %broadcast_in_dim3A_553 : vector<16x1xi32> to vector<16xi32>
        %gather3A_555 = tpu.dynamic_gather %get3A_182[%gather3A_554] in [0] : vector<16xf32>, vector<16xi32> -> vector<16xf32>
        %get3A_556 = arith.index_cast %add3A_543 : i32 to index
        %get3A_557 = arith.constant 0 : index
        %get3A_558 = tpu.vector_load %arg8[%get3A_556, %get3A_557] {strides = array<i32>} : memref<2048x16xf32, #tpu.memory_space<vmem>>, vector<1x16xf32>,
        %get3A_559 = vector.shape_cast %get3A_558 : vector<1x16xf32> to vector<16xf32>
        %mul3A_560 = arith.constant 0.000000e+00 : f32
        %mul3A_561 = vector.broadcast %mul3A_560 : f32 to vector<16xf32>
        %mul3A_562 = arith.mulf %get3A_559, %mul3A_561 : vector<16xf32>
        %add3A_563 = arith.addf %mul3A_562, %gather3A_555 : vector<16xf32>
        %swap3A_564 = arith.index_cast %add3A_543 : i32 to index
        %swap3A_565 = arith.constant 0 : index
        %swap3A_566 = tpu.vector_load %arg8[%swap3A_564, %swap3A_565] {strides = array<i32>} : memref<2048x16xf32, #tpu.memory_space<vmem>>, vector<1x16xf32>,
        %swap3A_567 = vector.shape_cast %swap3A_566 : vector<1x16xf32> to vector<16xf32>
        %swap3A_568 = vector.shape_cast %add3A_563 : vector<16xf32> to vector<1x16xf32>
        tpu.vector_store %arg8[%swap3A_564, %swap3A_565], %swap3A_568 {strides = array<i32>} : memref<2048x16xf32, #tpu.memory_space<vmem>>, vector<1x16xf32>,
        %mul3A_569 = arith.constant 16 : i32
        %mul3A_570 = arith.muli %add3A_177, %mul3A_569 : i32
        %add3A_571 = arith.addi %mul3A_133, %mul3A_570 : i32
        %add3A_572 = arith.constant 13 : i32
        %add3A_573 = arith.addi %add3A_571, %add3A_572 : i32
        %broadcast_in_dim3A_574 = arith.constant 13 : i32
        %broadcast_in_dim3A_575 = vector.broadcast %broadcast_in_dim3A_574 : i32 to vector<16xi32>
        %lt3A_576 = arith.constant 0 : i32
        %lt3A_577 = vector.broadcast %lt3A_576 : i32 to vector<16xi32>
        %lt3A_578 = arith.cmpi slt, %broadcast_in_dim3A_575, %lt3A_577 : vector<16xi32>
        %add3A_579 = arith.constant 16 : i32
        %add3A_580 = vector.broadcast %add3A_579 : i32 to vector<16xi32>
        %add3A_581 = arith.addi %broadcast_in_dim3A_575, %add3A_580 : vector<16xi32>
        %select_n3A_582 = arith.select %lt3A_578, %add3A_581, %broadcast_in_dim3A_575 : vector<16xi1>, vector<16xi32>
        %broadcast_in_dim3A_583 = vector.shape_cast %select_n3A_582 : vector<16xi32> to vector<16x1xi32>
        %gather3A_584 = vector.shape_cast %broadcast_in_dim3A_583 : vector<16x1xi32> to vector<16xi32>
        %gather3A_585 = tpu.dynamic_gather %get3A_182[%gather3A_584] in [0] : vector<16xf32>, vector<16xi32> -> vector<16xf32>
        %get3A_586 = arith.index_cast %add3A_573 : i32 to index
        %get3A_587 = arith.constant 0 : index
        %get3A_588 = tpu.vector_load %arg8[%get3A_586, %get3A_587] {strides = array<i32>} : memref<2048x16xf32, #tpu.memory_space<vmem>>, vector<1x16xf32>,
        %get3A_589 = vector.shape_cast %get3A_588 : vector<1x16xf32> to vector<16xf32>
        %mul3A_590 = arith.constant 0.000000e+00 : f32
        %mul3A_591 = vector.broadcast %mul3A_590 : f32 to vector<16xf32>
        %mul3A_592 = arith.mulf %get3A_589, %mul3A_591 : vector<16xf32>
        %add3A_593 = arith.addf %mul3A_592, %gather3A_585 : vector<16xf32>
        %swap3A_594 = arith.index_cast %add3A_573 : i32 to index
        %swap3A_595 = arith.constant 0 : index
        %swap3A_596 = tpu.vector_load %arg8[%swap3A_594, %swap3A_595] {strides = array<i32>} : memref<2048x16xf32, #tpu.memory_space<vmem>>, vector<1x16xf32>,
        %swap3A_597 = vector.shape_cast %swap3A_596 : vector<1x16xf32> to vector<16xf32>
        %swap3A_598 = vector.shape_cast %add3A_593 : vector<16xf32> to vector<1x16xf32>
        tpu.vector_store %arg8[%swap3A_594, %swap3A_595], %swap3A_598 {strides = array<i32>} : memref<2048x16xf32, #tpu.memory_space<vmem>>, vector<1x16xf32>,
        %mul3A_599 = arith.constant 16 : i32
        %mul3A_600 = arith.muli %add3A_177, %mul3A_599 : i32
        %add3A_601 = arith.addi %mul3A_133, %mul3A_600 : i32
        %add3A_602 = arith.constant 14 : i32
        %add3A_603 = arith.addi %add3A_601, %add3A_602 : i32
        %broadcast_in_dim3A_604 = arith.constant 14 : i32
        %broadcast_in_dim3A_605 = vector.broadcast %broadcast_in_dim3A_604 : i32 to vector<16xi32>
        %lt3A_606 = arith.constant 0 : i32
        %lt3A_607 = vector.broadcast %lt3A_606 : i32 to vector<16xi32>
        %lt3A_608 = arith.cmpi slt, %broadcast_in_dim3A_605, %lt3A_607 : vector<16xi32>
        %add3A_609 = arith.constant 16 : i32
        %add3A_610 = vector.broadcast %add3A_609 : i32 to vector<16xi32>
        %add3A_611 = arith.addi %broadcast_in_dim3A_605, %add3A_610 : vector<16xi32>
        %select_n3A_612 = arith.select %lt3A_608, %add3A_611, %broadcast_in_dim3A_605 : vector<16xi1>, vector<16xi32>
        %broadcast_in_dim3A_613 = vector.shape_cast %select_n3A_612 : vector<16xi32> to vector<16x1xi32>
        %gather3A_614 = vector.shape_cast %broadcast_in_dim3A_613 : vector<16x1xi32> to vector<16xi32>
        %gather3A_615 = tpu.dynamic_gather %get3A_182[%gather3A_614] in [0] : vector<16xf32>, vector<16xi32> -> vector<16xf32>
        %get3A_616 = arith.index_cast %add3A_603 : i32 to index
        %get3A_617 = arith.constant 0 : index
        %get3A_618 = tpu.vector_load %arg8[%get3A_616, %get3A_617] {strides = array<i32>} : memref<2048x16xf32, #tpu.memory_space<vmem>>, vector<1x16xf32>,
        %get3A_619 = vector.shape_cast %get3A_618 : vector<1x16xf32> to vector<16xf32>
        %mul3A_620 = arith.constant 0.000000e+00 : f32
        %mul3A_621 = vector.broadcast %mul3A_620 : f32 to vector<16xf32>
        %mul3A_622 = arith.mulf %get3A_619, %mul3A_621 : vector<16xf32>
        %add3A_623 = arith.addf %mul3A_622, %gather3A_615 : vector<16xf32>
        %swap3A_624 = arith.index_cast %add3A_603 : i32 to index
        %swap3A_625 = arith.constant 0 : index
        %swap3A_626 = tpu.vector_load %arg8[%swap3A_624, %swap3A_625] {strides = array<i32>} : memref<2048x16xf32, #tpu.memory_space<vmem>>, vector<1x16xf32>,
        %swap3A_627 = vector.shape_cast %swap3A_626 : vector<1x16xf32> to vector<16xf32>
        %swap3A_628 = vector.shape_cast %add3A_623 : vector<16xf32> to vector<1x16xf32>
        tpu.vector_store %arg8[%swap3A_624, %swap3A_625], %swap3A_628 {strides = array<i32>} : memref<2048x16xf32, #tpu.memory_space<vmem>>, vector<1x16xf32>,
        %mul3A_629 = arith.constant 16 : i32
        %mul3A_630 = arith.muli %add3A_177, %mul3A_629 : i32
        %add3A_631 = arith.addi %mul3A_133, %mul3A_630 : i32
        %add3A_632 = arith.constant 15 : i32
        %add3A_633 = arith.addi %add3A_631, %add3A_632 : i32
        %broadcast_in_dim3A_634 = arith.constant 15 : i32
        %broadcast_in_dim3A_635 = vector.broadcast %broadcast_in_dim3A_634 : i32 to vector<16xi32>
        %lt3A_636 = arith.constant 0 : i32
        %lt3A_637 = vector.broadcast %lt3A_636 : i32 to vector<16xi32>
        %lt3A_638 = arith.cmpi slt, %broadcast_in_dim3A_635, %lt3A_637 : vector<16xi32>
        %add3A_639 = arith.constant 16 : i32
        %add3A_640 = vector.broadcast %add3A_639 : i32 to vector<16xi32>
        %add3A_641 = arith.addi %broadcast_in_dim3A_635, %add3A_640 : vector<16xi32>
        %select_n3A_642 = arith.select %lt3A_638, %add3A_641, %broadcast_in_dim3A_635 : vector<16xi1>, vector<16xi32>
        %broadcast_in_dim3A_643 = vector.shape_cast %select_n3A_642 : vector<16xi32> to vector<16x1xi32>
        %gather3A_644 = vector.shape_cast %broadcast_in_dim3A_643 : vector<16x1xi32> to vector<16xi32>
        %gather3A_645 = tpu.dynamic_gather %get3A_182[%gather3A_644] in [0] : vector<16xf32>, vector<16xi32> -> vector<16xf32>
        %get3A_646 = arith.index_cast %add3A_633 : i32 to index
        %get3A_647 = arith.constant 0 : index
        %get3A_648 = tpu.vector_load %arg8[%get3A_646, %get3A_647] {strides = array<i32>} : memref<2048x16xf32, #tpu.memory_space<vmem>>, vector<1x16xf32>,
        %get3A_649 = vector.shape_cast %get3A_648 : vector<1x16xf32> to vector<16xf32>
        %mul3A_650 = arith.constant 0.000000e+00 : f32
        %mul3A_651 = vector.broadcast %mul3A_650 : f32 to vector<16xf32>
        %mul3A_652 = arith.mulf %get3A_649, %mul3A_651 : vector<16xf32>
        %add3A_653 = arith.addf %mul3A_652, %gather3A_645 : vector<16xf32>
        %swap3A_654 = arith.index_cast %add3A_633 : i32 to index
        %swap3A_655 = arith.constant 0 : index
        %swap3A_656 = tpu.vector_load %arg8[%swap3A_654, %swap3A_655] {strides = array<i32>} : memref<2048x16xf32, #tpu.memory_space<vmem>>, vector<1x16xf32>,
        %swap3A_657 = vector.shape_cast %swap3A_656 : vector<1x16xf32> to vector<16xf32>
        %swap3A_658 = vector.shape_cast %add3A_653 : vector<16xf32> to vector<1x16xf32>
        tpu.vector_store %arg8[%swap3A_654, %swap3A_655], %swap3A_658 {strides = array<i32>} : memref<2048x16xf32, #tpu.memory_space<vmem>>, vector<1x16xf32>,
      }
      %scan3A_140 = arith.constant 64 : i32
      %add3A_141 = arith.constant 2 : i32
      %add3A_142 = arith.addi %add3A_98, %add3A_141 : i32
      %lt3A = arith.constant 49 : i32
      %lt3A_143 = arith.cmpi slt, %add3A_142, %lt3A : i32
      %convert_element_type3A_144 = arith.extui %lt3A_143 : i1 to i32
      %cond3A_145 = arith.constant 0 : i32
      %cond3A_146 = arith.cmpi ne, %convert_element_type3A_144, %cond3A_145 : i32
      scf.if %cond3A_146 {
        %add3A_173 = arith.constant 2 : i32
        %add3A_174 = arith.addi %add3A_98, %add3A_173 : i32
        %add3A_175 = arith.constant 2 : i32
        %add3A_176 = arith.addi %add3A_98, %add3A_175 : i32
        %and3A_177 = arith.constant 3 : i32
        %and3A_178 = arith.andi %add3A_176, %and3A_177 : i32
        %mul3A_179 = arith.constant 49 : i32
        %mul3A_180 = arith.muli %arg0, %mul3A_179 : i32
        %add3A_181 = arith.addi %mul3A_180, %add3A_174 : i32
        %dma_start3A_182 = arith.constant 0 : i32
        %dma_start3A_183 = arith.constant 0 : i32
        %dma_start3A_184 = tpu.memref_slice %arg6[%and3A_178, %dma_start3A_182, %dma_start3A_183] : memref<4x2x512xi32, #tpu.memory_space<vmem>> -> memref<1x2x512xi32, #tpu.memory_space<vmem>>
        %dma_start3A_185 = tpu.memref_squeeze %dma_start3A_184 : memref<1x2x512xi32, #tpu.memory_space<vmem>> -> memref<2x512xi32, #tpu.memory_space<vmem>>
        %dma_start3A_186 = arith.constant 0 : i32
        %dma_start3A_187 = arith.constant 0 : i32
        %dma_start3A_188 = tpu.memref_slice %arg2[%arg1, %add3A_181, %dma_start3A_186, %dma_start3A_187] : memref<16x98x2x512xi32, #tpu.memory_space<hbm>> -> memref<1x1x2x512xi32, #tpu.memory_space<hbm>>
        %dma_start3A_189 = tpu.memref_squeeze %dma_start3A_188 : memref<1x1x2x512xi32, #tpu.memory_space<hbm>> -> memref<2x512xi32, #tpu.memory_space<hbm>>
        %dma_start3A_190 = arith.constant 0 : i32
        %dma_start3A_191 = arith.constant 0 : i32
        %dma_start3A_192 = tpu.memref_slice %arg6[%and3A_178, %dma_start3A_190, %dma_start3A_191] : memref<4x2x512xi32, #tpu.memory_space<vmem>> -> memref<1x2x512xi32, #tpu.memory_space<vmem>>
        %dma_start3A_193 = tpu.memref_squeeze %dma_start3A_192 : memref<1x2x512xi32, #tpu.memory_space<vmem>> -> memref<2x512xi32, #tpu.memory_space<vmem>>
        %dma_start3A_194 = arith.constant 0 : i32
        %dma_start3A_195 = arith.constant 0 : i32
        %dma_start3A_196 = tpu.memref_slice %arg2[%arg1, %add3A_181, %dma_start3A_194, %dma_start3A_195] : memref<16x98x2x512xi32, #tpu.memory_space<hbm>> -> memref<1x1x2x512xi32, #tpu.memory_space<hbm>>
        %dma_start3A_197 = tpu.memref_squeeze %dma_start3A_196 : memref<1x1x2x512xi32, #tpu.memory_space<hbm>> -> memref<2x512xi32, #tpu.memory_space<hbm>>
        tpu.enqueue_dma source(%dma_start3A_197 : memref<2x512xi32, #tpu.memory_space<hbm>>) target(%dma_start3A_193 : memref<2x512xi32, #tpu.memory_space<vmem>>) target_semaphore(%arg10 : memref<!tpu.dma_semaphore, #tpu.memory_space<semaphore_mem>>)
        %mul3A_198 = arith.constant 1024 : i32
        %mul3A_199 = arith.muli %add3A_181, %mul3A_198 : i32
        %mul3A_200 = arith.constant 1024 : i32
        %mul3A_201 = arith.muli %and3A_178, %mul3A_200 : i32
        %dma_start3A_202 = tpu.memref_slice %arg7[%mul3A_201] : memref<4096xf32, #tpu.memory_space<vmem>> -> memref<1024xf32, #tpu.memory_space<vmem>>
        %dma_start3A_203 = tpu.memref_slice %arg3[%arg1, %mul3A_199] : memref<16x100352xf32, #tpu.memory_space<hbm>> -> memref<1x1024xf32, #tpu.memory_space<hbm>>
        %dma_start3A_204 = tpu.memref_squeeze %dma_start3A_203 : memref<1x1024xf32, #tpu.memory_space<hbm>> -> memref<1024xf32, #tpu.memory_space<hbm>>
        %dma_start3A_205 = tpu.memref_slice %arg7[%mul3A_201] : memref<4096xf32, #tpu.memory_space<vmem>> -> memref<1024xf32, #tpu.memory_space<vmem>>
        %dma_start3A_206 = tpu.memref_slice %arg3[%arg1, %mul3A_199] : memref<16x100352xf32, #tpu.memory_space<hbm>> -> memref<1x1024xf32, #tpu.memory_space<hbm>>
        %dma_start3A_207 = tpu.memref_squeeze %dma_start3A_206 : memref<1x1024xf32, #tpu.memory_space<hbm>> -> memref<1024xf32, #tpu.memory_space<hbm>>
        tpu.enqueue_dma source(%dma_start3A_207 : memref<1024xf32, #tpu.memory_space<hbm>>) target(%dma_start3A_205 : memref<1024xf32, #tpu.memory_space<vmem>>) target_semaphore(%arg10 : memref<!tpu.dma_semaphore, #tpu.memory_space<semaphore_mem>>)
      } else {
      }
      %mul3A_147 = arith.constant 1024 : i32
      %mul3A_148 = arith.muli %and3A_100, %mul3A_147 : i32
      %add3A_149 = arith.constant 0 : i32
      %add3A_150 = arith.addi %mul3A_148, %add3A_149 : i32
      %dma_start3A_151 = arith.constant 0 : i32
      %dma_start3A_152 = arith.constant 0 : i32
      %dma_start3A_153 = tpu.memref_slice %arg8[%add3A_150, %dma_start3A_152] : memref<2048x16xf32, #tpu.memory_space<vmem>> -> memref<512x16xf32, #tpu.memory_space<vmem>>
      %dma_start3A_154 = arith.constant 0 : i32
      %dma_start3A_155 = tpu.memref_slice %arg6[%and3A_102, %dma_start3A_151, %dma_start3A_154] : memref<4x2x512xi32, #tpu.memory_space<vmem>> -> memref<1x1x512xi32, #tpu.memory_space<vmem>>
      %dma_start3A_156 = tpu.memref_squeeze %dma_start3A_155 : memref<1x1x512xi32, #tpu.memory_space<vmem>> -> memref<512xi32, #tpu.memory_space<vmem>>
      %dma_start3A_157 = arith.constant 0 : i32
      %dma_start3A_158 = arith.constant 0 : i32
      %dma_start3A_159 = tpu.memref_slice %arg9[%dma_start3A_157, %dma_start3A_158] : memref<51200x16xf32, #tpu.memory_space<vmem_shared>> -> memref<51200x16xf32, #tpu.memory_space<vmem_shared>>
      tpu.enqueue_indirect_dma source(%dma_start3A_153 : memref<512x16xf32, #tpu.memory_space<vmem>>) target(%dma_start3A_159 : memref<51200x16xf32, #tpu.memory_space<vmem_shared>>) offsets(%dma_start3A_156 : memref<512xi32, #tpu.memory_space<vmem>>) semaphore(%arg11 : memref<!tpu.dma_semaphore, #tpu.memory_space<semaphore_mem>>) {add = true}
      %mul3A_160 = arith.constant 1024 : i32
      %mul3A_161 = arith.muli %and3A_100, %mul3A_160 : i32
      %add3A_162 = arith.constant 512 : i32
      %add3A_163 = arith.addi %mul3A_161, %add3A_162 : i32
      %dma_start3A_164 = arith.constant 1 : i32
      %dma_start3A_165 = arith.constant 0 : i32
      %dma_start3A_166 = tpu.memref_slice %arg8[%add3A_163, %dma_start3A_165] : memref<2048x16xf32, #tpu.memory_space<vmem>> -> memref<512x16xf32, #tpu.memory_space<vmem>>
      %dma_start3A_167 = arith.constant 0 : i32
      %dma_start3A_168 = tpu.memref_slice %arg6[%and3A_102, %dma_start3A_164, %dma_start3A_167] : memref<4x2x512xi32, #tpu.memory_space<vmem>> -> memref<1x1x512xi32, #tpu.memory_space<vmem>>
      %dma_start3A_169 = tpu.memref_squeeze %dma_start3A_168 : memref<1x1x512xi32, #tpu.memory_space<vmem>> -> memref<512xi32, #tpu.memory_space<vmem>>
      %dma_start3A_170 = arith.constant 0 : i32
      %dma_start3A_171 = arith.constant 0 : i32
      %dma_start3A_172 = tpu.memref_slice %arg9[%dma_start3A_170, %dma_start3A_171] : memref<51200x16xf32, #tpu.memory_space<vmem_shared>> -> memref<51200x16xf32, #tpu.memory_space<vmem_shared>>
      tpu.enqueue_indirect_dma source(%dma_start3A_166 : memref<512x16xf32, #tpu.memory_space<vmem>>) target(%dma_start3A_172 : memref<51200x16xf32, #tpu.memory_space<vmem_shared>>) offsets(%dma_start3A_169 : memref<512xi32, #tpu.memory_space<vmem>>) semaphore(%arg11 : memref<!tpu.dma_semaphore, #tpu.memory_space<semaphore_mem>>) {add = true}
    }
    %scan3A_64 = arith.constant 49 : i32
    %and3A = arith.constant 47 : i32
    %and3A_65 = arith.constant 1 : i32
    %and3A_66 = arith.andi %and3A, %and3A_65 : i32
    %mul3A_67 = arith.constant 1024 : i32
    %mul3A_68 = arith.muli %and3A_66, %mul3A_67 : i32
    %dma_wait3A = arith.constant 0 : i32
    %dma_wait3A_69 = tpu.memref_slice %arg8[%mul3A_68, %dma_wait3A] : memref<2048x16xf32, #tpu.memory_space<vmem>> -> memref<1024x16xf32, #tpu.memory_space<vmem>>
    %dma_wait3A_70 = arith.constant 0 : i32
    %dma_wait3A_71 = arith.constant 0 : i32
    %dma_wait3A_72 = tpu.memref_slice %arg9[%dma_wait3A_70, %dma_wait3A_71] : memref<51200x16xf32, #tpu.memory_space<vmem_shared>> -> memref<1024x16xf32, #tpu.memory_space<vmem_shared>>
    %dma_wait3A_73 = arith.constant 0 : i32
    %dma_wait3A_74 = arith.constant 0 : i32
    %dma_wait3A_75 = tpu.memref_slice %arg9[%dma_wait3A_73, %dma_wait3A_74] : memref<51200x16xf32, #tpu.memory_space<vmem_shared>> -> memref<1024x16xf32, #tpu.memory_space<vmem_shared>>
    %dma_wait3A_76 = arith.constant 0 : i32
    %dma_wait3A_77 = tpu.memref_slice %arg8[%mul3A_68, %dma_wait3A_76] : memref<2048x16xf32, #tpu.memory_space<vmem>> -> memref<1024x16xf32, #tpu.memory_space<vmem>>
    tpu.wait_dma2 semaphore(%arg11 : memref<!tpu.dma_semaphore, #tpu.memory_space<semaphore_mem>>) src(%dma_wait3A_77 : memref<1024x16xf32, #tpu.memory_space<vmem>>) dst(%dma_wait3A_75 : memref<1024x16xf32, #tpu.memory_space<vmem_shared>>)
    %and3A_78 = arith.constant 48 : i32
    %and3A_79 = arith.constant 1 : i32
    %and3A_80 = arith.andi %and3A_78, %and3A_79 : i32
    %mul3A_81 = arith.constant 1024 : i32
    %mul3A_82 = arith.muli %and3A_80, %mul3A_81 : i32
    %dma_wait3A_83 = arith.constant 0 : i32
    %dma_wait3A_84 = tpu.memref_slice %arg8[%mul3A_82, %dma_wait3A_83] : memref<2048x16xf32, #tpu.memory_space<vmem>> -> memref<1024x16xf32, #tpu.memory_space<vmem>>
    %dma_wait3A_85 = arith.constant 0 : i32
    %dma_wait3A_86 = arith.constant 0 : i32
    %dma_wait3A_87 = tpu.memref_slice %arg9[%dma_wait3A_85, %dma_wait3A_86] : memref<51200x16xf32, #tpu.memory_space<vmem_shared>> -> memref<1024x16xf32, #tpu.memory_space<vmem_shared>>
    %dma_wait3A_88 = arith.constant 0 : i32
    %dma_wait3A_89 = arith.constant 0 : i32
    %dma_wait3A_90 = tpu.memref_slice %arg9[%dma_wait3A_88, %dma_wait3A_89] : memref<51200x16xf32, #tpu.memory_space<vmem_shared>> -> memref<1024x16xf32, #tpu.memory_space<vmem_shared>>
    %dma_wait3A_91 = arith.constant 0 : i32
    %dma_wait3A_92 = tpu.memref_slice %arg8[%mul3A_82, %dma_wait3A_91] : memref<2048x16xf32, #tpu.memory_space<vmem>> -> memref<1024x16xf32, #tpu.memory_space<vmem>>
    tpu.wait_dma2 semaphore(%arg11 : memref<!tpu.dma_semaphore, #tpu.memory_space<semaphore_mem>>) src(%dma_wait3A_92 : memref<1024x16xf32, #tpu.memory_space<vmem>>) dst(%dma_wait3A_90 : memref<1024x16xf32, #tpu.memory_space<vmem_shared>>)
    %barrier3A_93 = arith.constant 0 : index
    tpu.barrier barrier_id(%barrier3A_93)
    "tpu.region"() ({
      %run_scoped3A = tpu.sem_alloc : memref<!tpu.dma_semaphore, #tpu.memory_space<semaphore_mem>>
      %dma_start3A_94 = arith.constant 0 : i32
      %dma_start3A_95 = tpu.memref_slice %arg5[%arg0, %mul3A_0, %dma_start3A_94] : memref<2x51200x16xf32, #tpu.memory_space<hbm>> -> memref<1x3200x16xf32, #tpu.memory_space<hbm>>
      %dma_start3A_96 = tpu.memref_squeeze %dma_start3A_95 : memref<1x3200x16xf32, #tpu.memory_space<hbm>> -> memref<3200x16xf32, #tpu.memory_space<hbm>>
      %dma_start3A_97 = arith.constant 0 : i32
      %dma_start3A_98 = tpu.memref_slice %arg9[%mul3A_0, %dma_start3A_97] : memref<51200x16xf32, #tpu.memory_space<vmem_shared>> -> memref<3200x16xf32, #tpu.memory_space<vmem_shared>>
      tpu.enqueue_dma source(%dma_start3A_98 : memref<3200x16xf32, #tpu.memory_space<vmem_shared>>) target(%dma_start3A_96 : memref<3200x16xf32, #tpu.memory_space<hbm>>) target_semaphore(%run_scoped3A : memref<!tpu.dma_semaphore, #tpu.memory_space<semaphore_mem>>)
      %dma_wait3A_99 = arith.constant 0 : i32
      %dma_wait3A_100 = tpu.memref_slice %arg5[%arg0, %mul3A_0, %dma_wait3A_99] : memref<2x51200x16xf32, #tpu.memory_space<hbm>> -> memref<1x3200x16xf32, #tpu.memory_space<hbm>>
      %dma_wait3A_101 = tpu.memref_squeeze %dma_wait3A_100 : memref<1x3200x16xf32, #tpu.memory_space<hbm>> -> memref<3200x16xf32, #tpu.memory_space<hbm>>
      %dma_wait3A_102 = arith.constant 0 : i32
      %dma_wait3A_103 = tpu.memref_slice %arg9[%mul3A_0, %dma_wait3A_102] : memref<51200x16xf32, #tpu.memory_space<vmem_shared>> -> memref<3200x16xf32, #tpu.memory_space<vmem_shared>>
      tpu.wait_dma2 semaphore(%run_scoped3A : memref<!tpu.dma_semaphore, #tpu.memory_space<semaphore_mem>>) src(%dma_wait3A_103 : memref<3200x16xf32, #tpu.memory_space<vmem_shared>>) dst(%dma_wait3A_101 : memref<3200x16xf32, #tpu.memory_space<hbm>>)
      tpu.yield
    }) : () -> ()
    return
  }
}

#map = affine_map<(d0, d1) -> (0, 0)>
#map1 = affine_map<(d0, d1) -> (0, 0, 0, 0, 0)>
#map2 = affine_map<(d0, d1) -> (0, 0, 0, 0)>
#map3 = affine_map<(d0, d1) -> (0, 0, 0)>
module attributes {stable_mosaic.version = 14 : i64} {
  func.func @_msg_body(%arg0: i32, %arg1: i32, %arg2: memref<102400x16xf32, #tpu.memory_space<hbm>>, %arg3: memref<2x16x98x2x512xi32, #tpu.memory_space<hbm>>, %arg4: memref<16x98x2x512xi32, #tpu.memory_space<hbm>>, %arg5: memref<16x100352xf32, #tpu.memory_space<hbm>>, %arg6: memref<3200x16xf32, #tpu.memory_space<hbm>>, %arg7: memref<2x51200x16xf32, #tpu.memory_space<hbm>>, %arg8: memref<4x2x512xi32, #tpu.memory_space<vmem>>, %arg9: memref<4x2x512xi32, #tpu.memory_space<vmem>>, %arg10: memref<4096xf32, #tpu.memory_space<vmem>>, %arg11: memref<3072x16xf32, #tpu.memory_space<vmem>>, %arg12: memref<51200x16xf32, #tpu.memory_space<vmem_shared>>, %arg13: memref<!tpu.dma_semaphore, #tpu.memory_space<semaphore_mem>>, %arg14: memref<!tpu.dma_semaphore, #tpu.memory_space<semaphore_mem>>, %arg15: memref<!tpu.dma_semaphore, #tpu.memory_space<semaphore_mem>>) attributes {dimension_semantics = [#tpu.dimension_semantics<core_parallel>, #tpu.dimension_semantics<subcore_parallel>], iteration_bounds = array<i64: 2, 16>, scalar_prefetch = 0 : i64, scratch_operands = 8 : i64, tpu.core_type = #tpu.core_type<sc_vector_subcore>, window_params = [{transform_indices = #map}, {transform_indices = #map1}, {transform_indices = #map2}, {transform_indices = #map}, {transform_indices = #map}, {transform_indices = #map3}]} {
    %mul3A = arith.constant 3200 : i32
    %mul3A_0 = arith.muli %arg1, %mul3A : i32
    "tpu.region"() ({
      %run_scoped3A = tpu.sem_alloc : memref<!tpu.dma_semaphore, #tpu.memory_space<semaphore_mem>>
      %dma_start3A_193 = arith.constant 0 : i32
      %dma_start3A_194 = tpu.memref_slice %arg12[%mul3A_0, %dma_start3A_193] : memref<51200x16xf32, #tpu.memory_space<vmem_shared>> -> memref<3200x16xf32, #tpu.memory_space<vmem_shared>>
      tpu.enqueue_dma source(%arg6 : memref<3200x16xf32, #tpu.memory_space<hbm>>) target(%dma_start3A_194 : memref<3200x16xf32, #tpu.memory_space<vmem_shared>>) target_semaphore(%run_scoped3A : memref<!tpu.dma_semaphore, #tpu.memory_space<semaphore_mem>>)
      %dma_wait3A_195 = arith.constant 0 : i32
      %dma_wait3A_196 = tpu.memref_slice %arg12[%mul3A_0, %dma_wait3A_195] : memref<51200x16xf32, #tpu.memory_space<vmem_shared>> -> memref<3200x16xf32, #tpu.memory_space<vmem_shared>>
      tpu.wait_dma2 semaphore(%run_scoped3A : memref<!tpu.dma_semaphore, #tpu.memory_space<semaphore_mem>>) src(%arg6 : memref<3200x16xf32, #tpu.memory_space<hbm>>) dst(%dma_wait3A_196 : memref<3200x16xf32, #tpu.memory_space<vmem_shared>>)
      tpu.yield
    }) : () -> ()
    %barrier3A = arith.constant 0 : index
    tpu.barrier barrier_id(%barrier3A)
    %dma_start3A = arith.constant 0 : i32
    %dma_start3A_1 = arith.constant 0 : i32
    %dma_start3A_2 = arith.constant 0 : i32
    %dma_start3A_3 = arith.constant 0 : i32
    %dma_start3A_4 = tpu.memref_slice %arg8[%dma_start3A_1, %dma_start3A_2, %dma_start3A_3] : memref<4x2x512xi32, #tpu.memory_space<vmem>> -> memref<1x2x512xi32, #tpu.memory_space<vmem>>
    %dma_start3A_5 = tpu.memref_squeeze %dma_start3A_4 : memref<1x2x512xi32, #tpu.memory_space<vmem>> -> memref<2x512xi32, #tpu.memory_space<vmem>>
    %dma_start3A_6 = arith.constant 0 : i32
    %dma_start3A_7 = arith.constant 0 : i32
    %dma_start3A_8 = tpu.memref_slice %arg3[%arg0, %arg1, %dma_start3A, %dma_start3A_6, %dma_start3A_7] : memref<2x16x98x2x512xi32, #tpu.memory_space<hbm>> -> memref<1x1x1x2x512xi32, #tpu.memory_space<hbm>>
    %dma_start3A_9 = tpu.memref_squeeze %dma_start3A_8 : memref<1x1x1x2x512xi32, #tpu.memory_space<hbm>> -> memref<2x512xi32, #tpu.memory_space<hbm>>
    %dma_start3A_10 = arith.constant 0 : i32
    %dma_start3A_11 = arith.constant 0 : i32
    %dma_start3A_12 = tpu.memref_slice %arg8[%dma_start3A_1, %dma_start3A_10, %dma_start3A_11] : memref<4x2x512xi32, #tpu.memory_space<vmem>> -> memref<1x2x512xi32, #tpu.memory_space<vmem>>
    %dma_start3A_13 = tpu.memref_squeeze %dma_start3A_12 : memref<1x2x512xi32, #tpu.memory_space<vmem>> -> memref<2x512xi32, #tpu.memory_space<vmem>>
    %dma_start3A_14 = arith.constant 0 : i32
    %dma_start3A_15 = arith.constant 0 : i32
    %dma_start3A_16 = tpu.memref_slice %arg3[%arg0, %arg1, %dma_start3A, %dma_start3A_14, %dma_start3A_15] : memref<2x16x98x2x512xi32, #tpu.memory_space<hbm>> -> memref<1x1x1x2x512xi32, #tpu.memory_space<hbm>>
    %dma_start3A_17 = tpu.memref_squeeze %dma_start3A_16 : memref<1x1x1x2x512xi32, #tpu.memory_space<hbm>> -> memref<2x512xi32, #tpu.memory_space<hbm>>
    tpu.enqueue_dma source(%dma_start3A_17 : memref<2x512xi32, #tpu.memory_space<hbm>>) target(%dma_start3A_13 : memref<2x512xi32, #tpu.memory_space<vmem>>) target_semaphore(%arg13 : memref<!tpu.dma_semaphore, #tpu.memory_space<semaphore_mem>>)
    %dma_start3A_18 = arith.constant 0 : i32
    %dma_start3A_19 = arith.constant 0 : i32
    %dma_start3A_20 = arith.constant 0 : i32
    %dma_start3A_21 = arith.constant 0 : i32
    %dma_start3A_22 = tpu.memref_slice %arg9[%dma_start3A_19, %dma_start3A_20, %dma_start3A_21] : memref<4x2x512xi32, #tpu.memory_space<vmem>> -> memref<1x2x512xi32, #tpu.memory_space<vmem>>
    %dma_start3A_23 = tpu.memref_squeeze %dma_start3A_22 : memref<1x2x512xi32, #tpu.memory_space<vmem>> -> memref<2x512xi32, #tpu.memory_space<vmem>>
    %dma_start3A_24 = arith.constant 0 : i32
    %dma_start3A_25 = arith.constant 0 : i32
    %dma_start3A_26 = tpu.memref_slice %arg4[%arg1, %dma_start3A_18, %dma_start3A_24, %dma_start3A_25] : memref<16x98x2x512xi32, #tpu.memory_space<hbm>> -> memref<1x1x2x512xi32, #tpu.memory_space<hbm>>
    %dma_start3A_27 = tpu.memref_squeeze %dma_start3A_26 : memref<1x1x2x512xi32, #tpu.memory_space<hbm>> -> memref<2x512xi32, #tpu.memory_space<hbm>>
    %dma_start3A_28 = arith.constant 0 : i32
    %dma_start3A_29 = arith.constant 0 : i32
    %dma_start3A_30 = tpu.memref_slice %arg9[%dma_start3A_19, %dma_start3A_28, %dma_start3A_29] : memref<4x2x512xi32, #tpu.memory_space<vmem>> -> memref<1x2x512xi32, #tpu.memory_space<vmem>>
    %dma_start3A_31 = tpu.memref_squeeze %dma_start3A_30 : memref<1x2x512xi32, #tpu.memory_space<vmem>> -> memref<2x512xi32, #tpu.memory_space<vmem>>
    %dma_start3A_32 = arith.constant 0 : i32
    %dma_start3A_33 = arith.constant 0 : i32
    %dma_start3A_34 = tpu.memref_slice %arg4[%arg1, %dma_start3A_18, %dma_start3A_32, %dma_start3A_33] : memref<16x98x2x512xi32, #tpu.memory_space<hbm>> -> memref<1x1x2x512xi32, #tpu.memory_space<hbm>>
    %dma_start3A_35 = tpu.memref_squeeze %dma_start3A_34 : memref<1x1x2x512xi32, #tpu.memory_space<hbm>> -> memref<2x512xi32, #tpu.memory_space<hbm>>
    tpu.enqueue_dma source(%dma_start3A_35 : memref<2x512xi32, #tpu.memory_space<hbm>>) target(%dma_start3A_31 : memref<2x512xi32, #tpu.memory_space<vmem>>) target_semaphore(%arg13 : memref<!tpu.dma_semaphore, #tpu.memory_space<semaphore_mem>>)
    %dma_start3A_36 = arith.constant 0 : i32
    %dma_start3A_37 = tpu.memref_slice %arg10[%dma_start3A_36] : memref<4096xf32, #tpu.memory_space<vmem>> -> memref<1024xf32, #tpu.memory_space<vmem>>
    %dma_start3A_38 = arith.constant 0 : i32
    %dma_start3A_39 = tpu.memref_slice %arg5[%arg1, %dma_start3A_38] : memref<16x100352xf32, #tpu.memory_space<hbm>> -> memref<1x1024xf32, #tpu.memory_space<hbm>>
    %dma_start3A_40 = tpu.memref_squeeze %dma_start3A_39 : memref<1x1024xf32, #tpu.memory_space<hbm>> -> memref<1024xf32, #tpu.memory_space<hbm>>
    %dma_start3A_41 = arith.constant 0 : i32
    %dma_start3A_42 = tpu.memref_slice %arg10[%dma_start3A_41] : memref<4096xf32, #tpu.memory_space<vmem>> -> memref<1024xf32, #tpu.memory_space<vmem>>
    %dma_start3A_43 = arith.constant 0 : i32
    %dma_start3A_44 = tpu.memref_slice %arg5[%arg1, %dma_start3A_43] : memref<16x100352xf32, #tpu.memory_space<hbm>> -> memref<1x1024xf32, #tpu.memory_space<hbm>>
    %dma_start3A_45 = tpu.memref_squeeze %dma_start3A_44 : memref<1x1024xf32, #tpu.memory_space<hbm>> -> memref<1024xf32, #tpu.memory_space<hbm>>
    tpu.enqueue_dma source(%dma_start3A_45 : memref<1024xf32, #tpu.memory_space<hbm>>) target(%dma_start3A_42 : memref<1024xf32, #tpu.memory_space<vmem>>) target_semaphore(%arg13 : memref<!tpu.dma_semaphore, #tpu.memory_space<semaphore_mem>>)
    %dma_start3A_46 = arith.constant 1 : i32
    %dma_start3A_47 = arith.constant 1 : i32
    %dma_start3A_48 = arith.constant 0 : i32
    %dma_start3A_49 = arith.constant 0 : i32
    %dma_start3A_50 = tpu.memref_slice %arg8[%dma_start3A_47, %dma_start3A_48, %dma_start3A_49] : memref<4x2x512xi32, #tpu.memory_space<vmem>> -> memref<1x2x512xi32, #tpu.memory_space<vmem>>
    %dma_start3A_51 = tpu.memref_squeeze %dma_start3A_50 : memref<1x2x512xi32, #tpu.memory_space<vmem>> -> memref<2x512xi32, #tpu.memory_space<vmem>>
    %dma_start3A_52 = arith.constant 0 : i32
    %dma_start3A_53 = arith.constant 0 : i32
    %dma_start3A_54 = tpu.memref_slice %arg3[%arg0, %arg1, %dma_start3A_46, %dma_start3A_52, %dma_start3A_53] : memref<2x16x98x2x512xi32, #tpu.memory_space<hbm>> -> memref<1x1x1x2x512xi32, #tpu.memory_space<hbm>>
    %dma_start3A_55 = tpu.memref_squeeze %dma_start3A_54 : memref<1x1x1x2x512xi32, #tpu.memory_space<hbm>> -> memref<2x512xi32, #tpu.memory_space<hbm>>
    %dma_start3A_56 = arith.constant 0 : i32
    %dma_start3A_57 = arith.constant 0 : i32
    %dma_start3A_58 = tpu.memref_slice %arg8[%dma_start3A_47, %dma_start3A_56, %dma_start3A_57] : memref<4x2x512xi32, #tpu.memory_space<vmem>> -> memref<1x2x512xi32, #tpu.memory_space<vmem>>
    %dma_start3A_59 = tpu.memref_squeeze %dma_start3A_58 : memref<1x2x512xi32, #tpu.memory_space<vmem>> -> memref<2x512xi32, #tpu.memory_space<vmem>>
    %dma_start3A_60 = arith.constant 0 : i32
    %dma_start3A_61 = arith.constant 0 : i32
    %dma_start3A_62 = tpu.memref_slice %arg3[%arg0, %arg1, %dma_start3A_46, %dma_start3A_60, %dma_start3A_61] : memref<2x16x98x2x512xi32, #tpu.memory_space<hbm>> -> memref<1x1x1x2x512xi32, #tpu.memory_space<hbm>>
    %dma_start3A_63 = tpu.memref_squeeze %dma_start3A_62 : memref<1x1x1x2x512xi32, #tpu.memory_space<hbm>> -> memref<2x512xi32, #tpu.memory_space<hbm>>
    tpu.enqueue_dma source(%dma_start3A_63 : memref<2x512xi32, #tpu.memory_space<hbm>>) target(%dma_start3A_59 : memref<2x512xi32, #tpu.memory_space<vmem>>) target_semaphore(%arg13 : memref<!tpu.dma_semaphore, #tpu.memory_space<semaphore_mem>>)
    %dma_start3A_64 = arith.constant 1 : i32
    %dma_start3A_65 = arith.constant 1 : i32
    %dma_start3A_66 = arith.constant 0 : i32
    %dma_start3A_67 = arith.constant 0 : i32
    %dma_start3A_68 = tpu.memref_slice %arg9[%dma_start3A_65, %dma_start3A_66, %dma_start3A_67] : memref<4x2x512xi32, #tpu.memory_space<vmem>> -> memref<1x2x512xi32, #tpu.memory_space<vmem>>
    %dma_start3A_69 = tpu.memref_squeeze %dma_start3A_68 : memref<1x2x512xi32, #tpu.memory_space<vmem>> -> memref<2x512xi32, #tpu.memory_space<vmem>>
    %dma_start3A_70 = arith.constant 0 : i32
    %dma_start3A_71 = arith.constant 0 : i32
    %dma_start3A_72 = tpu.memref_slice %arg4[%arg1, %dma_start3A_64, %dma_start3A_70, %dma_start3A_71] : memref<16x98x2x512xi32, #tpu.memory_space<hbm>> -> memref<1x1x2x512xi32, #tpu.memory_space<hbm>>
    %dma_start3A_73 = tpu.memref_squeeze %dma_start3A_72 : memref<1x1x2x512xi32, #tpu.memory_space<hbm>> -> memref<2x512xi32, #tpu.memory_space<hbm>>
    %dma_start3A_74 = arith.constant 0 : i32
    %dma_start3A_75 = arith.constant 0 : i32
    %dma_start3A_76 = tpu.memref_slice %arg9[%dma_start3A_65, %dma_start3A_74, %dma_start3A_75] : memref<4x2x512xi32, #tpu.memory_space<vmem>> -> memref<1x2x512xi32, #tpu.memory_space<vmem>>
    %dma_start3A_77 = tpu.memref_squeeze %dma_start3A_76 : memref<1x2x512xi32, #tpu.memory_space<vmem>> -> memref<2x512xi32, #tpu.memory_space<vmem>>
    %dma_start3A_78 = arith.constant 0 : i32
    %dma_start3A_79 = arith.constant 0 : i32
    %dma_start3A_80 = tpu.memref_slice %arg4[%arg1, %dma_start3A_64, %dma_start3A_78, %dma_start3A_79] : memref<16x98x2x512xi32, #tpu.memory_space<hbm>> -> memref<1x1x2x512xi32, #tpu.memory_space<hbm>>
    %dma_start3A_81 = tpu.memref_squeeze %dma_start3A_80 : memref<1x1x2x512xi32, #tpu.memory_space<hbm>> -> memref<2x512xi32, #tpu.memory_space<hbm>>
    tpu.enqueue_dma source(%dma_start3A_81 : memref<2x512xi32, #tpu.memory_space<hbm>>) target(%dma_start3A_77 : memref<2x512xi32, #tpu.memory_space<vmem>>) target_semaphore(%arg13 : memref<!tpu.dma_semaphore, #tpu.memory_space<semaphore_mem>>)
    %dma_start3A_82 = arith.constant 1024 : i32
    %dma_start3A_83 = tpu.memref_slice %arg10[%dma_start3A_82] : memref<4096xf32, #tpu.memory_space<vmem>> -> memref<1024xf32, #tpu.memory_space<vmem>>
    %dma_start3A_84 = arith.constant 1024 : i32
    %dma_start3A_85 = tpu.memref_slice %arg5[%arg1, %dma_start3A_84] : memref<16x100352xf32, #tpu.memory_space<hbm>> -> memref<1x1024xf32, #tpu.memory_space<hbm>>
    %dma_start3A_86 = tpu.memref_squeeze %dma_start3A_85 : memref<1x1024xf32, #tpu.memory_space<hbm>> -> memref<1024xf32, #tpu.memory_space<hbm>>
    %dma_start3A_87 = arith.constant 1024 : i32
    %dma_start3A_88 = tpu.memref_slice %arg10[%dma_start3A_87] : memref<4096xf32, #tpu.memory_space<vmem>> -> memref<1024xf32, #tpu.memory_space<vmem>>
    %dma_start3A_89 = arith.constant 1024 : i32
    %dma_start3A_90 = tpu.memref_slice %arg5[%arg1, %dma_start3A_89] : memref<16x100352xf32, #tpu.memory_space<hbm>> -> memref<1x1024xf32, #tpu.memory_space<hbm>>
    %dma_start3A_91 = tpu.memref_squeeze %dma_start3A_90 : memref<1x1024xf32, #tpu.memory_space<hbm>> -> memref<1024xf32, #tpu.memory_space<hbm>>
    tpu.enqueue_dma source(%dma_start3A_91 : memref<1024xf32, #tpu.memory_space<hbm>>) target(%dma_start3A_88 : memref<1024xf32, #tpu.memory_space<vmem>>) target_semaphore(%arg13 : memref<!tpu.dma_semaphore, #tpu.memory_space<semaphore_mem>>)
    %dma_wait3A = arith.constant 0 : i32
    %dma_wait3A_92 = arith.constant 0 : i32
    %dma_wait3A_93 = arith.constant 0 : i32
    %dma_wait3A_94 = arith.constant 0 : i32
    %dma_wait3A_95 = tpu.memref_slice %arg8[%dma_wait3A_92, %dma_wait3A_93, %dma_wait3A_94] : memref<4x2x512xi32, #tpu.memory_space<vmem>> -> memref<1x2x512xi32, #tpu.memory_space<vmem>>
    %dma_wait3A_96 = tpu.memref_squeeze %dma_wait3A_95 : memref<1x2x512xi32, #tpu.memory_space<vmem>> -> memref<2x512xi32, #tpu.memory_space<vmem>>
    %dma_wait3A_97 = arith.constant 0 : i32
    %dma_wait3A_98 = arith.constant 0 : i32
    %dma_wait3A_99 = tpu.memref_slice %arg3[%arg0, %arg1, %dma_wait3A, %dma_wait3A_97, %dma_wait3A_98] : memref<2x16x98x2x512xi32, #tpu.memory_space<hbm>> -> memref<1x1x1x2x512xi32, #tpu.memory_space<hbm>>
    %dma_wait3A_100 = tpu.memref_squeeze %dma_wait3A_99 : memref<1x1x1x2x512xi32, #tpu.memory_space<hbm>> -> memref<2x512xi32, #tpu.memory_space<hbm>>
    %dma_wait3A_101 = arith.constant 0 : i32
    %dma_wait3A_102 = arith.constant 0 : i32
    %dma_wait3A_103 = tpu.memref_slice %arg8[%dma_wait3A_92, %dma_wait3A_101, %dma_wait3A_102] : memref<4x2x512xi32, #tpu.memory_space<vmem>> -> memref<1x2x512xi32, #tpu.memory_space<vmem>>
    %dma_wait3A_104 = tpu.memref_squeeze %dma_wait3A_103 : memref<1x2x512xi32, #tpu.memory_space<vmem>> -> memref<2x512xi32, #tpu.memory_space<vmem>>
    %dma_wait3A_105 = arith.constant 0 : i32
    %dma_wait3A_106 = arith.constant 0 : i32
    %dma_wait3A_107 = tpu.memref_slice %arg3[%arg0, %arg1, %dma_wait3A, %dma_wait3A_105, %dma_wait3A_106] : memref<2x16x98x2x512xi32, #tpu.memory_space<hbm>> -> memref<1x1x1x2x512xi32, #tpu.memory_space<hbm>>
    %dma_wait3A_108 = tpu.memref_squeeze %dma_wait3A_107 : memref<1x1x1x2x512xi32, #tpu.memory_space<hbm>> -> memref<2x512xi32, #tpu.memory_space<hbm>>
    tpu.wait_dma2 semaphore(%arg13 : memref<!tpu.dma_semaphore, #tpu.memory_space<semaphore_mem>>) src(%dma_wait3A_108 : memref<2x512xi32, #tpu.memory_space<hbm>>) dst(%dma_wait3A_104 : memref<2x512xi32, #tpu.memory_space<vmem>>)
    %dma_wait3A_109 = arith.constant 0 : i32
    %dma_wait3A_110 = arith.constant 0 : i32
    %dma_wait3A_111 = arith.constant 0 : i32
    %dma_wait3A_112 = arith.constant 0 : i32
    %dma_wait3A_113 = tpu.memref_slice %arg9[%dma_wait3A_110, %dma_wait3A_111, %dma_wait3A_112] : memref<4x2x512xi32, #tpu.memory_space<vmem>> -> memref<1x2x512xi32, #tpu.memory_space<vmem>>
    %dma_wait3A_114 = tpu.memref_squeeze %dma_wait3A_113 : memref<1x2x512xi32, #tpu.memory_space<vmem>> -> memref<2x512xi32, #tpu.memory_space<vmem>>
    %dma_wait3A_115 = arith.constant 0 : i32
    %dma_wait3A_116 = arith.constant 0 : i32
    %dma_wait3A_117 = tpu.memref_slice %arg4[%arg1, %dma_wait3A_109, %dma_wait3A_115, %dma_wait3A_116] : memref<16x98x2x512xi32, #tpu.memory_space<hbm>> -> memref<1x1x2x512xi32, #tpu.memory_space<hbm>>
    %dma_wait3A_118 = tpu.memref_squeeze %dma_wait3A_117 : memref<1x1x2x512xi32, #tpu.memory_space<hbm>> -> memref<2x512xi32, #tpu.memory_space<hbm>>
    %dma_wait3A_119 = arith.constant 0 : i32
    %dma_wait3A_120 = arith.constant 0 : i32
    %dma_wait3A_121 = tpu.memref_slice %arg9[%dma_wait3A_110, %dma_wait3A_119, %dma_wait3A_120] : memref<4x2x512xi32, #tpu.memory_space<vmem>> -> memref<1x2x512xi32, #tpu.memory_space<vmem>>
    %dma_wait3A_122 = tpu.memref_squeeze %dma_wait3A_121 : memref<1x2x512xi32, #tpu.memory_space<vmem>> -> memref<2x512xi32, #tpu.memory_space<vmem>>
    %dma_wait3A_123 = arith.constant 0 : i32
    %dma_wait3A_124 = arith.constant 0 : i32
    %dma_wait3A_125 = tpu.memref_slice %arg4[%arg1, %dma_wait3A_109, %dma_wait3A_123, %dma_wait3A_124] : memref<16x98x2x512xi32, #tpu.memory_space<hbm>> -> memref<1x1x2x512xi32, #tpu.memory_space<hbm>>
    %dma_wait3A_126 = tpu.memref_squeeze %dma_wait3A_125 : memref<1x1x2x512xi32, #tpu.memory_space<hbm>> -> memref<2x512xi32, #tpu.memory_space<hbm>>
    tpu.wait_dma2 semaphore(%arg13 : memref<!tpu.dma_semaphore, #tpu.memory_space<semaphore_mem>>) src(%dma_wait3A_126 : memref<2x512xi32, #tpu.memory_space<hbm>>) dst(%dma_wait3A_122 : memref<2x512xi32, #tpu.memory_space<vmem>>)
    %dma_wait3A_127 = arith.constant 0 : i32
    %dma_wait3A_128 = tpu.memref_slice %arg10[%dma_wait3A_127] : memref<4096xf32, #tpu.memory_space<vmem>> -> memref<1024xf32, #tpu.memory_space<vmem>>
    %dma_wait3A_129 = arith.constant 0 : i32
    %dma_wait3A_130 = tpu.memref_slice %arg5[%arg1, %dma_wait3A_129] : memref<16x100352xf32, #tpu.memory_space<hbm>> -> memref<1x1024xf32, #tpu.memory_space<hbm>>
    %dma_wait3A_131 = tpu.memref_squeeze %dma_wait3A_130 : memref<1x1024xf32, #tpu.memory_space<hbm>> -> memref<1024xf32, #tpu.memory_space<hbm>>
    %dma_wait3A_132 = arith.constant 0 : i32
    %dma_wait3A_133 = tpu.memref_slice %arg10[%dma_wait3A_132] : memref<4096xf32, #tpu.memory_space<vmem>> -> memref<1024xf32, #tpu.memory_space<vmem>>
    %dma_wait3A_134 = arith.constant 0 : i32
    %dma_wait3A_135 = tpu.memref_slice %arg5[%arg1, %dma_wait3A_134] : memref<16x100352xf32, #tpu.memory_space<hbm>> -> memref<1x1024xf32, #tpu.memory_space<hbm>>
    %dma_wait3A_136 = tpu.memref_squeeze %dma_wait3A_135 : memref<1x1024xf32, #tpu.memory_space<hbm>> -> memref<1024xf32, #tpu.memory_space<hbm>>
    tpu.wait_dma2 semaphore(%arg13 : memref<!tpu.dma_semaphore, #tpu.memory_space<semaphore_mem>>) src(%dma_wait3A_136 : memref<1024xf32, #tpu.memory_space<hbm>>) dst(%dma_wait3A_133 : memref<1024xf32, #tpu.memory_space<vmem>>)
    %dma_start3A_137 = arith.constant 0 : i32
    %dma_start3A_138 = arith.constant 0 : i32
    %dma_start3A_139 = arith.constant 0 : i32
    %dma_start3A_140 = arith.constant 0 : i32
    %dma_start3A_141 = tpu.memref_slice %arg11[%dma_start3A_139, %dma_start3A_140] : memref<3072x16xf32, #tpu.memory_space<vmem>> -> memref<512x16xf32, #tpu.memory_space<vmem>>
    %dma_start3A_142 = arith.constant 0 : i32
    %dma_start3A_143 = tpu.memref_slice %arg8[%dma_start3A_137, %dma_start3A_138, %dma_start3A_142] : memref<4x2x512xi32, #tpu.memory_space<vmem>> -> memref<1x1x512xi32, #tpu.memory_space<vmem>>
    %dma_start3A_144 = tpu.memref_squeeze %dma_start3A_143 : memref<1x1x512xi32, #tpu.memory_space<vmem>> -> memref<512xi32, #tpu.memory_space<vmem>>
    %dma_start3A_145 = arith.constant 0 : i32
    %dma_start3A_146 = arith.constant 0 : i32
    %dma_start3A_147 = tpu.memref_slice %arg2[%dma_start3A_145, %dma_start3A_146] : memref<102400x16xf32, #tpu.memory_space<hbm>> -> memref<102400x16xf32, #tpu.memory_space<hbm>>
    tpu.enqueue_indirect_dma source(%dma_start3A_147 : memref<102400x16xf32, #tpu.memory_space<hbm>>) target(%dma_start3A_141 : memref<512x16xf32, #tpu.memory_space<vmem>>) offsets(%dma_start3A_144 : memref<512xi32, #tpu.memory_space<vmem>>) semaphore(%arg14 : memref<!tpu.dma_semaphore, #tpu.memory_space<semaphore_mem>>)
    %dma_start3A_148 = arith.constant 0 : i32
    %dma_start3A_149 = arith.constant 1 : i32
    %dma_start3A_150 = arith.constant 512 : i32
    %dma_start3A_151 = arith.constant 0 : i32
    %dma_start3A_152 = tpu.memref_slice %arg11[%dma_start3A_150, %dma_start3A_151] : memref<3072x16xf32, #tpu.memory_space<vmem>> -> memref<512x16xf32, #tpu.memory_space<vmem>>
    %dma_start3A_153 = arith.constant 0 : i32
    %dma_start3A_154 = tpu.memref_slice %arg8[%dma_start3A_148, %dma_start3A_149, %dma_start3A_153] : memref<4x2x512xi32, #tpu.memory_space<vmem>> -> memref<1x1x512xi32, #tpu.memory_space<vmem>>
    %dma_start3A_155 = tpu.memref_squeeze %dma_start3A_154 : memref<1x1x512xi32, #tpu.memory_space<vmem>> -> memref<512xi32, #tpu.memory_space<vmem>>
    %dma_start3A_156 = arith.constant 0 : i32
    %dma_start3A_157 = arith.constant 0 : i32
    %dma_start3A_158 = tpu.memref_slice %arg2[%dma_start3A_156, %dma_start3A_157] : memref<102400x16xf32, #tpu.memory_space<hbm>> -> memref<102400x16xf32, #tpu.memory_space<hbm>>
    tpu.enqueue_indirect_dma source(%dma_start3A_158 : memref<102400x16xf32, #tpu.memory_space<hbm>>) target(%dma_start3A_152 : memref<512x16xf32, #tpu.memory_space<vmem>>) offsets(%dma_start3A_155 : memref<512xi32, #tpu.memory_space<vmem>>) semaphore(%arg14 : memref<!tpu.dma_semaphore, #tpu.memory_space<semaphore_mem>>)
    %scan3A = arith.constant 0 : i32
    %scan3A_159 = arith.constant 98 : i32
    %scan3A_160 = arith.addi %scan3A, %scan3A_159 : i32
    %scan3A_161 = arith.constant 1 : i32
    scf.for %scan3A_193 = %scan3A to %scan3A_160 step %scan3A_161  : i32 {
      %mul3A_194 = arith.constant 1 : i32
      %mul3A_195 = arith.muli %scan3A_193, %mul3A_194 : i32
      %add3A = arith.constant 0 : i32
      %add3A_196 = arith.addi %add3A, %mul3A_195 : i32
      %rem3A_197 = arith.constant 3 : i32
      %rem3A_198 = arith.remsi %add3A_196, %rem3A_197 : i32
      %add3A_199 = arith.constant 1 : i32
      %add3A_200 = arith.addi %add3A_196, %add3A_199 : i32
      %rem3A_201 = arith.constant 3 : i32
      %rem3A_202 = arith.remsi %add3A_200, %rem3A_201 : i32
      %and3A = arith.constant 3 : i32
      %and3A_203 = arith.andi %add3A_196, %and3A : i32
      %add3A_204 = arith.constant 1 : i32
      %add3A_205 = arith.addi %add3A_196, %add3A_204 : i32
      %and3A_206 = arith.constant 3 : i32
      %and3A_207 = arith.andi %add3A_205, %and3A_206 : i32
      %add3A_208 = arith.constant 2 : i32
      %add3A_209 = arith.addi %add3A_196, %add3A_208 : i32
      %and3A_210 = arith.constant 3 : i32
      %and3A_211 = arith.andi %add3A_209, %and3A_210 : i32
      %mul3A_212 = arith.constant 1024 : i32
      %mul3A_213 = arith.muli %rem3A_198, %mul3A_212 : i32
      %dma_wait3A_214 = arith.constant 0 : i32
      %dma_wait3A_215 = tpu.memref_slice %arg11[%mul3A_213, %dma_wait3A_214] : memref<3072x16xf32, #tpu.memory_space<vmem>> -> memref<1024x16xf32, #tpu.memory_space<vmem>>
      %dma_wait3A_216 = arith.constant 0 : i32
      %dma_wait3A_217 = arith.constant 0 : i32
      %dma_wait3A_218 = tpu.memref_slice %arg2[%dma_wait3A_216, %dma_wait3A_217] : memref<102400x16xf32, #tpu.memory_space<hbm>> -> memref<1024x16xf32, #tpu.memory_space<hbm>>
      %dma_wait3A_219 = arith.constant 0 : i32
      %dma_wait3A_220 = tpu.memref_slice %arg11[%mul3A_213, %dma_wait3A_219] : memref<3072x16xf32, #tpu.memory_space<vmem>> -> memref<1024x16xf32, #tpu.memory_space<vmem>>
      %dma_wait3A_221 = arith.constant 0 : i32
      %dma_wait3A_222 = arith.constant 0 : i32
      %dma_wait3A_223 = tpu.memref_slice %arg2[%dma_wait3A_221, %dma_wait3A_222] : memref<102400x16xf32, #tpu.memory_space<hbm>> -> memref<1024x16xf32, #tpu.memory_space<hbm>>
      tpu.wait_dma2 semaphore(%arg14 : memref<!tpu.dma_semaphore, #tpu.memory_space<semaphore_mem>>) src(%dma_wait3A_223 : memref<1024x16xf32, #tpu.memory_space<hbm>>) dst(%dma_wait3A_220 : memref<1024x16xf32, #tpu.memory_space<vmem>>)
      %ge3A = arith.constant 2 : i32
      %ge3A_224 = arith.cmpi sge, %add3A_196, %ge3A : i32
      %convert_element_type3A = arith.extui %ge3A_224 : i1 to i32
      %cond3A = arith.constant 0 : i32
      %cond3A_225 = arith.cmpi ne, %convert_element_type3A, %cond3A : i32
      scf.if %cond3A_225 {
        %add3A_274 = arith.constant 1 : i32
        %add3A_275 = arith.addi %add3A_196, %add3A_274 : i32
        %rem3A_276 = arith.constant 3 : i32
        %rem3A_277 = arith.remsi %add3A_275, %rem3A_276 : i32
        %mul3A_278 = arith.constant 1024 : i32
        %mul3A_279 = arith.muli %rem3A_277, %mul3A_278 : i32
        %dma_wait3A_280 = arith.constant 0 : i32
        %dma_wait3A_281 = tpu.memref_slice %arg11[%mul3A_279, %dma_wait3A_280] : memref<3072x16xf32, #tpu.memory_space<vmem>> -> memref<1024x16xf32, #tpu.memory_space<vmem>>
        %dma_wait3A_282 = arith.constant 0 : i32
        %dma_wait3A_283 = arith.constant 0 : i32
        %dma_wait3A_284 = tpu.memref_slice %arg12[%dma_wait3A_282, %dma_wait3A_283] : memref<51200x16xf32, #tpu.memory_space<vmem_shared>> -> memref<1024x16xf32, #tpu.memory_space<vmem_shared>>
        %dma_wait3A_285 = arith.constant 0 : i32
        %dma_wait3A_286 = arith.constant 0 : i32
        %dma_wait3A_287 = tpu.memref_slice %arg12[%dma_wait3A_285, %dma_wait3A_286] : memref<51200x16xf32, #tpu.memory_space<vmem_shared>> -> memref<1024x16xf32, #tpu.memory_space<vmem_shared>>
        %dma_wait3A_288 = arith.constant 0 : i32
        %dma_wait3A_289 = tpu.memref_slice %arg11[%mul3A_279, %dma_wait3A_288] : memref<3072x16xf32, #tpu.memory_space<vmem>> -> memref<1024x16xf32, #tpu.memory_space<vmem>>
        tpu.wait_dma2 semaphore(%arg15 : memref<!tpu.dma_semaphore, #tpu.memory_space<semaphore_mem>>) src(%dma_wait3A_289 : memref<1024x16xf32, #tpu.memory_space<vmem>>) dst(%dma_wait3A_287 : memref<1024x16xf32, #tpu.memory_space<vmem_shared>>)
      } else {
      }
      %add3A_226 = arith.constant 1 : i32
      %add3A_227 = arith.addi %add3A_196, %add3A_226 : i32
      %lt3A = arith.constant 98 : i32
      %lt3A_228 = arith.cmpi slt, %add3A_227, %lt3A : i32
      %convert_element_type3A_229 = arith.extui %lt3A_228 : i1 to i32
      %cond3A_230 = arith.constant 0 : i32
      %cond3A_231 = arith.cmpi ne, %convert_element_type3A_229, %cond3A_230 : i32
      scf.if %cond3A_231 {
        %dma_wait3A_274 = arith.constant 0 : i32
        %dma_wait3A_275 = arith.constant 0 : i32
        %dma_wait3A_276 = arith.constant 0 : i32
        %dma_wait3A_277 = tpu.memref_slice %arg8[%and3A_207, %dma_wait3A_275, %dma_wait3A_276] : memref<4x2x512xi32, #tpu.memory_space<vmem>> -> memref<1x2x512xi32, #tpu.memory_space<vmem>>
        %dma_wait3A_278 = tpu.memref_squeeze %dma_wait3A_277 : memref<1x2x512xi32, #tpu.memory_space<vmem>> -> memref<2x512xi32, #tpu.memory_space<vmem>>
        %dma_wait3A_279 = arith.constant 0 : i32
        %dma_wait3A_280 = arith.constant 0 : i32
        %dma_wait3A_281 = tpu.memref_slice %arg3[%arg0, %arg1, %dma_wait3A_274, %dma_wait3A_279, %dma_wait3A_280] : memref<2x16x98x2x512xi32, #tpu.memory_space<hbm>> -> memref<1x1x1x2x512xi32, #tpu.memory_space<hbm>>
        %dma_wait3A_282 = tpu.memref_squeeze %dma_wait3A_281 : memref<1x1x1x2x512xi32, #tpu.memory_space<hbm>> -> memref<2x512xi32, #tpu.memory_space<hbm>>
        %dma_wait3A_283 = arith.constant 0 : i32
        %dma_wait3A_284 = arith.constant 0 : i32
        %dma_wait3A_285 = tpu.memref_slice %arg8[%and3A_207, %dma_wait3A_283, %dma_wait3A_284] : memref<4x2x512xi32, #tpu.memory_space<vmem>> -> memref<1x2x512xi32, #tpu.memory_space<vmem>>
        %dma_wait3A_286 = tpu.memref_squeeze %dma_wait3A_285 : memref<1x2x512xi32, #tpu.memory_space<vmem>> -> memref<2x512xi32, #tpu.memory_space<vmem>>
        %dma_wait3A_287 = arith.constant 0 : i32
        %dma_wait3A_288 = arith.constant 0 : i32
        %dma_wait3A_289 = tpu.memref_slice %arg3[%arg0, %arg1, %dma_wait3A_274, %dma_wait3A_287, %dma_wait3A_288] : memref<2x16x98x2x512xi32, #tpu.memory_space<hbm>> -> memref<1x1x1x2x512xi32, #tpu.memory_space<hbm>>
        %dma_wait3A_290 = tpu.memref_squeeze %dma_wait3A_289 : memref<1x1x1x2x512xi32, #tpu.memory_space<hbm>> -> memref<2x512xi32, #tpu.memory_space<hbm>>
        tpu.wait_dma2 semaphore(%arg13 : memref<!tpu.dma_semaphore, #tpu.memory_space<semaphore_mem>>) src(%dma_wait3A_290 : memref<2x512xi32, #tpu.memory_space<hbm>>) dst(%dma_wait3A_286 : memref<2x512xi32, #tpu.memory_space<vmem>>)
        %dma_wait3A_291 = arith.constant 0 : i32
        %dma_wait3A_292 = arith.constant 0 : i32
        %dma_wait3A_293 = arith.constant 0 : i32
        %dma_wait3A_294 = tpu.memref_slice %arg9[%and3A_207, %dma_wait3A_292, %dma_wait3A_293] : memref<4x2x512xi32, #tpu.memory_space<vmem>> -> memref<1x2x512xi32, #tpu.memory_space<vmem>>
        %dma_wait3A_295 = tpu.memref_squeeze %dma_wait3A_294 : memref<1x2x512xi32, #tpu.memory_space<vmem>> -> memref<2x512xi32, #tpu.memory_space<vmem>>
        %dma_wait3A_296 = arith.constant 0 : i32
        %dma_wait3A_297 = arith.constant 0 : i32
        %dma_wait3A_298 = tpu.memref_slice %arg4[%arg1, %dma_wait3A_291, %dma_wait3A_296, %dma_wait3A_297] : memref<16x98x2x512xi32, #tpu.memory_space<hbm>> -> memref<1x1x2x512xi32, #tpu.memory_space<hbm>>
        %dma_wait3A_299 = tpu.memref_squeeze %dma_wait3A_298 : memref<1x1x2x512xi32, #tpu.memory_space<hbm>> -> memref<2x512xi32, #tpu.memory_space<hbm>>
        %dma_wait3A_300 = arith.constant 0 : i32
        %dma_wait3A_301 = arith.constant 0 : i32
        %dma_wait3A_302 = tpu.memref_slice %arg9[%and3A_207, %dma_wait3A_300, %dma_wait3A_301] : memref<4x2x512xi32, #tpu.memory_space<vmem>> -> memref<1x2x512xi32, #tpu.memory_space<vmem>>
        %dma_wait3A_303 = tpu.memref_squeeze %dma_wait3A_302 : memref<1x2x512xi32, #tpu.memory_space<vmem>> -> memref<2x512xi32, #tpu.memory_space<vmem>>
        %dma_wait3A_304 = arith.constant 0 : i32
        %dma_wait3A_305 = arith.constant 0 : i32
        %dma_wait3A_306 = tpu.memref_slice %arg4[%arg1, %dma_wait3A_291, %dma_wait3A_304, %dma_wait3A_305] : memref<16x98x2x512xi32, #tpu.memory_space<hbm>> -> memref<1x1x2x512xi32, #tpu.memory_space<hbm>>
        %dma_wait3A_307 = tpu.memref_squeeze %dma_wait3A_306 : memref<1x1x2x512xi32, #tpu.memory_space<hbm>> -> memref<2x512xi32, #tpu.memory_space<hbm>>
        tpu.wait_dma2 semaphore(%arg13 : memref<!tpu.dma_semaphore, #tpu.memory_space<semaphore_mem>>) src(%dma_wait3A_307 : memref<2x512xi32, #tpu.memory_space<hbm>>) dst(%dma_wait3A_303 : memref<2x512xi32, #tpu.memory_space<vmem>>)
        %mul3A_308 = arith.constant 1024 : i32
        %mul3A_309 = arith.muli %and3A_207, %mul3A_308 : i32
        %dma_wait3A_310 = tpu.memref_slice %arg10[%mul3A_309] : memref<4096xf32, #tpu.memory_space<vmem>> -> memref<1024xf32, #tpu.memory_space<vmem>>
        %dma_wait3A_311 = arith.constant 0 : i32
        %dma_wait3A_312 = tpu.memref_slice %arg5[%arg1, %dma_wait3A_311] : memref<16x100352xf32, #tpu.memory_space<hbm>> -> memref<1x1024xf32, #tpu.memory_space<hbm>>
        %dma_wait3A_313 = tpu.memref_squeeze %dma_wait3A_312 : memref<1x1024xf32, #tpu.memory_space<hbm>> -> memref<1024xf32, #tpu.memory_space<hbm>>
        %dma_wait3A_314 = tpu.memref_slice %arg10[%mul3A_309] : memref<4096xf32, #tpu.memory_space<vmem>> -> memref<1024xf32, #tpu.memory_space<vmem>>
        %dma_wait3A_315 = arith.constant 0 : i32
        %dma_wait3A_316 = tpu.memref_slice %arg5[%arg1, %dma_wait3A_315] : memref<16x100352xf32, #tpu.memory_space<hbm>> -> memref<1x1024xf32, #tpu.memory_space<hbm>>
        %dma_wait3A_317 = tpu.memref_squeeze %dma_wait3A_316 : memref<1x1024xf32, #tpu.memory_space<hbm>> -> memref<1024xf32, #tpu.memory_space<hbm>>
        tpu.wait_dma2 semaphore(%arg13 : memref<!tpu.dma_semaphore, #tpu.memory_space<semaphore_mem>>) src(%dma_wait3A_317 : memref<1024xf32, #tpu.memory_space<hbm>>) dst(%dma_wait3A_314 : memref<1024xf32, #tpu.memory_space<vmem>>)
        %mul3A_318 = arith.constant 1024 : i32
        %mul3A_319 = arith.muli %rem3A_202, %mul3A_318 : i32
        %add3A_320 = arith.constant 0 : i32
        %add3A_321 = arith.addi %mul3A_319, %add3A_320 : i32
        %dma_start3A_322 = arith.constant 0 : i32
        %dma_start3A_323 = arith.constant 0 : i32
        %dma_start3A_324 = tpu.memref_slice %arg11[%add3A_321, %dma_start3A_323] : memref<3072x16xf32, #tpu.memory_space<vmem>> -> memref<512x16xf32, #tpu.memory_space<vmem>>
        %dma_start3A_325 = arith.constant 0 : i32
        %dma_start3A_326 = tpu.memref_slice %arg8[%and3A_207, %dma_start3A_322, %dma_start3A_325] : memref<4x2x512xi32, #tpu.memory_space<vmem>> -> memref<1x1x512xi32, #tpu.memory_space<vmem>>
        %dma_start3A_327 = tpu.memref_squeeze %dma_start3A_326 : memref<1x1x512xi32, #tpu.memory_space<vmem>> -> memref<512xi32, #tpu.memory_space<vmem>>
        %dma_start3A_328 = arith.constant 0 : i32
        %dma_start3A_329 = arith.constant 0 : i32
        %dma_start3A_330 = tpu.memref_slice %arg2[%dma_start3A_328, %dma_start3A_329] : memref<102400x16xf32, #tpu.memory_space<hbm>> -> memref<102400x16xf32, #tpu.memory_space<hbm>>
        tpu.enqueue_indirect_dma source(%dma_start3A_330 : memref<102400x16xf32, #tpu.memory_space<hbm>>) target(%dma_start3A_324 : memref<512x16xf32, #tpu.memory_space<vmem>>) offsets(%dma_start3A_327 : memref<512xi32, #tpu.memory_space<vmem>>) semaphore(%arg14 : memref<!tpu.dma_semaphore, #tpu.memory_space<semaphore_mem>>)
        %mul3A_331 = arith.constant 1024 : i32
        %mul3A_332 = arith.muli %rem3A_202, %mul3A_331 : i32
        %add3A_333 = arith.constant 512 : i32
        %add3A_334 = arith.addi %mul3A_332, %add3A_333 : i32
        %dma_start3A_335 = arith.constant 1 : i32
        %dma_start3A_336 = arith.constant 0 : i32
        %dma_start3A_337 = tpu.memref_slice %arg11[%add3A_334, %dma_start3A_336] : memref<3072x16xf32, #tpu.memory_space<vmem>> -> memref<512x16xf32, #tpu.memory_space<vmem>>
        %dma_start3A_338 = arith.constant 0 : i32
        %dma_start3A_339 = tpu.memref_slice %arg8[%and3A_207, %dma_start3A_335, %dma_start3A_338] : memref<4x2x512xi32, #tpu.memory_space<vmem>> -> memref<1x1x512xi32, #tpu.memory_space<vmem>>
        %dma_start3A_340 = tpu.memref_squeeze %dma_start3A_339 : memref<1x1x512xi32, #tpu.memory_space<vmem>> -> memref<512xi32, #tpu.memory_space<vmem>>
        %dma_start3A_341 = arith.constant 0 : i32
        %dma_start3A_342 = arith.constant 0 : i32
        %dma_start3A_343 = tpu.memref_slice %arg2[%dma_start3A_341, %dma_start3A_342] : memref<102400x16xf32, #tpu.memory_space<hbm>> -> memref<102400x16xf32, #tpu.memory_space<hbm>>
        tpu.enqueue_indirect_dma source(%dma_start3A_343 : memref<102400x16xf32, #tpu.memory_space<hbm>>) target(%dma_start3A_337 : memref<512x16xf32, #tpu.memory_space<vmem>>) offsets(%dma_start3A_340 : memref<512xi32, #tpu.memory_space<vmem>>) semaphore(%arg14 : memref<!tpu.dma_semaphore, #tpu.memory_space<semaphore_mem>>)
      } else {
      }
      %add3A_232 = arith.constant 2 : i32
      %add3A_233 = arith.addi %add3A_196, %add3A_232 : i32
      %lt3A_234 = arith.constant 98 : i32
      %lt3A_235 = arith.cmpi slt, %add3A_233, %lt3A_234 : i32
      %convert_element_type3A_236 = arith.extui %lt3A_235 : i1 to i32
      %cond3A_237 = arith.constant 0 : i32
      %cond3A_238 = arith.cmpi ne, %convert_element_type3A_236, %cond3A_237 : i32
      scf.if %cond3A_238 {
        %add3A_274 = arith.constant 2 : i32
        %add3A_275 = arith.addi %add3A_196, %add3A_274 : i32
        %dma_start3A_276 = arith.constant 0 : i32
        %dma_start3A_277 = arith.constant 0 : i32
        %dma_start3A_278 = tpu.memref_slice %arg8[%and3A_211, %dma_start3A_276, %dma_start3A_277] : memref<4x2x512xi32, #tpu.memory_space<vmem>> -> memref<1x2x512xi32, #tpu.memory_space<vmem>>
        %dma_start3A_279 = tpu.memref_squeeze %dma_start3A_278 : memref<1x2x512xi32, #tpu.memory_space<vmem>> -> memref<2x512xi32, #tpu.memory_space<vmem>>
        %dma_start3A_280 = arith.constant 0 : i32
        %dma_start3A_281 = arith.constant 0 : i32
        %dma_start3A_282 = tpu.memref_slice %arg3[%arg0, %arg1, %add3A_275, %dma_start3A_280, %dma_start3A_281] : memref<2x16x98x2x512xi32, #tpu.memory_space<hbm>> -> memref<1x1x1x2x512xi32, #tpu.memory_space<hbm>>
        %dma_start3A_283 = tpu.memref_squeeze %dma_start3A_282 : memref<1x1x1x2x512xi32, #tpu.memory_space<hbm>> -> memref<2x512xi32, #tpu.memory_space<hbm>>
        %dma_start3A_284 = arith.constant 0 : i32
        %dma_start3A_285 = arith.constant 0 : i32
        %dma_start3A_286 = tpu.memref_slice %arg8[%and3A_211, %dma_start3A_284, %dma_start3A_285] : memref<4x2x512xi32, #tpu.memory_space<vmem>> -> memref<1x2x512xi32, #tpu.memory_space<vmem>>
        %dma_start3A_287 = tpu.memref_squeeze %dma_start3A_286 : memref<1x2x512xi32, #tpu.memory_space<vmem>> -> memref<2x512xi32, #tpu.memory_space<vmem>>
        %dma_start3A_288 = arith.constant 0 : i32
        %dma_start3A_289 = arith.constant 0 : i32
        %dma_start3A_290 = tpu.memref_slice %arg3[%arg0, %arg1, %add3A_275, %dma_start3A_288, %dma_start3A_289] : memref<2x16x98x2x512xi32, #tpu.memory_space<hbm>> -> memref<1x1x1x2x512xi32, #tpu.memory_space<hbm>>
        %dma_start3A_291 = tpu.memref_squeeze %dma_start3A_290 : memref<1x1x1x2x512xi32, #tpu.memory_space<hbm>> -> memref<2x512xi32, #tpu.memory_space<hbm>>
        tpu.enqueue_dma source(%dma_start3A_291 : memref<2x512xi32, #tpu.memory_space<hbm>>) target(%dma_start3A_287 : memref<2x512xi32, #tpu.memory_space<vmem>>) target_semaphore(%arg13 : memref<!tpu.dma_semaphore, #tpu.memory_space<semaphore_mem>>)
        %dma_start3A_292 = arith.constant 0 : i32
        %dma_start3A_293 = arith.constant 0 : i32
        %dma_start3A_294 = tpu.memref_slice %arg9[%and3A_211, %dma_start3A_292, %dma_start3A_293] : memref<4x2x512xi32, #tpu.memory_space<vmem>> -> memref<1x2x512xi32, #tpu.memory_space<vmem>>
        %dma_start3A_295 = tpu.memref_squeeze %dma_start3A_294 : memref<1x2x512xi32, #tpu.memory_space<vmem>> -> memref<2x512xi32, #tpu.memory_space<vmem>>
        %dma_start3A_296 = arith.constant 0 : i32
        %dma_start3A_297 = arith.constant 0 : i32
        %dma_start3A_298 = tpu.memref_slice %arg4[%arg1, %add3A_275, %dma_start3A_296, %dma_start3A_297] : memref<16x98x2x512xi32, #tpu.memory_space<hbm>> -> memref<1x1x2x512xi32, #tpu.memory_space<hbm>>
        %dma_start3A_299 = tpu.memref_squeeze %dma_start3A_298 : memref<1x1x2x512xi32, #tpu.memory_space<hbm>> -> memref<2x512xi32, #tpu.memory_space<hbm>>
        %dma_start3A_300 = arith.constant 0 : i32
        %dma_start3A_301 = arith.constant 0 : i32
        %dma_start3A_302 = tpu.memref_slice %arg9[%and3A_211, %dma_start3A_300, %dma_start3A_301] : memref<4x2x512xi32, #tpu.memory_space<vmem>> -> memref<1x2x512xi32, #tpu.memory_space<vmem>>
        %dma_start3A_303 = tpu.memref_squeeze %dma_start3A_302 : memref<1x2x512xi32, #tpu.memory_space<vmem>> -> memref<2x512xi32, #tpu.memory_space<vmem>>
        %dma_start3A_304 = arith.constant 0 : i32
        %dma_start3A_305 = arith.constant 0 : i32
        %dma_start3A_306 = tpu.memref_slice %arg4[%arg1, %add3A_275, %dma_start3A_304, %dma_start3A_305] : memref<16x98x2x512xi32, #tpu.memory_space<hbm>> -> memref<1x1x2x512xi32, #tpu.memory_space<hbm>>
        %dma_start3A_307 = tpu.memref_squeeze %dma_start3A_306 : memref<1x1x2x512xi32, #tpu.memory_space<hbm>> -> memref<2x512xi32, #tpu.memory_space<hbm>>
        tpu.enqueue_dma source(%dma_start3A_307 : memref<2x512xi32, #tpu.memory_space<hbm>>) target(%dma_start3A_303 : memref<2x512xi32, #tpu.memory_space<vmem>>) target_semaphore(%arg13 : memref<!tpu.dma_semaphore, #tpu.memory_space<semaphore_mem>>)
        %mul3A_308 = arith.constant 1024 : i32
        %mul3A_309 = arith.muli %add3A_275, %mul3A_308 : i32
        %mul3A_310 = arith.constant 1024 : i32
        %mul3A_311 = arith.muli %and3A_211, %mul3A_310 : i32
        %dma_start3A_312 = tpu.memref_slice %arg10[%mul3A_311] : memref<4096xf32, #tpu.memory_space<vmem>> -> memref<1024xf32, #tpu.memory_space<vmem>>
        %dma_start3A_313 = tpu.memref_slice %arg5[%arg1, %mul3A_309] : memref<16x100352xf32, #tpu.memory_space<hbm>> -> memref<1x1024xf32, #tpu.memory_space<hbm>>
        %dma_start3A_314 = tpu.memref_squeeze %dma_start3A_313 : memref<1x1024xf32, #tpu.memory_space<hbm>> -> memref<1024xf32, #tpu.memory_space<hbm>>
        %dma_start3A_315 = tpu.memref_slice %arg10[%mul3A_311] : memref<4096xf32, #tpu.memory_space<vmem>> -> memref<1024xf32, #tpu.memory_space<vmem>>
        %dma_start3A_316 = tpu.memref_slice %arg5[%arg1, %mul3A_309] : memref<16x100352xf32, #tpu.memory_space<hbm>> -> memref<1x1024xf32, #tpu.memory_space<hbm>>
        %dma_start3A_317 = tpu.memref_squeeze %dma_start3A_316 : memref<1x1024xf32, #tpu.memory_space<hbm>> -> memref<1024xf32, #tpu.memory_space<hbm>>
        tpu.enqueue_dma source(%dma_start3A_317 : memref<1024xf32, #tpu.memory_space<hbm>>) target(%dma_start3A_315 : memref<1024xf32, #tpu.memory_space<vmem>>) target_semaphore(%arg13 : memref<!tpu.dma_semaphore, #tpu.memory_space<semaphore_mem>>)
      } else {
      }
      %mul3A_239 = arith.constant 1024 : i32
      %mul3A_240 = arith.muli %rem3A_198, %mul3A_239 : i32
      %mul3A_241 = arith.constant 1024 : i32
      %mul3A_242 = arith.muli %and3A_203, %mul3A_241 : i32
      %scan3A_243 = arith.constant 0 : i32
      %scan3A_244 = arith.constant 64 : i32
      %scan3A_245 = arith.addi %scan3A_243, %scan3A_244 : i32
      %scan3A_246 = arith.constant 2 : i32
      scf.for %scan3A_274 = %scan3A_243 to %scan3A_245 step %scan3A_246  : i32 {
        %mul3A_275 = arith.constant 1 : i32
        %mul3A_276 = arith.muli %scan3A_274, %mul3A_275 : i32
        %add3A_277 = arith.constant 0 : i32
        %add3A_278 = arith.addi %add3A_277, %mul3A_276 : i32
        %mul3A_279 = arith.constant 16 : i32
        %mul3A_280 = arith.muli %add3A_278, %mul3A_279 : i32
        %add3A_281 = arith.addi %mul3A_242, %mul3A_280 : i32
        %get3A = arith.index_cast %add3A_281 : i32 to index
        %get3A_282 = tpu.vector_load %arg10[%get3A] {strides = array<i32>} : memref<4096xf32, #tpu.memory_space<vmem>>, vector<16xf32>,
        %get3A_283 = vector.shape_cast %get3A_282 : vector<16xf32> to vector<16xf32>
        %mul3A_284 = arith.constant 16 : i32
        %mul3A_285 = arith.muli %add3A_278, %mul3A_284 : i32
        %add3A_286 = arith.addi %mul3A_240, %mul3A_285 : i32
        %add3A_287 = arith.constant 0 : i32
        %add3A_288 = arith.addi %add3A_286, %add3A_287 : i32
        %broadcast_in_dim3A = arith.constant 0 : i32
        %broadcast_in_dim3A_289 = vector.broadcast %broadcast_in_dim3A : i32 to vector<16xi32>
        %lt3A_290 = arith.constant 0 : i32
        %lt3A_291 = vector.broadcast %lt3A_290 : i32 to vector<16xi32>
        %lt3A_292 = arith.cmpi slt, %broadcast_in_dim3A_289, %lt3A_291 : vector<16xi32>
        %add3A_293 = arith.constant 16 : i32
        %add3A_294 = vector.broadcast %add3A_293 : i32 to vector<16xi32>
        %add3A_295 = arith.addi %broadcast_in_dim3A_289, %add3A_294 : vector<16xi32>
        %select_n3A = arith.select %lt3A_292, %add3A_295, %broadcast_in_dim3A_289 : vector<16xi1>, vector<16xi32>
        %broadcast_in_dim3A_296 = vector.shape_cast %select_n3A : vector<16xi32> to vector<16x1xi32>
        %gather3A = vector.shape_cast %broadcast_in_dim3A_296 : vector<16x1xi32> to vector<16xi32>
        %gather3A_297 = tpu.dynamic_gather %get3A_283[%gather3A] in [0] : vector<16xf32>, vector<16xi32> -> vector<16xf32>
        %get3A_298 = arith.index_cast %add3A_288 : i32 to index
        %get3A_299 = arith.constant 0 : index
        %get3A_300 = tpu.vector_load %arg11[%get3A_298, %get3A_299] {strides = array<i32>} : memref<3072x16xf32, #tpu.memory_space<vmem>>, vector<1x16xf32>,
        %get3A_301 = vector.shape_cast %get3A_300 : vector<1x16xf32> to vector<16xf32>
        %mul3A_302 = arith.mulf %get3A_301, %gather3A_297 : vector<16xf32>
        %swap3A = arith.index_cast %add3A_288 : i32 to index
        %swap3A_303 = arith.constant 0 : index
        %swap3A_304 = tpu.vector_load %arg11[%swap3A, %swap3A_303] {strides = array<i32>} : memref<3072x16xf32, #tpu.memory_space<vmem>>, vector<1x16xf32>,
        %swap3A_305 = vector.shape_cast %swap3A_304 : vector<1x16xf32> to vector<16xf32>
        %swap3A_306 = vector.shape_cast %mul3A_302 : vector<16xf32> to vector<1x16xf32>
        tpu.vector_store %arg11[%swap3A, %swap3A_303], %swap3A_306 {strides = array<i32>} : memref<3072x16xf32, #tpu.memory_space<vmem>>, vector<1x16xf32>,
        %mul3A_307 = arith.constant 16 : i32
        %mul3A_308 = arith.muli %add3A_278, %mul3A_307 : i32
        %add3A_309 = arith.addi %mul3A_240, %mul3A_308 : i32
        %add3A_310 = arith.constant 1 : i32
        %add3A_311 = arith.addi %add3A_309, %add3A_310 : i32
        %broadcast_in_dim3A_312 = arith.constant 1 : i32
        %broadcast_in_dim3A_313 = vector.broadcast %broadcast_in_dim3A_312 : i32 to vector<16xi32>
        %lt3A_314 = arith.constant 0 : i32
        %lt3A_315 = vector.broadcast %lt3A_314 : i32 to vector<16xi32>
        %lt3A_316 = arith.cmpi slt, %broadcast_in_dim3A_313, %lt3A_315 : vector<16xi32>
        %add3A_317 = arith.constant 16 : i32
        %add3A_318 = vector.broadcast %add3A_317 : i32 to vector<16xi32>
        %add3A_319 = arith.addi %broadcast_in_dim3A_313, %add3A_318 : vector<16xi32>
        %select_n3A_320 = arith.select %lt3A_316, %add3A_319, %broadcast_in_dim3A_313 : vector<16xi1>, vector<16xi32>
        %broadcast_in_dim3A_321 = vector.shape_cast %select_n3A_320 : vector<16xi32> to vector<16x1xi32>
        %gather3A_322 = vector.shape_cast %broadcast_in_dim3A_321 : vector<16x1xi32> to vector<16xi32>
        %gather3A_323 = tpu.dynamic_gather %get3A_283[%gather3A_322] in [0] : vector<16xf32>, vector<16xi32> -> vector<16xf32>
        %get3A_324 = arith.index_cast %add3A_311 : i32 to index
        %get3A_325 = arith.constant 0 : index
        %get3A_326 = tpu.vector_load %arg11[%get3A_324, %get3A_325] {strides = array<i32>} : memref<3072x16xf32, #tpu.memory_space<vmem>>, vector<1x16xf32>,
        %get3A_327 = vector.shape_cast %get3A_326 : vector<1x16xf32> to vector<16xf32>
        %mul3A_328 = arith.mulf %get3A_327, %gather3A_323 : vector<16xf32>
        %swap3A_329 = arith.index_cast %add3A_311 : i32 to index
        %swap3A_330 = arith.constant 0 : index
        %swap3A_331 = tpu.vector_load %arg11[%swap3A_329, %swap3A_330] {strides = array<i32>} : memref<3072x16xf32, #tpu.memory_space<vmem>>, vector<1x16xf32>,
        %swap3A_332 = vector.shape_cast %swap3A_331 : vector<1x16xf32> to vector<16xf32>
        %swap3A_333 = vector.shape_cast %mul3A_328 : vector<16xf32> to vector<1x16xf32>
        tpu.vector_store %arg11[%swap3A_329, %swap3A_330], %swap3A_333 {strides = array<i32>} : memref<3072x16xf32, #tpu.memory_space<vmem>>, vector<1x16xf32>,
        %mul3A_334 = arith.constant 16 : i32
        %mul3A_335 = arith.muli %add3A_278, %mul3A_334 : i32
        %add3A_336 = arith.addi %mul3A_240, %mul3A_335 : i32
        %add3A_337 = arith.constant 2 : i32
        %add3A_338 = arith.addi %add3A_336, %add3A_337 : i32
        %broadcast_in_dim3A_339 = arith.constant 2 : i32
        %broadcast_in_dim3A_340 = vector.broadcast %broadcast_in_dim3A_339 : i32 to vector<16xi32>
        %lt3A_341 = arith.constant 0 : i32
        %lt3A_342 = vector.broadcast %lt3A_341 : i32 to vector<16xi32>
        %lt3A_343 = arith.cmpi slt, %broadcast_in_dim3A_340, %lt3A_342 : vector<16xi32>
        %add3A_344 = arith.constant 16 : i32
        %add3A_345 = vector.broadcast %add3A_344 : i32 to vector<16xi32>
        %add3A_346 = arith.addi %broadcast_in_dim3A_340, %add3A_345 : vector<16xi32>
        %select_n3A_347 = arith.select %lt3A_343, %add3A_346, %broadcast_in_dim3A_340 : vector<16xi1>, vector<16xi32>
        %broadcast_in_dim3A_348 = vector.shape_cast %select_n3A_347 : vector<16xi32> to vector<16x1xi32>
        %gather3A_349 = vector.shape_cast %broadcast_in_dim3A_348 : vector<16x1xi32> to vector<16xi32>
        %gather3A_350 = tpu.dynamic_gather %get3A_283[%gather3A_349] in [0] : vector<16xf32>, vector<16xi32> -> vector<16xf32>
        %get3A_351 = arith.index_cast %add3A_338 : i32 to index
        %get3A_352 = arith.constant 0 : index
        %get3A_353 = tpu.vector_load %arg11[%get3A_351, %get3A_352] {strides = array<i32>} : memref<3072x16xf32, #tpu.memory_space<vmem>>, vector<1x16xf32>,
        %get3A_354 = vector.shape_cast %get3A_353 : vector<1x16xf32> to vector<16xf32>
        %mul3A_355 = arith.mulf %get3A_354, %gather3A_350 : vector<16xf32>
        %swap3A_356 = arith.index_cast %add3A_338 : i32 to index
        %swap3A_357 = arith.constant 0 : index
        %swap3A_358 = tpu.vector_load %arg11[%swap3A_356, %swap3A_357] {strides = array<i32>} : memref<3072x16xf32, #tpu.memory_space<vmem>>, vector<1x16xf32>,
        %swap3A_359 = vector.shape_cast %swap3A_358 : vector<1x16xf32> to vector<16xf32>
        %swap3A_360 = vector.shape_cast %mul3A_355 : vector<16xf32> to vector<1x16xf32>
        tpu.vector_store %arg11[%swap3A_356, %swap3A_357], %swap3A_360 {strides = array<i32>} : memref<3072x16xf32, #tpu.memory_space<vmem>>, vector<1x16xf32>,
        %mul3A_361 = arith.constant 16 : i32
        %mul3A_362 = arith.muli %add3A_278, %mul3A_361 : i32
        %add3A_363 = arith.addi %mul3A_240, %mul3A_362 : i32
        %add3A_364 = arith.constant 3 : i32
        %add3A_365 = arith.addi %add3A_363, %add3A_364 : i32
        %broadcast_in_dim3A_366 = arith.constant 3 : i32
        %broadcast_in_dim3A_367 = vector.broadcast %broadcast_in_dim3A_366 : i32 to vector<16xi32>
        %lt3A_368 = arith.constant 0 : i32
        %lt3A_369 = vector.broadcast %lt3A_368 : i32 to vector<16xi32>
        %lt3A_370 = arith.cmpi slt, %broadcast_in_dim3A_367, %lt3A_369 : vector<16xi32>
        %add3A_371 = arith.constant 16 : i32
        %add3A_372 = vector.broadcast %add3A_371 : i32 to vector<16xi32>
        %add3A_373 = arith.addi %broadcast_in_dim3A_367, %add3A_372 : vector<16xi32>
        %select_n3A_374 = arith.select %lt3A_370, %add3A_373, %broadcast_in_dim3A_367 : vector<16xi1>, vector<16xi32>
        %broadcast_in_dim3A_375 = vector.shape_cast %select_n3A_374 : vector<16xi32> to vector<16x1xi32>
        %gather3A_376 = vector.shape_cast %broadcast_in_dim3A_375 : vector<16x1xi32> to vector<16xi32>
        %gather3A_377 = tpu.dynamic_gather %get3A_283[%gather3A_376] in [0] : vector<16xf32>, vector<16xi32> -> vector<16xf32>
        %get3A_378 = arith.index_cast %add3A_365 : i32 to index
        %get3A_379 = arith.constant 0 : index
        %get3A_380 = tpu.vector_load %arg11[%get3A_378, %get3A_379] {strides = array<i32>} : memref<3072x16xf32, #tpu.memory_space<vmem>>, vector<1x16xf32>,
        %get3A_381 = vector.shape_cast %get3A_380 : vector<1x16xf32> to vector<16xf32>
        %mul3A_382 = arith.mulf %get3A_381, %gather3A_377 : vector<16xf32>
        %swap3A_383 = arith.index_cast %add3A_365 : i32 to index
        %swap3A_384 = arith.constant 0 : index
        %swap3A_385 = tpu.vector_load %arg11[%swap3A_383, %swap3A_384] {strides = array<i32>} : memref<3072x16xf32, #tpu.memory_space<vmem>>, vector<1x16xf32>,
        %swap3A_386 = vector.shape_cast %swap3A_385 : vector<1x16xf32> to vector<16xf32>
        %swap3A_387 = vector.shape_cast %mul3A_382 : vector<16xf32> to vector<1x16xf32>
        tpu.vector_store %arg11[%swap3A_383, %swap3A_384], %swap3A_387 {strides = array<i32>} : memref<3072x16xf32, #tpu.memory_space<vmem>>, vector<1x16xf32>,
        %mul3A_388 = arith.constant 16 : i32
        %mul3A_389 = arith.muli %add3A_278, %mul3A_388 : i32
        %add3A_390 = arith.addi %mul3A_240, %mul3A_389 : i32
        %add3A_391 = arith.constant 4 : i32
        %add3A_392 = arith.addi %add3A_390, %add3A_391 : i32
        %broadcast_in_dim3A_393 = arith.constant 4 : i32
        %broadcast_in_dim3A_394 = vector.broadcast %broadcast_in_dim3A_393 : i32 to vector<16xi32>
        %lt3A_395 = arith.constant 0 : i32
        %lt3A_396 = vector.broadcast %lt3A_395 : i32 to vector<16xi32>
        %lt3A_397 = arith.cmpi slt, %broadcast_in_dim3A_394, %lt3A_396 : vector<16xi32>
        %add3A_398 = arith.constant 16 : i32
        %add3A_399 = vector.broadcast %add3A_398 : i32 to vector<16xi32>
        %add3A_400 = arith.addi %broadcast_in_dim3A_394, %add3A_399 : vector<16xi32>
        %select_n3A_401 = arith.select %lt3A_397, %add3A_400, %broadcast_in_dim3A_394 : vector<16xi1>, vector<16xi32>
        %broadcast_in_dim3A_402 = vector.shape_cast %select_n3A_401 : vector<16xi32> to vector<16x1xi32>
        %gather3A_403 = vector.shape_cast %broadcast_in_dim3A_402 : vector<16x1xi32> to vector<16xi32>
        %gather3A_404 = tpu.dynamic_gather %get3A_283[%gather3A_403] in [0] : vector<16xf32>, vector<16xi32> -> vector<16xf32>
        %get3A_405 = arith.index_cast %add3A_392 : i32 to index
        %get3A_406 = arith.constant 0 : index
        %get3A_407 = tpu.vector_load %arg11[%get3A_405, %get3A_406] {strides = array<i32>} : memref<3072x16xf32, #tpu.memory_space<vmem>>, vector<1x16xf32>,
        %get3A_408 = vector.shape_cast %get3A_407 : vector<1x16xf32> to vector<16xf32>
        %mul3A_409 = arith.mulf %get3A_408, %gather3A_404 : vector<16xf32>
        %swap3A_410 = arith.index_cast %add3A_392 : i32 to index
        %swap3A_411 = arith.constant 0 : index
        %swap3A_412 = tpu.vector_load %arg11[%swap3A_410, %swap3A_411] {strides = array<i32>} : memref<3072x16xf32, #tpu.memory_space<vmem>>, vector<1x16xf32>,
        %swap3A_413 = vector.shape_cast %swap3A_412 : vector<1x16xf32> to vector<16xf32>
        %swap3A_414 = vector.shape_cast %mul3A_409 : vector<16xf32> to vector<1x16xf32>
        tpu.vector_store %arg11[%swap3A_410, %swap3A_411], %swap3A_414 {strides = array<i32>} : memref<3072x16xf32, #tpu.memory_space<vmem>>, vector<1x16xf32>,
        %mul3A_415 = arith.constant 16 : i32
        %mul3A_416 = arith.muli %add3A_278, %mul3A_415 : i32
        %add3A_417 = arith.addi %mul3A_240, %mul3A_416 : i32
        %add3A_418 = arith.constant 5 : i32
        %add3A_419 = arith.addi %add3A_417, %add3A_418 : i32
        %broadcast_in_dim3A_420 = arith.constant 5 : i32
        %broadcast_in_dim3A_421 = vector.broadcast %broadcast_in_dim3A_420 : i32 to vector<16xi32>
        %lt3A_422 = arith.constant 0 : i32
        %lt3A_423 = vector.broadcast %lt3A_422 : i32 to vector<16xi32>
        %lt3A_424 = arith.cmpi slt, %broadcast_in_dim3A_421, %lt3A_423 : vector<16xi32>
        %add3A_425 = arith.constant 16 : i32
        %add3A_426 = vector.broadcast %add3A_425 : i32 to vector<16xi32>
        %add3A_427 = arith.addi %broadcast_in_dim3A_421, %add3A_426 : vector<16xi32>
        %select_n3A_428 = arith.select %lt3A_424, %add3A_427, %broadcast_in_dim3A_421 : vector<16xi1>, vector<16xi32>
        %broadcast_in_dim3A_429 = vector.shape_cast %select_n3A_428 : vector<16xi32> to vector<16x1xi32>
        %gather3A_430 = vector.shape_cast %broadcast_in_dim3A_429 : vector<16x1xi32> to vector<16xi32>
        %gather3A_431 = tpu.dynamic_gather %get3A_283[%gather3A_430] in [0] : vector<16xf32>, vector<16xi32> -> vector<16xf32>
        %get3A_432 = arith.index_cast %add3A_419 : i32 to index
        %get3A_433 = arith.constant 0 : index
        %get3A_434 = tpu.vector_load %arg11[%get3A_432, %get3A_433] {strides = array<i32>} : memref<3072x16xf32, #tpu.memory_space<vmem>>, vector<1x16xf32>,
        %get3A_435 = vector.shape_cast %get3A_434 : vector<1x16xf32> to vector<16xf32>
        %mul3A_436 = arith.mulf %get3A_435, %gather3A_431 : vector<16xf32>
        %swap3A_437 = arith.index_cast %add3A_419 : i32 to index
        %swap3A_438 = arith.constant 0 : index
        %swap3A_439 = tpu.vector_load %arg11[%swap3A_437, %swap3A_438] {strides = array<i32>} : memref<3072x16xf32, #tpu.memory_space<vmem>>, vector<1x16xf32>,
        %swap3A_440 = vector.shape_cast %swap3A_439 : vector<1x16xf32> to vector<16xf32>
        %swap3A_441 = vector.shape_cast %mul3A_436 : vector<16xf32> to vector<1x16xf32>
        tpu.vector_store %arg11[%swap3A_437, %swap3A_438], %swap3A_441 {strides = array<i32>} : memref<3072x16xf32, #tpu.memory_space<vmem>>, vector<1x16xf32>,
        %mul3A_442 = arith.constant 16 : i32
        %mul3A_443 = arith.muli %add3A_278, %mul3A_442 : i32
        %add3A_444 = arith.addi %mul3A_240, %mul3A_443 : i32
        %add3A_445 = arith.constant 6 : i32
        %add3A_446 = arith.addi %add3A_444, %add3A_445 : i32
        %broadcast_in_dim3A_447 = arith.constant 6 : i32
        %broadcast_in_dim3A_448 = vector.broadcast %broadcast_in_dim3A_447 : i32 to vector<16xi32>
        %lt3A_449 = arith.constant 0 : i32
        %lt3A_450 = vector.broadcast %lt3A_449 : i32 to vector<16xi32>
        %lt3A_451 = arith.cmpi slt, %broadcast_in_dim3A_448, %lt3A_450 : vector<16xi32>
        %add3A_452 = arith.constant 16 : i32
        %add3A_453 = vector.broadcast %add3A_452 : i32 to vector<16xi32>
        %add3A_454 = arith.addi %broadcast_in_dim3A_448, %add3A_453 : vector<16xi32>
        %select_n3A_455 = arith.select %lt3A_451, %add3A_454, %broadcast_in_dim3A_448 : vector<16xi1>, vector<16xi32>
        %broadcast_in_dim3A_456 = vector.shape_cast %select_n3A_455 : vector<16xi32> to vector<16x1xi32>
        %gather3A_457 = vector.shape_cast %broadcast_in_dim3A_456 : vector<16x1xi32> to vector<16xi32>
        %gather3A_458 = tpu.dynamic_gather %get3A_283[%gather3A_457] in [0] : vector<16xf32>, vector<16xi32> -> vector<16xf32>
        %get3A_459 = arith.index_cast %add3A_446 : i32 to index
        %get3A_460 = arith.constant 0 : index
        %get3A_461 = tpu.vector_load %arg11[%get3A_459, %get3A_460] {strides = array<i32>} : memref<3072x16xf32, #tpu.memory_space<vmem>>, vector<1x16xf32>,
        %get3A_462 = vector.shape_cast %get3A_461 : vector<1x16xf32> to vector<16xf32>
        %mul3A_463 = arith.mulf %get3A_462, %gather3A_458 : vector<16xf32>
        %swap3A_464 = arith.index_cast %add3A_446 : i32 to index
        %swap3A_465 = arith.constant 0 : index
        %swap3A_466 = tpu.vector_load %arg11[%swap3A_464, %swap3A_465] {strides = array<i32>} : memref<3072x16xf32, #tpu.memory_space<vmem>>, vector<1x16xf32>,
        %swap3A_467 = vector.shape_cast %swap3A_466 : vector<1x16xf32> to vector<16xf32>
        %swap3A_468 = vector.shape_cast %mul3A_463 : vector<16xf32> to vector<1x16xf32>
        tpu.vector_store %arg11[%swap3A_464, %swap3A_465], %swap3A_468 {strides = array<i32>} : memref<3072x16xf32, #tpu.memory_space<vmem>>, vector<1x16xf32>,
        %mul3A_469 = arith.constant 16 : i32
        %mul3A_470 = arith.muli %add3A_278, %mul3A_469 : i32
        %add3A_471 = arith.addi %mul3A_240, %mul3A_470 : i32
        %add3A_472 = arith.constant 7 : i32
        %add3A_473 = arith.addi %add3A_471, %add3A_472 : i32
        %broadcast_in_dim3A_474 = arith.constant 7 : i32
        %broadcast_in_dim3A_475 = vector.broadcast %broadcast_in_dim3A_474 : i32 to vector<16xi32>
        %lt3A_476 = arith.constant 0 : i32
        %lt3A_477 = vector.broadcast %lt3A_476 : i32 to vector<16xi32>
        %lt3A_478 = arith.cmpi slt, %broadcast_in_dim3A_475, %lt3A_477 : vector<16xi32>
        %add3A_479 = arith.constant 16 : i32
        %add3A_480 = vector.broadcast %add3A_479 : i32 to vector<16xi32>
        %add3A_481 = arith.addi %broadcast_in_dim3A_475, %add3A_480 : vector<16xi32>
        %select_n3A_482 = arith.select %lt3A_478, %add3A_481, %broadcast_in_dim3A_475 : vector<16xi1>, vector<16xi32>
        %broadcast_in_dim3A_483 = vector.shape_cast %select_n3A_482 : vector<16xi32> to vector<16x1xi32>
        %gather3A_484 = vector.shape_cast %broadcast_in_dim3A_483 : vector<16x1xi32> to vector<16xi32>
        %gather3A_485 = tpu.dynamic_gather %get3A_283[%gather3A_484] in [0] : vector<16xf32>, vector<16xi32> -> vector<16xf32>
        %get3A_486 = arith.index_cast %add3A_473 : i32 to index
        %get3A_487 = arith.constant 0 : index
        %get3A_488 = tpu.vector_load %arg11[%get3A_486, %get3A_487] {strides = array<i32>} : memref<3072x16xf32, #tpu.memory_space<vmem>>, vector<1x16xf32>,
        %get3A_489 = vector.shape_cast %get3A_488 : vector<1x16xf32> to vector<16xf32>
        %mul3A_490 = arith.mulf %get3A_489, %gather3A_485 : vector<16xf32>
        %swap3A_491 = arith.index_cast %add3A_473 : i32 to index
        %swap3A_492 = arith.constant 0 : index
        %swap3A_493 = tpu.vector_load %arg11[%swap3A_491, %swap3A_492] {strides = array<i32>} : memref<3072x16xf32, #tpu.memory_space<vmem>>, vector<1x16xf32>,
        %swap3A_494 = vector.shape_cast %swap3A_493 : vector<1x16xf32> to vector<16xf32>
        %swap3A_495 = vector.shape_cast %mul3A_490 : vector<16xf32> to vector<1x16xf32>
        tpu.vector_store %arg11[%swap3A_491, %swap3A_492], %swap3A_495 {strides = array<i32>} : memref<3072x16xf32, #tpu.memory_space<vmem>>, vector<1x16xf32>,
        %mul3A_496 = arith.constant 16 : i32
        %mul3A_497 = arith.muli %add3A_278, %mul3A_496 : i32
        %add3A_498 = arith.addi %mul3A_240, %mul3A_497 : i32
        %add3A_499 = arith.constant 8 : i32
        %add3A_500 = arith.addi %add3A_498, %add3A_499 : i32
        %broadcast_in_dim3A_501 = arith.constant 8 : i32
        %broadcast_in_dim3A_502 = vector.broadcast %broadcast_in_dim3A_501 : i32 to vector<16xi32>
        %lt3A_503 = arith.constant 0 : i32
        %lt3A_504 = vector.broadcast %lt3A_503 : i32 to vector<16xi32>
        %lt3A_505 = arith.cmpi slt, %broadcast_in_dim3A_502, %lt3A_504 : vector<16xi32>
        %add3A_506 = arith.constant 16 : i32
        %add3A_507 = vector.broadcast %add3A_506 : i32 to vector<16xi32>
        %add3A_508 = arith.addi %broadcast_in_dim3A_502, %add3A_507 : vector<16xi32>
        %select_n3A_509 = arith.select %lt3A_505, %add3A_508, %broadcast_in_dim3A_502 : vector<16xi1>, vector<16xi32>
        %broadcast_in_dim3A_510 = vector.shape_cast %select_n3A_509 : vector<16xi32> to vector<16x1xi32>
        %gather3A_511 = vector.shape_cast %broadcast_in_dim3A_510 : vector<16x1xi32> to vector<16xi32>
        %gather3A_512 = tpu.dynamic_gather %get3A_283[%gather3A_511] in [0] : vector<16xf32>, vector<16xi32> -> vector<16xf32>
        %get3A_513 = arith.index_cast %add3A_500 : i32 to index
        %get3A_514 = arith.constant 0 : index
        %get3A_515 = tpu.vector_load %arg11[%get3A_513, %get3A_514] {strides = array<i32>} : memref<3072x16xf32, #tpu.memory_space<vmem>>, vector<1x16xf32>,
        %get3A_516 = vector.shape_cast %get3A_515 : vector<1x16xf32> to vector<16xf32>
        %mul3A_517 = arith.mulf %get3A_516, %gather3A_512 : vector<16xf32>
        %swap3A_518 = arith.index_cast %add3A_500 : i32 to index
        %swap3A_519 = arith.constant 0 : index
        %swap3A_520 = tpu.vector_load %arg11[%swap3A_518, %swap3A_519] {strides = array<i32>} : memref<3072x16xf32, #tpu.memory_space<vmem>>, vector<1x16xf32>,
        %swap3A_521 = vector.shape_cast %swap3A_520 : vector<1x16xf32> to vector<16xf32>
        %swap3A_522 = vector.shape_cast %mul3A_517 : vector<16xf32> to vector<1x16xf32>
        tpu.vector_store %arg11[%swap3A_518, %swap3A_519], %swap3A_522 {strides = array<i32>} : memref<3072x16xf32, #tpu.memory_space<vmem>>, vector<1x16xf32>,
        %mul3A_523 = arith.constant 16 : i32
        %mul3A_524 = arith.muli %add3A_278, %mul3A_523 : i32
        %add3A_525 = arith.addi %mul3A_240, %mul3A_524 : i32
        %add3A_526 = arith.constant 9 : i32
        %add3A_527 = arith.addi %add3A_525, %add3A_526 : i32
        %broadcast_in_dim3A_528 = arith.constant 9 : i32
        %broadcast_in_dim3A_529 = vector.broadcast %broadcast_in_dim3A_528 : i32 to vector<16xi32>
        %lt3A_530 = arith.constant 0 : i32
        %lt3A_531 = vector.broadcast %lt3A_530 : i32 to vector<16xi32>
        %lt3A_532 = arith.cmpi slt, %broadcast_in_dim3A_529, %lt3A_531 : vector<16xi32>
        %add3A_533 = arith.constant 16 : i32
        %add3A_534 = vector.broadcast %add3A_533 : i32 to vector<16xi32>
        %add3A_535 = arith.addi %broadcast_in_dim3A_529, %add3A_534 : vector<16xi32>
        %select_n3A_536 = arith.select %lt3A_532, %add3A_535, %broadcast_in_dim3A_529 : vector<16xi1>, vector<16xi32>
        %broadcast_in_dim3A_537 = vector.shape_cast %select_n3A_536 : vector<16xi32> to vector<16x1xi32>
        %gather3A_538 = vector.shape_cast %broadcast_in_dim3A_537 : vector<16x1xi32> to vector<16xi32>
        %gather3A_539 = tpu.dynamic_gather %get3A_283[%gather3A_538] in [0] : vector<16xf32>, vector<16xi32> -> vector<16xf32>
        %get3A_540 = arith.index_cast %add3A_527 : i32 to index
        %get3A_541 = arith.constant 0 : index
        %get3A_542 = tpu.vector_load %arg11[%get3A_540, %get3A_541] {strides = array<i32>} : memref<3072x16xf32, #tpu.memory_space<vmem>>, vector<1x16xf32>,
        %get3A_543 = vector.shape_cast %get3A_542 : vector<1x16xf32> to vector<16xf32>
        %mul3A_544 = arith.mulf %get3A_543, %gather3A_539 : vector<16xf32>
        %swap3A_545 = arith.index_cast %add3A_527 : i32 to index
        %swap3A_546 = arith.constant 0 : index
        %swap3A_547 = tpu.vector_load %arg11[%swap3A_545, %swap3A_546] {strides = array<i32>} : memref<3072x16xf32, #tpu.memory_space<vmem>>, vector<1x16xf32>,
        %swap3A_548 = vector.shape_cast %swap3A_547 : vector<1x16xf32> to vector<16xf32>
        %swap3A_549 = vector.shape_cast %mul3A_544 : vector<16xf32> to vector<1x16xf32>
        tpu.vector_store %arg11[%swap3A_545, %swap3A_546], %swap3A_549 {strides = array<i32>} : memref<3072x16xf32, #tpu.memory_space<vmem>>, vector<1x16xf32>,
        %mul3A_550 = arith.constant 16 : i32
        %mul3A_551 = arith.muli %add3A_278, %mul3A_550 : i32
        %add3A_552 = arith.addi %mul3A_240, %mul3A_551 : i32
        %add3A_553 = arith.constant 10 : i32
        %add3A_554 = arith.addi %add3A_552, %add3A_553 : i32
        %broadcast_in_dim3A_555 = arith.constant 10 : i32
        %broadcast_in_dim3A_556 = vector.broadcast %broadcast_in_dim3A_555 : i32 to vector<16xi32>
        %lt3A_557 = arith.constant 0 : i32
        %lt3A_558 = vector.broadcast %lt3A_557 : i32 to vector<16xi32>
        %lt3A_559 = arith.cmpi slt, %broadcast_in_dim3A_556, %lt3A_558 : vector<16xi32>
        %add3A_560 = arith.constant 16 : i32
        %add3A_561 = vector.broadcast %add3A_560 : i32 to vector<16xi32>
        %add3A_562 = arith.addi %broadcast_in_dim3A_556, %add3A_561 : vector<16xi32>
        %select_n3A_563 = arith.select %lt3A_559, %add3A_562, %broadcast_in_dim3A_556 : vector<16xi1>, vector<16xi32>
        %broadcast_in_dim3A_564 = vector.shape_cast %select_n3A_563 : vector<16xi32> to vector<16x1xi32>
        %gather3A_565 = vector.shape_cast %broadcast_in_dim3A_564 : vector<16x1xi32> to vector<16xi32>
        %gather3A_566 = tpu.dynamic_gather %get3A_283[%gather3A_565] in [0] : vector<16xf32>, vector<16xi32> -> vector<16xf32>
        %get3A_567 = arith.index_cast %add3A_554 : i32 to index
        %get3A_568 = arith.constant 0 : index
        %get3A_569 = tpu.vector_load %arg11[%get3A_567, %get3A_568] {strides = array<i32>} : memref<3072x16xf32, #tpu.memory_space<vmem>>, vector<1x16xf32>,
        %get3A_570 = vector.shape_cast %get3A_569 : vector<1x16xf32> to vector<16xf32>
        %mul3A_571 = arith.mulf %get3A_570, %gather3A_566 : vector<16xf32>
        %swap3A_572 = arith.index_cast %add3A_554 : i32 to index
        %swap3A_573 = arith.constant 0 : index
        %swap3A_574 = tpu.vector_load %arg11[%swap3A_572, %swap3A_573] {strides = array<i32>} : memref<3072x16xf32, #tpu.memory_space<vmem>>, vector<1x16xf32>,
        %swap3A_575 = vector.shape_cast %swap3A_574 : vector<1x16xf32> to vector<16xf32>
        %swap3A_576 = vector.shape_cast %mul3A_571 : vector<16xf32> to vector<1x16xf32>
        tpu.vector_store %arg11[%swap3A_572, %swap3A_573], %swap3A_576 {strides = array<i32>} : memref<3072x16xf32, #tpu.memory_space<vmem>>, vector<1x16xf32>,
        %mul3A_577 = arith.constant 16 : i32
        %mul3A_578 = arith.muli %add3A_278, %mul3A_577 : i32
        %add3A_579 = arith.addi %mul3A_240, %mul3A_578 : i32
        %add3A_580 = arith.constant 11 : i32
        %add3A_581 = arith.addi %add3A_579, %add3A_580 : i32
        %broadcast_in_dim3A_582 = arith.constant 11 : i32
        %broadcast_in_dim3A_583 = vector.broadcast %broadcast_in_dim3A_582 : i32 to vector<16xi32>
        %lt3A_584 = arith.constant 0 : i32
        %lt3A_585 = vector.broadcast %lt3A_584 : i32 to vector<16xi32>
        %lt3A_586 = arith.cmpi slt, %broadcast_in_dim3A_583, %lt3A_585 : vector<16xi32>
        %add3A_587 = arith.constant 16 : i32
        %add3A_588 = vector.broadcast %add3A_587 : i32 to vector<16xi32>
        %add3A_589 = arith.addi %broadcast_in_dim3A_583, %add3A_588 : vector<16xi32>
        %select_n3A_590 = arith.select %lt3A_586, %add3A_589, %broadcast_in_dim3A_583 : vector<16xi1>, vector<16xi32>
        %broadcast_in_dim3A_591 = vector.shape_cast %select_n3A_590 : vector<16xi32> to vector<16x1xi32>
        %gather3A_592 = vector.shape_cast %broadcast_in_dim3A_591 : vector<16x1xi32> to vector<16xi32>
        %gather3A_593 = tpu.dynamic_gather %get3A_283[%gather3A_592] in [0] : vector<16xf32>, vector<16xi32> -> vector<16xf32>
        %get3A_594 = arith.index_cast %add3A_581 : i32 to index
        %get3A_595 = arith.constant 0 : index
        %get3A_596 = tpu.vector_load %arg11[%get3A_594, %get3A_595] {strides = array<i32>} : memref<3072x16xf32, #tpu.memory_space<vmem>>, vector<1x16xf32>,
        %get3A_597 = vector.shape_cast %get3A_596 : vector<1x16xf32> to vector<16xf32>
        %mul3A_598 = arith.mulf %get3A_597, %gather3A_593 : vector<16xf32>
        %swap3A_599 = arith.index_cast %add3A_581 : i32 to index
        %swap3A_600 = arith.constant 0 : index
        %swap3A_601 = tpu.vector_load %arg11[%swap3A_599, %swap3A_600] {strides = array<i32>} : memref<3072x16xf32, #tpu.memory_space<vmem>>, vector<1x16xf32>,
        %swap3A_602 = vector.shape_cast %swap3A_601 : vector<1x16xf32> to vector<16xf32>
        %swap3A_603 = vector.shape_cast %mul3A_598 : vector<16xf32> to vector<1x16xf32>
        tpu.vector_store %arg11[%swap3A_599, %swap3A_600], %swap3A_603 {strides = array<i32>} : memref<3072x16xf32, #tpu.memory_space<vmem>>, vector<1x16xf32>,
        %mul3A_604 = arith.constant 16 : i32
        %mul3A_605 = arith.muli %add3A_278, %mul3A_604 : i32
        %add3A_606 = arith.addi %mul3A_240, %mul3A_605 : i32
        %add3A_607 = arith.constant 12 : i32
        %add3A_608 = arith.addi %add3A_606, %add3A_607 : i32
        %broadcast_in_dim3A_609 = arith.constant 12 : i32
        %broadcast_in_dim3A_610 = vector.broadcast %broadcast_in_dim3A_609 : i32 to vector<16xi32>
        %lt3A_611 = arith.constant 0 : i32
        %lt3A_612 = vector.broadcast %lt3A_611 : i32 to vector<16xi32>
        %lt3A_613 = arith.cmpi slt, %broadcast_in_dim3A_610, %lt3A_612 : vector<16xi32>
        %add3A_614 = arith.constant 16 : i32
        %add3A_615 = vector.broadcast %add3A_614 : i32 to vector<16xi32>
        %add3A_616 = arith.addi %broadcast_in_dim3A_610, %add3A_615 : vector<16xi32>
        %select_n3A_617 = arith.select %lt3A_613, %add3A_616, %broadcast_in_dim3A_610 : vector<16xi1>, vector<16xi32>
        %broadcast_in_dim3A_618 = vector.shape_cast %select_n3A_617 : vector<16xi32> to vector<16x1xi32>
        %gather3A_619 = vector.shape_cast %broadcast_in_dim3A_618 : vector<16x1xi32> to vector<16xi32>
        %gather3A_620 = tpu.dynamic_gather %get3A_283[%gather3A_619] in [0] : vector<16xf32>, vector<16xi32> -> vector<16xf32>
        %get3A_621 = arith.index_cast %add3A_608 : i32 to index
        %get3A_622 = arith.constant 0 : index
        %get3A_623 = tpu.vector_load %arg11[%get3A_621, %get3A_622] {strides = array<i32>} : memref<3072x16xf32, #tpu.memory_space<vmem>>, vector<1x16xf32>,
        %get3A_624 = vector.shape_cast %get3A_623 : vector<1x16xf32> to vector<16xf32>
        %mul3A_625 = arith.mulf %get3A_624, %gather3A_620 : vector<16xf32>
        %swap3A_626 = arith.index_cast %add3A_608 : i32 to index
        %swap3A_627 = arith.constant 0 : index
        %swap3A_628 = tpu.vector_load %arg11[%swap3A_626, %swap3A_627] {strides = array<i32>} : memref<3072x16xf32, #tpu.memory_space<vmem>>, vector<1x16xf32>,
        %swap3A_629 = vector.shape_cast %swap3A_628 : vector<1x16xf32> to vector<16xf32>
        %swap3A_630 = vector.shape_cast %mul3A_625 : vector<16xf32> to vector<1x16xf32>
        tpu.vector_store %arg11[%swap3A_626, %swap3A_627], %swap3A_630 {strides = array<i32>} : memref<3072x16xf32, #tpu.memory_space<vmem>>, vector<1x16xf32>,
        %mul3A_631 = arith.constant 16 : i32
        %mul3A_632 = arith.muli %add3A_278, %mul3A_631 : i32
        %add3A_633 = arith.addi %mul3A_240, %mul3A_632 : i32
        %add3A_634 = arith.constant 13 : i32
        %add3A_635 = arith.addi %add3A_633, %add3A_634 : i32
        %broadcast_in_dim3A_636 = arith.constant 13 : i32
        %broadcast_in_dim3A_637 = vector.broadcast %broadcast_in_dim3A_636 : i32 to vector<16xi32>
        %lt3A_638 = arith.constant 0 : i32
        %lt3A_639 = vector.broadcast %lt3A_638 : i32 to vector<16xi32>
        %lt3A_640 = arith.cmpi slt, %broadcast_in_dim3A_637, %lt3A_639 : vector<16xi32>
        %add3A_641 = arith.constant 16 : i32
        %add3A_642 = vector.broadcast %add3A_641 : i32 to vector<16xi32>
        %add3A_643 = arith.addi %broadcast_in_dim3A_637, %add3A_642 : vector<16xi32>
        %select_n3A_644 = arith.select %lt3A_640, %add3A_643, %broadcast_in_dim3A_637 : vector<16xi1>, vector<16xi32>
        %broadcast_in_dim3A_645 = vector.shape_cast %select_n3A_644 : vector<16xi32> to vector<16x1xi32>
        %gather3A_646 = vector.shape_cast %broadcast_in_dim3A_645 : vector<16x1xi32> to vector<16xi32>
        %gather3A_647 = tpu.dynamic_gather %get3A_283[%gather3A_646] in [0] : vector<16xf32>, vector<16xi32> -> vector<16xf32>
        %get3A_648 = arith.index_cast %add3A_635 : i32 to index
        %get3A_649 = arith.constant 0 : index
        %get3A_650 = tpu.vector_load %arg11[%get3A_648, %get3A_649] {strides = array<i32>} : memref<3072x16xf32, #tpu.memory_space<vmem>>, vector<1x16xf32>,
        %get3A_651 = vector.shape_cast %get3A_650 : vector<1x16xf32> to vector<16xf32>
        %mul3A_652 = arith.mulf %get3A_651, %gather3A_647 : vector<16xf32>
        %swap3A_653 = arith.index_cast %add3A_635 : i32 to index
        %swap3A_654 = arith.constant 0 : index
        %swap3A_655 = tpu.vector_load %arg11[%swap3A_653, %swap3A_654] {strides = array<i32>} : memref<3072x16xf32, #tpu.memory_space<vmem>>, vector<1x16xf32>,
        %swap3A_656 = vector.shape_cast %swap3A_655 : vector<1x16xf32> to vector<16xf32>
        %swap3A_657 = vector.shape_cast %mul3A_652 : vector<16xf32> to vector<1x16xf32>
        tpu.vector_store %arg11[%swap3A_653, %swap3A_654], %swap3A_657 {strides = array<i32>} : memref<3072x16xf32, #tpu.memory_space<vmem>>, vector<1x16xf32>,
        %mul3A_658 = arith.constant 16 : i32
        %mul3A_659 = arith.muli %add3A_278, %mul3A_658 : i32
        %add3A_660 = arith.addi %mul3A_240, %mul3A_659 : i32
        %add3A_661 = arith.constant 14 : i32
        %add3A_662 = arith.addi %add3A_660, %add3A_661 : i32
        %broadcast_in_dim3A_663 = arith.constant 14 : i32
        %broadcast_in_dim3A_664 = vector.broadcast %broadcast_in_dim3A_663 : i32 to vector<16xi32>
        %lt3A_665 = arith.constant 0 : i32
        %lt3A_666 = vector.broadcast %lt3A_665 : i32 to vector<16xi32>
        %lt3A_667 = arith.cmpi slt, %broadcast_in_dim3A_664, %lt3A_666 : vector<16xi32>
        %add3A_668 = arith.constant 16 : i32
        %add3A_669 = vector.broadcast %add3A_668 : i32 to vector<16xi32>
        %add3A_670 = arith.addi %broadcast_in_dim3A_664, %add3A_669 : vector<16xi32>
        %select_n3A_671 = arith.select %lt3A_667, %add3A_670, %broadcast_in_dim3A_664 : vector<16xi1>, vector<16xi32>
        %broadcast_in_dim3A_672 = vector.shape_cast %select_n3A_671 : vector<16xi32> to vector<16x1xi32>
        %gather3A_673 = vector.shape_cast %broadcast_in_dim3A_672 : vector<16x1xi32> to vector<16xi32>
        %gather3A_674 = tpu.dynamic_gather %get3A_283[%gather3A_673] in [0] : vector<16xf32>, vector<16xi32> -> vector<16xf32>
        %get3A_675 = arith.index_cast %add3A_662 : i32 to index
        %get3A_676 = arith.constant 0 : index
        %get3A_677 = tpu.vector_load %arg11[%get3A_675, %get3A_676] {strides = array<i32>} : memref<3072x16xf32, #tpu.memory_space<vmem>>, vector<1x16xf32>,
        %get3A_678 = vector.shape_cast %get3A_677 : vector<1x16xf32> to vector<16xf32>
        %mul3A_679 = arith.mulf %get3A_678, %gather3A_674 : vector<16xf32>
        %swap3A_680 = arith.index_cast %add3A_662 : i32 to index
        %swap3A_681 = arith.constant 0 : index
        %swap3A_682 = tpu.vector_load %arg11[%swap3A_680, %swap3A_681] {strides = array<i32>} : memref<3072x16xf32, #tpu.memory_space<vmem>>, vector<1x16xf32>,
        %swap3A_683 = vector.shape_cast %swap3A_682 : vector<1x16xf32> to vector<16xf32>
        %swap3A_684 = vector.shape_cast %mul3A_679 : vector<16xf32> to vector<1x16xf32>
        tpu.vector_store %arg11[%swap3A_680, %swap3A_681], %swap3A_684 {strides = array<i32>} : memref<3072x16xf32, #tpu.memory_space<vmem>>, vector<1x16xf32>,
        %mul3A_685 = arith.constant 16 : i32
        %mul3A_686 = arith.muli %add3A_278, %mul3A_685 : i32
        %add3A_687 = arith.addi %mul3A_240, %mul3A_686 : i32
        %add3A_688 = arith.constant 15 : i32
        %add3A_689 = arith.addi %add3A_687, %add3A_688 : i32
        %broadcast_in_dim3A_690 = arith.constant 15 : i32
        %broadcast_in_dim3A_691 = vector.broadcast %broadcast_in_dim3A_690 : i32 to vector<16xi32>
        %lt3A_692 = arith.constant 0 : i32
        %lt3A_693 = vector.broadcast %lt3A_692 : i32 to vector<16xi32>
        %lt3A_694 = arith.cmpi slt, %broadcast_in_dim3A_691, %lt3A_693 : vector<16xi32>
        %add3A_695 = arith.constant 16 : i32
        %add3A_696 = vector.broadcast %add3A_695 : i32 to vector<16xi32>
        %add3A_697 = arith.addi %broadcast_in_dim3A_691, %add3A_696 : vector<16xi32>
        %select_n3A_698 = arith.select %lt3A_694, %add3A_697, %broadcast_in_dim3A_691 : vector<16xi1>, vector<16xi32>
        %broadcast_in_dim3A_699 = vector.shape_cast %select_n3A_698 : vector<16xi32> to vector<16x1xi32>
        %gather3A_700 = vector.shape_cast %broadcast_in_dim3A_699 : vector<16x1xi32> to vector<16xi32>
        %gather3A_701 = tpu.dynamic_gather %get3A_283[%gather3A_700] in [0] : vector<16xf32>, vector<16xi32> -> vector<16xf32>
        %get3A_702 = arith.index_cast %add3A_689 : i32 to index
        %get3A_703 = arith.constant 0 : index
        %get3A_704 = tpu.vector_load %arg11[%get3A_702, %get3A_703] {strides = array<i32>} : memref<3072x16xf32, #tpu.memory_space<vmem>>, vector<1x16xf32>,
        %get3A_705 = vector.shape_cast %get3A_704 : vector<1x16xf32> to vector<16xf32>
        %mul3A_706 = arith.mulf %get3A_705, %gather3A_701 : vector<16xf32>
        %swap3A_707 = arith.index_cast %add3A_689 : i32 to index
        %swap3A_708 = arith.constant 0 : index
        %swap3A_709 = tpu.vector_load %arg11[%swap3A_707, %swap3A_708] {strides = array<i32>} : memref<3072x16xf32, #tpu.memory_space<vmem>>, vector<1x16xf32>,
        %swap3A_710 = vector.shape_cast %swap3A_709 : vector<1x16xf32> to vector<16xf32>
        %swap3A_711 = vector.shape_cast %mul3A_706 : vector<16xf32> to vector<1x16xf32>
        tpu.vector_store %arg11[%swap3A_707, %swap3A_708], %swap3A_711 {strides = array<i32>} : memref<3072x16xf32, #tpu.memory_space<vmem>>, vector<1x16xf32>,
        %scan3A_712 = arith.constant 1 : i32
        %scan3A_713 = arith.addi %scan3A_274, %scan3A_712 : i32
        %mul3A_714 = arith.constant 1 : i32
        %mul3A_715 = arith.muli %scan3A_713, %mul3A_714 : i32
        %add3A_716 = arith.constant 0 : i32
        %add3A_717 = arith.addi %add3A_716, %mul3A_715 : i32
        %mul3A_718 = arith.constant 16 : i32
        %mul3A_719 = arith.muli %add3A_717, %mul3A_718 : i32
        %add3A_720 = arith.addi %mul3A_242, %mul3A_719 : i32
        %get3A_721 = arith.index_cast %add3A_720 : i32 to index
        %get3A_722 = tpu.vector_load %arg10[%get3A_721] {strides = array<i32>} : memref<4096xf32, #tpu.memory_space<vmem>>, vector<16xf32>,
        %get3A_723 = vector.shape_cast %get3A_722 : vector<16xf32> to vector<16xf32>
        %mul3A_724 = arith.constant 16 : i32
        %mul3A_725 = arith.muli %add3A_717, %mul3A_724 : i32
        %add3A_726 = arith.addi %mul3A_240, %mul3A_725 : i32
        %add3A_727 = arith.constant 0 : i32
        %add3A_728 = arith.addi %add3A_726, %add3A_727 : i32
        %broadcast_in_dim3A_729 = arith.constant 0 : i32
        %broadcast_in_dim3A_730 = vector.broadcast %broadcast_in_dim3A_729 : i32 to vector<16xi32>
        %lt3A_731 = arith.constant 0 : i32
        %lt3A_732 = vector.broadcast %lt3A_731 : i32 to vector<16xi32>
        %lt3A_733 = arith.cmpi slt, %broadcast_in_dim3A_730, %lt3A_732 : vector<16xi32>
        %add3A_734 = arith.constant 16 : i32
        %add3A_735 = vector.broadcast %add3A_734 : i32 to vector<16xi32>
        %add3A_736 = arith.addi %broadcast_in_dim3A_730, %add3A_735 : vector<16xi32>
        %select_n3A_737 = arith.select %lt3A_733, %add3A_736, %broadcast_in_dim3A_730 : vector<16xi1>, vector<16xi32>
        %broadcast_in_dim3A_738 = vector.shape_cast %select_n3A_737 : vector<16xi32> to vector<16x1xi32>
        %gather3A_739 = vector.shape_cast %broadcast_in_dim3A_738 : vector<16x1xi32> to vector<16xi32>
        %gather3A_740 = tpu.dynamic_gather %get3A_723[%gather3A_739] in [0] : vector<16xf32>, vector<16xi32> -> vector<16xf32>
        %get3A_741 = arith.index_cast %add3A_728 : i32 to index
        %get3A_742 = arith.constant 0 : index
        %get3A_743 = tpu.vector_load %arg11[%get3A_741, %get3A_742] {strides = array<i32>} : memref<3072x16xf32, #tpu.memory_space<vmem>>, vector<1x16xf32>,
        %get3A_744 = vector.shape_cast %get3A_743 : vector<1x16xf32> to vector<16xf32>
        %mul3A_745 = arith.mulf %get3A_744, %gather3A_740 : vector<16xf32>
        %swap3A_746 = arith.index_cast %add3A_728 : i32 to index
        %swap3A_747 = arith.constant 0 : index
        %swap3A_748 = tpu.vector_load %arg11[%swap3A_746, %swap3A_747] {strides = array<i32>} : memref<3072x16xf32, #tpu.memory_space<vmem>>, vector<1x16xf32>,
        %swap3A_749 = vector.shape_cast %swap3A_748 : vector<1x16xf32> to vector<16xf32>
        %swap3A_750 = vector.shape_cast %mul3A_745 : vector<16xf32> to vector<1x16xf32>
        tpu.vector_store %arg11[%swap3A_746, %swap3A_747], %swap3A_750 {strides = array<i32>} : memref<3072x16xf32, #tpu.memory_space<vmem>>, vector<1x16xf32>,
        %mul3A_751 = arith.constant 16 : i32
        %mul3A_752 = arith.muli %add3A_717, %mul3A_751 : i32
        %add3A_753 = arith.addi %mul3A_240, %mul3A_752 : i32
        %add3A_754 = arith.constant 1 : i32
        %add3A_755 = arith.addi %add3A_753, %add3A_754 : i32
        %broadcast_in_dim3A_756 = arith.constant 1 : i32
        %broadcast_in_dim3A_757 = vector.broadcast %broadcast_in_dim3A_756 : i32 to vector<16xi32>
        %lt3A_758 = arith.constant 0 : i32
        %lt3A_759 = vector.broadcast %lt3A_758 : i32 to vector<16xi32>
        %lt3A_760 = arith.cmpi slt, %broadcast_in_dim3A_757, %lt3A_759 : vector<16xi32>
        %add3A_761 = arith.constant 16 : i32
        %add3A_762 = vector.broadcast %add3A_761 : i32 to vector<16xi32>
        %add3A_763 = arith.addi %broadcast_in_dim3A_757, %add3A_762 : vector<16xi32>
        %select_n3A_764 = arith.select %lt3A_760, %add3A_763, %broadcast_in_dim3A_757 : vector<16xi1>, vector<16xi32>
        %broadcast_in_dim3A_765 = vector.shape_cast %select_n3A_764 : vector<16xi32> to vector<16x1xi32>
        %gather3A_766 = vector.shape_cast %broadcast_in_dim3A_765 : vector<16x1xi32> to vector<16xi32>
        %gather3A_767 = tpu.dynamic_gather %get3A_723[%gather3A_766] in [0] : vector<16xf32>, vector<16xi32> -> vector<16xf32>
        %get3A_768 = arith.index_cast %add3A_755 : i32 to index
        %get3A_769 = arith.constant 0 : index
        %get3A_770 = tpu.vector_load %arg11[%get3A_768, %get3A_769] {strides = array<i32>} : memref<3072x16xf32, #tpu.memory_space<vmem>>, vector<1x16xf32>,
        %get3A_771 = vector.shape_cast %get3A_770 : vector<1x16xf32> to vector<16xf32>
        %mul3A_772 = arith.mulf %get3A_771, %gather3A_767 : vector<16xf32>
        %swap3A_773 = arith.index_cast %add3A_755 : i32 to index
        %swap3A_774 = arith.constant 0 : index
        %swap3A_775 = tpu.vector_load %arg11[%swap3A_773, %swap3A_774] {strides = array<i32>} : memref<3072x16xf32, #tpu.memory_space<vmem>>, vector<1x16xf32>,
        %swap3A_776 = vector.shape_cast %swap3A_775 : vector<1x16xf32> to vector<16xf32>
        %swap3A_777 = vector.shape_cast %mul3A_772 : vector<16xf32> to vector<1x16xf32>
        tpu.vector_store %arg11[%swap3A_773, %swap3A_774], %swap3A_777 {strides = array<i32>} : memref<3072x16xf32, #tpu.memory_space<vmem>>, vector<1x16xf32>,
        %mul3A_778 = arith.constant 16 : i32
        %mul3A_779 = arith.muli %add3A_717, %mul3A_778 : i32
        %add3A_780 = arith.addi %mul3A_240, %mul3A_779 : i32
        %add3A_781 = arith.constant 2 : i32
        %add3A_782 = arith.addi %add3A_780, %add3A_781 : i32
        %broadcast_in_dim3A_783 = arith.constant 2 : i32
        %broadcast_in_dim3A_784 = vector.broadcast %broadcast_in_dim3A_783 : i32 to vector<16xi32>
        %lt3A_785 = arith.constant 0 : i32
        %lt3A_786 = vector.broadcast %lt3A_785 : i32 to vector<16xi32>
        %lt3A_787 = arith.cmpi slt, %broadcast_in_dim3A_784, %lt3A_786 : vector<16xi32>
        %add3A_788 = arith.constant 16 : i32
        %add3A_789 = vector.broadcast %add3A_788 : i32 to vector<16xi32>
        %add3A_790 = arith.addi %broadcast_in_dim3A_784, %add3A_789 : vector<16xi32>
        %select_n3A_791 = arith.select %lt3A_787, %add3A_790, %broadcast_in_dim3A_784 : vector<16xi1>, vector<16xi32>
        %broadcast_in_dim3A_792 = vector.shape_cast %select_n3A_791 : vector<16xi32> to vector<16x1xi32>
        %gather3A_793 = vector.shape_cast %broadcast_in_dim3A_792 : vector<16x1xi32> to vector<16xi32>
        %gather3A_794 = tpu.dynamic_gather %get3A_723[%gather3A_793] in [0] : vector<16xf32>, vector<16xi32> -> vector<16xf32>
        %get3A_795 = arith.index_cast %add3A_782 : i32 to index
        %get3A_796 = arith.constant 0 : index
        %get3A_797 = tpu.vector_load %arg11[%get3A_795, %get3A_796] {strides = array<i32>} : memref<3072x16xf32, #tpu.memory_space<vmem>>, vector<1x16xf32>,
        %get3A_798 = vector.shape_cast %get3A_797 : vector<1x16xf32> to vector<16xf32>
        %mul3A_799 = arith.mulf %get3A_798, %gather3A_794 : vector<16xf32>
        %swap3A_800 = arith.index_cast %add3A_782 : i32 to index
        %swap3A_801 = arith.constant 0 : index
        %swap3A_802 = tpu.vector_load %arg11[%swap3A_800, %swap3A_801] {strides = array<i32>} : memref<3072x16xf32, #tpu.memory_space<vmem>>, vector<1x16xf32>,
        %swap3A_803 = vector.shape_cast %swap3A_802 : vector<1x16xf32> to vector<16xf32>
        %swap3A_804 = vector.shape_cast %mul3A_799 : vector<16xf32> to vector<1x16xf32>
        tpu.vector_store %arg11[%swap3A_800, %swap3A_801], %swap3A_804 {strides = array<i32>} : memref<3072x16xf32, #tpu.memory_space<vmem>>, vector<1x16xf32>,
        %mul3A_805 = arith.constant 16 : i32
        %mul3A_806 = arith.muli %add3A_717, %mul3A_805 : i32
        %add3A_807 = arith.addi %mul3A_240, %mul3A_806 : i32
        %add3A_808 = arith.constant 3 : i32
        %add3A_809 = arith.addi %add3A_807, %add3A_808 : i32
        %broadcast_in_dim3A_810 = arith.constant 3 : i32
        %broadcast_in_dim3A_811 = vector.broadcast %broadcast_in_dim3A_810 : i32 to vector<16xi32>
        %lt3A_812 = arith.constant 0 : i32
        %lt3A_813 = vector.broadcast %lt3A_812 : i32 to vector<16xi32>
        %lt3A_814 = arith.cmpi slt, %broadcast_in_dim3A_811, %lt3A_813 : vector<16xi32>
        %add3A_815 = arith.constant 16 : i32
        %add3A_816 = vector.broadcast %add3A_815 : i32 to vector<16xi32>
        %add3A_817 = arith.addi %broadcast_in_dim3A_811, %add3A_816 : vector<16xi32>
        %select_n3A_818 = arith.select %lt3A_814, %add3A_817, %broadcast_in_dim3A_811 : vector<16xi1>, vector<16xi32>
        %broadcast_in_dim3A_819 = vector.shape_cast %select_n3A_818 : vector<16xi32> to vector<16x1xi32>
        %gather3A_820 = vector.shape_cast %broadcast_in_dim3A_819 : vector<16x1xi32> to vector<16xi32>
        %gather3A_821 = tpu.dynamic_gather %get3A_723[%gather3A_820] in [0] : vector<16xf32>, vector<16xi32> -> vector<16xf32>
        %get3A_822 = arith.index_cast %add3A_809 : i32 to index
        %get3A_823 = arith.constant 0 : index
        %get3A_824 = tpu.vector_load %arg11[%get3A_822, %get3A_823] {strides = array<i32>} : memref<3072x16xf32, #tpu.memory_space<vmem>>, vector<1x16xf32>,
        %get3A_825 = vector.shape_cast %get3A_824 : vector<1x16xf32> to vector<16xf32>
        %mul3A_826 = arith.mulf %get3A_825, %gather3A_821 : vector<16xf32>
        %swap3A_827 = arith.index_cast %add3A_809 : i32 to index
        %swap3A_828 = arith.constant 0 : index
        %swap3A_829 = tpu.vector_load %arg11[%swap3A_827, %swap3A_828] {strides = array<i32>} : memref<3072x16xf32, #tpu.memory_space<vmem>>, vector<1x16xf32>,
        %swap3A_830 = vector.shape_cast %swap3A_829 : vector<1x16xf32> to vector<16xf32>
        %swap3A_831 = vector.shape_cast %mul3A_826 : vector<16xf32> to vector<1x16xf32>
        tpu.vector_store %arg11[%swap3A_827, %swap3A_828], %swap3A_831 {strides = array<i32>} : memref<3072x16xf32, #tpu.memory_space<vmem>>, vector<1x16xf32>,
        %mul3A_832 = arith.constant 16 : i32
        %mul3A_833 = arith.muli %add3A_717, %mul3A_832 : i32
        %add3A_834 = arith.addi %mul3A_240, %mul3A_833 : i32
        %add3A_835 = arith.constant 4 : i32
        %add3A_836 = arith.addi %add3A_834, %add3A_835 : i32
        %broadcast_in_dim3A_837 = arith.constant 4 : i32
        %broadcast_in_dim3A_838 = vector.broadcast %broadcast_in_dim3A_837 : i32 to vector<16xi32>
        %lt3A_839 = arith.constant 0 : i32
        %lt3A_840 = vector.broadcast %lt3A_839 : i32 to vector<16xi32>
        %lt3A_841 = arith.cmpi slt, %broadcast_in_dim3A_838, %lt3A_840 : vector<16xi32>
        %add3A_842 = arith.constant 16 : i32
        %add3A_843 = vector.broadcast %add3A_842 : i32 to vector<16xi32>
        %add3A_844 = arith.addi %broadcast_in_dim3A_838, %add3A_843 : vector<16xi32>
        %select_n3A_845 = arith.select %lt3A_841, %add3A_844, %broadcast_in_dim3A_838 : vector<16xi1>, vector<16xi32>
        %broadcast_in_dim3A_846 = vector.shape_cast %select_n3A_845 : vector<16xi32> to vector<16x1xi32>
        %gather3A_847 = vector.shape_cast %broadcast_in_dim3A_846 : vector<16x1xi32> to vector<16xi32>
        %gather3A_848 = tpu.dynamic_gather %get3A_723[%gather3A_847] in [0] : vector<16xf32>, vector<16xi32> -> vector<16xf32>
        %get3A_849 = arith.index_cast %add3A_836 : i32 to index
        %get3A_850 = arith.constant 0 : index
        %get3A_851 = tpu.vector_load %arg11[%get3A_849, %get3A_850] {strides = array<i32>} : memref<3072x16xf32, #tpu.memory_space<vmem>>, vector<1x16xf32>,
        %get3A_852 = vector.shape_cast %get3A_851 : vector<1x16xf32> to vector<16xf32>
        %mul3A_853 = arith.mulf %get3A_852, %gather3A_848 : vector<16xf32>
        %swap3A_854 = arith.index_cast %add3A_836 : i32 to index
        %swap3A_855 = arith.constant 0 : index
        %swap3A_856 = tpu.vector_load %arg11[%swap3A_854, %swap3A_855] {strides = array<i32>} : memref<3072x16xf32, #tpu.memory_space<vmem>>, vector<1x16xf32>,
        %swap3A_857 = vector.shape_cast %swap3A_856 : vector<1x16xf32> to vector<16xf32>
        %swap3A_858 = vector.shape_cast %mul3A_853 : vector<16xf32> to vector<1x16xf32>
        tpu.vector_store %arg11[%swap3A_854, %swap3A_855], %swap3A_858 {strides = array<i32>} : memref<3072x16xf32, #tpu.memory_space<vmem>>, vector<1x16xf32>,
        %mul3A_859 = arith.constant 16 : i32
        %mul3A_860 = arith.muli %add3A_717, %mul3A_859 : i32
        %add3A_861 = arith.addi %mul3A_240, %mul3A_860 : i32
        %add3A_862 = arith.constant 5 : i32
        %add3A_863 = arith.addi %add3A_861, %add3A_862 : i32
        %broadcast_in_dim3A_864 = arith.constant 5 : i32
        %broadcast_in_dim3A_865 = vector.broadcast %broadcast_in_dim3A_864 : i32 to vector<16xi32>
        %lt3A_866 = arith.constant 0 : i32
        %lt3A_867 = vector.broadcast %lt3A_866 : i32 to vector<16xi32>
        %lt3A_868 = arith.cmpi slt, %broadcast_in_dim3A_865, %lt3A_867 : vector<16xi32>
        %add3A_869 = arith.constant 16 : i32
        %add3A_870 = vector.broadcast %add3A_869 : i32 to vector<16xi32>
        %add3A_871 = arith.addi %broadcast_in_dim3A_865, %add3A_870 : vector<16xi32>
        %select_n3A_872 = arith.select %lt3A_868, %add3A_871, %broadcast_in_dim3A_865 : vector<16xi1>, vector<16xi32>
        %broadcast_in_dim3A_873 = vector.shape_cast %select_n3A_872 : vector<16xi32> to vector<16x1xi32>
        %gather3A_874 = vector.shape_cast %broadcast_in_dim3A_873 : vector<16x1xi32> to vector<16xi32>
        %gather3A_875 = tpu.dynamic_gather %get3A_723[%gather3A_874] in [0] : vector<16xf32>, vector<16xi32> -> vector<16xf32>
        %get3A_876 = arith.index_cast %add3A_863 : i32 to index
        %get3A_877 = arith.constant 0 : index
        %get3A_878 = tpu.vector_load %arg11[%get3A_876, %get3A_877] {strides = array<i32>} : memref<3072x16xf32, #tpu.memory_space<vmem>>, vector<1x16xf32>,
        %get3A_879 = vector.shape_cast %get3A_878 : vector<1x16xf32> to vector<16xf32>
        %mul3A_880 = arith.mulf %get3A_879, %gather3A_875 : vector<16xf32>
        %swap3A_881 = arith.index_cast %add3A_863 : i32 to index
        %swap3A_882 = arith.constant 0 : index
        %swap3A_883 = tpu.vector_load %arg11[%swap3A_881, %swap3A_882] {strides = array<i32>} : memref<3072x16xf32, #tpu.memory_space<vmem>>, vector<1x16xf32>,
        %swap3A_884 = vector.shape_cast %swap3A_883 : vector<1x16xf32> to vector<16xf32>
        %swap3A_885 = vector.shape_cast %mul3A_880 : vector<16xf32> to vector<1x16xf32>
        tpu.vector_store %arg11[%swap3A_881, %swap3A_882], %swap3A_885 {strides = array<i32>} : memref<3072x16xf32, #tpu.memory_space<vmem>>, vector<1x16xf32>,
        %mul3A_886 = arith.constant 16 : i32
        %mul3A_887 = arith.muli %add3A_717, %mul3A_886 : i32
        %add3A_888 = arith.addi %mul3A_240, %mul3A_887 : i32
        %add3A_889 = arith.constant 6 : i32
        %add3A_890 = arith.addi %add3A_888, %add3A_889 : i32
        %broadcast_in_dim3A_891 = arith.constant 6 : i32
        %broadcast_in_dim3A_892 = vector.broadcast %broadcast_in_dim3A_891 : i32 to vector<16xi32>
        %lt3A_893 = arith.constant 0 : i32
        %lt3A_894 = vector.broadcast %lt3A_893 : i32 to vector<16xi32>
        %lt3A_895 = arith.cmpi slt, %broadcast_in_dim3A_892, %lt3A_894 : vector<16xi32>
        %add3A_896 = arith.constant 16 : i32
        %add3A_897 = vector.broadcast %add3A_896 : i32 to vector<16xi32>
        %add3A_898 = arith.addi %broadcast_in_dim3A_892, %add3A_897 : vector<16xi32>
        %select_n3A_899 = arith.select %lt3A_895, %add3A_898, %broadcast_in_dim3A_892 : vector<16xi1>, vector<16xi32>
        %broadcast_in_dim3A_900 = vector.shape_cast %select_n3A_899 : vector<16xi32> to vector<16x1xi32>
        %gather3A_901 = vector.shape_cast %broadcast_in_dim3A_900 : vector<16x1xi32> to vector<16xi32>
        %gather3A_902 = tpu.dynamic_gather %get3A_723[%gather3A_901] in [0] : vector<16xf32>, vector<16xi32> -> vector<16xf32>
        %get3A_903 = arith.index_cast %add3A_890 : i32 to index
        %get3A_904 = arith.constant 0 : index
        %get3A_905 = tpu.vector_load %arg11[%get3A_903, %get3A_904] {strides = array<i32>} : memref<3072x16xf32, #tpu.memory_space<vmem>>, vector<1x16xf32>,
        %get3A_906 = vector.shape_cast %get3A_905 : vector<1x16xf32> to vector<16xf32>
        %mul3A_907 = arith.mulf %get3A_906, %gather3A_902 : vector<16xf32>
        %swap3A_908 = arith.index_cast %add3A_890 : i32 to index
        %swap3A_909 = arith.constant 0 : index
        %swap3A_910 = tpu.vector_load %arg11[%swap3A_908, %swap3A_909] {strides = array<i32>} : memref<3072x16xf32, #tpu.memory_space<vmem>>, vector<1x16xf32>,
        %swap3A_911 = vector.shape_cast %swap3A_910 : vector<1x16xf32> to vector<16xf32>
        %swap3A_912 = vector.shape_cast %mul3A_907 : vector<16xf32> to vector<1x16xf32>
        tpu.vector_store %arg11[%swap3A_908, %swap3A_909], %swap3A_912 {strides = array<i32>} : memref<3072x16xf32, #tpu.memory_space<vmem>>, vector<1x16xf32>,
        %mul3A_913 = arith.constant 16 : i32
        %mul3A_914 = arith.muli %add3A_717, %mul3A_913 : i32
        %add3A_915 = arith.addi %mul3A_240, %mul3A_914 : i32
        %add3A_916 = arith.constant 7 : i32
        %add3A_917 = arith.addi %add3A_915, %add3A_916 : i32
        %broadcast_in_dim3A_918 = arith.constant 7 : i32
        %broadcast_in_dim3A_919 = vector.broadcast %broadcast_in_dim3A_918 : i32 to vector<16xi32>
        %lt3A_920 = arith.constant 0 : i32
        %lt3A_921 = vector.broadcast %lt3A_920 : i32 to vector<16xi32>
        %lt3A_922 = arith.cmpi slt, %broadcast_in_dim3A_919, %lt3A_921 : vector<16xi32>
        %add3A_923 = arith.constant 16 : i32
        %add3A_924 = vector.broadcast %add3A_923 : i32 to vector<16xi32>
        %add3A_925 = arith.addi %broadcast_in_dim3A_919, %add3A_924 : vector<16xi32>
        %select_n3A_926 = arith.select %lt3A_922, %add3A_925, %broadcast_in_dim3A_919 : vector<16xi1>, vector<16xi32>
        %broadcast_in_dim3A_927 = vector.shape_cast %select_n3A_926 : vector<16xi32> to vector<16x1xi32>
        %gather3A_928 = vector.shape_cast %broadcast_in_dim3A_927 : vector<16x1xi32> to vector<16xi32>
        %gather3A_929 = tpu.dynamic_gather %get3A_723[%gather3A_928] in [0] : vector<16xf32>, vector<16xi32> -> vector<16xf32>
        %get3A_930 = arith.index_cast %add3A_917 : i32 to index
        %get3A_931 = arith.constant 0 : index
        %get3A_932 = tpu.vector_load %arg11[%get3A_930, %get3A_931] {strides = array<i32>} : memref<3072x16xf32, #tpu.memory_space<vmem>>, vector<1x16xf32>,
        %get3A_933 = vector.shape_cast %get3A_932 : vector<1x16xf32> to vector<16xf32>
        %mul3A_934 = arith.mulf %get3A_933, %gather3A_929 : vector<16xf32>
        %swap3A_935 = arith.index_cast %add3A_917 : i32 to index
        %swap3A_936 = arith.constant 0 : index
        %swap3A_937 = tpu.vector_load %arg11[%swap3A_935, %swap3A_936] {strides = array<i32>} : memref<3072x16xf32, #tpu.memory_space<vmem>>, vector<1x16xf32>,
        %swap3A_938 = vector.shape_cast %swap3A_937 : vector<1x16xf32> to vector<16xf32>
        %swap3A_939 = vector.shape_cast %mul3A_934 : vector<16xf32> to vector<1x16xf32>
        tpu.vector_store %arg11[%swap3A_935, %swap3A_936], %swap3A_939 {strides = array<i32>} : memref<3072x16xf32, #tpu.memory_space<vmem>>, vector<1x16xf32>,
        %mul3A_940 = arith.constant 16 : i32
        %mul3A_941 = arith.muli %add3A_717, %mul3A_940 : i32
        %add3A_942 = arith.addi %mul3A_240, %mul3A_941 : i32
        %add3A_943 = arith.constant 8 : i32
        %add3A_944 = arith.addi %add3A_942, %add3A_943 : i32
        %broadcast_in_dim3A_945 = arith.constant 8 : i32
        %broadcast_in_dim3A_946 = vector.broadcast %broadcast_in_dim3A_945 : i32 to vector<16xi32>
        %lt3A_947 = arith.constant 0 : i32
        %lt3A_948 = vector.broadcast %lt3A_947 : i32 to vector<16xi32>
        %lt3A_949 = arith.cmpi slt, %broadcast_in_dim3A_946, %lt3A_948 : vector<16xi32>
        %add3A_950 = arith.constant 16 : i32
        %add3A_951 = vector.broadcast %add3A_950 : i32 to vector<16xi32>
        %add3A_952 = arith.addi %broadcast_in_dim3A_946, %add3A_951 : vector<16xi32>
        %select_n3A_953 = arith.select %lt3A_949, %add3A_952, %broadcast_in_dim3A_946 : vector<16xi1>, vector<16xi32>
        %broadcast_in_dim3A_954 = vector.shape_cast %select_n3A_953 : vector<16xi32> to vector<16x1xi32>
        %gather3A_955 = vector.shape_cast %broadcast_in_dim3A_954 : vector<16x1xi32> to vector<16xi32>
        %gather3A_956 = tpu.dynamic_gather %get3A_723[%gather3A_955] in [0] : vector<16xf32>, vector<16xi32> -> vector<16xf32>
        %get3A_957 = arith.index_cast %add3A_944 : i32 to index
        %get3A_958 = arith.constant 0 : index
        %get3A_959 = tpu.vector_load %arg11[%get3A_957, %get3A_958] {strides = array<i32>} : memref<3072x16xf32, #tpu.memory_space<vmem>>, vector<1x16xf32>,
        %get3A_960 = vector.shape_cast %get3A_959 : vector<1x16xf32> to vector<16xf32>
        %mul3A_961 = arith.mulf %get3A_960, %gather3A_956 : vector<16xf32>
        %swap3A_962 = arith.index_cast %add3A_944 : i32 to index
        %swap3A_963 = arith.constant 0 : index
        %swap3A_964 = tpu.vector_load %arg11[%swap3A_962, %swap3A_963] {strides = array<i32>} : memref<3072x16xf32, #tpu.memory_space<vmem>>, vector<1x16xf32>,
        %swap3A_965 = vector.shape_cast %swap3A_964 : vector<1x16xf32> to vector<16xf32>
        %swap3A_966 = vector.shape_cast %mul3A_961 : vector<16xf32> to vector<1x16xf32>
        tpu.vector_store %arg11[%swap3A_962, %swap3A_963], %swap3A_966 {strides = array<i32>} : memref<3072x16xf32, #tpu.memory_space<vmem>>, vector<1x16xf32>,
        %mul3A_967 = arith.constant 16 : i32
        %mul3A_968 = arith.muli %add3A_717, %mul3A_967 : i32
        %add3A_969 = arith.addi %mul3A_240, %mul3A_968 : i32
        %add3A_970 = arith.constant 9 : i32
        %add3A_971 = arith.addi %add3A_969, %add3A_970 : i32
        %broadcast_in_dim3A_972 = arith.constant 9 : i32
        %broadcast_in_dim3A_973 = vector.broadcast %broadcast_in_dim3A_972 : i32 to vector<16xi32>
        %lt3A_974 = arith.constant 0 : i32
        %lt3A_975 = vector.broadcast %lt3A_974 : i32 to vector<16xi32>
        %lt3A_976 = arith.cmpi slt, %broadcast_in_dim3A_973, %lt3A_975 : vector<16xi32>
        %add3A_977 = arith.constant 16 : i32
        %add3A_978 = vector.broadcast %add3A_977 : i32 to vector<16xi32>
        %add3A_979 = arith.addi %broadcast_in_dim3A_973, %add3A_978 : vector<16xi32>
        %select_n3A_980 = arith.select %lt3A_976, %add3A_979, %broadcast_in_dim3A_973 : vector<16xi1>, vector<16xi32>
        %broadcast_in_dim3A_981 = vector.shape_cast %select_n3A_980 : vector<16xi32> to vector<16x1xi32>
        %gather3A_982 = vector.shape_cast %broadcast_in_dim3A_981 : vector<16x1xi32> to vector<16xi32>
        %gather3A_983 = tpu.dynamic_gather %get3A_723[%gather3A_982] in [0] : vector<16xf32>, vector<16xi32> -> vector<16xf32>
        %get3A_984 = arith.index_cast %add3A_971 : i32 to index
        %get3A_985 = arith.constant 0 : index
        %get3A_986 = tpu.vector_load %arg11[%get3A_984, %get3A_985] {strides = array<i32>} : memref<3072x16xf32, #tpu.memory_space<vmem>>, vector<1x16xf32>,
        %get3A_987 = vector.shape_cast %get3A_986 : vector<1x16xf32> to vector<16xf32>
        %mul3A_988 = arith.mulf %get3A_987, %gather3A_983 : vector<16xf32>
        %swap3A_989 = arith.index_cast %add3A_971 : i32 to index
        %swap3A_990 = arith.constant 0 : index
        %swap3A_991 = tpu.vector_load %arg11[%swap3A_989, %swap3A_990] {strides = array<i32>} : memref<3072x16xf32, #tpu.memory_space<vmem>>, vector<1x16xf32>,
        %swap3A_992 = vector.shape_cast %swap3A_991 : vector<1x16xf32> to vector<16xf32>
        %swap3A_993 = vector.shape_cast %mul3A_988 : vector<16xf32> to vector<1x16xf32>
        tpu.vector_store %arg11[%swap3A_989, %swap3A_990], %swap3A_993 {strides = array<i32>} : memref<3072x16xf32, #tpu.memory_space<vmem>>, vector<1x16xf32>,
        %mul3A_994 = arith.constant 16 : i32
        %mul3A_995 = arith.muli %add3A_717, %mul3A_994 : i32
        %add3A_996 = arith.addi %mul3A_240, %mul3A_995 : i32
        %add3A_997 = arith.constant 10 : i32
        %add3A_998 = arith.addi %add3A_996, %add3A_997 : i32
        %broadcast_in_dim3A_999 = arith.constant 10 : i32
        %broadcast_in_dim3A_1000 = vector.broadcast %broadcast_in_dim3A_999 : i32 to vector<16xi32>
        %lt3A_1001 = arith.constant 0 : i32
        %lt3A_1002 = vector.broadcast %lt3A_1001 : i32 to vector<16xi32>
        %lt3A_1003 = arith.cmpi slt, %broadcast_in_dim3A_1000, %lt3A_1002 : vector<16xi32>
        %add3A_1004 = arith.constant 16 : i32
        %add3A_1005 = vector.broadcast %add3A_1004 : i32 to vector<16xi32>
        %add3A_1006 = arith.addi %broadcast_in_dim3A_1000, %add3A_1005 : vector<16xi32>
        %select_n3A_1007 = arith.select %lt3A_1003, %add3A_1006, %broadcast_in_dim3A_1000 : vector<16xi1>, vector<16xi32>
        %broadcast_in_dim3A_1008 = vector.shape_cast %select_n3A_1007 : vector<16xi32> to vector<16x1xi32>
        %gather3A_1009 = vector.shape_cast %broadcast_in_dim3A_1008 : vector<16x1xi32> to vector<16xi32>
        %gather3A_1010 = tpu.dynamic_gather %get3A_723[%gather3A_1009] in [0] : vector<16xf32>, vector<16xi32> -> vector<16xf32>
        %get3A_1011 = arith.index_cast %add3A_998 : i32 to index
        %get3A_1012 = arith.constant 0 : index
        %get3A_1013 = tpu.vector_load %arg11[%get3A_1011, %get3A_1012] {strides = array<i32>} : memref<3072x16xf32, #tpu.memory_space<vmem>>, vector<1x16xf32>,
        %get3A_1014 = vector.shape_cast %get3A_1013 : vector<1x16xf32> to vector<16xf32>
        %mul3A_1015 = arith.mulf %get3A_1014, %gather3A_1010 : vector<16xf32>
        %swap3A_1016 = arith.index_cast %add3A_998 : i32 to index
        %swap3A_1017 = arith.constant 0 : index
        %swap3A_1018 = tpu.vector_load %arg11[%swap3A_1016, %swap3A_1017] {strides = array<i32>} : memref<3072x16xf32, #tpu.memory_space<vmem>>, vector<1x16xf32>,
        %swap3A_1019 = vector.shape_cast %swap3A_1018 : vector<1x16xf32> to vector<16xf32>
        %swap3A_1020 = vector.shape_cast %mul3A_1015 : vector<16xf32> to vector<1x16xf32>
        tpu.vector_store %arg11[%swap3A_1016, %swap3A_1017], %swap3A_1020 {strides = array<i32>} : memref<3072x16xf32, #tpu.memory_space<vmem>>, vector<1x16xf32>,
        %mul3A_1021 = arith.constant 16 : i32
        %mul3A_1022 = arith.muli %add3A_717, %mul3A_1021 : i32
        %add3A_1023 = arith.addi %mul3A_240, %mul3A_1022 : i32
        %add3A_1024 = arith.constant 11 : i32
        %add3A_1025 = arith.addi %add3A_1023, %add3A_1024 : i32
        %broadcast_in_dim3A_1026 = arith.constant 11 : i32
        %broadcast_in_dim3A_1027 = vector.broadcast %broadcast_in_dim3A_1026 : i32 to vector<16xi32>
        %lt3A_1028 = arith.constant 0 : i32
        %lt3A_1029 = vector.broadcast %lt3A_1028 : i32 to vector<16xi32>
        %lt3A_1030 = arith.cmpi slt, %broadcast_in_dim3A_1027, %lt3A_1029 : vector<16xi32>
        %add3A_1031 = arith.constant 16 : i32
        %add3A_1032 = vector.broadcast %add3A_1031 : i32 to vector<16xi32>
        %add3A_1033 = arith.addi %broadcast_in_dim3A_1027, %add3A_1032 : vector<16xi32>
        %select_n3A_1034 = arith.select %lt3A_1030, %add3A_1033, %broadcast_in_dim3A_1027 : vector<16xi1>, vector<16xi32>
        %broadcast_in_dim3A_1035 = vector.shape_cast %select_n3A_1034 : vector<16xi32> to vector<16x1xi32>
        %gather3A_1036 = vector.shape_cast %broadcast_in_dim3A_1035 : vector<16x1xi32> to vector<16xi32>
        %gather3A_1037 = tpu.dynamic_gather %get3A_723[%gather3A_1036] in [0] : vector<16xf32>, vector<16xi32> -> vector<16xf32>
        %get3A_1038 = arith.index_cast %add3A_1025 : i32 to index
        %get3A_1039 = arith.constant 0 : index
        %get3A_1040 = tpu.vector_load %arg11[%get3A_1038, %get3A_1039] {strides = array<i32>} : memref<3072x16xf32, #tpu.memory_space<vmem>>, vector<1x16xf32>,
        %get3A_1041 = vector.shape_cast %get3A_1040 : vector<1x16xf32> to vector<16xf32>
        %mul3A_1042 = arith.mulf %get3A_1041, %gather3A_1037 : vector<16xf32>
        %swap3A_1043 = arith.index_cast %add3A_1025 : i32 to index
        %swap3A_1044 = arith.constant 0 : index
        %swap3A_1045 = tpu.vector_load %arg11[%swap3A_1043, %swap3A_1044] {strides = array<i32>} : memref<3072x16xf32, #tpu.memory_space<vmem>>, vector<1x16xf32>,
        %swap3A_1046 = vector.shape_cast %swap3A_1045 : vector<1x16xf32> to vector<16xf32>
        %swap3A_1047 = vector.shape_cast %mul3A_1042 : vector<16xf32> to vector<1x16xf32>
        tpu.vector_store %arg11[%swap3A_1043, %swap3A_1044], %swap3A_1047 {strides = array<i32>} : memref<3072x16xf32, #tpu.memory_space<vmem>>, vector<1x16xf32>,
        %mul3A_1048 = arith.constant 16 : i32
        %mul3A_1049 = arith.muli %add3A_717, %mul3A_1048 : i32
        %add3A_1050 = arith.addi %mul3A_240, %mul3A_1049 : i32
        %add3A_1051 = arith.constant 12 : i32
        %add3A_1052 = arith.addi %add3A_1050, %add3A_1051 : i32
        %broadcast_in_dim3A_1053 = arith.constant 12 : i32
        %broadcast_in_dim3A_1054 = vector.broadcast %broadcast_in_dim3A_1053 : i32 to vector<16xi32>
        %lt3A_1055 = arith.constant 0 : i32
        %lt3A_1056 = vector.broadcast %lt3A_1055 : i32 to vector<16xi32>
        %lt3A_1057 = arith.cmpi slt, %broadcast_in_dim3A_1054, %lt3A_1056 : vector<16xi32>
        %add3A_1058 = arith.constant 16 : i32
        %add3A_1059 = vector.broadcast %add3A_1058 : i32 to vector<16xi32>
        %add3A_1060 = arith.addi %broadcast_in_dim3A_1054, %add3A_1059 : vector<16xi32>
        %select_n3A_1061 = arith.select %lt3A_1057, %add3A_1060, %broadcast_in_dim3A_1054 : vector<16xi1>, vector<16xi32>
        %broadcast_in_dim3A_1062 = vector.shape_cast %select_n3A_1061 : vector<16xi32> to vector<16x1xi32>
        %gather3A_1063 = vector.shape_cast %broadcast_in_dim3A_1062 : vector<16x1xi32> to vector<16xi32>
        %gather3A_1064 = tpu.dynamic_gather %get3A_723[%gather3A_1063] in [0] : vector<16xf32>, vector<16xi32> -> vector<16xf32>
        %get3A_1065 = arith.index_cast %add3A_1052 : i32 to index
        %get3A_1066 = arith.constant 0 : index
        %get3A_1067 = tpu.vector_load %arg11[%get3A_1065, %get3A_1066] {strides = array<i32>} : memref<3072x16xf32, #tpu.memory_space<vmem>>, vector<1x16xf32>,
        %get3A_1068 = vector.shape_cast %get3A_1067 : vector<1x16xf32> to vector<16xf32>
        %mul3A_1069 = arith.mulf %get3A_1068, %gather3A_1064 : vector<16xf32>
        %swap3A_1070 = arith.index_cast %add3A_1052 : i32 to index
        %swap3A_1071 = arith.constant 0 : index
        %swap3A_1072 = tpu.vector_load %arg11[%swap3A_1070, %swap3A_1071] {strides = array<i32>} : memref<3072x16xf32, #tpu.memory_space<vmem>>, vector<1x16xf32>,
        %swap3A_1073 = vector.shape_cast %swap3A_1072 : vector<1x16xf32> to vector<16xf32>
        %swap3A_1074 = vector.shape_cast %mul3A_1069 : vector<16xf32> to vector<1x16xf32>
        tpu.vector_store %arg11[%swap3A_1070, %swap3A_1071], %swap3A_1074 {strides = array<i32>} : memref<3072x16xf32, #tpu.memory_space<vmem>>, vector<1x16xf32>,
        %mul3A_1075 = arith.constant 16 : i32
        %mul3A_1076 = arith.muli %add3A_717, %mul3A_1075 : i32
        %add3A_1077 = arith.addi %mul3A_240, %mul3A_1076 : i32
        %add3A_1078 = arith.constant 13 : i32
        %add3A_1079 = arith.addi %add3A_1077, %add3A_1078 : i32
        %broadcast_in_dim3A_1080 = arith.constant 13 : i32
        %broadcast_in_dim3A_1081 = vector.broadcast %broadcast_in_dim3A_1080 : i32 to vector<16xi32>
        %lt3A_1082 = arith.constant 0 : i32
        %lt3A_1083 = vector.broadcast %lt3A_1082 : i32 to vector<16xi32>
        %lt3A_1084 = arith.cmpi slt, %broadcast_in_dim3A_1081, %lt3A_1083 : vector<16xi32>
        %add3A_1085 = arith.constant 16 : i32
        %add3A_1086 = vector.broadcast %add3A_1085 : i32 to vector<16xi32>
        %add3A_1087 = arith.addi %broadcast_in_dim3A_1081, %add3A_1086 : vector<16xi32>
        %select_n3A_1088 = arith.select %lt3A_1084, %add3A_1087, %broadcast_in_dim3A_1081 : vector<16xi1>, vector<16xi32>
        %broadcast_in_dim3A_1089 = vector.shape_cast %select_n3A_1088 : vector<16xi32> to vector<16x1xi32>
        %gather3A_1090 = vector.shape_cast %broadcast_in_dim3A_1089 : vector<16x1xi32> to vector<16xi32>
        %gather3A_1091 = tpu.dynamic_gather %get3A_723[%gather3A_1090] in [0] : vector<16xf32>, vector<16xi32> -> vector<16xf32>
        %get3A_1092 = arith.index_cast %add3A_1079 : i32 to index
        %get3A_1093 = arith.constant 0 : index
        %get3A_1094 = tpu.vector_load %arg11[%get3A_1092, %get3A_1093] {strides = array<i32>} : memref<3072x16xf32, #tpu.memory_space<vmem>>, vector<1x16xf32>,
        %get3A_1095 = vector.shape_cast %get3A_1094 : vector<1x16xf32> to vector<16xf32>
        %mul3A_1096 = arith.mulf %get3A_1095, %gather3A_1091 : vector<16xf32>
        %swap3A_1097 = arith.index_cast %add3A_1079 : i32 to index
        %swap3A_1098 = arith.constant 0 : index
        %swap3A_1099 = tpu.vector_load %arg11[%swap3A_1097, %swap3A_1098] {strides = array<i32>} : memref<3072x16xf32, #tpu.memory_space<vmem>>, vector<1x16xf32>,
        %swap3A_1100 = vector.shape_cast %swap3A_1099 : vector<1x16xf32> to vector<16xf32>
        %swap3A_1101 = vector.shape_cast %mul3A_1096 : vector<16xf32> to vector<1x16xf32>
        tpu.vector_store %arg11[%swap3A_1097, %swap3A_1098], %swap3A_1101 {strides = array<i32>} : memref<3072x16xf32, #tpu.memory_space<vmem>>, vector<1x16xf32>,
        %mul3A_1102 = arith.constant 16 : i32
        %mul3A_1103 = arith.muli %add3A_717, %mul3A_1102 : i32
        %add3A_1104 = arith.addi %mul3A_240, %mul3A_1103 : i32
        %add3A_1105 = arith.constant 14 : i32
        %add3A_1106 = arith.addi %add3A_1104, %add3A_1105 : i32
        %broadcast_in_dim3A_1107 = arith.constant 14 : i32
        %broadcast_in_dim3A_1108 = vector.broadcast %broadcast_in_dim3A_1107 : i32 to vector<16xi32>
        %lt3A_1109 = arith.constant 0 : i32
        %lt3A_1110 = vector.broadcast %lt3A_1109 : i32 to vector<16xi32>
        %lt3A_1111 = arith.cmpi slt, %broadcast_in_dim3A_1108, %lt3A_1110 : vector<16xi32>
        %add3A_1112 = arith.constant 16 : i32
        %add3A_1113 = vector.broadcast %add3A_1112 : i32 to vector<16xi32>
        %add3A_1114 = arith.addi %broadcast_in_dim3A_1108, %add3A_1113 : vector<16xi32>
        %select_n3A_1115 = arith.select %lt3A_1111, %add3A_1114, %broadcast_in_dim3A_1108 : vector<16xi1>, vector<16xi32>
        %broadcast_in_dim3A_1116 = vector.shape_cast %select_n3A_1115 : vector<16xi32> to vector<16x1xi32>
        %gather3A_1117 = vector.shape_cast %broadcast_in_dim3A_1116 : vector<16x1xi32> to vector<16xi32>
        %gather3A_1118 = tpu.dynamic_gather %get3A_723[%gather3A_1117] in [0] : vector<16xf32>, vector<16xi32> -> vector<16xf32>
        %get3A_1119 = arith.index_cast %add3A_1106 : i32 to index
        %get3A_1120 = arith.constant 0 : index
        %get3A_1121 = tpu.vector_load %arg11[%get3A_1119, %get3A_1120] {strides = array<i32>} : memref<3072x16xf32, #tpu.memory_space<vmem>>, vector<1x16xf32>,
        %get3A_1122 = vector.shape_cast %get3A_1121 : vector<1x16xf32> to vector<16xf32>
        %mul3A_1123 = arith.mulf %get3A_1122, %gather3A_1118 : vector<16xf32>
        %swap3A_1124 = arith.index_cast %add3A_1106 : i32 to index
        %swap3A_1125 = arith.constant 0 : index
        %swap3A_1126 = tpu.vector_load %arg11[%swap3A_1124, %swap3A_1125] {strides = array<i32>} : memref<3072x16xf32, #tpu.memory_space<vmem>>, vector<1x16xf32>,
        %swap3A_1127 = vector.shape_cast %swap3A_1126 : vector<1x16xf32> to vector<16xf32>
        %swap3A_1128 = vector.shape_cast %mul3A_1123 : vector<16xf32> to vector<1x16xf32>
        tpu.vector_store %arg11[%swap3A_1124, %swap3A_1125], %swap3A_1128 {strides = array<i32>} : memref<3072x16xf32, #tpu.memory_space<vmem>>, vector<1x16xf32>,
        %mul3A_1129 = arith.constant 16 : i32
        %mul3A_1130 = arith.muli %add3A_717, %mul3A_1129 : i32
        %add3A_1131 = arith.addi %mul3A_240, %mul3A_1130 : i32
        %add3A_1132 = arith.constant 15 : i32
        %add3A_1133 = arith.addi %add3A_1131, %add3A_1132 : i32
        %broadcast_in_dim3A_1134 = arith.constant 15 : i32
        %broadcast_in_dim3A_1135 = vector.broadcast %broadcast_in_dim3A_1134 : i32 to vector<16xi32>
        %lt3A_1136 = arith.constant 0 : i32
        %lt3A_1137 = vector.broadcast %lt3A_1136 : i32 to vector<16xi32>
        %lt3A_1138 = arith.cmpi slt, %broadcast_in_dim3A_1135, %lt3A_1137 : vector<16xi32>
        %add3A_1139 = arith.constant 16 : i32
        %add3A_1140 = vector.broadcast %add3A_1139 : i32 to vector<16xi32>
        %add3A_1141 = arith.addi %broadcast_in_dim3A_1135, %add3A_1140 : vector<16xi32>
        %select_n3A_1142 = arith.select %lt3A_1138, %add3A_1141, %broadcast_in_dim3A_1135 : vector<16xi1>, vector<16xi32>
        %broadcast_in_dim3A_1143 = vector.shape_cast %select_n3A_1142 : vector<16xi32> to vector<16x1xi32>
        %gather3A_1144 = vector.shape_cast %broadcast_in_dim3A_1143 : vector<16x1xi32> to vector<16xi32>
        %gather3A_1145 = tpu.dynamic_gather %get3A_723[%gather3A_1144] in [0] : vector<16xf32>, vector<16xi32> -> vector<16xf32>
        %get3A_1146 = arith.index_cast %add3A_1133 : i32 to index
        %get3A_1147 = arith.constant 0 : index
        %get3A_1148 = tpu.vector_load %arg11[%get3A_1146, %get3A_1147] {strides = array<i32>} : memref<3072x16xf32, #tpu.memory_space<vmem>>, vector<1x16xf32>,
        %get3A_1149 = vector.shape_cast %get3A_1148 : vector<1x16xf32> to vector<16xf32>
        %mul3A_1150 = arith.mulf %get3A_1149, %gather3A_1145 : vector<16xf32>
        %swap3A_1151 = arith.index_cast %add3A_1133 : i32 to index
        %swap3A_1152 = arith.constant 0 : index
        %swap3A_1153 = tpu.vector_load %arg11[%swap3A_1151, %swap3A_1152] {strides = array<i32>} : memref<3072x16xf32, #tpu.memory_space<vmem>>, vector<1x16xf32>,
        %swap3A_1154 = vector.shape_cast %swap3A_1153 : vector<1x16xf32> to vector<16xf32>
        %swap3A_1155 = vector.shape_cast %mul3A_1150 : vector<16xf32> to vector<1x16xf32>
        tpu.vector_store %arg11[%swap3A_1151, %swap3A_1152], %swap3A_1155 {strides = array<i32>} : memref<3072x16xf32, #tpu.memory_space<vmem>>, vector<1x16xf32>,
      }
      %scan3A_247 = arith.constant 64 : i32
      %mul3A_248 = arith.constant 1024 : i32
      %mul3A_249 = arith.muli %rem3A_198, %mul3A_248 : i32
      %add3A_250 = arith.constant 0 : i32
      %add3A_251 = arith.addi %mul3A_249, %add3A_250 : i32
      %dma_start3A_252 = arith.constant 0 : i32
      %dma_start3A_253 = arith.constant 0 : i32
      %dma_start3A_254 = tpu.memref_slice %arg11[%add3A_251, %dma_start3A_253] : memref<3072x16xf32, #tpu.memory_space<vmem>> -> memref<512x16xf32, #tpu.memory_space<vmem>>
      %dma_start3A_255 = arith.constant 0 : i32
      %dma_start3A_256 = tpu.memref_slice %arg9[%and3A_203, %dma_start3A_252, %dma_start3A_255] : memref<4x2x512xi32, #tpu.memory_space<vmem>> -> memref<1x1x512xi32, #tpu.memory_space<vmem>>
      %dma_start3A_257 = tpu.memref_squeeze %dma_start3A_256 : memref<1x1x512xi32, #tpu.memory_space<vmem>> -> memref<512xi32, #tpu.memory_space<vmem>>
      %dma_start3A_258 = arith.constant 0 : i32
      %dma_start3A_259 = arith.constant 0 : i32
      %dma_start3A_260 = tpu.memref_slice %arg12[%dma_start3A_258, %dma_start3A_259] : memref<51200x16xf32, #tpu.memory_space<vmem_shared>> -> memref<51200x16xf32, #tpu.memory_space<vmem_shared>>
      tpu.enqueue_indirect_dma source(%dma_start3A_254 : memref<512x16xf32, #tpu.memory_space<vmem>>) target(%dma_start3A_260 : memref<51200x16xf32, #tpu.memory_space<vmem_shared>>) offsets(%dma_start3A_257 : memref<512xi32, #tpu.memory_space<vmem>>) semaphore(%arg15 : memref<!tpu.dma_semaphore, #tpu.memory_space<semaphore_mem>>) {add = true}
      %mul3A_261 = arith.constant 1024 : i32
      %mul3A_262 = arith.muli %rem3A_198, %mul3A_261 : i32
      %add3A_263 = arith.constant 512 : i32
      %add3A_264 = arith.addi %mul3A_262, %add3A_263 : i32
      %dma_start3A_265 = arith.constant 1 : i32
      %dma_start3A_266 = arith.constant 0 : i32
      %dma_start3A_267 = tpu.memref_slice %arg11[%add3A_264, %dma_start3A_266] : memref<3072x16xf32, #tpu.memory_space<vmem>> -> memref<512x16xf32, #tpu.memory_space<vmem>>
      %dma_start3A_268 = arith.constant 0 : i32
      %dma_start3A_269 = tpu.memref_slice %arg9[%and3A_203, %dma_start3A_265, %dma_start3A_268] : memref<4x2x512xi32, #tpu.memory_space<vmem>> -> memref<1x1x512xi32, #tpu.memory_space<vmem>>
      %dma_start3A_270 = tpu.memref_squeeze %dma_start3A_269 : memref<1x1x512xi32, #tpu.memory_space<vmem>> -> memref<512xi32, #tpu.memory_space<vmem>>
      %dma_start3A_271 = arith.constant 0 : i32
      %dma_start3A_272 = arith.constant 0 : i32
      %dma_start3A_273 = tpu.memref_slice %arg12[%dma_start3A_271, %dma_start3A_272] : memref<51200x16xf32, #tpu.memory_space<vmem_shared>> -> memref<51200x16xf32, #tpu.memory_space<vmem_shared>>
      tpu.enqueue_indirect_dma source(%dma_start3A_267 : memref<512x16xf32, #tpu.memory_space<vmem>>) target(%dma_start3A_273 : memref<51200x16xf32, #tpu.memory_space<vmem_shared>>) offsets(%dma_start3A_270 : memref<512xi32, #tpu.memory_space<vmem>>) semaphore(%arg15 : memref<!tpu.dma_semaphore, #tpu.memory_space<semaphore_mem>>) {add = true}
    }
    %scan3A_162 = arith.constant 98 : i32
    %rem3A = arith.constant 96 : i32
    %rem3A_163 = arith.constant 3 : i32
    %rem3A_164 = arith.remsi %rem3A, %rem3A_163 : i32
    %mul3A_165 = arith.constant 1024 : i32
    %mul3A_166 = arith.muli %rem3A_164, %mul3A_165 : i32
    %dma_wait3A_167 = arith.constant 0 : i32
    %dma_wait3A_168 = tpu.memref_slice %arg11[%mul3A_166, %dma_wait3A_167] : memref<3072x16xf32, #tpu.memory_space<vmem>> -> memref<1024x16xf32, #tpu.memory_space<vmem>>
    %dma_wait3A_169 = arith.constant 0 : i32
    %dma_wait3A_170 = arith.constant 0 : i32
    %dma_wait3A_171 = tpu.memref_slice %arg12[%dma_wait3A_169, %dma_wait3A_170] : memref<51200x16xf32, #tpu.memory_space<vmem_shared>> -> memref<1024x16xf32, #tpu.memory_space<vmem_shared>>
    %dma_wait3A_172 = arith.constant 0 : i32
    %dma_wait3A_173 = arith.constant 0 : i32
    %dma_wait3A_174 = tpu.memref_slice %arg12[%dma_wait3A_172, %dma_wait3A_173] : memref<51200x16xf32, #tpu.memory_space<vmem_shared>> -> memref<1024x16xf32, #tpu.memory_space<vmem_shared>>
    %dma_wait3A_175 = arith.constant 0 : i32
    %dma_wait3A_176 = tpu.memref_slice %arg11[%mul3A_166, %dma_wait3A_175] : memref<3072x16xf32, #tpu.memory_space<vmem>> -> memref<1024x16xf32, #tpu.memory_space<vmem>>
    tpu.wait_dma2 semaphore(%arg15 : memref<!tpu.dma_semaphore, #tpu.memory_space<semaphore_mem>>) src(%dma_wait3A_176 : memref<1024x16xf32, #tpu.memory_space<vmem>>) dst(%dma_wait3A_174 : memref<1024x16xf32, #tpu.memory_space<vmem_shared>>)
    %rem3A_177 = arith.constant 97 : i32
    %rem3A_178 = arith.constant 3 : i32
    %rem3A_179 = arith.remsi %rem3A_177, %rem3A_178 : i32
    %mul3A_180 = arith.constant 1024 : i32
    %mul3A_181 = arith.muli %rem3A_179, %mul3A_180 : i32
    %dma_wait3A_182 = arith.constant 0 : i32
    %dma_wait3A_183 = tpu.memref_slice %arg11[%mul3A_181, %dma_wait3A_182] : memref<3072x16xf32, #tpu.memory_space<vmem>> -> memref<1024x16xf32, #tpu.memory_space<vmem>>
    %dma_wait3A_184 = arith.constant 0 : i32
    %dma_wait3A_185 = arith.constant 0 : i32
    %dma_wait3A_186 = tpu.memref_slice %arg12[%dma_wait3A_184, %dma_wait3A_185] : memref<51200x16xf32, #tpu.memory_space<vmem_shared>> -> memref<1024x16xf32, #tpu.memory_space<vmem_shared>>
    %dma_wait3A_187 = arith.constant 0 : i32
    %dma_wait3A_188 = arith.constant 0 : i32
    %dma_wait3A_189 = tpu.memref_slice %arg12[%dma_wait3A_187, %dma_wait3A_188] : memref<51200x16xf32, #tpu.memory_space<vmem_shared>> -> memref<1024x16xf32, #tpu.memory_space<vmem_shared>>
    %dma_wait3A_190 = arith.constant 0 : i32
    %dma_wait3A_191 = tpu.memref_slice %arg11[%mul3A_181, %dma_wait3A_190] : memref<3072x16xf32, #tpu.memory_space<vmem>> -> memref<1024x16xf32, #tpu.memory_space<vmem>>
    tpu.wait_dma2 semaphore(%arg15 : memref<!tpu.dma_semaphore, #tpu.memory_space<semaphore_mem>>) src(%dma_wait3A_191 : memref<1024x16xf32, #tpu.memory_space<vmem>>) dst(%dma_wait3A_189 : memref<1024x16xf32, #tpu.memory_space<vmem_shared>>)
    %barrier3A_192 = arith.constant 0 : index
    tpu.barrier barrier_id(%barrier3A_192)
    "tpu.region"() ({
      %run_scoped3A = tpu.sem_alloc : memref<!tpu.dma_semaphore, #tpu.memory_space<semaphore_mem>>
      %dma_start3A_193 = arith.constant 0 : i32
      %dma_start3A_194 = tpu.memref_slice %arg7[%arg0, %mul3A_0, %dma_start3A_193] : memref<2x51200x16xf32, #tpu.memory_space<hbm>> -> memref<1x3200x16xf32, #tpu.memory_space<hbm>>
      %dma_start3A_195 = tpu.memref_squeeze %dma_start3A_194 : memref<1x3200x16xf32, #tpu.memory_space<hbm>> -> memref<3200x16xf32, #tpu.memory_space<hbm>>
      %dma_start3A_196 = arith.constant 0 : i32
      %dma_start3A_197 = tpu.memref_slice %arg12[%mul3A_0, %dma_start3A_196] : memref<51200x16xf32, #tpu.memory_space<vmem_shared>> -> memref<3200x16xf32, #tpu.memory_space<vmem_shared>>
      tpu.enqueue_dma source(%dma_start3A_197 : memref<3200x16xf32, #tpu.memory_space<vmem_shared>>) target(%dma_start3A_195 : memref<3200x16xf32, #tpu.memory_space<hbm>>) target_semaphore(%run_scoped3A : memref<!tpu.dma_semaphore, #tpu.memory_space<semaphore_mem>>)
      %dma_wait3A_198 = arith.constant 0 : i32
      %dma_wait3A_199 = tpu.memref_slice %arg7[%arg0, %mul3A_0, %dma_wait3A_198] : memref<2x51200x16xf32, #tpu.memory_space<hbm>> -> memref<1x3200x16xf32, #tpu.memory_space<hbm>>
      %dma_wait3A_200 = tpu.memref_squeeze %dma_wait3A_199 : memref<1x3200x16xf32, #tpu.memory_space<hbm>> -> memref<3200x16xf32, #tpu.memory_space<hbm>>
      %dma_wait3A_201 = arith.constant 0 : i32
      %dma_wait3A_202 = tpu.memref_slice %arg12[%mul3A_0, %dma_wait3A_201] : memref<51200x16xf32, #tpu.memory_space<vmem_shared>> -> memref<3200x16xf32, #tpu.memory_space<vmem_shared>>
      tpu.wait_dma2 semaphore(%run_scoped3A : memref<!tpu.dma_semaphore, #tpu.memory_space<semaphore_mem>>) src(%dma_wait3A_202 : memref<3200x16xf32, #tpu.memory_space<vmem_shared>>) dst(%dma_wait3A_200 : memref<3200x16xf32, #tpu.memory_space<hbm>>)
      tpu.yield
    }) : () -> ()
    return
  }
}

module attributes {stable_mosaic.version = 14 : i64} {
  func.func @_tc_ab_body(%arg0: i32, %arg1: memref<2048x2xf32, #tpu.memory_space<vmem>>, %arg2: memref<2048x3xf32, #tpu.memory_space<vmem>>, %arg3: memref<2x2048x16xf32, #tpu.memory_space<vmem>>, %arg4: memref<2x128xf32, #tpu.memory_space<vmem>>, %arg5: memref<1x128xf32, #tpu.memory_space<vmem>>, %arg6: memref<128x16xf32, #tpu.memory_space<vmem>>, %arg7: memref<1x16xf32, #tpu.memory_space<vmem>>, %arg8: memref<3x32xf32, #tpu.memory_space<vmem>>, %arg9: memref<16x32xf32, #tpu.memory_space<vmem>>, %arg10: memref<2x2048x16xf32, #tpu.memory_space<vmem>>, %arg11: memref<2048x1xf32, #tpu.memory_space<vmem>>, %arg12: memref<2048x32xf32, #tpu.memory_space<vmem>>) attributes {dimension_semantics = [#tpu.dimension_semantics<arbitrary>], iteration_bounds = array<i64: 25>, scalar_prefetch = 0 : i64, scratch_operands = 0 : i64, tpu.core_type = #tpu.core_type<tc>, window_params = [{transform_indices = @transform_0, window_bounds = array<i64: 2048, 2>}, {transform_indices = @transform_1, window_bounds = array<i64: 2048, 3>}, {transform_indices = @transform_2, window_bounds = array<i64: 2, 2048, 16>}, {pipeline_mode = #tpu.pipeline_mode<synchronous>, transform_indices = @transform_3, window_bounds = array<i64: 2, 128>}, {pipeline_mode = #tpu.pipeline_mode<synchronous>, transform_indices = @transform_4, window_bounds = array<i64: 1, 128>}, {pipeline_mode = #tpu.pipeline_mode<synchronous>, transform_indices = @transform_5, window_bounds = array<i64: 128, 16>}, {pipeline_mode = #tpu.pipeline_mode<synchronous>, transform_indices = @transform_6, window_bounds = array<i64: 1, 16>}, {pipeline_mode = #tpu.pipeline_mode<synchronous>, transform_indices = @transform_7, window_bounds = array<i64: 3, 32>}, {pipeline_mode = #tpu.pipeline_mode<synchronous>, transform_indices = @transform_8, window_bounds = array<i64: 16, 32>}, {transform_indices = @transform_9, window_bounds = array<i64: 2, 2048, 16>}, {transform_indices = @transform_10, window_bounds = array<i64: 2048, 1>}, {transform_indices = @transform_11, window_bounds = array<i64: 2048, 32>}]} {
    %get3A = arith.constant 0 : index
    %get3A_0 = arith.constant 0 : index
    %get3A_1 = vector.load %arg1[%get3A, %get3A_0] : memref<2048x2xf32, #tpu.memory_space<vmem>>, vector<2048x2xf32>
    %get3A_2 = arith.constant 0 : index
    %get3A_3 = arith.constant 0 : index
    %get3A_4 = vector.load %arg4[%get3A_2, %get3A_3] : memref<2x128xf32, #tpu.memory_space<vmem>>, vector<2x128xf32>
    %dot_general3A = arith.constant dense<0.000000e+00> : vector<2048x128xf32>
    %dot_general3A_5 = tpu.matmul %get3A_1, %get3A_4, %dot_general3A {dimension_numbers = #tpu.dot_dimension_numbers<[1], [0], [0], [1], [0, 0, 1, 1], [], []>, transpose_lhs_hint = false} : vector<2048x2xf32>, vector<2x128xf32>, vector<2048x128xf32> -> vector<2048x128xf32>
    %get3A_6 = arith.constant 0 : index
    %get3A_7 = arith.constant 0 : index
    %get3A_8 = vector.load %arg5[%get3A_6, %get3A_7] : memref<1x128xf32, #tpu.memory_space<vmem>>, vector<1x128xf32>
    %add3A = vector.broadcast %get3A_8 : vector<1x128xf32> to vector<2048x128xf32>
    %add3A_9 = arith.addf %dot_general3A_5, %add3A : vector<2048x128xf32>
    %max3A = arith.constant 0.000000e+00 : f32
    %max3A_10 = vector.broadcast %max3A : f32 to vector<2048x128xf32>
    %max3A_11 = arith.maximumf %add3A_9, %max3A_10 : vector<2048x128xf32>
    %get3A_12 = arith.constant 0 : index
    %get3A_13 = arith.constant 0 : index
    %get3A_14 = vector.load %arg6[%get3A_12, %get3A_13] : memref<128x16xf32, #tpu.memory_space<vmem>>, vector<128x16xf32>
    %dot_general3A_15 = arith.constant dense<0.000000e+00> : vector<2048x16xf32>
    %dot_general3A_16 = tpu.matmul %max3A_11, %get3A_14, %dot_general3A_15 {dimension_numbers = #tpu.dot_dimension_numbers<[1], [0], [0], [1], [0, 0, 1, 1], [], []>, transpose_lhs_hint = false} : vector<2048x128xf32>, vector<128x16xf32>, vector<2048x16xf32> -> vector<2048x16xf32>
    %get3A_17 = arith.constant 0 : index
    %get3A_18 = arith.constant 0 : index
    %get3A_19 = vector.load %arg7[%get3A_17, %get3A_18] : memref<1x16xf32, #tpu.memory_space<vmem>>, vector<1x16xf32>
    %add3A_20 = vector.broadcast %get3A_19 : vector<1x16xf32> to vector<2048x16xf32>
    %add3A_21 = arith.addf %dot_general3A_16, %add3A_20 : vector<2048x16xf32>
    %get3A_22 = arith.constant 0 : index
    %get3A_23 = arith.constant 0 : index
    %get3A_24 = vector.load %arg2[%get3A_22, %get3A_23] : memref<2048x3xf32, #tpu.memory_space<vmem>>, vector<2048x3xf32>
    %get3A_25 = arith.constant 0 : index
    %get3A_26 = arith.constant 0 : index
    %get3A_27 = vector.load %arg8[%get3A_25, %get3A_26] : memref<3x32xf32, #tpu.memory_space<vmem>>, vector<3x32xf32>
    %dot_general3A_28 = arith.constant dense<0.000000e+00> : vector<2048x32xf32>
    %dot_general3A_29 = tpu.matmul %get3A_24, %get3A_27, %dot_general3A_28 {dimension_numbers = #tpu.dot_dimension_numbers<[1], [0], [0], [1], [0, 0, 1, 1], [], []>, transpose_lhs_hint = false} : vector<2048x3xf32>, vector<3x32xf32>, vector<2048x32xf32> -> vector<2048x32xf32>
    %get3A_30 = arith.constant 0 : index
    %get3A_31 = arith.constant 0 : index
    %get3A_32 = vector.load %arg9[%get3A_30, %get3A_31] : memref<16x32xf32, #tpu.memory_space<vmem>>, vector<16x32xf32>
    %dot_general3A_33 = arith.constant dense<0.000000e+00> : vector<2048x32xf32>
    %dot_general3A_34 = tpu.matmul %add3A_21, %get3A_32, %dot_general3A_33 {dimension_numbers = #tpu.dot_dimension_numbers<[1], [0], [0], [1], [0, 0, 1, 1], [], []>, transpose_lhs_hint = false} : vector<2048x16xf32>, vector<16x32xf32>, vector<2048x32xf32> -> vector<2048x32xf32>
    %add3A_35 = arith.addf %dot_general3A_29, %dot_general3A_34 : vector<2048x32xf32>
    %swap3A = arith.constant 0 : index
    %swap3A_36 = arith.constant 0 : index
    %swap3A_37 = vector.load %arg12[%swap3A, %swap3A_36] : memref<2048x32xf32, #tpu.memory_space<vmem>>, vector<2048x32xf32>
    tpu.vector_store %arg12[%swap3A, %swap3A_36], %add3A_35 {strides = array<i32>} : memref<2048x32xf32, #tpu.memory_space<vmem>>, vector<2048x32xf32>,
    %get3A_38 = arith.constant 0 : index
    %get3A_39 = arith.constant 0 : index
    %get3A_40 = arith.constant 0 : index
    %get3A_41 = vector.load %arg3[%get3A_38, %get3A_39, %get3A_40] : memref<2x2048x16xf32, #tpu.memory_space<vmem>>, vector<1x2048x1xf32>
    %get3A_42 = vector.shape_cast %get3A_41 : vector<1x2048x1xf32> to vector<2048x1xf32>
    %get3A_43 = arith.constant 1 : index
    %get3A_44 = arith.constant 0 : index
    %get3A_45 = arith.constant 0 : index
    %get3A_46 = vector.load %arg3[%get3A_43, %get3A_44, %get3A_45] : memref<2x2048x16xf32, #tpu.memory_space<vmem>>, vector<1x2048x1xf32>
    %get3A_47 = vector.shape_cast %get3A_46 : vector<1x2048x1xf32> to vector<2048x1xf32>
    %add3A_48 = arith.addf %get3A_42, %get3A_47 : vector<2048x1xf32>
    %add3A_49 = arith.constant 1.000000e+00 : f32
    %add3A_50 = vector.broadcast %add3A_49 : f32 to vector<2048x1xf32>
    %add3A_51 = arith.addf %add3A_48, %add3A_50 : vector<2048x1xf32>
    %rsqrt3A = math.rsqrt %add3A_51 : vector<2048x1xf32>
    %swap3A_52 = arith.constant 0 : index
    %swap3A_53 = arith.constant 0 : index
    %swap3A_54 = vector.load %arg11[%swap3A_52, %swap3A_53] : memref<2048x1xf32, #tpu.memory_space<vmem>>, vector<2048x1xf32>
    tpu.vector_store %arg11[%swap3A_52, %swap3A_53], %rsqrt3A {strides = array<i32>} : memref<2048x1xf32, #tpu.memory_space<vmem>>, vector<2048x1xf32>,
    %mul3A = vector.broadcast %rsqrt3A : vector<2048x1xf32> to vector<2048x32xf32>
    %mul3A_55 = arith.mulf %add3A_35, %mul3A : vector<2048x32xf32>
    %slice3A = vector.extract_strided_slice %mul3A_55 {offsets = [0, 0], sizes = [2048, 16], strides = [1, 1]} : vector<2048x32xf32> to vector<2048x16xf32>
    %swap3A_56 = arith.constant 0 : index
    %swap3A_57 = arith.constant 0 : index
    %swap3A_58 = arith.constant 0 : index
    %swap3A_59 = vector.load %arg10[%swap3A_56, %swap3A_57, %swap3A_58] : memref<2x2048x16xf32, #tpu.memory_space<vmem>>, vector<1x2048x16xf32>
    %swap3A_60 = vector.shape_cast %swap3A_59 : vector<1x2048x16xf32> to vector<2048x16xf32>
    %swap3A_61 = vector.shape_cast %slice3A : vector<2048x16xf32> to vector<1x2048x16xf32>
    tpu.vector_store %arg10[%swap3A_56, %swap3A_57, %swap3A_58], %swap3A_61 {strides = array<i32>} : memref<2x2048x16xf32, #tpu.memory_space<vmem>>, vector<1x2048x16xf32>,
    %slice3A_62 = vector.extract_strided_slice %mul3A_55 {offsets = [0, 16], sizes = [2048, 16], strides = [1, 1]} : vector<2048x32xf32> to vector<2048x16xf32>
    %swap3A_63 = arith.constant 1 : index
    %swap3A_64 = arith.constant 0 : index
    %swap3A_65 = arith.constant 0 : index
    %swap3A_66 = vector.load %arg10[%swap3A_63, %swap3A_64, %swap3A_65] : memref<2x2048x16xf32, #tpu.memory_space<vmem>>, vector<1x2048x16xf32>
    %swap3A_67 = vector.shape_cast %swap3A_66 : vector<1x2048x16xf32> to vector<2048x16xf32>
    %swap3A_68 = vector.shape_cast %slice3A_62 : vector<2048x16xf32> to vector<1x2048x16xf32>
    tpu.vector_store %arg10[%swap3A_63, %swap3A_64, %swap3A_65], %swap3A_68 {strides = array<i32>} : memref<2x2048x16xf32, #tpu.memory_space<vmem>>, vector<1x2048x16xf32>,
    return
  }
  func.func @transform_0(%arg0: i32) -> (i32, i32) {
    %c0_i32 = arith.constant 0 : i32
    %c0_i32_0 = arith.constant 0 : i32
    return %arg0, %c0_i32 : i32, i32
  }
  func.func @transform_1(%arg0: i32) -> (i32, i32) {
    %c0_i32 = arith.constant 0 : i32
    %c0_i32_0 = arith.constant 0 : i32
    return %arg0, %c0_i32 : i32, i32
  }
  func.func @transform_2(%arg0: i32) -> (i32, i32, i32) {
    %c0_i32 = arith.constant 0 : i32
    %c0_i32_0 = arith.constant 0 : i32
    %c0_i32_1 = arith.constant 0 : i32
    return %c0_i32, %arg0, %c0_i32_0 : i32, i32, i32
  }
  func.func @transform_3(%arg0: i32) -> (i32, i32) {
    %c0_i32 = arith.constant 0 : i32
    %c0_i32_0 = arith.constant 0 : i32
    %c0_i32_1 = arith.constant 0 : i32
    return %c0_i32, %c0_i32_0 : i32, i32
  }
  func.func @transform_4(%arg0: i32) -> (i32, i32) {
    %c0_i32 = arith.constant 0 : i32
    %c0_i32_0 = arith.constant 0 : i32
    %c0_i32_1 = arith.constant 0 : i32
    return %c0_i32, %c0_i32_0 : i32, i32
  }
  func.func @transform_5(%arg0: i32) -> (i32, i32) {
    %c0_i32 = arith.constant 0 : i32
    %c0_i32_0 = arith.constant 0 : i32
    %c0_i32_1 = arith.constant 0 : i32
    return %c0_i32, %c0_i32_0 : i32, i32
  }
  func.func @transform_6(%arg0: i32) -> (i32, i32) {
    %c0_i32 = arith.constant 0 : i32
    %c0_i32_0 = arith.constant 0 : i32
    %c0_i32_1 = arith.constant 0 : i32
    return %c0_i32, %c0_i32_0 : i32, i32
  }
  func.func @transform_7(%arg0: i32) -> (i32, i32) {
    %c0_i32 = arith.constant 0 : i32
    %c0_i32_0 = arith.constant 0 : i32
    %c0_i32_1 = arith.constant 0 : i32
    return %c0_i32, %c0_i32_0 : i32, i32
  }
  func.func @transform_8(%arg0: i32) -> (i32, i32) {
    %c0_i32 = arith.constant 0 : i32
    %c0_i32_0 = arith.constant 0 : i32
    %c0_i32_1 = arith.constant 0 : i32
    return %c0_i32, %c0_i32_0 : i32, i32
  }
  func.func @transform_9(%arg0: i32) -> (i32, i32, i32) {
    %c0_i32 = arith.constant 0 : i32
    %c0_i32_0 = arith.constant 0 : i32
    %c0_i32_1 = arith.constant 0 : i32
    return %c0_i32, %arg0, %c0_i32_0 : i32, i32, i32
  }
  func.func @transform_10(%arg0: i32) -> (i32, i32) {
    %c0_i32 = arith.constant 0 : i32
    %c0_i32_0 = arith.constant 0 : i32
    return %arg0, %c0_i32 : i32, i32
  }
  func.func @transform_11(%arg0: i32) -> (i32, i32) {
    %c0_i32 = arith.constant 0 : i32
    %c0_i32_0 = arith.constant 0 : i32
    return %arg0, %c0_i32 : i32, i32
  }
}

module attributes {stable_mosaic.version = 14 : i64} {
  func.func @_tc_c_body(%arg0: i32, %arg1: memref<2x2048x16xf32, #tpu.memory_space<vmem>>, %arg2: memref<2048x1xf32, #tpu.memory_space<vmem>>, %arg3: memref<2048x32xf32, #tpu.memory_space<vmem>>, %arg4: memref<1x32xf32, #tpu.memory_space<vmem>>, %arg5: memref<32x32xf32, #tpu.memory_space<vmem>>, %arg6: memref<2x2048x16xf32, #tpu.memory_space<vmem>>, %arg7: memref<2048x32xf32, #tpu.memory_space<vmem>>) attributes {dimension_semantics = [#tpu.dimension_semantics<arbitrary>], iteration_bounds = array<i64: 25>, scalar_prefetch = 0 : i64, scratch_operands = 0 : i64, tpu.core_type = #tpu.core_type<tc>, window_params = [{transform_indices = @transform_0, window_bounds = array<i64: 2, 2048, 16>}, {transform_indices = @transform_1, window_bounds = array<i64: 2048, 1>}, {transform_indices = @transform_2, window_bounds = array<i64: 2048, 32>}, {pipeline_mode = #tpu.pipeline_mode<synchronous>, transform_indices = @transform_3, window_bounds = array<i64: 1, 32>}, {pipeline_mode = #tpu.pipeline_mode<synchronous>, transform_indices = @transform_4, window_bounds = array<i64: 32, 32>}, {transform_indices = @transform_5, window_bounds = array<i64: 2, 2048, 16>}, {transform_indices = @transform_6, window_bounds = array<i64: 2048, 32>}]} {
    %get3A = arith.constant 0 : index
    %get3A_0 = arith.constant 0 : index
    %get3A_1 = vector.load %arg2[%get3A, %get3A_0] : memref<2048x1xf32, #tpu.memory_space<vmem>>, vector<2048x1xf32>
    %get3A_2 = arith.constant 0 : index
    %get3A_3 = arith.constant 0 : index
    %get3A_4 = arith.constant 0 : index
    %get3A_5 = vector.load %arg1[%get3A_2, %get3A_3, %get3A_4] : memref<2x2048x16xf32, #tpu.memory_space<vmem>>, vector<1x2048x16xf32>
    %get3A_6 = vector.shape_cast %get3A_5 : vector<1x2048x16xf32> to vector<2048x16xf32>
    %get3A_7 = arith.constant 1 : index
    %get3A_8 = arith.constant 0 : index
    %get3A_9 = arith.constant 0 : index
    %get3A_10 = vector.load %arg1[%get3A_7, %get3A_8, %get3A_9] : memref<2x2048x16xf32, #tpu.memory_space<vmem>>, vector<1x2048x16xf32>
    %get3A_11 = vector.shape_cast %get3A_10 : vector<1x2048x16xf32> to vector<2048x16xf32>
    %concatenate3A = tpu.concatenate %get3A_6, %get3A_11 in 1 : vector<2048x16xf32>, vector<2048x16xf32> -> vector<2048x32xf32>
    %get3A_12 = arith.constant 0 : index
    %get3A_13 = arith.constant 0 : index
    %get3A_14 = vector.load %arg3[%get3A_12, %get3A_13] : memref<2048x32xf32, #tpu.memory_space<vmem>>, vector<2048x32xf32>
    %mul3A = vector.broadcast %get3A_1 : vector<2048x1xf32> to vector<2048x32xf32>
    %mul3A_15 = arith.mulf %mul3A, %get3A_14 : vector<2048x32xf32>
    %add3A = arith.addf %concatenate3A, %mul3A_15 : vector<2048x32xf32>
    %mul3A_16 = vector.broadcast %get3A_1 : vector<2048x1xf32> to vector<2048x32xf32>
    %mul3A_17 = arith.mulf %add3A, %mul3A_16 : vector<2048x32xf32>
    %get3A_18 = arith.constant 0 : index
    %get3A_19 = arith.constant 0 : index
    %get3A_20 = vector.load %arg4[%get3A_18, %get3A_19] : memref<1x32xf32, #tpu.memory_space<vmem>>, vector<1x32xf32>
    %add3A_21 = vector.broadcast %get3A_20 : vector<1x32xf32> to vector<2048x32xf32>
    %add3A_22 = arith.addf %mul3A_17, %add3A_21 : vector<2048x32xf32>
    %max3A = arith.constant 0.000000e+00 : f32
    %max3A_23 = vector.broadcast %max3A : f32 to vector<2048x32xf32>
    %max3A_24 = arith.maximumf %add3A_22, %max3A_23 : vector<2048x32xf32>
    %get3A_25 = arith.constant 0 : index
    %get3A_26 = arith.constant 0 : index
    %get3A_27 = vector.load %arg5[%get3A_25, %get3A_26] : memref<32x32xf32, #tpu.memory_space<vmem>>, vector<32x32xf32>
    %dot_general3A = arith.constant dense<0.000000e+00> : vector<2048x32xf32>
    %dot_general3A_28 = tpu.matmul %max3A_24, %get3A_27, %dot_general3A {dimension_numbers = #tpu.dot_dimension_numbers<[1], [0], [0], [1], [0, 0, 1, 1], [], []>, transpose_lhs_hint = false} : vector<2048x32xf32>, vector<32x32xf32>, vector<2048x32xf32> -> vector<2048x32xf32>
    %swap3A = arith.constant 0 : index
    %swap3A_29 = arith.constant 0 : index
    %swap3A_30 = vector.load %arg7[%swap3A, %swap3A_29] : memref<2048x32xf32, #tpu.memory_space<vmem>>, vector<2048x32xf32>
    tpu.vector_store %arg7[%swap3A, %swap3A_29], %dot_general3A_28 {strides = array<i32>} : memref<2048x32xf32, #tpu.memory_space<vmem>>, vector<2048x32xf32>,
    %mul3A_31 = vector.broadcast %get3A_1 : vector<2048x1xf32> to vector<2048x32xf32>
    %mul3A_32 = arith.mulf %dot_general3A_28, %mul3A_31 : vector<2048x32xf32>
    %slice3A = vector.extract_strided_slice %mul3A_32 {offsets = [0, 0], sizes = [2048, 16], strides = [1, 1]} : vector<2048x32xf32> to vector<2048x16xf32>
    %swap3A_33 = arith.constant 0 : index
    %swap3A_34 = arith.constant 0 : index
    %swap3A_35 = arith.constant 0 : index
    %swap3A_36 = vector.load %arg6[%swap3A_33, %swap3A_34, %swap3A_35] : memref<2x2048x16xf32, #tpu.memory_space<vmem>>, vector<1x2048x16xf32>
    %swap3A_37 = vector.shape_cast %swap3A_36 : vector<1x2048x16xf32> to vector<2048x16xf32>
    %swap3A_38 = vector.shape_cast %slice3A : vector<2048x16xf32> to vector<1x2048x16xf32>
    tpu.vector_store %arg6[%swap3A_33, %swap3A_34, %swap3A_35], %swap3A_38 {strides = array<i32>} : memref<2x2048x16xf32, #tpu.memory_space<vmem>>, vector<1x2048x16xf32>,
    %slice3A_39 = vector.extract_strided_slice %mul3A_32 {offsets = [0, 16], sizes = [2048, 16], strides = [1, 1]} : vector<2048x32xf32> to vector<2048x16xf32>
    %swap3A_40 = arith.constant 1 : index
    %swap3A_41 = arith.constant 0 : index
    %swap3A_42 = arith.constant 0 : index
    %swap3A_43 = vector.load %arg6[%swap3A_40, %swap3A_41, %swap3A_42] : memref<2x2048x16xf32, #tpu.memory_space<vmem>>, vector<1x2048x16xf32>
    %swap3A_44 = vector.shape_cast %swap3A_43 : vector<1x2048x16xf32> to vector<2048x16xf32>
    %swap3A_45 = vector.shape_cast %slice3A_39 : vector<2048x16xf32> to vector<1x2048x16xf32>
    tpu.vector_store %arg6[%swap3A_40, %swap3A_41, %swap3A_42], %swap3A_45 {strides = array<i32>} : memref<2x2048x16xf32, #tpu.memory_space<vmem>>, vector<1x2048x16xf32>,
    return
  }
  func.func @transform_0(%arg0: i32) -> (i32, i32, i32) {
    %c0_i32 = arith.constant 0 : i32
    %c0_i32_0 = arith.constant 0 : i32
    %c0_i32_1 = arith.constant 0 : i32
    return %c0_i32, %arg0, %c0_i32_0 : i32, i32, i32
  }
  func.func @transform_1(%arg0: i32) -> (i32, i32) {
    %c0_i32 = arith.constant 0 : i32
    %c0_i32_0 = arith.constant 0 : i32
    return %arg0, %c0_i32 : i32, i32
  }
  func.func @transform_2(%arg0: i32) -> (i32, i32) {
    %c0_i32 = arith.constant 0 : i32
    %c0_i32_0 = arith.constant 0 : i32
    return %arg0, %c0_i32 : i32, i32
  }
  func.func @transform_3(%arg0: i32) -> (i32, i32) {
    %c0_i32 = arith.constant 0 : i32
    %c0_i32_0 = arith.constant 0 : i32
    %c0_i32_1 = arith.constant 0 : i32
    return %c0_i32, %c0_i32_0 : i32, i32
  }
  func.func @transform_4(%arg0: i32) -> (i32, i32) {
    %c0_i32 = arith.constant 0 : i32
    %c0_i32_0 = arith.constant 0 : i32
    %c0_i32_1 = arith.constant 0 : i32
    return %c0_i32, %c0_i32_0 : i32, i32
  }
  func.func @transform_5(%arg0: i32) -> (i32, i32, i32) {
    %c0_i32 = arith.constant 0 : i32
    %c0_i32_0 = arith.constant 0 : i32
    %c0_i32_1 = arith.constant 0 : i32
    return %c0_i32, %arg0, %c0_i32_0 : i32, i32, i32
  }
  func.func @transform_6(%arg0: i32) -> (i32, i32) {
    %c0_i32 = arith.constant 0 : i32
    %c0_i32_0 = arith.constant 0 : i32
    return %arg0, %c0_i32 : i32, i32
  }
}

module attributes {stable_mosaic.version = 14 : i64} {
  func.func @_tc_d_body(%arg0: i32, %arg1: memref<2x2048x16xf32, #tpu.memory_space<vmem>>, %arg2: memref<2048x1xf32, #tpu.memory_space<vmem>>, %arg3: memref<2048x32xf32, #tpu.memory_space<vmem>>, %arg4: memref<1x32xf32, #tpu.memory_space<vmem>>, %arg5: memref<32x1xf32, #tpu.memory_space<vmem>>, %arg6: memref<1x1xf32, #tpu.memory_space<vmem>>, %arg7: memref<2048x1xf32, #tpu.memory_space<vmem>>) attributes {dimension_semantics = [#tpu.dimension_semantics<arbitrary>], iteration_bounds = array<i64: 25>, scalar_prefetch = 0 : i64, scratch_operands = 0 : i64, tpu.core_type = #tpu.core_type<tc>, window_params = [{transform_indices = @transform_0, window_bounds = array<i64: 2, 2048, 16>}, {transform_indices = @transform_1, window_bounds = array<i64: 2048, 1>}, {transform_indices = @transform_2, window_bounds = array<i64: 2048, 32>}, {pipeline_mode = #tpu.pipeline_mode<synchronous>, transform_indices = @transform_3, window_bounds = array<i64: 1, 32>}, {pipeline_mode = #tpu.pipeline_mode<synchronous>, transform_indices = @transform_4, window_bounds = array<i64: 32, 1>}, {pipeline_mode = #tpu.pipeline_mode<synchronous>, transform_indices = @transform_5, window_bounds = array<i64: 1, 1>}, {transform_indices = @transform_6, window_bounds = array<i64: 2048, 1>}]} {
    %get3A = arith.constant 0 : index
    %get3A_0 = arith.constant 0 : index
    %get3A_1 = vector.load %arg2[%get3A, %get3A_0] : memref<2048x1xf32, #tpu.memory_space<vmem>>, vector<2048x1xf32>
    %get3A_2 = arith.constant 0 : index
    %get3A_3 = arith.constant 0 : index
    %get3A_4 = arith.constant 0 : index
    %get3A_5 = vector.load %arg1[%get3A_2, %get3A_3, %get3A_4] : memref<2x2048x16xf32, #tpu.memory_space<vmem>>, vector<1x2048x16xf32>
    %get3A_6 = vector.shape_cast %get3A_5 : vector<1x2048x16xf32> to vector<2048x16xf32>
    %get3A_7 = arith.constant 1 : index
    %get3A_8 = arith.constant 0 : index
    %get3A_9 = arith.constant 0 : index
    %get3A_10 = vector.load %arg1[%get3A_7, %get3A_8, %get3A_9] : memref<2x2048x16xf32, #tpu.memory_space<vmem>>, vector<1x2048x16xf32>
    %get3A_11 = vector.shape_cast %get3A_10 : vector<1x2048x16xf32> to vector<2048x16xf32>
    %concatenate3A = tpu.concatenate %get3A_6, %get3A_11 in 1 : vector<2048x16xf32>, vector<2048x16xf32> -> vector<2048x32xf32>
    %get3A_12 = arith.constant 0 : index
    %get3A_13 = arith.constant 0 : index
    %get3A_14 = vector.load %arg3[%get3A_12, %get3A_13] : memref<2048x32xf32, #tpu.memory_space<vmem>>, vector<2048x32xf32>
    %mul3A = vector.broadcast %get3A_1 : vector<2048x1xf32> to vector<2048x32xf32>
    %mul3A_15 = arith.mulf %mul3A, %get3A_14 : vector<2048x32xf32>
    %add3A = arith.addf %concatenate3A, %mul3A_15 : vector<2048x32xf32>
    %mul3A_16 = vector.broadcast %get3A_1 : vector<2048x1xf32> to vector<2048x32xf32>
    %mul3A_17 = arith.mulf %add3A, %mul3A_16 : vector<2048x32xf32>
    %get3A_18 = arith.constant 0 : index
    %get3A_19 = arith.constant 0 : index
    %get3A_20 = vector.load %arg4[%get3A_18, %get3A_19] : memref<1x32xf32, #tpu.memory_space<vmem>>, vector<1x32xf32>
    %add3A_21 = vector.broadcast %get3A_20 : vector<1x32xf32> to vector<2048x32xf32>
    %add3A_22 = arith.addf %mul3A_17, %add3A_21 : vector<2048x32xf32>
    %max3A = arith.constant 0.000000e+00 : f32
    %max3A_23 = vector.broadcast %max3A : f32 to vector<2048x32xf32>
    %max3A_24 = arith.maximumf %add3A_22, %max3A_23 : vector<2048x32xf32>
    %get3A_25 = arith.constant 0 : index
    %get3A_26 = arith.constant 0 : index
    %get3A_27 = vector.load %arg5[%get3A_25, %get3A_26] : memref<32x1xf32, #tpu.memory_space<vmem>>, vector<32x1xf32>
    %dot_general3A = arith.constant dense<0.000000e+00> : vector<2048x1xf32>
    %dot_general3A_28 = tpu.matmul %max3A_24, %get3A_27, %dot_general3A {dimension_numbers = #tpu.dot_dimension_numbers<[1], [0], [0], [1], [0, 0, 1, 1], [], []>, transpose_lhs_hint = false} : vector<2048x32xf32>, vector<32x1xf32>, vector<2048x1xf32> -> vector<2048x1xf32>
    %get3A_29 = arith.constant 0 : index
    %get3A_30 = arith.constant 0 : index
    %get3A_31 = vector.load %arg6[%get3A_29, %get3A_30] : memref<1x1xf32, #tpu.memory_space<vmem>>, vector<1x1xf32>
    %add3A_32 = vector.broadcast %get3A_31 : vector<1x1xf32> to vector<2048x1xf32>
    %add3A_33 = arith.addf %dot_general3A_28, %add3A_32 : vector<2048x1xf32>
    %swap3A = arith.constant 0 : index
    %swap3A_34 = arith.constant 0 : index
    %swap3A_35 = vector.load %arg7[%swap3A, %swap3A_34] : memref<2048x1xf32, #tpu.memory_space<vmem>>, vector<2048x1xf32>
    tpu.vector_store %arg7[%swap3A, %swap3A_34], %add3A_33 {strides = array<i32>} : memref<2048x1xf32, #tpu.memory_space<vmem>>, vector<2048x1xf32>,
    return
  }
  func.func @transform_0(%arg0: i32) -> (i32, i32, i32) {
    %c0_i32 = arith.constant 0 : i32
    %c0_i32_0 = arith.constant 0 : i32
    %c0_i32_1 = arith.constant 0 : i32
    return %c0_i32, %arg0, %c0_i32_0 : i32, i32, i32
  }
  func.func @transform_1(%arg0: i32) -> (i32, i32) {
    %c0_i32 = arith.constant 0 : i32
    %c0_i32_0 = arith.constant 0 : i32
    return %arg0, %c0_i32 : i32, i32
  }
  func.func @transform_2(%arg0: i32) -> (i32, i32) {
    %c0_i32 = arith.constant 0 : i32
    %c0_i32_0 = arith.constant 0 : i32
    return %arg0, %c0_i32 : i32, i32
  }
  func.func @transform_3(%arg0: i32) -> (i32, i32) {
    %c0_i32 = arith.constant 0 : i32
    %c0_i32_0 = arith.constant 0 : i32
    %c0_i32_1 = arith.constant 0 : i32
    return %c0_i32, %c0_i32_0 : i32, i32
  }
  func.func @transform_4(%arg0: i32) -> (i32, i32) {
    %c0_i32 = arith.constant 0 : i32
    %c0_i32_0 = arith.constant 0 : i32
    %c0_i32_1 = arith.constant 0 : i32
    return %c0_i32, %c0_i32_0 : i32, i32
  }
  func.func @transform_5(%arg0: i32) -> (i32, i32) {
    %c0_i32 = arith.constant 0 : i32
    %c0_i32_0 = arith.constant 0 : i32
    %c0_i32_1 = arith.constant 0 : i32
    return %c0_i32, %c0_i32_0 : i32, i32
  }
  func.func @transform_6(%arg0: i32) -> (i32, i32) {
    %c0_i32 = arith.constant 0 : i32
    %c0_i32_0 = arith.constant 0 : i32
    return %arg0, %c0_i32 : i32, i32
  }
}

</mosaic_0001>

<sc_bundles>
// kernel: kernel.11.cloned.1.call-start
scs
__scs_entry_jumppad:
0x0: {  	(pc) =	sbr.rel $0x88, $3  }
0x1: {  	(tag) =	ssettag $0x0;
	lr =	simm.s32 $0x1  }
0x2: {  	[smem:$0x3F93] =	sst lr;
	_ =	strace $0xD0000000  }
0x3: {  	_ = 	snop  }
0x4: {  	_ = 	snop  }
0x5: {  	_ = 	snop  }
0x6: {  	_ = 	snop  }
0x7: {  	_ = 	snop  }
__scs_overlays_trampoline_lowered:
0x8: {  	[smem:$0x3FA2] =	sst s0  }
0x9: {  	[smem:$0x3FA3] =	sst s1  }
0xa: {  	[smem:$0x3FA4] =	sst s2  }
0xb: {  	[smem:$0x3FA5] =	sst s3  }
0xc: {  	[smem:$0x3FA6] =	sst s4  }
0xd: {  	[smem:$0x3FA7] =	sst s5  }
0xe: {  	[smem:$0x3FA8] =	sst s6  }
0xf: {  	[smem:$0x3FA9] =	sst s7  }
0x10: {  	[smem:$0x3FAA] =	sst s8  }
0x11: {  	[smem:$0x3FAB] =	sst s9;
	s0 =	simm.s32 @!p0 $0x0  }
0x12: {  	s1 =	sld [smem:$0x3F91];
	s0 =	simm.s32 @p0 $0x1  }
0x13: {  	[smem:$0x3FAC] =	sst s0;
	s0 =	simm.s32 @!p1 $0x0  }
0x14: {  	s2 =	sld [smem:$0x3F90];
	s0 =	simm.s32 @p1 $0x1  }
0x15: {  	[smem:$0x3FAD] =	sst s0;
	s0 =	simm.s32 @!p2 $0x0  }
0x16: {  	s3 =	sld [smem:$0x3FDB];
	s0 =	simm.s32 @p2 $0x1  }
0x17: {  	s4 =	simm.s32 $0x1BF5;
	[smem:$0x3FAF] =	sst s0  }
0x18: {  	s0 =	sld [smem:$0x3F92];
	_ =	swait.ge [sflag:s4], $0x0  }
0x19: {  	s7 =	sld [smem:$0x3F93]  }
0x1a: {  	s8 =	sadd.s32 $0xFFFFE003, lr  }
0x1b: {  	s9 =	sadd.s32 $0xFFFFFEF7, lr;
	s5 =	simm.s32 $0xFFFFFFFF;
	p2 =	slt.u32 s8, $0xFFFFF086  }
0x1c: {  	p1 =	slt.u32 s9, $0xF7A;
	s5 =	simm.s32 @!p2 $0x0  }
0x1d: {  	s5 =	simm.s32 @p1 $0x1;
	p0 =	seq.s32 s7, s2  }
0x1e: {  	s7 =	smul.u32 @!p0 $0xF7A, s2;
	p2 =	seq.s32 @!p0 s5, $0x0  }
0x1f: {  	s9 =	smul.u32 $0xF7A, s1;
	s8 =	simm.s32 @!p0 $0x1BF5;
	p2 =	por !p2, p0  }
0x20: {  	[sflag:s8] =	ssyncset.s32 @!p0 $0xFFFFF086;
	s6 =	sadd.s32 @!p0 s3, s7;
	s7 =	simm.s32 @!p0 $0x108  }
0x21: {  	s3 =	sadd.s32 s3, s9;
	s6 =	sadd.s32 @!p0 $0x88, s6;
	s7 =	simm.s32 @p2 $0x1082  }
0x22: {  	[simem:s7], [sflag:s8] =	dma.local @!p0 [hbm:s6], $0xF7A  }
0x23: {  	s9 =	sor.u32 $0xD0000000, s2;
	s6 =	simm.s32 $0x108;
	_ =	swait.ge @!p0 [sflag:s8], $0x0  }
0x24: {  	s3 =	sadd.s32 $0x88, s3;
	s6 =	simm.s32 @!p1 $0x1082;
	[sflag:s4] =	ssyncset.s32 $0xFFFFF086  }
0x25: {  	[simem:s6], [sflag:s4] =	dma.local [hbm:s3], $0xF7A  }
0x26: {  	[smem:$0x3F93] =	sst s1;
	(tag) =	ssettag s2;
	_ =	strace s9  }
0x27: {  	s1 =	sld [smem:$0x3FA3]  }
0x28: {  	s2 =	sld [smem:$0x3FA4]  }
0x29: {  	s4 =	sld [smem:$0x3FA6]  }
0x2a: {  	p0 =	seq.s32 s5, $0x0;
	s5 =	sld [smem:$0x3FA7]  }
0x2b: {  	s6 =	sld [smem:$0x3FA8]  }
0x2c: {  	s7 =	sld [smem:$0x3FA9]  }
0x2d: {  	s3 =	simm.s32 $0x108;
	s8 =	sld [smem:$0x3FAA]  }
0x2e: {  	s3 =	simm.s32 @!p0 $0x1082;
	s9 =	sld [smem:$0x3FAB]  }
0x2f: {  	lr =	sadd.s32 s0, s3;
	s0 =	sld [smem:$0x3FA2]  }
0x30: {  	s3 =	sld [smem:$0x3FA5]  }
0x31: {  	[smem:$0x3FAE] =	sst s10  }
0x32: {  	s10 =	sld [smem:$0x3FAC];
	_ =	sdelay $0x3  }
0x33: {  	p0 =	seq.s32 s10, $0x1;
	s10 =	sld [smem:$0x3FAE];
	_ =	sdelay $0x3  }
0x34: {  	[smem:$0x3FAE] =	sst s10  }
0x35: {  	s10 =	sld [smem:$0x3FAD];
	_ =	sdelay $0x3  }
0x36: {  	p1 =	seq.s32 s10, $0x1;
	s10 =	sld [smem:$0x3FAE];
	_ =	sdelay $0x3  }
0x37: {  	[smem:$0x3FAE] =	sst s10  }
0x38: {  	s10 =	sld [smem:$0x3FAF]  }
0x39: {  	_ = 	snop;
	(pc) =	sbr.ind lr, $3  }
0x3a: {  	_ = 	snop  }
0x3b: {  	_ = 	snop  }
0x3c: {  	p2 =	seq.s32 s10, $0x1;
	s10 =	sld [smem:$0x3FAE]  }
0x3d: {  	_ =	shalt  }
0x3e: {  	_ =	shalt  }
0x3f: {  	_ =	shalt  }
0x40: {  	_ =	shalt  }
0x41: {  	_ =	shalt  }
0x42: {  	_ =	shalt  }
0x43: {  	_ =	shalt  }
0x44: {  	_ =	shalt  }
0x45: {  	_ =	shalt  }
0x46: {  	_ =	shalt  }
0x47: {  	_ =	shalt  }
0x48: {  	_ =	shalt  }
0x49: {  	_ =	shalt  }
0x4a: {  	_ =	shalt  }
0x4b: {  	_ =	shalt  }
0x4c: {  	_ =	shalt  }
0x4d: {  	_ =	shalt  }
0x4e: {  	_ =	shalt  }
0x4f: {  	_ =	shalt  }
0x50: {  	_ =	shalt  }
0x51: {  	_ =	shalt  }
0x52: {  	_ =	shalt  }
0x53: {  	_ =	shalt  }
0x54: {  	_ =	shalt  }
0x55: {  	_ =	shalt  }
0x56: {  	_ =	shalt  }
0x57: {  	_ =	shalt  }
0x58: {  	_ =	shalt  }
0x59: {  	_ =	shalt  }
0x5a: {  	_ =	shalt  }
0x5b: {  	_ =	shalt  }
0x5c: {  	_ =	shalt  }
0x5d: {  	_ =	shalt  }
0x5e: {  	_ =	shalt  }
0x5f: {  	_ =	shalt  }
0x60: {  	_ =	shalt  }
0x61: {  	_ =	shalt  }
0x62: {  	_ =	shalt  }
0x63: {  	_ =	shalt  }
0x64: {  	_ =	shalt  }
0x65: {  	_ =	shalt  }
0x66: {  	_ =	shalt  }
0x67: {  	_ =	shalt  }
0x68: {  	_ =	shalt  }
0x69: {  	_ =	shalt  }
0x6a: {  	_ =	shalt  }
0x6b: {  	_ =	shalt  }
0x6c: {  	_ =	shalt  }
0x6d: {  	_ =	shalt  }
0x6e: {  	_ =	shalt  }
0x6f: {  	_ =	shalt  }
0x70: {  	_ =	shalt  }
0x71: {  	_ =	shalt  }
0x72: {  	_ =	shalt  }
0x73: {  	_ =	shalt  }
0x74: {  	_ =	shalt  }
0x75: {  	_ =	shalt  }
0x76: {  	_ =	shalt  }
0x77: {  	_ =	shalt  }
0x78: {  	_ =	shalt  }
0x79: {  	_ =	shalt  }
0x7a: {  	_ =	shalt  }
0x7b: {  	_ =	shalt  }
0x7c: {  	_ =	shalt  }
0x7d: {  	_ =	shalt  }
0x7e: {  	_ =	shalt  }
0x7f: {  	_ =	shalt  }
0x80: {  	_ =	shalt  }
0x81: {  	_ =	shalt  }
0x82: {  	_ =	shalt  }
0x83: {  	_ =	shalt  }
0x84: {  	_ =	shalt  }
0x85: {  	_ =	shalt  }
0x86: {  	_ =	shalt  }
0x87: {  	_ =	shalt  }
.Lfunc_end0:
.L_simem_size_0:
called_computation.1_lowered:
.L_overlay_start_0:
0x88: {  	s2 =	sld [smem:$0x3FD9]  }
0x89: {  	s3 =	sld [smem:$0x3FFE];
	_ =	sdelay $0x1  }
0x8a: {  	s1 =	srdreg.scid  }
0x8b: {  	s0 =	sand.u32 $0x1, s1  }
0x8c: {  	s16 =	sshll.u32 s0, $0xA;
	s2 =	sadd.s32 s3, s2  }
0x8d: {  	s2 =	sadd.s32 s2, s16  }
0x8e: {  	[smem:$0x3FBA] =	sst s2  }
0x8f: {  	_ = 	snop  }
0x90: {  	(tm) =	ssettm $0x1  }
0x91: {  	s17 =	sld [smem:$0x3FFB];
	_ =	sdelay $0x3  }
0x92: {  	_ =	strace s17  }
0x93: {  	s2 =	sld [smem:$0x3FFC];
	_ =	sdelay $0x3  }
0x94: {  	_ =	strace s2  }
0x95: {  	s2 =	sld [smem:$0x3FFD];
	_ =	sdelay $0x3  }
0x96: {  	_ =	strace s2  }
0x97: {  	_ =	strace $0x8FFFFFFF  }
0x98: {  	s18 =	sld [smem:$0x3FDB];
	_ =	sdelay $0x1  }
0x99: {  	s19 =	simm.s32 $_scs_section_size  }
0x9a: {  	s4 =	simm.s32 $_size__tile_overlayer_lowered;
	s5 =	simm.s32 $_tile_overlayer_lowered  }
0x9b: {  	s22 =	simm.s32 $0x1BFF;
	s21 =	sshll.u32 s5, $0x1;
	s2 =	sadd.s32 s19, s18  }
0x9c: {  	s6 =	simm.s32 $0x0;
	s20 =	sshll.u32 s4, $0x1;
	s4 =	sadd.s32 s21, s2  }
0x9d: {  	[timem:s6], [sflag:s22] =	dma.local [hbm:s4], s20  }
0x9e: {  	_ =	swait.ge [sflag:s22], s20  }
0x9f: {  	s3 =	ssub.s32 $0x0, s20;
	[sflag:s22] =	ssyncset.done $0x0  }
0xa0: {  	[sflag:s22] =	ssyncadd.s32 s3;
	_ =	sdelay $0x1  }
0xa1: {  	s23 =	simm.s32 $0x1B8B  }
0xa2: {  	_ =	swait.ge [sflag:s23], $0x1  }
0xa3: {  	[sflag:s23] =	ssyncset.done $0x0  }
0xa4: {  	s25 =	simm.s32 $0x1B8E;
	s24 =	sld [smem:$0x3FFE];
	[sflag:s23] =	ssyncadd.s32 $0xFFFFFFFF  }
0xa5: {  	s26 =	simm.s32 $execute0_lowered;
	[smem:$0x3FD2] =	sst s25  }
0xa6: {  	s4 =	sshll.u32 s26, $0x1;
	_ =	strace $0x80000049;
	[dreg:$0x1] =	wrdreg $0xFFFFFFFF  }
0xa7: {  	s28 =	simm.s32 $_size_execute0_lowered;
	s2 =	sadd.s32 s2, s4;
	[dreg:$0x0] =	wrdreg $0x0  }
0xa8: {  	s4 =	sshll.u32 s28, $0x1;
	[dreg:$0x2] =	wrdreg s2  }
0xa9: {  	[dreg:$0x3] =	wrdreg s4  }
0xaa: {  	[dreg:$0x4] =	wrdreg $0xC0  }
0xab: {  	_ =	task [dreg:s6], $0x5FFFF  }
0xac: {  	[dreg:$0x1] =	wrdreg $0xFFFFFFFF  }
0xad: {  	[dreg:$0x0] =	wrdreg $0x60  }
0xae: {  	[dreg:$0x2] =	wrdreg s24  }
0xaf: {  	[dreg:$0x3] =	wrdreg $0xF0000  }
0xb0: {  	[dreg:$0x4] =	wrdreg $0x9  }
0xb1: {  	_ =	task.clear_ibuf [dreg:s6], $0x5FFFF;
	_ =	strace $0x90000049  }
0xb2: {  	s29 =	simm.s32 $0x9;
	_ =	strace $0x8000004B  }
0xb3: {  	_ =	swait.ge [sflag:s29], $0x1  }
0xb4: {  	[sflag:s29] =	ssyncadd.s32 $0xFFFFFFFF  }
0xb5: {  	_ =	strace $0x9000004B  }
0xb6: {  	_ =	sfence  }
0xb7: {  	s30 =	sld [smem:$0x0];
	_ =	sdelay $0x2  }
0xb8: {  	s31 =	sshll.u32 s1, $0xD;
	s1 =	sshrl.u32 s1, $0x2  }
0xb9: {  	s3 =	sand.u32 $0x4000, s31;
	s1 =	sadd.s32 s1, s30  }
0xba: {  	s0 =	sor.u32 s3, s0;
	s1 =	sshll.u32 s1, $0x11  }
0xbb: {  	s0 =	sor.u32 s1, s0  }
0xbc: {  	s0 =	sadd.s32 $0x8F2B, s0  }
0xbd: {  	[sflag:s0] =	ssyncadd.remote.s32 $0x1  }
0xbe: {  	_ =	sfence.sel $0xFFFF  }
0xbf: {  	[dreg:$0x0] =	wrdreg $0xFFFFFFFF;
	(pc) =	sbr.abs _section_cstart, $3  }
0xc0: {  	[dreg:$0x1] =	wrdreg $0xFFFFFFFF  }
0xc1: {  	_ =	task.clear_ibuf [dreg:s6], $0x2FFFF;
	_ =	strace $0x9FFFFFFF  }
0xc2: {  	(tm) =	ssettm $0x7FFFFFFF  }
0xc3: {  	_ =	shalt  }
tec
execute0_lowered:
.L_overlay_start_1:
0x0: {  	(tag) =	ssettag $0x1  }
0x1: {  	s0 =	rddreg [dreg:$0x0]  }
0x2: {  	s1 =	rddreg [dreg:$0x1];
	s3 =	simm.s32 $0x0;
	s2 =	srdreg.scid  }
0x3: {  	s13 =	stileid.u32;
	s21 =	simm.s32 $0x4;
	s28 =	simm.s32 $0x1  }
0x4: {  	s29 =	simm.s32 $0x200;
	s31 =	simm.s32 $0x2;
	[smem:$0x7FF] =	sst s3  }
0x5: {  	s4 =	sadd.s32 $0x28A400, s0;
	s2 =	sand.u32 $0x1, s2;
	s9 =	smul.u32 $0xC800, s13  }
0x6: {  	s5 =	sadd.s32 $0x228400, s0;
	s6 =	sadd.s32 $0x2A00, s0;
	s7 =	sadd.s32 $0x33A00, s0  }
0x7: {  	s12 =	sadd.s32 $0x64A00, s0;
	s23 =	sshll.u32 s13, $0x6;
	s8 =	smul.u32 $0xC8000, s2  }
0x8: {  	_ =	strace $0x8000004A;
	s10 =	smul.u32 $0x188000, s2;
	s2 =	ssub.s32 $0x2, s2  }
0x9: {  	[dreg:$0x3] =	wrdreg s12;
	s22 =	sshrl.u32 s2, $0x1;
	s11 =	sadd.s32 s9, s8  }
0xa: {  	s8 =	smul.u32 $0x18800, s13;
	s2 =	ssub.s32 s2, s22;
	s9 =	sadd.s32 s9, s1  }
0xb: {  	s11 =	sshrl.u32 s11, $0x3;
	s19 =	smax.u32 s2, $0x1;
	s20 =	sshrl.u32 s9, $0x3  }
0xc: {  	v0 =	vimm.s32 $0x0;
	s2 =	simm.s32 $0x0;
	s0 =	sadd.s32 s11, s0;
	s10 =	sadd.s32 s8, s10  }
0xd: {  	v1 =	vimm.s32 $0x1;
	v2 =	vimm.s32 $0x2;
	v3 =	vimm.s32 $0x3;
	s11 =	sor.u32 $0x1C04, s23;
	s25 =	sshrl.u32 s8, $0x3;
	s24 =	sshrl.u32 s10, $0x3  }
0xe: {  	v4 =	vimm.s32 $0x4;
	v5 =	vimm.s32 $0x5;
	v6 =	vimm.s32 $0x6;
	s14 =	sadd.s32 s6, s25;
	s26 =	sadd.s32 s7, s25;
	s13 =	sor.u32 $0x80, s25  }
0xf: {  	v7 =	vimm.s32 $0x7;
	v8 =	vimm.s32 $0x8;
	v9 =	vimm.s32 $0x9;
	s18 =	sadd.s32 $0x66400, s0;
	s12 =	sadd.s32 s5, s24;
	[dreg:$0x4] =	wrdreg s14  }
0x10: {  	v10 =	vimm.s32 $0xA;
	v11 =	vimm.s32 $0xB;
	v12 =	vimm.s32 $0xC;
	s0 =	simm.s32 $0x3;
	[dreg:$0x5] =	wrdreg s26;
	s30 =	sadd.s32 $0x80, s12  }
0x11: {  	v13 =	vimm.s32 $0xD;
	v14 =	vimm.s32 $0xE;
	v15 =	vimm.s32 $0xF;
	s16 =	sadd.s32 s6, s13;
	s17 =	sadd.s32 s7, s13;
	[dreg:$0x6] =	wrdreg s30  }
.LBB2_1:
0x12: {  	s9 =	rddreg [dreg:$0x3]  }
0x13: {  	[spmem:s20], [sflag:s11] =	dma.local [hbm:s9], $0x1900  }
0x14: {  	_ =	swait.ge [sflag:s21], $0x1900  }
0x15: {  	[sflag:s21] =	ssyncset.done $0x0  }
0x16: {  	[sflag:s21] =	ssyncadd.s32 $0xFFFFE700  }
0x17: {  	[bflag:$0x0] =	sbarrier.arrive $0xFFFF  }
0x18: {  	[tilespmem:s3], [sflag:$0x1] =	stream.linear.gather [hbm4b:s12+s3], $0x400, $0x38;
	[tilespmem:$0x1B800] =	vst v63  }
0x19: {  	s13 =	simm.s32 $0x1000;
	s14 =	rddreg [dreg:$0x4]  }
0x1a: {  	[tilespmem:s13], [sflag:$0x1] =	stream.linear.gather [hbm4b:s14+s3], $0x400, $0x38;
	[tilespmem:$0x1B800] =	vst v63  }
0x1b: {  	s22 =	simm.s32 $0x2000;
	s15 =	rddreg [dreg:$0x5]  }
0x1c: {  	[tilespmem:s22], [sflag:$0x1] =	stream.linear.gather [hbm4b:s15+s3], $0x400, $0x38;
	[tilespmem:$0x1B800] =	vst v63  }
0x1d: {  	s24 =	simm.s32 $0x400;
	s23 =	rddreg [dreg:$0x6]  }
0x1e: {  	[tilespmem:s24], [sflag:$0x1] =	stream.linear.gather [hbm4b:s23+s3], $0x400, $0x38;
	[tilespmem:$0x1B800] =	vst v63  }
0x1f: {  	s25 =	simm.s32 $0x1400  }
0x20: {  	[tilespmem:s25], [sflag:$0x1] =	stream.linear.gather [hbm4b:s16+s3], $0x400, $0x38;
	[tilespmem:$0x1B800] =	vst v63  }
0x21: {  	s26 =	simm.s32 $0x2400  }
0x22: {  	[tilespmem:s26], [sflag:$0x1] =	stream.linear.gather [hbm4b:s17+s3], $0x400, $0x38;
	[tilespmem:$0x1B800] =	vst v63  }
0x23: {  	_ =	swait.ge [sflag:s28], $0x400  }
0x24: {  	[sflag:s28] =	ssyncset.done $0x0  }
0x25: {  	[sflag:s28] =	ssyncadd.s32 $0xFFFFFC00  }
0x26: {  	_ =	swait.ge [sflag:s28], $0x400  }
0x27: {  	[sflag:s28] =	ssyncset.done $0x0  }
0x28: {  	[sflag:s28] =	ssyncadd.s32 $0xFFFFFC00  }
0x29: {  	_ =	swait.ge [sflag:s28], $0x400  }
0x2a: {  	[sflag:s28] =	ssyncset.done $0x0  }
0x2b: {  	s22 =	simm.s32 $0x3000;
	[sflag:s28] =	ssyncadd.s32 $0xFFFFFC00  }
0x2c: {  	[tilespmem:s22], [sflag:$0x2] =	stream.indirect.gather [hbm4b:s4+s29], $0x10, s3, s29, $0xb8;
	[tilespmem:$0x1B800] =	vst v63  }
0x2d: {  	s30 =	simm.s32 $0x5000;
	s13 =	simm.s32 $0x0;
	s23 =	simm.s32 $0x0  }
0x2e: {  	[tilespmem:s30], [sflag:$0x2] =	stream.indirect.gather [hbm4b:s4+s29], $0x10, s29, s29, $0xb8;
	[tilespmem:$0x1B800] =	vst v63  }
.LBB2_2:
0x2f: {  	p0 =	slt.u32 s13, $0x2  }
0x30: {  	p1 =	seq.s32 @!p0 s13, $0x61  }
0x31: {  	_ =	swait.ge [sflag:s31], $0x4000;
	p1 =	por p0, !p1  }
.Ltmp0:
0x32: {  	[sflag:s31] =	ssyncset.done $0x0;
	(pc) =	sbr.rel @!p1 .LBB2_4-.Ltmp0, $4  }
0x33: {  	s9 =	simm.s32 @!p0 $0x3;
	[sflag:s31] =	ssyncadd.s32 $0xFFFFC000  }
0x34: {  	_ =	swait.ge @!p0 [sflag:s9], $0x4000  }
0x35: {  	[sflag:s9] =	ssyncset.done @!p0 $0x0  }
0x36: {  	s14 =	smul.u32 $0xAB, s13;
	s24 =	sadd.s32 $0x1, s13;
	[sflag:s9] =	ssyncadd.s32 @!p0 $0xFFFFC000  }
0x37: {  	_ = 	snop  }
0x38: {  	_ =	swait.ge [sflag:s28], $0x400;
	s9 =	sadd.s32 $0xAB, s14  }
0x39: {  	[sflag:s28] =	ssyncset.done $0x0;
	s9 =	sshrl.u32 s9, $0x9  }
0x3a: {  	[sflag:s28] =	ssyncadd.s32 $0xFFFFFC00;
	s9 =	sand.u32 $0x7F, s9  }
0x3b: {  	_ =	swait.ge [sflag:s28], $0x400;
	s9 =	smul.u32 $0x3, s9  }
0x3c: {  	[sflag:s28] =	ssyncset.done $0x0  }
0x3d: {  	[sflag:s28] =	ssyncadd.s32 $0xFFFFFC00;
	s9 =	ssub.s32 s24, s9  }
0x3e: {  	_ =	swait.ge [sflag:s28], $0x400;
	s9 =	sand.u32 $0xFF, s9  }
0x3f: {  	s15 =	sshll.u32 s24, $0xA;
	[sflag:s28] =	ssyncset.done $0x0;
	s9 =	sshll.u32 s9, $0xE  }
0x40: {  	s15 =	sand.u32 $0xC00, s15;
	[sflag:s28] =	ssyncadd.s32 $0xFFFFFC00;
	s25 =	sor.u32 $0x3000, s9  }
0x41: {  	[tilespmem:s25], [sflag:$0x2] =	stream.indirect.gather [hbm4b:s4+s29], $0x10, s15, s29, $0xb8;
	[tilespmem:$0x1B800] =	vst v63  }
0x42: {  	p0 =	sgt.u32 s13, $0x5F;
	s9 =	sadd.s32 $0x5000, s9;
	s15 =	sor.u32 $0x200, s15  }
0x43: {  	[tilespmem:s9], [sflag:$0x2] =	stream.indirect.gather [hbm4b:s4+s29], $0x10, s15, s29, $0xb8;
	[tilespmem:$0x1B800] =	vst v63  }
0x44: {  	s9 =	sshll.u32 @!p0 s13, $0xA  }
0x45: {  	s9 =	sadd.s32 @!p0 $0x800, s9  }
0x46: {  	s15 =	sadd.s32 @!p0 s10, s9  }
0x47: {  	s25 =	sand.u32 @!p0 $0xC00, s9;
	s9 =	sadd.s32 @!p0 s8, s9;
	s15 =	sshrl.u32 @!p0 s15, $0x3  }
0x48: {  	s26 =	simm.s32 @!p0 $0x0;
	s9 =	sshrl.u32 @!p0 s9, $0x3;
	s15 =	sadd.s32 @!p0 s5, s15  }
0x49: {  	[tilespmem:s25], [sflag:$0x1] =	stream.linear.gather @!p0 [hbm4b:s15+s26], $0x400, $0x38;
	[tilespmem:$0x1B800] =	vst v63  }
0x4a: {  	s30 =	sadd.s32 @!p0 s6, s9;
	s15 =	sor.u32 @!p0 $0x1000, s25  }
0x4b: {  	[tilespmem:s15], [sflag:$0x1] =	stream.linear.gather @!p0 [hbm4b:s30+s26], $0x400, $0x38;
	[tilespmem:$0x1B800] =	vst v63  }
0x4c: {  	s9 =	sadd.s32 @!p0 s7, s9;
	s15 =	sor.u32 @!p0 $0x2000, s25  }
0x4d: {  	[tilespmem:s15], [sflag:$0x1] =	stream.linear.gather @!p0 [hbm4b:s9+s26], $0x400, $0x38;
	[tilespmem:$0x1B800] =	vst v63  }
.LBB2_4:
0x4e: {  	s9 =	smulhi.u32 $0xAAAAAAAB, s13;
	_ =	sdelay $0x1  }
0x4f: {  	s9 =	sshrl.u32 s9, $0x1  }
0x50: {  	s9 =	smul.u32 $0xFFFD0000, s9;
	_ =	sdelay $0x1  }
0x51: {  	s15 =	sand.u32 $0x3, s23;
	s9 =	sshra.s32 s9, $0x2  }
0x52: {  	s15 =	sshll.u32 s15, $0xA;
	s25 =	sadd.s32 s9, s22  }
0x53: {  	s9 =	sor.u32 $0x2010, s15;
	v16 =	vld [tilespmem:s25+$0x50]  }
0x54: {  	v17 =	vld [tilespmem:s9+$0xFFFFFFF0]  }
0x55: {  	v18 =	vld [tilespmem:s25+$0xC0]  }
0x56: {  	v19 =	vld [tilespmem:s25+$0xB0]  }
0x57: {  	v21 =	vld [tilespmem:s25+$0x0]  }
0x58: {  	v22 =	vld [tilespmem:s25+$0x80]  }
0x59: {  	s14 =	sshrl.u32 s14, $0x9;
	v26 =	vld [tilespmem:s25+$0x90];
	v20 =	vperm.xlane v17, v2;
	v25 =	vperm.xlane v17, v11  }
0x5a: {  	s14 =	sand.u32 $0x7F, s14;
	v28 =	vld [tilespmem:s25+$0xA0];
	v23 =	vperm.xlane v17, v7;
	v27 =	vperm.xlane v17, v0  }
0x5b: {  	s14 =	smul.u32 $0x3, s14;
	v24 =	vld [tilespmem:s25+$0x70];
	v29 =	vperm.xlane v17, v8;
	v31 =	vperm.xlane v17, v9  }
0x5c: {  	v33 =	vperm.xlane v17, v10;
	v30 =	vmul.f32 v19, v25;
	v25 =	vld [tilespmem:s25+$0x20]  }
0x5d: {  	s26 =	sshll.u32 s13, $0xA;
	s14 =	ssub.s32 s13, s14;
	v19 =	vperm.xlane v17, v5;
	v32 =	vmul.f32 v21, v27;
	v21 =	vld [tilespmem:s25+$0xF0]  }
0x5e: {  	s26 =	sand.u32 $0xC00, s26;
	s30 =	sand.u32 $0xFF, s14;
	v29 =	vmul.f32 v22, v29;
	v27 =	vmul.f32 v26, v31;
	v22 =	vld [tilespmem:s25+$0xE0];
	[tilespmem:s25+$0xB0] =	vst v30  }
0x5f: {  	s14 =	simm.s32 $0x0;
	s15 =	smov.u32 s25;
	s13 =	smov.u32 s9;
	v26 =	vld [tilespmem:s25+$0x60];
	[tilespmem:s25+$0x0] =	vst v32;
	v30 =	vmul.f32 v28, v33;
	v28 =	vperm.xlane v17, v12  }
.LBB2_5:
0x60: {  	s14 =	sadd.s32 $0x2, s14;
	v23 =	vmul.f32 v24, v23;
	[tilespmem:s25+$0x80] =	vst v29;
	v24 =	vperm.xlane v17, v15;
	s9 =	sadd.s32 $0x20, s9;
	s15 =	sadd.s32 $0x200, s15  }
0x61: {  	v29 =	vperm.xlane v17, v14;
	p0 =	slt.u32 s14, $0x3E;
	v20 =	vmul.f32 v25, v20;
	[tilespmem:s25+$0xA0] =	vst v30;
	v25 =	vld [tilespmem:s25+$0xD0]  }
0x62: {  	v31 =	vperm.xlane v17, v6;
	v30 =	vld [tilespmem:s25+$0x40];
	[tilespmem:s25+$0x90] =	vst v27;
	v21 =	vmul.f32 v21, v24  }
0x63: {  	v18 =	vmul.f32 v18, v28;
	v24 =	vld [tilespmem:s25+$0x30];
	[tilespmem:s25+$0x70] =	vst v23;
	v22 =	vmul.f32 v22, v29  }
0x64: {  	v23 =	vperm.xlane v17, v13;
	[tilespmem:s25+$0x20] =	vst v20;
	v20 =	vmul.f32 v26, v31  }
0x65: {  	v16 =	vmul.f32 v16, v19;
	v27 =	vperm.xlane v17, v4;
	v26 =	vld [tilespmem:s25+$0x10];
	[tilespmem:s25+$0xC0] =	vst v18  }
0x66: {  	v18 =	vperm.xlane v17, v3;
	[tilespmem:s25+$0x60] =	vst v20;
	v19 =	vmul.f32 v25, v23  }
0x67: {  	v20 =	vmul.f32 v30, v27;
	[tilespmem:s25+$0x50] =	vst v16  }
0x68: {  	v17 =	vperm.xlane v17, v1;
	v16 =	vld [tilespmem:s15+$0x50];
	v18 =	vmul.f32 v24, v18;
	[tilespmem:s25+$0xD0] =	vst v19  }
0x69: {  	[tilespmem:s25+$0x40] =	vst v20  }
0x6a: {  	v17 =	vmul.f32 v26, v17;
	[tilespmem:s25+$0x30] =	vst v18  }
0x6b: {  	[tilespmem:s25+$0xF0] =	vst v21  }
0x6c: {  	[tilespmem:s25+$0x10] =	vst v17  }
0x6d: {  	[tilespmem:s25+$0xE0] =	vst v22;
	v17 =	vld [tilespmem:s25+$0x120]  }
0x6e: {  	v18 =	vld [tilespmem:s13+$0x0];
	s13 =	smov.u32 s9  }
0x6f: {  	v19 =	vld [tilespmem:s25+$0x150]  }
0x70: {  	v20 =	vld [tilespmem:s25+$0x110]  }
0x71: {  	v21 =	vld [tilespmem:s25+$0x160]  }
0x72: {  	v22 =	vld [tilespmem:s25+$0x130]  }
0x73: {  	v23 =	vld [tilespmem:s25+$0x100];
	v24 =	vperm.xlane v18, v1;
	v25 =	vperm.xlane v18, v5  }
0x74: {  	v26 =	vperm.xlane v18, v0;
	v27 =	vperm.xlane v18, v2;
	v28 =	vld [tilespmem:s25+$0x170]  }
0x75: {  	v20 =	vmul.f32 v20, v24;
	v24 =	vld [tilespmem:s25+$0x140];
	v19 =	vmul.f32 v19, v25  }
0x76: {  	v29 =	vperm.xlane v18, v4;
	v25 =	vperm.xlane v18, v3;
	v30 =	vld [tilespmem:s25+$0x1A0]  }
0x77: {  	v31 =	vperm.xlane v18, v7;
	[tilespmem:s25+$0x110] =	vst v20;
	v20 =	vperm.xlane v18, v6;
	v32 =	vld [tilespmem:s25+$0x180]  }
0x78: {  	v22 =	vmul.f32 v22, v25;
	v23 =	vmul.f32 v23, v26;
	[tilespmem:s25+$0x150] =	vst v19;
	v19 =	vld [tilespmem:s25+$0x190]  }
0x79: {  	v20 =	vmul.f32 v21, v20;
	v21 =	vmul.f32 v28, v31;
	v25 =	vld [tilespmem:s25+$0x1B0]  }
0x7a: {  	v17 =	vmul.f32 v17, v27;
	[tilespmem:s25+$0x130] =	vst v22;
	v22 =	vmul.f32 v24, v29  }
0x7b: {  	v24 =	vperm.xlane v18, v9;
	[tilespmem:s25+$0x160] =	vst v20;
	v20 =	vperm.xlane v18, v8;
	v26 =	vld [tilespmem:s25+$0x1C0]  }
0x7c: {  	v27 =	vperm.xlane v18, v11;
	[tilespmem:s25+$0x170] =	vst v21;
	v21 =	vperm.xlane v18, v10;
	v28 =	vld [tilespmem:s25+$0x1D0]  }
0x7d: {  	[tilespmem:s25+$0x140] =	vst v22;
	v20 =	vmul.f32 v32, v20;
	v19 =	vmul.f32 v19, v24;
	v22 =	vld [tilespmem:s25+$0x1E0]  }
0x7e: {  	[tilespmem:s25+$0x100] =	vst v23;
	v21 =	vmul.f32 v30, v21;
	v23 =	vmul.f32 v25, v27;
	v24 =	vld [tilespmem:s25+$0x1F0]  }
0x7f: {  	v25 =	vperm.xlane v18, v13;
	[tilespmem:s25+$0x120] =	vst v17;
	v17 =	vperm.xlane v18, v12  }
0x80: {  	[tilespmem:s25+$0x180] =	vst v20;
	v20 =	vperm.xlane v18, v14;
	v18 =	vperm.xlane v18, v15  }
0x81: {  	[tilespmem:s25+$0x190] =	vst v19;
	v17 =	vmul.f32 v26, v17;
	v19 =	vmul.f32 v28, v25  }
0x82: {  	[tilespmem:s25+$0x1A0] =	vst v21;
	v20 =	vmul.f32 v22, v20  }
0x83: {  	[tilespmem:s25+$0x1B0] =	vst v23;
	v18 =	vmul.f32 v24, v18  }
0x84: {  	[tilespmem:s25+$0x1C0] =	vst v17  }
0x85: {  	[tilespmem:s25+$0x1F0] =	vst v18  }
0x86: {  	[tilespmem:s25+$0x1D0] =	vst v19  }
0x87: {  	[tilespmem:s25+$0x1E0] =	vst v20;
	s25 =	smov.u32 s15  }
0x88: {  	v17 =	vld [tilespmem:s9+$0xFFFFFFF0]  }
0x89: {  	v18 =	vld [tilespmem:s15+$0xC0]  }
0x8a: {  	v21 =	vld [tilespmem:s15+$0x0]  }
0x8b: {  	v22 =	vld [tilespmem:s15+$0xB0]  }
0x8c: {  	v26 =	vld [tilespmem:s15+$0x80]  }
0x8d: {  	v20 =	vperm.xlane v17, v2;
	v23 =	vperm.xlane v17, v7;
	v27 =	vld [tilespmem:s15+$0x90]  }
0x8e: {  	v28 =	vperm.xlane v17, v0;
	v29 =	vperm.xlane v17, v11;
	v30 =	vld [tilespmem:s15+$0xA0]  }
.Ltmp1:
0x8f: {  	v31 =	vperm.xlane v17, v8;
	v32 =	vperm.xlane v17, v9;
	v24 =	vld [tilespmem:s15+$0x70];
	(pc) =	sbr.rel @p0 .LBB2_5-.Ltmp1, $4  }
0x90: {  	v19 =	vperm.xlane v17, v5;
	v25 =	vld [tilespmem:s15+$0x20];
	v22 =	vmul.f32 v22, v29  }
0x91: {  	v33 =	vperm.xlane v17, v10;
	v28 =	vmul.f32 v21, v28;
	v21 =	vld [tilespmem:s15+$0xF0]  }
0x92: {  	v29 =	vmul.f32 v26, v31;
	v27 =	vmul.f32 v27, v32;
	[tilespmem:s15+$0xB0] =	vst v22;
	v22 =	vld [tilespmem:s15+$0xE0]  }
0x93: {  	[tilespmem:s15+$0x0] =	vst v28;
	v26 =	vld [tilespmem:s15+$0x60];
	v30 =	vmul.f32 v30, v33;
	v28 =	vperm.xlane v17, v12  }
0x94: {  	[tilespmem:s25+$0x80] =	vst v29;
	v23 =	vmul.f32 v24, v23;
	v57 =	vperm.xlane v17, v6  }
0x95: {  	[tilespmem:s25+$0x90] =	vst v27;
	v60 =	vperm.xlane v17, v13;
	v62 =	vperm.xlane v17, v4  }
0x96: {  	v16 =	vmul.f32 v16, v19;
	v63 =	vperm.xlane v17, v3;
	[tilespmem:s25+$0xA0] =	vst v30  }
0x97: {  	v55 =	vld [tilespmem:s25+$0xD0];
	v20 =	vmul.f32 v25, v20;
	v30 =	vperm.xlane v17, v15;
	[tilespmem:s25+$0x70] =	vst v23  }
0x98: {  	v56 =	vld [tilespmem:s25+$0x40];
	v18 =	vmul.f32 v18, v28;
	[tilespmem:s25+$0x50] =	vst v16;
	v16 =	vperm.xlane v17, v1  }
0x99: {  	v58 =	vld [tilespmem:s25+$0x30];
	v17 =	vperm.xlane v17, v14;
	[tilespmem:s25+$0x20] =	vst v20;
	v32 =	vmul.f32 v21, v30  }
0x9a: {  	v61 =	vld [tilespmem:s25+$0x10];
	[tilespmem:s25+$0xC0] =	vst v18;
	v59 =	vmul.f32 v26, v57  }
0x9b: {  	v17 =	vmul.f32 v22, v17;
	[tilespmem:s25+$0xF0] =	vst v32  }
0x9c: {  	v29 =	vmul.f32 v55, v60;
	[tilespmem:s25+$0x60] =	vst v59  }
0x9d: {  	v31 =	vmul.f32 v56, v62;
	[tilespmem:s25+$0xE0] =	vst v17  }
0x9e: {  	v18 =	vmul.f32 v58, v63;
	[tilespmem:s25+$0xD0] =	vst v29  }
0x9f: {  	v16 =	vmul.f32 v61, v16;
	[tilespmem:s25+$0x40] =	vst v31  }
0xa0: {  	[tilespmem:s25+$0x30] =	vst v18  }
0xa1: {  	[tilespmem:s25+$0x10] =	vst v16  }
0xa2: {  	v16 =	vld [tilespmem:s13+$0x0];
	_ =	sdelay $0x1  }
0xa3: {  	v33 =	vld [tilespmem:s25+$0x110]  }
0xa4: {  	v34 =	vld [tilespmem:s25+$0x150]  }
0xa5: {  	v35 =	vld [tilespmem:s25+$0x130]  }
0xa6: {  	v36 =	vld [tilespmem:s25+$0x160];
	v37 =	vperm.xlane v16, v1  }
0xa7: {  	v40 =	vld [tilespmem:s25+$0x140];
	v38 =	vperm.xlane v16, v5  }
0xa8: {  	v42 =	vld [tilespmem:s25+$0x100];
	v41 =	vperm.xlane v16, v3;
	v18 =	vmul.f32 v33, v37  }
0xa9: {  	v17 =	vld [tilespmem:s25+$0x120];
	v43 =	vperm.xlane v16, v6;
	v19 =	vmul.f32 v34, v38  }
0xaa: {  	v45 =	vld [tilespmem:s25+$0x180];
	v46 =	vperm.xlane v16, v4;
	v20 =	vmul.f32 v35, v41;
	[tilespmem:s25+$0x110] =	vst v18  }
0xab: {  	v53 =	vld [tilespmem:s25+$0x1B0];
	v48 =	vperm.xlane v16, v0;
	v47 =	vmul.f32 v36, v43;
	[tilespmem:s25+$0x150] =	vst v19  }
0xac: {  	v39 =	vld [tilespmem:s25+$0x170];
	v50 =	vperm.xlane v16, v2;
	v22 =	vmul.f32 v40, v46;
	[tilespmem:s25+$0x130] =	vst v20  }
0xad: {  	v51 =	vld [tilespmem:s25+$0x1A0];
	v54 =	vperm.xlane v16, v8;
	v52 =	vmul.f32 v42, v48;
	[tilespmem:s25+$0x160] =	vst v47  }
0xae: {  	v56 =	vld [tilespmem:s25+$0x1C0];
	v59 =	vperm.xlane v16, v11;
	v17 =	vmul.f32 v17, v50;
	[tilespmem:s25+$0x140] =	vst v22  }
0xaf: {  	v49 =	vld [tilespmem:s25+$0x190];
	v44 =	vperm.xlane v16, v7;
	v25 =	vmul.f32 v45, v54;
	[tilespmem:s25+$0x100] =	vst v52  }
0xb0: {  	v58 =	vld [tilespmem:s25+$0x1F0];
	v57 =	vperm.xlane v16, v10;
	v21 =	vmul.f32 v53, v59;
	[tilespmem:s25+$0x120] =	vst v17  }
0xb1: {  	v60 =	vld [tilespmem:s25+$0x1D0];
	v61 =	vperm.xlane v16, v12;
	v18 =	vmul.f32 v39, v44;
	[tilespmem:s25+$0x180] =	vst v25  }
0xb2: {  	v55 =	vperm.xlane v16, v9;
	v17 =	vld [tilespmem:s25+$0x1E0];
	v22 =	vmul.f32 v51, v57;
	[tilespmem:s25+$0x1B0] =	vst v21  }
0xb3: {  	v62 =	vperm.xlane v16, v15;
	v20 =	vmul.f32 v56, v61;
	[tilespmem:s25+$0x170] =	vst v18  }
0xb4: {  	v63 =	vperm.xlane v16, v13;
	v18 =	vmul.f32 v49, v55;
	[tilespmem:s25+$0x1A0] =	vst v22  }
0xb5: {  	v16 =	vperm.xlane v16, v14;
	v19 =	vmul.f32 v58, v62;
	[tilespmem:s25+$0x1C0] =	vst v20  }
0xb6: {  	[tilespmem:s25+$0x190] =	vst v18;
	v18 =	vmul.f32 v60, v63  }
0xb7: {  	p0 =	sne.s32 s24, $0x62;
	[tilespmem:s25+$0x1F0] =	vst v19;
	v16 =	vmul.f32 v17, v16  }
.Ltmp2:
0xb8: {  	s9 =	sshll.u32 s30, $0xE;
	s14 =	sor.u32 $0x1000, s26;
	[tilespmem:s25+$0x1D0] =	vst v18;
	(pc) =	sbr.rel @p0 .LBB2_2-.Ltmp2, $4  }
0xb9: {  	s30 =	sadd.s32 $0x1200, s26;
	s23 =	sadd.s32 $0x1, s23;
	[tilespmem:s25+$0x1E0] =	vst v16;
	s25 =	sor.u32 $0x3000, s9  }
0xba: {  	[spmem:s1] =	stream.indirect.scatter.add.f32 [tilespmem:s25], [sflag:$0x3], $0x10, s14, s29, $0xb8;
	[tilespmem:$0x1B800] =	vst v63  }
0xbb: {  	s22 =	sadd.s32 $0x4000, s22;
	s13 =	smov.u32 s24;
	s9 =	sadd.s32 $0x5000, s9  }
0xbc: {  	[spmem:s1] =	stream.indirect.scatter.add.f32 [tilespmem:s9], [sflag:$0x3], $0x10, s30, s29, $0xb8;
	[tilespmem:$0x1B800] =	vst v63  }
0xbd: {  	_ =	swait.ge [sflag:s0], $0x4000  }
0xbe: {  	[sflag:s0] =	ssyncset.done $0x0  }
0xbf: {  	[sflag:s0] =	ssyncadd.s32 $0xFFFFC000  }
0xc0: {  	_ =	swait.ge [sflag:s0], $0x4000  }
0xc1: {  	s2 =	sadd.s32 $0x1, s2;
	[sflag:s0] =	ssyncset.done $0x0  }
0xc2: {  	p0 =	sne.s32 s2, s19;
	[sflag:s0] =	ssyncadd.s32 $0xFFFFC000  }
.Ltmp3:
0xc3: {  	[bflag:$0x0] =	sbarrier.arrive $0xFFFF;
	(pc) =	sbr.rel @p0 .LBB2_1-.Ltmp3, $4  }
0xc4: {  	[hbm:s18], [sflag:s11] =	dma.local [spmem:s20], $0x1900  }
0xc5: {  	_ =	swait.ge [sflag:s21], $0x1900  }
0xc6: {  	[sflag:s21] =	ssyncset.done $0x0  }
0xc7: {  	[sflag:s21] =	ssyncadd.s32 $0xFFFFE700  }
0xc8: {  	_ =	sfence.sel $0x180000  }
0xc9: {  	[bflag:$0x0] =	sbarrier.arrive $0xFFFF  }
0xca: {  	_ =	strace $0x9000004A  }
0xcb: {  	s0 =	stileid.u32;
	[bflag:$0x2] =	sbarrier.arrive $0xFFFF  }
0xcc: {  	p0 =	sne.s32 s0, $0x0;
	s0 =	rddreg [dreg:$0x2]  }
0xcd: {  	s0 =	sadd.s32 @!p0 $0x100000, s0  }
0xce: {  	[sflag:s0] =	ssyncadd.tile.s32 @!p0 $0x1;
	_ =	shalt  }
.Lfunc_end2:
_tile_overlayer_lowered:
.L_overlay_start_2:
0xcf: {  	(tag) =	ssettag $0x2  }
0xd0: {  	s0 =	rddreg [dreg:$0x0];
	s2 =	stileid.u32  }
0xd1: {  	s1 =	rddreg [dreg:$0x1];
	p0 =	sne.s32 s2, $0x0  }
0xd2: {  	s3 =	rddreg [dreg:$0x2];
	[bflag:$0x3] =	sbarrier.arrive $0xFFFF;
	s2 =	simm.s32 @!p0 $0x1C04  }
0xd3: {  	[timem:s3], [sflag:s2] =	dma.local @!p0 [hbm:s0], s1  }
0xd4: {  	s0 =	simm.s32 @!p0 $0x4  }
0xd5: {  	_ =	swait.ge @!p0 [sflag:s0], s1  }
0xd6: {  	s1 =	ssub.s32 @!p0 $0x0, s1;
	[sflag:s0] =	ssyncset.done @!p0 $0x0  }
0xd7: {  	[sflag:s0] =	ssyncadd.s32 @!p0 s1  }
0xd8: {  	[bflag:$0x3] =	sbarrier.arrive $0xFFFF  }
0xd9: {  	_ =	shalt  }

// kernel: kernel.14.cloned.1.call-start
scs
__scs_entry_jumppad:
0x0: {  	(pc) =	sbr.rel $0x88, $3  }
0x1: {  	(tag) =	ssettag $0x0;
	lr =	simm.s32 $0x1  }
0x2: {  	[smem:$0x3F93] =	sst lr;
	_ =	strace $0xD0000000  }
0x3: {  	_ = 	snop  }
0x4: {  	_ = 	snop  }
0x5: {  	_ = 	snop  }
0x6: {  	_ = 	snop  }
0x7: {  	_ = 	snop  }
__scs_overlays_trampoline_lowered:
0x8: {  	[smem:$0x3FA2] =	sst s0  }
0x9: {  	[smem:$0x3FA3] =	sst s1  }
0xa: {  	[smem:$0x3FA4] =	sst s2  }
0xb: {  	[smem:$0x3FA5] =	sst s3  }
0xc: {  	[smem:$0x3FA6] =	sst s4  }
0xd: {  	[smem:$0x3FA7] =	sst s5  }
0xe: {  	[smem:$0x3FA8] =	sst s6  }
0xf: {  	[smem:$0x3FA9] =	sst s7  }
0x10: {  	[smem:$0x3FAA] =	sst s8  }
0x11: {  	[smem:$0x3FAB] =	sst s9;
	s0 =	simm.s32 @!p0 $0x0  }
0x12: {  	s1 =	sld [smem:$0x3F91];
	s0 =	simm.s32 @p0 $0x1  }
0x13: {  	[smem:$0x3FAC] =	sst s0;
	s0 =	simm.s32 @!p1 $0x0  }
0x14: {  	s2 =	sld [smem:$0x3F90];
	s0 =	simm.s32 @p1 $0x1  }
0x15: {  	[smem:$0x3FAD] =	sst s0;
	s0 =	simm.s32 @!p2 $0x0  }
0x16: {  	s3 =	sld [smem:$0x3FDB];
	s0 =	simm.s32 @p2 $0x1  }
0x17: {  	s4 =	simm.s32 $0x1BF5;
	[smem:$0x3FAF] =	sst s0  }
0x18: {  	s0 =	sld [smem:$0x3F92];
	_ =	swait.ge [sflag:s4], $0x0  }
0x19: {  	s7 =	sld [smem:$0x3F93]  }
0x1a: {  	s8 =	sadd.s32 $0xFFFFE003, lr  }
0x1b: {  	s9 =	sadd.s32 $0xFFFFFEF7, lr;
	s5 =	simm.s32 $0xFFFFFFFF;
	p2 =	slt.u32 s8, $0xFFFFF086  }
0x1c: {  	p1 =	slt.u32 s9, $0xF7A;
	s5 =	simm.s32 @!p2 $0x0  }
0x1d: {  	s5 =	simm.s32 @p1 $0x1;
	p0 =	seq.s32 s7, s2  }
0x1e: {  	s7 =	smul.u32 @!p0 $0xF7A, s2;
	p2 =	seq.s32 @!p0 s5, $0x0  }
0x1f: {  	s9 =	smul.u32 $0xF7A, s1;
	s8 =	simm.s32 @!p0 $0x1BF5;
	p2 =	por !p2, p0  }
0x20: {  	[sflag:s8] =	ssyncset.s32 @!p0 $0xFFFFF086;
	s6 =	sadd.s32 @!p0 s3, s7;
	s7 =	simm.s32 @!p0 $0x108  }
0x21: {  	s3 =	sadd.s32 s3, s9;
	s6 =	sadd.s32 @!p0 $0x88, s6;
	s7 =	simm.s32 @p2 $0x1082  }
0x22: {  	[simem:s7], [sflag:s8] =	dma.local @!p0 [hbm:s6], $0xF7A  }
0x23: {  	s9 =	sor.u32 $0xD0000000, s2;
	s6 =	simm.s32 $0x108;
	_ =	swait.ge @!p0 [sflag:s8], $0x0  }
0x24: {  	s3 =	sadd.s32 $0x88, s3;
	s6 =	simm.s32 @!p1 $0x1082;
	[sflag:s4] =	ssyncset.s32 $0xFFFFF086  }
0x25: {  	[simem:s6], [sflag:s4] =	dma.local [hbm:s3], $0xF7A  }
0x26: {  	[smem:$0x3F93] =	sst s1;
	(tag) =	ssettag s2;
	_ =	strace s9  }
0x27: {  	s1 =	sld [smem:$0x3FA3]  }
0x28: {  	s2 =	sld [smem:$0x3FA4]  }
0x29: {  	s4 =	sld [smem:$0x3FA6]  }
0x2a: {  	p0 =	seq.s32 s5, $0x0;
	s5 =	sld [smem:$0x3FA7]  }
0x2b: {  	s6 =	sld [smem:$0x3FA8]  }
0x2c: {  	s7 =	sld [smem:$0x3FA9]  }
0x2d: {  	s3 =	simm.s32 $0x108;
	s8 =	sld [smem:$0x3FAA]  }
0x2e: {  	s3 =	simm.s32 @!p0 $0x1082;
	s9 =	sld [smem:$0x3FAB]  }
0x2f: {  	lr =	sadd.s32 s0, s3;
	s0 =	sld [smem:$0x3FA2]  }
0x30: {  	s3 =	sld [smem:$0x3FA5]  }
0x31: {  	[smem:$0x3FAE] =	sst s10  }
0x32: {  	s10 =	sld [smem:$0x3FAC];
	_ =	sdelay $0x3  }
0x33: {  	p0 =	seq.s32 s10, $0x1;
	s10 =	sld [smem:$0x3FAE];
	_ =	sdelay $0x3  }
0x34: {  	[smem:$0x3FAE] =	sst s10  }
0x35: {  	s10 =	sld [smem:$0x3FAD];
	_ =	sdelay $0x3  }
0x36: {  	p1 =	seq.s32 s10, $0x1;
	s10 =	sld [smem:$0x3FAE];
	_ =	sdelay $0x3  }
0x37: {  	[smem:$0x3FAE] =	sst s10  }
0x38: {  	s10 =	sld [smem:$0x3FAF]  }
0x39: {  	_ = 	snop;
	(pc) =	sbr.ind lr, $3  }
0x3a: {  	_ = 	snop  }
0x3b: {  	_ = 	snop  }
0x3c: {  	p2 =	seq.s32 s10, $0x1;
	s10 =	sld [smem:$0x3FAE]  }
0x3d: {  	_ =	shalt  }
0x3e: {  	_ =	shalt  }
0x3f: {  	_ =	shalt  }
0x40: {  	_ =	shalt  }
0x41: {  	_ =	shalt  }
0x42: {  	_ =	shalt  }
0x43: {  	_ =	shalt  }
0x44: {  	_ =	shalt  }
0x45: {  	_ =	shalt  }
0x46: {  	_ =	shalt  }
0x47: {  	_ =	shalt  }
0x48: {  	_ =	shalt  }
0x49: {  	_ =	shalt  }
0x4a: {  	_ =	shalt  }
0x4b: {  	_ =	shalt  }
0x4c: {  	_ =	shalt  }
0x4d: {  	_ =	shalt  }
0x4e: {  	_ =	shalt  }
0x4f: {  	_ =	shalt  }
0x50: {  	_ =	shalt  }
0x51: {  	_ =	shalt  }
0x52: {  	_ =	shalt  }
0x53: {  	_ =	shalt  }
0x54: {  	_ =	shalt  }
0x55: {  	_ =	shalt  }
0x56: {  	_ =	shalt  }
0x57: {  	_ =	shalt  }
0x58: {  	_ =	shalt  }
0x59: {  	_ =	shalt  }
0x5a: {  	_ =	shalt  }
0x5b: {  	_ =	shalt  }
0x5c: {  	_ =	shalt  }
0x5d: {  	_ =	shalt  }
0x5e: {  	_ =	shalt  }
0x5f: {  	_ =	shalt  }
0x60: {  	_ =	shalt  }
0x61: {  	_ =	shalt  }
0x62: {  	_ =	shalt  }
0x63: {  	_ =	shalt  }
0x64: {  	_ =	shalt  }
0x65: {  	_ =	shalt  }
0x66: {  	_ =	shalt  }
0x67: {  	_ =	shalt  }
0x68: {  	_ =	shalt  }
0x69: {  	_ =	shalt  }
0x6a: {  	_ =	shalt  }
0x6b: {  	_ =	shalt  }
0x6c: {  	_ =	shalt  }
0x6d: {  	_ =	shalt  }
0x6e: {  	_ =	shalt  }
0x6f: {  	_ =	shalt  }
0x70: {  	_ =	shalt  }
0x71: {  	_ =	shalt  }
0x72: {  	_ =	shalt  }
0x73: {  	_ =	shalt  }
0x74: {  	_ =	shalt  }
0x75: {  	_ =	shalt  }
0x76: {  	_ =	shalt  }
0x77: {  	_ =	shalt  }
0x78: {  	_ =	shalt  }
0x79: {  	_ =	shalt  }
0x7a: {  	_ =	shalt  }
0x7b: {  	_ =	shalt  }
0x7c: {  	_ =	shalt  }
0x7d: {  	_ =	shalt  }
0x7e: {  	_ =	shalt  }
0x7f: {  	_ =	shalt  }
0x80: {  	_ =	shalt  }
0x81: {  	_ =	shalt  }
0x82: {  	_ =	shalt  }
0x83: {  	_ =	shalt  }
0x84: {  	_ =	shalt  }
0x85: {  	_ =	shalt  }
0x86: {  	_ =	shalt  }
0x87: {  	_ =	shalt  }
.Lfunc_end0:
.L_simem_size_0:
called_computation.2_lowered:
.L_overlay_start_0:
0x88: {  	s2 =	sld [smem:$0x3FD9]  }
0x89: {  	s3 =	sld [smem:$0x3FFE];
	_ =	sdelay $0x1  }
0x8a: {  	s1 =	srdreg.scid  }
0x8b: {  	s0 =	sand.u32 $0x1, s1  }
0x8c: {  	s16 =	sshll.u32 s0, $0xA;
	s2 =	sadd.s32 s3, s2  }
0x8d: {  	s2 =	sadd.s32 s2, s16  }
0x8e: {  	[smem:$0x3FBA] =	sst s2  }
0x8f: {  	_ = 	snop  }
0x90: {  	(tm) =	ssettm $0x1  }
0x91: {  	s17 =	sld [smem:$0x3FFB];
	_ =	sdelay $0x3  }
0x92: {  	_ =	strace s17  }
0x93: {  	s2 =	sld [smem:$0x3FFC];
	_ =	sdelay $0x3  }
0x94: {  	_ =	strace s2  }
0x95: {  	s2 =	sld [smem:$0x3FFD];
	_ =	sdelay $0x3  }
0x96: {  	_ =	strace s2  }
0x97: {  	_ =	strace $0x8FFFFFFF  }
0x98: {  	s18 =	sld [smem:$0x3FDB];
	_ =	sdelay $0x1  }
0x99: {  	s19 =	simm.s32 $_scs_section_size  }
0x9a: {  	s4 =	simm.s32 $_size__tile_overlayer_lowered;
	s5 =	simm.s32 $_tile_overlayer_lowered  }
0x9b: {  	s22 =	simm.s32 $0x1BFF;
	s21 =	sshll.u32 s5, $0x1;
	s2 =	sadd.s32 s19, s18  }
0x9c: {  	s6 =	simm.s32 $0x0;
	s20 =	sshll.u32 s4, $0x1;
	s4 =	sadd.s32 s21, s2  }
0x9d: {  	[timem:s6], [sflag:s22] =	dma.local [hbm:s4], s20  }
0x9e: {  	_ =	swait.ge [sflag:s22], s20  }
0x9f: {  	s3 =	ssub.s32 $0x0, s20;
	[sflag:s22] =	ssyncset.done $0x0  }
0xa0: {  	[sflag:s22] =	ssyncadd.s32 s3;
	_ =	sdelay $0x1  }
0xa1: {  	s23 =	simm.s32 $0x1B8B  }
0xa2: {  	_ =	swait.ge [sflag:s23], $0x1  }
0xa3: {  	[sflag:s23] =	ssyncset.done $0x0  }
0xa4: {  	s25 =	simm.s32 $0x1B8E;
	s24 =	sld [smem:$0x3FFE];
	[sflag:s23] =	ssyncadd.s32 $0xFFFFFFFF  }
0xa5: {  	s26 =	simm.s32 $execute0_lowered;
	[smem:$0x3FD2] =	sst s25  }
0xa6: {  	s4 =	sshll.u32 s26, $0x1;
	_ =	strace $0x8000004C;
	[dreg:$0x1] =	wrdreg $0xFFFFFFFF  }
0xa7: {  	s28 =	simm.s32 $_size_execute0_lowered;
	s2 =	sadd.s32 s2, s4;
	[dreg:$0x0] =	wrdreg $0x0  }
0xa8: {  	s4 =	sshll.u32 s28, $0x1;
	[dreg:$0x2] =	wrdreg s2  }
0xa9: {  	[dreg:$0x3] =	wrdreg s4  }
0xaa: {  	[dreg:$0x4] =	wrdreg $0xC0  }
0xab: {  	_ =	task [dreg:s6], $0x5FFFF  }
0xac: {  	[dreg:$0x1] =	wrdreg $0xFFFFFFFF  }
0xad: {  	[dreg:$0x0] =	wrdreg $0x60  }
0xae: {  	[dreg:$0x2] =	wrdreg s24  }
0xaf: {  	[dreg:$0x3] =	wrdreg $0xF0000  }
0xb0: {  	[dreg:$0x4] =	wrdreg $0x9  }
0xb1: {  	_ =	task.clear_ibuf [dreg:s6], $0x5FFFF;
	_ =	strace $0x9000004C  }
0xb2: {  	s29 =	simm.s32 $0x9;
	_ =	strace $0x8000004E  }
0xb3: {  	_ =	swait.ge [sflag:s29], $0x1  }
0xb4: {  	[sflag:s29] =	ssyncadd.s32 $0xFFFFFFFF  }
0xb5: {  	_ =	strace $0x9000004E  }
0xb6: {  	_ =	sfence  }
0xb7: {  	s30 =	sld [smem:$0x0];
	_ =	sdelay $0x2  }
0xb8: {  	s31 =	sshll.u32 s1, $0xD;
	s1 =	sshrl.u32 s1, $0x2  }
0xb9: {  	s3 =	sand.u32 $0x4000, s31;
	s1 =	sadd.s32 s1, s30  }
0xba: {  	s0 =	sor.u32 s3, s0;
	s1 =	sshll.u32 s1, $0x11  }
0xbb: {  	s0 =	sor.u32 s1, s0  }
0xbc: {  	s0 =	sadd.s32 $0x8F2B, s0  }
0xbd: {  	[sflag:s0] =	ssyncadd.remote.s32 $0x1  }
0xbe: {  	_ =	sfence.sel $0xFFFF  }
0xbf: {  	[dreg:$0x0] =	wrdreg $0xFFFFFFFF;
	(pc) =	sbr.abs _section_cstart, $3  }
0xc0: {  	[dreg:$0x1] =	wrdreg $0xFFFFFFFF  }
0xc1: {  	_ =	task.clear_ibuf [dreg:s6], $0x2FFFF;
	_ =	strace $0x9FFFFFFF  }
0xc2: {  	(tm) =	ssettm $0x7FFFFFFF  }
0xc3: {  	_ =	shalt  }
tec
execute0_lowered:
.L_overlay_start_1:
0x0: {  	(tag) =	ssettag $0x1  }
0x1: {  	s0 =	rddreg [dreg:$0x0]  }
0x2: {  	s1 =	rddreg [dreg:$0x1];
	s3 =	simm.s32 $0x0;
	s2 =	srdreg.scid  }
0x3: {  	s13 =	stileid.u32;
	s21 =	simm.s32 $0x4;
	s28 =	simm.s32 $0x1  }
0x4: {  	s29 =	simm.s32 $0x200;
	s31 =	simm.s32 $0x2;
	[smem:$0x7FF] =	sst s3  }
0x5: {  	s4 =	sadd.s32 $0x4E2400, s0;
	s2 =	sand.u32 $0x1, s2;
	s9 =	smul.u32 $0xC800, s13  }
0x6: {  	s5 =	sadd.s32 $0x228400, s0;
	s6 =	sadd.s32 $0x2A00, s0;
	s7 =	sadd.s32 $0x33A00, s0  }
0x7: {  	s12 =	sadd.s32 $0x64A00, s0;
	s23 =	sshll.u32 s13, $0x6;
	s8 =	smul.u32 $0xC8000, s2  }
0x8: {  	_ =	strace $0x8000004D;
	s10 =	smul.u32 $0x188000, s2;
	s2 =	ssub.s32 $0x2, s2  }
0x9: {  	[dreg:$0x3] =	wrdreg s12;
	s22 =	sshrl.u32 s2, $0x1;
	s11 =	sadd.s32 s9, s8  }
0xa: {  	s8 =	smul.u32 $0x18800, s13;
	s2 =	ssub.s32 s2, s22;
	s9 =	sadd.s32 s9, s1  }
0xb: {  	s11 =	sshrl.u32 s11, $0x3;
	s19 =	smax.u32 s2, $0x1;
	s20 =	sshrl.u32 s9, $0x3  }
0xc: {  	v0 =	vimm.s32 $0x0;
	s2 =	simm.s32 $0x0;
	s0 =	sadd.s32 s11, s0;
	s10 =	sadd.s32 s8, s10  }
0xd: {  	v1 =	vimm.s32 $0x1;
	v2 =	vimm.s32 $0x2;
	v3 =	vimm.s32 $0x3;
	s11 =	sor.u32 $0x1C04, s23;
	s25 =	sshrl.u32 s8, $0x3;
	s24 =	sshrl.u32 s10, $0x3  }
0xe: {  	v4 =	vimm.s32 $0x4;
	v5 =	vimm.s32 $0x5;
	v6 =	vimm.s32 $0x6;
	s14 =	sadd.s32 s6, s25;
	s26 =	sadd.s32 s7, s25;
	s13 =	sor.u32 $0x80, s25  }
0xf: {  	v7 =	vimm.s32 $0x7;
	v8 =	vimm.s32 $0x8;
	v9 =	vimm.s32 $0x9;
	s18 =	sadd.s32 $0x514400, s0;
	s12 =	sadd.s32 s5, s24;
	[dreg:$0x4] =	wrdreg s14  }
0x10: {  	v10 =	vimm.s32 $0xA;
	v11 =	vimm.s32 $0xB;
	v12 =	vimm.s32 $0xC;
	s0 =	simm.s32 $0x3;
	[dreg:$0x5] =	wrdreg s26;
	s30 =	sadd.s32 $0x80, s12  }
0x11: {  	v13 =	vimm.s32 $0xD;
	v14 =	vimm.s32 $0xE;
	v15 =	vimm.s32 $0xF;
	s16 =	sadd.s32 s6, s13;
	s17 =	sadd.s32 s7, s13;
	[dreg:$0x6] =	wrdreg s30  }
.LBB2_1:
0x12: {  	s9 =	rddreg [dreg:$0x3]  }
0x13: {  	[spmem:s20], [sflag:s11] =	dma.local [hbm:s9], $0x1900  }
0x14: {  	_ =	swait.ge [sflag:s21], $0x1900  }
0x15: {  	[sflag:s21] =	ssyncset.done $0x0  }
0x16: {  	[sflag:s21] =	ssyncadd.s32 $0xFFFFE700  }
0x17: {  	[bflag:$0x0] =	sbarrier.arrive $0xFFFF  }
0x18: {  	[tilespmem:s3], [sflag:$0x1] =	stream.linear.gather [hbm4b:s12+s3], $0x400, $0x38;
	[tilespmem:$0x1B800] =	vst v63  }
0x19: {  	s13 =	simm.s32 $0x1000;
	s14 =	rddreg [dreg:$0x4]  }
0x1a: {  	[tilespmem:s13], [sflag:$0x1] =	stream.linear.gather [hbm4b:s14+s3], $0x400, $0x38;
	[tilespmem:$0x1B800] =	vst v63  }
0x1b: {  	s22 =	simm.s32 $0x2000;
	s15 =	rddreg [dreg:$0x5]  }
0x1c: {  	[tilespmem:s22], [sflag:$0x1] =	stream.linear.gather [hbm4b:s15+s3], $0x400, $0x38;
	[tilespmem:$0x1B800] =	vst v63  }
0x1d: {  	s24 =	simm.s32 $0x400;
	s23 =	rddreg [dreg:$0x6]  }
0x1e: {  	[tilespmem:s24], [sflag:$0x1] =	stream.linear.gather [hbm4b:s23+s3], $0x400, $0x38;
	[tilespmem:$0x1B800] =	vst v63  }
0x1f: {  	s25 =	simm.s32 $0x1400  }
0x20: {  	[tilespmem:s25], [sflag:$0x1] =	stream.linear.gather [hbm4b:s16+s3], $0x400, $0x38;
	[tilespmem:$0x1B800] =	vst v63  }
0x21: {  	s26 =	simm.s32 $0x2400  }
0x22: {  	[tilespmem:s26], [sflag:$0x1] =	stream.linear.gather [hbm4b:s17+s3], $0x400, $0x38;
	[tilespmem:$0x1B800] =	vst v63  }
0x23: {  	_ =	swait.ge [sflag:s28], $0x400  }
0x24: {  	[sflag:s28] =	ssyncset.done $0x0  }
0x25: {  	[sflag:s28] =	ssyncadd.s32 $0xFFFFFC00  }
0x26: {  	_ =	swait.ge [sflag:s28], $0x400  }
0x27: {  	[sflag:s28] =	ssyncset.done $0x0  }
0x28: {  	[sflag:s28] =	ssyncadd.s32 $0xFFFFFC00  }
0x29: {  	_ =	swait.ge [sflag:s28], $0x400  }
0x2a: {  	[sflag:s28] =	ssyncset.done $0x0  }
0x2b: {  	s22 =	simm.s32 $0x3000;
	[sflag:s28] =	ssyncadd.s32 $0xFFFFFC00  }
0x2c: {  	[tilespmem:s22], [sflag:$0x2] =	stream.indirect.gather [hbm4b:s4+s29], $0x10, s3, s29, $0xb8;
	[tilespmem:$0x1B800] =	vst v63  }
0x2d: {  	s30 =	simm.s32 $0x5000;
	s13 =	simm.s32 $0x0;
	s23 =	simm.s32 $0x0  }
0x2e: {  	[tilespmem:s30], [sflag:$0x2] =	stream.indirect.gather [hbm4b:s4+s29], $0x10, s29, s29, $0xb8;
	[tilespmem:$0x1B800] =	vst v63  }
.LBB2_2:
0x2f: {  	p0 =	slt.u32 s13, $0x2  }
0x30: {  	p1 =	seq.s32 @!p0 s13, $0x61  }
0x31: {  	_ =	swait.ge [sflag:s31], $0x4000;
	p1 =	por p0, !p1  }
.Ltmp0:
0x32: {  	[sflag:s31] =	ssyncset.done $0x0;
	(pc) =	sbr.rel @!p1 .LBB2_4-.Ltmp0, $4  }
0x33: {  	s9 =	simm.s32 @!p0 $0x3;
	[sflag:s31] =	ssyncadd.s32 $0xFFFFC000  }
0x34: {  	_ =	swait.ge @!p0 [sflag:s9], $0x4000  }
0x35: {  	[sflag:s9] =	ssyncset.done @!p0 $0x0  }
0x36: {  	s14 =	smul.u32 $0xAB, s13;
	s24 =	sadd.s32 $0x1, s13;
	[sflag:s9] =	ssyncadd.s32 @!p0 $0xFFFFC000  }
0x37: {  	_ = 	snop  }
0x38: {  	_ =	swait.ge [sflag:s28], $0x400;
	s9 =	sadd.s32 $0xAB, s14  }
0x39: {  	[sflag:s28] =	ssyncset.done $0x0;
	s9 =	sshrl.u32 s9, $0x9  }
0x3a: {  	[sflag:s28] =	ssyncadd.s32 $0xFFFFFC00;
	s9 =	sand.u32 $0x7F, s9  }
0x3b: {  	_ =	swait.ge [sflag:s28], $0x400;
	s9 =	smul.u32 $0x3, s9  }
0x3c: {  	[sflag:s28] =	ssyncset.done $0x0  }
0x3d: {  	[sflag:s28] =	ssyncadd.s32 $0xFFFFFC00;
	s9 =	ssub.s32 s24, s9  }
0x3e: {  	_ =	swait.ge [sflag:s28], $0x400;
	s9 =	sand.u32 $0xFF, s9  }
0x3f: {  	s15 =	sshll.u32 s24, $0xA;
	[sflag:s28] =	ssyncset.done $0x0;
	s9 =	sshll.u32 s9, $0xE  }
0x40: {  	s15 =	sand.u32 $0xC00, s15;
	[sflag:s28] =	ssyncadd.s32 $0xFFFFFC00;
	s25 =	sor.u32 $0x3000, s9  }
0x41: {  	[tilespmem:s25], [sflag:$0x2] =	stream.indirect.gather [hbm4b:s4+s29], $0x10, s15, s29, $0xb8;
	[tilespmem:$0x1B800] =	vst v63  }
0x42: {  	p0 =	sgt.u32 s13, $0x5F;
	s9 =	sadd.s32 $0x5000, s9;
	s15 =	sor.u32 $0x200, s15  }
0x43: {  	[tilespmem:s9], [sflag:$0x2] =	stream.indirect.gather [hbm4b:s4+s29], $0x10, s15, s29, $0xb8;
	[tilespmem:$0x1B800] =	vst v63  }
0x44: {  	s9 =	sshll.u32 @!p0 s13, $0xA  }
0x45: {  	s9 =	sadd.s32 @!p0 $0x800, s9  }
0x46: {  	s15 =	sadd.s32 @!p0 s10, s9  }
0x47: {  	s25 =	sand.u32 @!p0 $0xC00, s9;
	s9 =	sadd.s32 @!p0 s8, s9;
	s15 =	sshrl.u32 @!p0 s15, $0x3  }
0x48: {  	s26 =	simm.s32 @!p0 $0x0;
	s9 =	sshrl.u32 @!p0 s9, $0x3;
	s15 =	sadd.s32 @!p0 s5, s15  }
0x49: {  	[tilespmem:s25], [sflag:$0x1] =	stream.linear.gather @!p0 [hbm4b:s15+s26], $0x400, $0x38;
	[tilespmem:$0x1B800] =	vst v63  }
0x4a: {  	s30 =	sadd.s32 @!p0 s6, s9;
	s15 =	sor.u32 @!p0 $0x1000, s25  }
0x4b: {  	[tilespmem:s15], [sflag:$0x1] =	stream.linear.gather @!p0 [hbm4b:s30+s26], $0x400, $0x38;
	[tilespmem:$0x1B800] =	vst v63  }
0x4c: {  	s9 =	sadd.s32 @!p0 s7, s9;
	s15 =	sor.u32 @!p0 $0x2000, s25  }
0x4d: {  	[tilespmem:s15], [sflag:$0x1] =	stream.linear.gather @!p0 [hbm4b:s9+s26], $0x400, $0x38;
	[tilespmem:$0x1B800] =	vst v63  }
.LBB2_4:
0x4e: {  	s9 =	smulhi.u32 $0xAAAAAAAB, s13;
	_ =	sdelay $0x1  }
0x4f: {  	s9 =	sshrl.u32 s9, $0x1  }
0x50: {  	s9 =	smul.u32 $0xFFFD0000, s9;
	_ =	sdelay $0x1  }
0x51: {  	s15 =	sand.u32 $0x3, s23;
	s9 =	sshra.s32 s9, $0x2  }
0x52: {  	s15 =	sshll.u32 s15, $0xA;
	s25 =	sadd.s32 s9, s22  }
0x53: {  	s9 =	sor.u32 $0x2010, s15;
	v16 =	vld [tilespmem:s25+$0x50]  }
0x54: {  	v17 =	vld [tilespmem:s9+$0xFFFFFFF0]  }
0x55: {  	v18 =	vld [tilespmem:s25+$0xC0]  }
0x56: {  	v19 =	vld [tilespmem:s25+$0xB0]  }
0x57: {  	v21 =	vld [tilespmem:s25+$0x0]  }
0x58: {  	v22 =	vld [tilespmem:s25+$0x80]  }
0x59: {  	s14 =	sshrl.u32 s14, $0x9;
	v26 =	vld [tilespmem:s25+$0x90];
	v20 =	vperm.xlane v17, v2;
	v25 =	vperm.xlane v17, v11  }
0x5a: {  	s14 =	sand.u32 $0x7F, s14;
	v28 =	vld [tilespmem:s25+$0xA0];
	v23 =	vperm.xlane v17, v7;
	v27 =	vperm.xlane v17, v0  }
0x5b: {  	s14 =	smul.u32 $0x3, s14;
	v24 =	vld [tilespmem:s25+$0x70];
	v29 =	vperm.xlane v17, v8;
	v31 =	vperm.xlane v17, v9  }
0x5c: {  	v33 =	vperm.xlane v17, v10;
	v30 =	vmul.f32 v19, v25;
	v25 =	vld [tilespmem:s25+$0x20]  }
0x5d: {  	s26 =	sshll.u32 s13, $0xA;
	s14 =	ssub.s32 s13, s14;
	v19 =	vperm.xlane v17, v5;
	v32 =	vmul.f32 v21, v27;
	v21 =	vld [tilespmem:s25+$0xF0]  }
0x5e: {  	s26 =	sand.u32 $0xC00, s26;
	s30 =	sand.u32 $0xFF, s14;
	v29 =	vmul.f32 v22, v29;
	v27 =	vmul.f32 v26, v31;
	v22 =	vld [tilespmem:s25+$0xE0];
	[tilespmem:s25+$0xB0] =	vst v30  }
0x5f: {  	s14 =	simm.s32 $0x0;
	s15 =	smov.u32 s25;
	s13 =	smov.u32 s9;
	v26 =	vld [tilespmem:s25+$0x60];
	[tilespmem:s25+$0x0] =	vst v32;
	v30 =	vmul.f32 v28, v33;
	v28 =	vperm.xlane v17, v12  }
.LBB2_5:
0x60: {  	s14 =	sadd.s32 $0x2, s14;
	v23 =	vmul.f32 v24, v23;
	[tilespmem:s25+$0x80] =	vst v29;
	v24 =	vperm.xlane v17, v15;
	s9 =	sadd.s32 $0x20, s9;
	s15 =	sadd.s32 $0x200, s15  }
0x61: {  	v29 =	vperm.xlane v17, v14;
	p0 =	slt.u32 s14, $0x3E;
	v20 =	vmul.f32 v25, v20;
	[tilespmem:s25+$0xA0] =	vst v30;
	v25 =	vld [tilespmem:s25+$0xD0]  }
0x62: {  	v31 =	vperm.xlane v17, v6;
	v30 =	vld [tilespmem:s25+$0x40];
	[tilespmem:s25+$0x90] =	vst v27;
	v21 =	vmul.f32 v21, v24  }
0x63: {  	v18 =	vmul.f32 v18, v28;
	v24 =	vld [tilespmem:s25+$0x30];
	[tilespmem:s25+$0x70] =	vst v23;
	v22 =	vmul.f32 v22, v29  }
0x64: {  	v23 =	vperm.xlane v17, v13;
	[tilespmem:s25+$0x20] =	vst v20;
	v20 =	vmul.f32 v26, v31  }
0x65: {  	v16 =	vmul.f32 v16, v19;
	v27 =	vperm.xlane v17, v4;
	v26 =	vld [tilespmem:s25+$0x10];
	[tilespmem:s25+$0xC0] =	vst v18  }
0x66: {  	v18 =	vperm.xlane v17, v3;
	[tilespmem:s25+$0x60] =	vst v20;
	v19 =	vmul.f32 v25, v23  }
0x67: {  	v20 =	vmul.f32 v30, v27;
	[tilespmem:s25+$0x50] =	vst v16  }
0x68: {  	v17 =	vperm.xlane v17, v1;
	v16 =	vld [tilespmem:s15+$0x50];
	v18 =	vmul.f32 v24, v18;
	[tilespmem:s25+$0xD0] =	vst v19  }
0x69: {  	[tilespmem:s25+$0x40] =	vst v20  }
0x6a: {  	v17 =	vmul.f32 v26, v17;
	[tilespmem:s25+$0x30] =	vst v18  }
0x6b: {  	[tilespmem:s25+$0xF0] =	vst v21  }
0x6c: {  	[tilespmem:s25+$0x10] =	vst v17  }
0x6d: {  	[tilespmem:s25+$0xE0] =	vst v22;
	v17 =	vld [tilespmem:s25+$0x120]  }
0x6e: {  	v18 =	vld [tilespmem:s13+$0x0];
	s13 =	smov.u32 s9  }
0x6f: {  	v19 =	vld [tilespmem:s25+$0x150]  }
0x70: {  	v20 =	vld [tilespmem:s25+$0x110]  }
0x71: {  	v21 =	vld [tilespmem:s25+$0x160]  }
0x72: {  	v22 =	vld [tilespmem:s25+$0x130]  }
0x73: {  	v23 =	vld [tilespmem:s25+$0x100];
	v24 =	vperm.xlane v18, v1;
	v25 =	vperm.xlane v18, v5  }
0x74: {  	v26 =	vperm.xlane v18, v0;
	v27 =	vperm.xlane v18, v2;
	v28 =	vld [tilespmem:s25+$0x170]  }
0x75: {  	v20 =	vmul.f32 v20, v24;
	v24 =	vld [tilespmem:s25+$0x140];
	v19 =	vmul.f32 v19, v25  }
0x76: {  	v29 =	vperm.xlane v18, v4;
	v25 =	vperm.xlane v18, v3;
	v30 =	vld [tilespmem:s25+$0x1A0]  }
0x77: {  	v31 =	vperm.xlane v18, v7;
	[tilespmem:s25+$0x110] =	vst v20;
	v20 =	vperm.xlane v18, v6;
	v32 =	vld [tilespmem:s25+$0x180]  }
0x78: {  	v22 =	vmul.f32 v22, v25;
	v23 =	vmul.f32 v23, v26;
	[tilespmem:s25+$0x150] =	vst v19;
	v19 =	vld [tilespmem:s25+$0x190]  }
0x79: {  	v20 =	vmul.f32 v21, v20;
	v21 =	vmul.f32 v28, v31;
	v25 =	vld [tilespmem:s25+$0x1B0]  }
0x7a: {  	v17 =	vmul.f32 v17, v27;
	[tilespmem:s25+$0x130] =	vst v22;
	v22 =	vmul.f32 v24, v29  }
0x7b: {  	v24 =	vperm.xlane v18, v9;
	[tilespmem:s25+$0x160] =	vst v20;
	v20 =	vperm.xlane v18, v8;
	v26 =	vld [tilespmem:s25+$0x1C0]  }
0x7c: {  	v27 =	vperm.xlane v18, v11;
	[tilespmem:s25+$0x170] =	vst v21;
	v21 =	vperm.xlane v18, v10;
	v28 =	vld [tilespmem:s25+$0x1D0]  }
0x7d: {  	[tilespmem:s25+$0x140] =	vst v22;
	v20 =	vmul.f32 v32, v20;
	v19 =	vmul.f32 v19, v24;
	v22 =	vld [tilespmem:s25+$0x1E0]  }
0x7e: {  	[tilespmem:s25+$0x100] =	vst v23;
	v21 =	vmul.f32 v30, v21;
	v23 =	vmul.f32 v25, v27;
	v24 =	vld [tilespmem:s25+$0x1F0]  }
0x7f: {  	v25 =	vperm.xlane v18, v13;
	[tilespmem:s25+$0x120] =	vst v17;
	v17 =	vperm.xlane v18, v12  }
0x80: {  	[tilespmem:s25+$0x180] =	vst v20;
	v20 =	vperm.xlane v18, v14;
	v18 =	vperm.xlane v18, v15  }
0x81: {  	[tilespmem:s25+$0x190] =	vst v19;
	v17 =	vmul.f32 v26, v17;
	v19 =	vmul.f32 v28, v25  }
0x82: {  	[tilespmem:s25+$0x1A0] =	vst v21;
	v20 =	vmul.f32 v22, v20  }
0x83: {  	[tilespmem:s25+$0x1B0] =	vst v23;
	v18 =	vmul.f32 v24, v18  }
0x84: {  	[tilespmem:s25+$0x1C0] =	vst v17  }
0x85: {  	[tilespmem:s25+$0x1F0] =	vst v18  }
0x86: {  	[tilespmem:s25+$0x1D0] =	vst v19  }
0x87: {  	[tilespmem:s25+$0x1E0] =	vst v20;
	s25 =	smov.u32 s15  }
0x88: {  	v17 =	vld [tilespmem:s9+$0xFFFFFFF0]  }
0x89: {  	v18 =	vld [tilespmem:s15+$0xC0]  }
0x8a: {  	v21 =	vld [tilespmem:s15+$0x0]  }
0x8b: {  	v22 =	vld [tilespmem:s15+$0xB0]  }
0x8c: {  	v26 =	vld [tilespmem:s15+$0x80]  }
0x8d: {  	v20 =	vperm.xlane v17, v2;
	v23 =	vperm.xlane v17, v7;
	v27 =	vld [tilespmem:s15+$0x90]  }
0x8e: {  	v28 =	vperm.xlane v17, v0;
	v29 =	vperm.xlane v17, v11;
	v30 =	vld [tilespmem:s15+$0xA0]  }
.Ltmp1:
0x8f: {  	v31 =	vperm.xlane v17, v8;
	v32 =	vperm.xlane v17, v9;
	v24 =	vld [tilespmem:s15+$0x70];
	(pc) =	sbr.rel @p0 .LBB2_5-.Ltmp1, $4  }
0x90: {  	v19 =	vperm.xlane v17, v5;
	v25 =	vld [tilespmem:s15+$0x20];
	v22 =	vmul.f32 v22, v29  }
0x91: {  	v33 =	vperm.xlane v17, v10;
	v28 =	vmul.f32 v21, v28;
	v21 =	vld [tilespmem:s15+$0xF0]  }
0x92: {  	v29 =	vmul.f32 v26, v31;
	v27 =	vmul.f32 v27, v32;
	[tilespmem:s15+$0xB0] =	vst v22;
	v22 =	vld [tilespmem:s15+$0xE0]  }
0x93: {  	[tilespmem:s15+$0x0] =	vst v28;
	v26 =	vld [tilespmem:s15+$0x60];
	v30 =	vmul.f32 v30, v33;
	v28 =	vperm.xlane v17, v12  }
0x94: {  	[tilespmem:s25+$0x80] =	vst v29;
	v23 =	vmul.f32 v24, v23;
	v57 =	vperm.xlane v17, v6  }
0x95: {  	[tilespmem:s25+$0x90] =	vst v27;
	v60 =	vperm.xlane v17, v13;
	v62 =	vperm.xlane v17, v4  }
0x96: {  	v16 =	vmul.f32 v16, v19;
	v63 =	vperm.xlane v17, v3;
	[tilespmem:s25+$0xA0] =	vst v30  }
0x97: {  	v55 =	vld [tilespmem:s25+$0xD0];
	v20 =	vmul.f32 v25, v20;
	v30 =	vperm.xlane v17, v15;
	[tilespmem:s25+$0x70] =	vst v23  }
0x98: {  	v56 =	vld [tilespmem:s25+$0x40];
	v18 =	vmul.f32 v18, v28;
	[tilespmem:s25+$0x50] =	vst v16;
	v16 =	vperm.xlane v17, v1  }
0x99: {  	v58 =	vld [tilespmem:s25+$0x30];
	v17 =	vperm.xlane v17, v14;
	[tilespmem:s25+$0x20] =	vst v20;
	v32 =	vmul.f32 v21, v30  }
0x9a: {  	v61 =	vld [tilespmem:s25+$0x10];
	[tilespmem:s25+$0xC0] =	vst v18;
	v59 =	vmul.f32 v26, v57  }
0x9b: {  	v17 =	vmul.f32 v22, v17;
	[tilespmem:s25+$0xF0] =	vst v32  }
0x9c: {  	v29 =	vmul.f32 v55, v60;
	[tilespmem:s25+$0x60] =	vst v59  }
0x9d: {  	v31 =	vmul.f32 v56, v62;
	[tilespmem:s25+$0xE0] =	vst v17  }
0x9e: {  	v18 =	vmul.f32 v58, v63;
	[tilespmem:s25+$0xD0] =	vst v29  }
0x9f: {  	v16 =	vmul.f32 v61, v16;
	[tilespmem:s25+$0x40] =	vst v31  }
0xa0: {  	[tilespmem:s25+$0x30] =	vst v18  }
0xa1: {  	[tilespmem:s25+$0x10] =	vst v16  }
0xa2: {  	v16 =	vld [tilespmem:s13+$0x0];
	_ =	sdelay $0x1  }
0xa3: {  	v33 =	vld [tilespmem:s25+$0x110]  }
0xa4: {  	v34 =	vld [tilespmem:s25+$0x150]  }
0xa5: {  	v35 =	vld [tilespmem:s25+$0x130]  }
0xa6: {  	v36 =	vld [tilespmem:s25+$0x160];
	v37 =	vperm.xlane v16, v1  }
0xa7: {  	v40 =	vld [tilespmem:s25+$0x140];
	v38 =	vperm.xlane v16, v5  }
0xa8: {  	v42 =	vld [tilespmem:s25+$0x100];
	v41 =	vperm.xlane v16, v3;
	v18 =	vmul.f32 v33, v37  }
0xa9: {  	v17 =	vld [tilespmem:s25+$0x120];
	v43 =	vperm.xlane v16, v6;
	v19 =	vmul.f32 v34, v38  }
0xaa: {  	v45 =	vld [tilespmem:s25+$0x180];
	v46 =	vperm.xlane v16, v4;
	v20 =	vmul.f32 v35, v41;
	[tilespmem:s25+$0x110] =	vst v18  }
0xab: {  	v53 =	vld [tilespmem:s25+$0x1B0];
	v48 =	vperm.xlane v16, v0;
	v47 =	vmul.f32 v36, v43;
	[tilespmem:s25+$0x150] =	vst v19  }
0xac: {  	v39 =	vld [tilespmem:s25+$0x170];
	v50 =	vperm.xlane v16, v2;
	v22 =	vmul.f32 v40, v46;
	[tilespmem:s25+$0x130] =	vst v20  }
0xad: {  	v51 =	vld [tilespmem:s25+$0x1A0];
	v54 =	vperm.xlane v16, v8;
	v52 =	vmul.f32 v42, v48;
	[tilespmem:s25+$0x160] =	vst v47  }
0xae: {  	v56 =	vld [tilespmem:s25+$0x1C0];
	v59 =	vperm.xlane v16, v11;
	v17 =	vmul.f32 v17, v50;
	[tilespmem:s25+$0x140] =	vst v22  }
0xaf: {  	v49 =	vld [tilespmem:s25+$0x190];
	v44 =	vperm.xlane v16, v7;
	v25 =	vmul.f32 v45, v54;
	[tilespmem:s25+$0x100] =	vst v52  }
0xb0: {  	v58 =	vld [tilespmem:s25+$0x1F0];
	v57 =	vperm.xlane v16, v10;
	v21 =	vmul.f32 v53, v59;
	[tilespmem:s25+$0x120] =	vst v17  }
0xb1: {  	v60 =	vld [tilespmem:s25+$0x1D0];
	v61 =	vperm.xlane v16, v12;
	v18 =	vmul.f32 v39, v44;
	[tilespmem:s25+$0x180] =	vst v25  }
0xb2: {  	v55 =	vperm.xlane v16, v9;
	v17 =	vld [tilespmem:s25+$0x1E0];
	v22 =	vmul.f32 v51, v57;
	[tilespmem:s25+$0x1B0] =	vst v21  }
0xb3: {  	v62 =	vperm.xlane v16, v15;
	v20 =	vmul.f32 v56, v61;
	[tilespmem:s25+$0x170] =	vst v18  }
0xb4: {  	v63 =	vperm.xlane v16, v13;
	v18 =	vmul.f32 v49, v55;
	[tilespmem:s25+$0x1A0] =	vst v22  }
0xb5: {  	v16 =	vperm.xlane v16, v14;
	v19 =	vmul.f32 v58, v62;
	[tilespmem:s25+$0x1C0] =	vst v20  }
0xb6: {  	[tilespmem:s25+$0x190] =	vst v18;
	v18 =	vmul.f32 v60, v63  }
0xb7: {  	p0 =	sne.s32 s24, $0x62;
	[tilespmem:s25+$0x1F0] =	vst v19;
	v16 =	vmul.f32 v17, v16  }
.Ltmp2:
0xb8: {  	s9 =	sshll.u32 s30, $0xE;
	s14 =	sor.u32 $0x1000, s26;
	[tilespmem:s25+$0x1D0] =	vst v18;
	(pc) =	sbr.rel @p0 .LBB2_2-.Ltmp2, $4  }
0xb9: {  	s30 =	sadd.s32 $0x1200, s26;
	s23 =	sadd.s32 $0x1, s23;
	[tilespmem:s25+$0x1E0] =	vst v16;
	s25 =	sor.u32 $0x3000, s9  }
0xba: {  	[spmem:s1] =	stream.indirect.scatter.add.f32 [tilespmem:s25], [sflag:$0x3], $0x10, s14, s29, $0xb8;
	[tilespmem:$0x1B800] =	vst v63  }
0xbb: {  	s22 =	sadd.s32 $0x4000, s22;
	s13 =	smov.u32 s24;
	s9 =	sadd.s32 $0x5000, s9  }
0xbc: {  	[spmem:s1] =	stream.indirect.scatter.add.f32 [tilespmem:s9], [sflag:$0x3], $0x10, s30, s29, $0xb8;
	[tilespmem:$0x1B800] =	vst v63  }
0xbd: {  	_ =	swait.ge [sflag:s0], $0x4000  }
0xbe: {  	[sflag:s0] =	ssyncset.done $0x0  }
0xbf: {  	[sflag:s0] =	ssyncadd.s32 $0xFFFFC000  }
0xc0: {  	_ =	swait.ge [sflag:s0], $0x4000  }
0xc1: {  	s2 =	sadd.s32 $0x1, s2;
	[sflag:s0] =	ssyncset.done $0x0  }
0xc2: {  	p0 =	sne.s32 s2, s19;
	[sflag:s0] =	ssyncadd.s32 $0xFFFFC000  }
.Ltmp3:
0xc3: {  	[bflag:$0x0] =	sbarrier.arrive $0xFFFF;
	(pc) =	sbr.rel @p0 .LBB2_1-.Ltmp3, $4  }
0xc4: {  	[hbm:s18], [sflag:s11] =	dma.local [spmem:s20], $0x1900  }
0xc5: {  	_ =	swait.ge [sflag:s21], $0x1900  }
0xc6: {  	[sflag:s21] =	ssyncset.done $0x0  }
0xc7: {  	[sflag:s21] =	ssyncadd.s32 $0xFFFFE700  }
0xc8: {  	_ =	sfence.sel $0x180000  }
0xc9: {  	[bflag:$0x0] =	sbarrier.arrive $0xFFFF  }
0xca: {  	_ =	strace $0x9000004D  }
0xcb: {  	s0 =	stileid.u32;
	[bflag:$0x2] =	sbarrier.arrive $0xFFFF  }
0xcc: {  	p0 =	sne.s32 s0, $0x0;
	s0 =	rddreg [dreg:$0x2]  }
0xcd: {  	s0 =	sadd.s32 @!p0 $0x100000, s0  }
0xce: {  	[sflag:s0] =	ssyncadd.tile.s32 @!p0 $0x1;
	_ =	shalt  }
.Lfunc_end2:
_tile_overlayer_lowered:
.L_overlay_start_2:
0xcf: {  	(tag) =	ssettag $0x2  }
0xd0: {  	s0 =	rddreg [dreg:$0x0];
	s2 =	stileid.u32  }
0xd1: {  	s1 =	rddreg [dreg:$0x1];
	p0 =	sne.s32 s2, $0x0  }
0xd2: {  	s3 =	rddreg [dreg:$0x2];
	[bflag:$0x3] =	sbarrier.arrive $0xFFFF;
	s2 =	simm.s32 @!p0 $0x1C04  }
0xd3: {  	[timem:s3], [sflag:s2] =	dma.local @!p0 [hbm:s0], s1  }
0xd4: {  	s0 =	simm.s32 @!p0 $0x4  }
0xd5: {  	_ =	swait.ge @!p0 [sflag:s0], s1  }
0xd6: {  	s1 =	ssub.s32 @!p0 $0x0, s1;
	[sflag:s0] =	ssyncset.done @!p0 $0x0  }
0xd7: {  	[sflag:s0] =	ssyncadd.s32 @!p0 s1  }
0xd8: {  	[bflag:$0x3] =	sbarrier.arrive $0xFFFF  }
0xd9: {  	_ =	shalt  }

// kernel: kernel.8.cloned.1.call-start
scs
__scs_entry_jumppad:
0x0: {  	(pc) =	sbr.rel $0x88, $3  }
0x1: {  	(tag) =	ssettag $0x0;
	lr =	simm.s32 $0x1  }
0x2: {  	[smem:$0x3F93] =	sst lr;
	_ =	strace $0xD0000000  }
0x3: {  	_ = 	snop  }
0x4: {  	_ = 	snop  }
0x5: {  	_ = 	snop  }
0x6: {  	_ = 	snop  }
0x7: {  	_ = 	snop  }
__scs_overlays_trampoline_lowered:
0x8: {  	[smem:$0x3FA2] =	sst s0  }
0x9: {  	[smem:$0x3FA3] =	sst s1  }
0xa: {  	[smem:$0x3FA4] =	sst s2  }
0xb: {  	[smem:$0x3FA5] =	sst s3  }
0xc: {  	[smem:$0x3FA6] =	sst s4  }
0xd: {  	[smem:$0x3FA7] =	sst s5  }
0xe: {  	[smem:$0x3FA8] =	sst s6  }
0xf: {  	[smem:$0x3FA9] =	sst s7  }
0x10: {  	[smem:$0x3FAA] =	sst s8  }
0x11: {  	[smem:$0x3FAB] =	sst s9;
	s0 =	simm.s32 @!p0 $0x0  }
0x12: {  	s1 =	sld [smem:$0x3F91];
	s0 =	simm.s32 @p0 $0x1  }
0x13: {  	[smem:$0x3FAC] =	sst s0;
	s0 =	simm.s32 @!p1 $0x0  }
0x14: {  	s2 =	sld [smem:$0x3F90];
	s0 =	simm.s32 @p1 $0x1  }
0x15: {  	[smem:$0x3FAD] =	sst s0;
	s0 =	simm.s32 @!p2 $0x0  }
0x16: {  	s3 =	sld [smem:$0x3FDB];
	s0 =	simm.s32 @p2 $0x1  }
0x17: {  	s4 =	simm.s32 $0x1BF5;
	[smem:$0x3FAF] =	sst s0  }
0x18: {  	s0 =	sld [smem:$0x3F92];
	_ =	swait.ge [sflag:s4], $0x0  }
0x19: {  	s7 =	sld [smem:$0x3F93]  }
0x1a: {  	s8 =	sadd.s32 $0xFFFFE003, lr  }
0x1b: {  	s9 =	sadd.s32 $0xFFFFFEF7, lr;
	s5 =	simm.s32 $0xFFFFFFFF;
	p2 =	slt.u32 s8, $0xFFFFF086  }
0x1c: {  	p1 =	slt.u32 s9, $0xF7A;
	s5 =	simm.s32 @!p2 $0x0  }
0x1d: {  	s5 =	simm.s32 @p1 $0x1;
	p0 =	seq.s32 s7, s2  }
0x1e: {  	s7 =	smul.u32 @!p0 $0xF7A, s2;
	p2 =	seq.s32 @!p0 s5, $0x0  }
0x1f: {  	s9 =	smul.u32 $0xF7A, s1;
	s8 =	simm.s32 @!p0 $0x1BF5;
	p2 =	por !p2, p0  }
0x20: {  	[sflag:s8] =	ssyncset.s32 @!p0 $0xFFFFF086;
	s6 =	sadd.s32 @!p0 s3, s7;
	s7 =	simm.s32 @!p0 $0x108  }
0x21: {  	s3 =	sadd.s32 s3, s9;
	s6 =	sadd.s32 @!p0 $0x88, s6;
	s7 =	simm.s32 @p2 $0x1082  }
0x22: {  	[simem:s7], [sflag:s8] =	dma.local @!p0 [hbm:s6], $0xF7A  }
0x23: {  	s9 =	sor.u32 $0xD0000000, s2;
	s6 =	simm.s32 $0x108;
	_ =	swait.ge @!p0 [sflag:s8], $0x0  }
0x24: {  	s3 =	sadd.s32 $0x88, s3;
	s6 =	simm.s32 @!p1 $0x1082;
	[sflag:s4] =	ssyncset.s32 $0xFFFFF086  }
0x25: {  	[simem:s6], [sflag:s4] =	dma.local [hbm:s3], $0xF7A  }
0x26: {  	[smem:$0x3F93] =	sst s1;
	(tag) =	ssettag s2;
	_ =	strace s9  }
0x27: {  	s1 =	sld [smem:$0x3FA3]  }
0x28: {  	s2 =	sld [smem:$0x3FA4]  }
0x29: {  	s4 =	sld [smem:$0x3FA6]  }
0x2a: {  	p0 =	seq.s32 s5, $0x0;
	s5 =	sld [smem:$0x3FA7]  }
0x2b: {  	s6 =	sld [smem:$0x3FA8]  }
0x2c: {  	s7 =	sld [smem:$0x3FA9]  }
0x2d: {  	s3 =	simm.s32 $0x108;
	s8 =	sld [smem:$0x3FAA]  }
0x2e: {  	s3 =	simm.s32 @!p0 $0x1082;
	s9 =	sld [smem:$0x3FAB]  }
0x2f: {  	lr =	sadd.s32 s0, s3;
	s0 =	sld [smem:$0x3FA2]  }
0x30: {  	s3 =	sld [smem:$0x3FA5]  }
0x31: {  	[smem:$0x3FAE] =	sst s10  }
0x32: {  	s10 =	sld [smem:$0x3FAC];
	_ =	sdelay $0x3  }
0x33: {  	p0 =	seq.s32 s10, $0x1;
	s10 =	sld [smem:$0x3FAE];
	_ =	sdelay $0x3  }
0x34: {  	[smem:$0x3FAE] =	sst s10  }
0x35: {  	s10 =	sld [smem:$0x3FAD];
	_ =	sdelay $0x3  }
0x36: {  	p1 =	seq.s32 s10, $0x1;
	s10 =	sld [smem:$0x3FAE];
	_ =	sdelay $0x3  }
0x37: {  	[smem:$0x3FAE] =	sst s10  }
0x38: {  	s10 =	sld [smem:$0x3FAF]  }
0x39: {  	_ = 	snop;
	(pc) =	sbr.ind lr, $3  }
0x3a: {  	_ = 	snop  }
0x3b: {  	_ = 	snop  }
0x3c: {  	p2 =	seq.s32 s10, $0x1;
	s10 =	sld [smem:$0x3FAE]  }
0x3d: {  	_ =	shalt  }
0x3e: {  	_ =	shalt  }
0x3f: {  	_ =	shalt  }
0x40: {  	_ =	shalt  }
0x41: {  	_ =	shalt  }
0x42: {  	_ =	shalt  }
0x43: {  	_ =	shalt  }
0x44: {  	_ =	shalt  }
0x45: {  	_ =	shalt  }
0x46: {  	_ =	shalt  }
0x47: {  	_ =	shalt  }
0x48: {  	_ =	shalt  }
0x49: {  	_ =	shalt  }
0x4a: {  	_ =	shalt  }
0x4b: {  	_ =	shalt  }
0x4c: {  	_ =	shalt  }
0x4d: {  	_ =	shalt  }
0x4e: {  	_ =	shalt  }
0x4f: {  	_ =	shalt  }
0x50: {  	_ =	shalt  }
0x51: {  	_ =	shalt  }
0x52: {  	_ =	shalt  }
0x53: {  	_ =	shalt  }
0x54: {  	_ =	shalt  }
0x55: {  	_ =	shalt  }
0x56: {  	_ =	shalt  }
0x57: {  	_ =	shalt  }
0x58: {  	_ =	shalt  }
0x59: {  	_ =	shalt  }
0x5a: {  	_ =	shalt  }
0x5b: {  	_ =	shalt  }
0x5c: {  	_ =	shalt  }
0x5d: {  	_ =	shalt  }
0x5e: {  	_ =	shalt  }
0x5f: {  	_ =	shalt  }
0x60: {  	_ =	shalt  }
0x61: {  	_ =	shalt  }
0x62: {  	_ =	shalt  }
0x63: {  	_ =	shalt  }
0x64: {  	_ =	shalt  }
0x65: {  	_ =	shalt  }
0x66: {  	_ =	shalt  }
0x67: {  	_ =	shalt  }
0x68: {  	_ =	shalt  }
0x69: {  	_ =	shalt  }
0x6a: {  	_ =	shalt  }
0x6b: {  	_ =	shalt  }
0x6c: {  	_ =	shalt  }
0x6d: {  	_ =	shalt  }
0x6e: {  	_ =	shalt  }
0x6f: {  	_ =	shalt  }
0x70: {  	_ =	shalt  }
0x71: {  	_ =	shalt  }
0x72: {  	_ =	shalt  }
0x73: {  	_ =	shalt  }
0x74: {  	_ =	shalt  }
0x75: {  	_ =	shalt  }
0x76: {  	_ =	shalt  }
0x77: {  	_ =	shalt  }
0x78: {  	_ =	shalt  }
0x79: {  	_ =	shalt  }
0x7a: {  	_ =	shalt  }
0x7b: {  	_ =	shalt  }
0x7c: {  	_ =	shalt  }
0x7d: {  	_ =	shalt  }
0x7e: {  	_ =	shalt  }
0x7f: {  	_ =	shalt  }
0x80: {  	_ =	shalt  }
0x81: {  	_ =	shalt  }
0x82: {  	_ =	shalt  }
0x83: {  	_ =	shalt  }
0x84: {  	_ =	shalt  }
0x85: {  	_ =	shalt  }
0x86: {  	_ =	shalt  }
0x87: {  	_ =	shalt  }
.Lfunc_end0:
.L_simem_size_0:
called_computation_lowered:
.L_overlay_start_0:
0x88: {  	s2 =	sld [smem:$0x3FD9]  }
0x89: {  	s3 =	sld [smem:$0x3FFE];
	_ =	sdelay $0x1  }
0x8a: {  	s1 =	srdreg.scid  }
0x8b: {  	s0 =	sand.u32 $0x1, s1  }
0x8c: {  	s16 =	sshll.u32 s0, $0xA;
	s2 =	sadd.s32 s3, s2  }
0x8d: {  	s2 =	sadd.s32 s2, s16  }
0x8e: {  	[smem:$0x3FBA] =	sst s2  }
0x8f: {  	_ = 	snop  }
0x90: {  	(tm) =	ssettm $0x1  }
0x91: {  	s17 =	sld [smem:$0x3FFB];
	_ =	sdelay $0x3  }
0x92: {  	_ =	strace s17  }
0x93: {  	s2 =	sld [smem:$0x3FFC];
	_ =	sdelay $0x3  }
0x94: {  	_ =	strace s2  }
0x95: {  	s2 =	sld [smem:$0x3FFD];
	_ =	sdelay $0x3  }
0x96: {  	_ =	strace s2  }
0x97: {  	_ =	strace $0x8FFFFFFF  }
0x98: {  	s18 =	sld [smem:$0x3FDB];
	_ =	sdelay $0x1  }
0x99: {  	s19 =	simm.s32 $_scs_section_size  }
0x9a: {  	s4 =	simm.s32 $_size__tile_overlayer_lowered;
	s5 =	simm.s32 $_tile_overlayer_lowered  }
0x9b: {  	s22 =	simm.s32 $0x1BFF;
	s21 =	sshll.u32 s5, $0x1;
	s2 =	sadd.s32 s19, s18  }
0x9c: {  	s6 =	simm.s32 $0x0;
	s20 =	sshll.u32 s4, $0x1;
	s4 =	sadd.s32 s21, s2  }
0x9d: {  	[timem:s6], [sflag:s22] =	dma.local [hbm:s4], s20  }
0x9e: {  	_ =	swait.ge [sflag:s22], s20  }
0x9f: {  	s3 =	ssub.s32 $0x0, s20;
	[sflag:s22] =	ssyncset.done $0x0  }
0xa0: {  	[sflag:s22] =	ssyncadd.s32 s3;
	_ =	sdelay $0x1  }
0xa1: {  	s23 =	simm.s32 $0x1B8B  }
0xa2: {  	_ =	swait.ge [sflag:s23], $0x1  }
0xa3: {  	[sflag:s23] =	ssyncset.done $0x0  }
0xa4: {  	s25 =	simm.s32 $0x1B8E;
	s24 =	sld [smem:$0x3FFE];
	[sflag:s23] =	ssyncadd.s32 $0xFFFFFFFF  }
0xa5: {  	s26 =	simm.s32 $execute0_lowered;
	[smem:$0x3FD2] =	sst s25  }
0xa6: {  	s4 =	sshll.u32 s26, $0x1;
	_ =	strace $0x80000046;
	[dreg:$0x1] =	wrdreg $0xFFFFFFFF  }
0xa7: {  	s28 =	simm.s32 $_size_execute0_lowered;
	s2 =	sadd.s32 s2, s4;
	[dreg:$0x0] =	wrdreg $0x0  }
0xa8: {  	s4 =	sshll.u32 s28, $0x1;
	[dreg:$0x2] =	wrdreg s2  }
0xa9: {  	[dreg:$0x3] =	wrdreg s4  }
0xaa: {  	[dreg:$0x4] =	wrdreg $0xC0  }
0xab: {  	_ =	task [dreg:s6], $0x5FFFF  }
0xac: {  	[dreg:$0x1] =	wrdreg $0xFFFFFFFF  }
0xad: {  	[dreg:$0x0] =	wrdreg $0x60  }
0xae: {  	[dreg:$0x2] =	wrdreg s24  }
0xaf: {  	[dreg:$0x3] =	wrdreg $0xA0000  }
0xb0: {  	[dreg:$0x4] =	wrdreg $0x9  }
0xb1: {  	_ =	task.clear_ibuf [dreg:s6], $0x5FFFF;
	_ =	strace $0x90000046  }
0xb2: {  	s29 =	simm.s32 $0x9;
	_ =	strace $0x80000048  }
0xb3: {  	_ =	swait.ge [sflag:s29], $0x1  }
0xb4: {  	[sflag:s29] =	ssyncadd.s32 $0xFFFFFFFF  }
0xb5: {  	_ =	strace $0x90000048  }
0xb6: {  	_ =	sfence  }
0xb7: {  	s30 =	sld [smem:$0x0];
	_ =	sdelay $0x2  }
0xb8: {  	s31 =	sshll.u32 s1, $0xD;
	s1 =	sshrl.u32 s1, $0x2  }
0xb9: {  	s3 =	sand.u32 $0x4000, s31;
	s1 =	sadd.s32 s1, s30  }
0xba: {  	s0 =	sor.u32 s3, s0;
	s1 =	sshll.u32 s1, $0x11  }
0xbb: {  	s0 =	sor.u32 s1, s0  }
0xbc: {  	s0 =	sadd.s32 $0x8F2B, s0  }
0xbd: {  	[sflag:s0] =	ssyncadd.remote.s32 $0x1  }
0xbe: {  	_ =	sfence.sel $0xFFFF  }
0xbf: {  	[dreg:$0x0] =	wrdreg $0xFFFFFFFF;
	(pc) =	sbr.abs _section_cstart, $3  }
0xc0: {  	[dreg:$0x1] =	wrdreg $0xFFFFFFFF  }
0xc1: {  	_ =	task.clear_ibuf [dreg:s6], $0x2FFFF;
	_ =	strace $0x9FFFFFFF  }
0xc2: {  	(tm) =	ssettm $0x7FFFFFFF  }
0xc3: {  	_ =	shalt  }
tec
execute0_lowered:
.L_overlay_start_1:
0x0: {  	(tag) =	ssettag $0x1  }
0x1: {  	s0 =	rddreg [dreg:$0x0]  }
0x2: {  	s2 =	rddreg [dreg:$0x1];
	s3 =	simm.s32 $0x0;
	s1 =	srdreg.scid  }
0x3: {  	s13 =	stileid.u32;
	s17 =	simm.s32 $0x3;
	s18 =	simm.s32 $0x1000  }
0x4: {  	s19 =	simm.s32 $0x400;
	s20 =	simm.s32 $0x1400;
	s21 =	simm.s32 $0x1  }
0x5: {  	s22 =	simm.s32 $0x200;
	s23 =	simm.s32 $0x2;
	s24 =	simm.s32 $0x0  }
0x6: {  	[smem:$0x7FF] =	sst s3;
	s1 =	sand.u32 $0x1, s1;
	s8 =	smul.u32 $0xC800, s13  }
0x7: {  	s4 =	sadd.s32 $0x2A00, s0;
	s5 =	sadd.s32 $0x33A00, s0;
	s6 =	smul.u32 $0x18800, s13  }
0x8: {  	s30 =	sshll.u32 s13, $0x6;
	s7 =	smul.u32 $0xC8000, s1;
	s10 =	ssub.s32 $0x2, s1  }
0x9: {  	_ =	strace $0x80000047;
	s11 =	smul.u32 $0xC400, s1;
	s12 =	sshrl.u32 s10, $0x1  }
0xa: {  	v0 =	vimm.s32 $0x0;
	s16 =	sadd.s32 s8, s2;
	s9 =	sadd.s32 s8, s7;
	s7 =	sadd.s32 $0x64A00, s0  }
0xb: {  	v1 =	vimm.s32 $0x1;
	v2 =	vimm.s32 $0x2;
	v3 =	vimm.s32 $0x3;
	s15 =	ssub.s32 s10, s12;
	s29 =	sadd.s32 s11, s6;
	s8 =	sor.u32 $0x1C03, s30  }
0xc: {  	v4 =	vimm.s32 $0x4;
	v5 =	vimm.s32 $0x5;
	v6 =	vimm.s32 $0x6;
	s16 =	sshrl.u32 s16, $0x3;
	s9 =	sshrl.u32 s9, $0x3;
	s11 =	sshrl.u32 s29, $0x3  }
0xd: {  	v7 =	vimm.s32 $0x7;
	v8 =	vimm.s32 $0x8;
	v9 =	vimm.s32 $0x9;
	s15 =	smax.u32 s15, $0x1;
	s0 =	sadd.s32 s9, s0;
	s9 =	smul.u32 $0x31, s1  }
0xe: {  	v10 =	vimm.s32 $0xA;
	v11 =	vimm.s32 $0xB;
	v12 =	vimm.s32 $0xC;
	s31 =	sadd.s32 $0x80, s11;
	s10 =	sadd.s32 s4, s11;
	s11 =	sadd.s32 s5, s11  }
0xf: {  	v13 =	vimm.s32 $0xD;
	v14 =	vimm.s32 $0xE;
	v15 =	vimm.s32 $0xF;
	s12 =	sadd.s32 s4, s31;
	s13 =	sadd.s32 s5, s31;
	s14 =	sadd.s32 $0x66400, s0  }
.LBB2_1:
0x10: {  	[spmem:s16], [sflag:s8] =	dma.local [hbm:s7], $0x1900  }
0x11: {  	_ =	swait.ge [sflag:s17], $0x1900  }
0x12: {  	[sflag:s17] =	ssyncset.done $0x0  }
0x13: {  	[sflag:s17] =	ssyncadd.s32 $0xFFFFE700  }
0x14: {  	[bflag:$0x0] =	sbarrier.arrive $0xFFFF  }
0x15: {  	[tilespmem:s3], [sflag:$0x1] =	stream.linear.gather [hbm4b:s10+s3], $0x400, $0x38;
	[tilespmem:$0x16800] =	vst v63  }
0x16: {  	_ = 	snop  }
0x17: {  	[tilespmem:s18], [sflag:$0x1] =	stream.linear.gather [hbm4b:s11+s3], $0x400, $0x38;
	[tilespmem:$0x16800] =	vst v63  }
0x18: {  	_ = 	snop  }
0x19: {  	[tilespmem:s19], [sflag:$0x1] =	stream.linear.gather [hbm4b:s12+s3], $0x400, $0x38;
	[tilespmem:$0x16800] =	vst v63  }
0x1a: {  	p0 =	por $0x0, $0x0;
	s25 =	simm.s32 $0x0;
	s26 =	simm.s32 $0x0  }
0x1b: {  	[tilespmem:s20], [sflag:$0x1] =	stream.linear.gather [hbm4b:s13+s3], $0x400, $0x38;
	[tilespmem:$0x16800] =	vst v63  }
.LBB2_2:
0x1c: {  	p1 =	slt.u32 s26, $0x2  }
0x1d: {  	s0 =	simm.s32 @!p1 $0x2  }
0x1e: {  	_ =	swait.ge @!p1 [sflag:s0], $0x4000  }
0x1f: {  	[sflag:s0] =	ssyncset.done @!p1 $0x0  }
0x20: {  	[sflag:s0] =	ssyncadd.s32 @!p1 $0xFFFFC000;
	s0 =	simm.s32 $0x1  }
0x21: {  	_ =	swait.ge [sflag:s21], $0x400;
	s0 =	simm.s32 @!p0 $0x0  }
0x22: {  	s1 =	sand.u32 $0x3, s25;
	[sflag:s21] =	ssyncset.done $0x0;
	s0 =	sshll.u32 s0, $0xE  }
0x23: {  	[sflag:s21] =	ssyncadd.s32 $0xFFFFFC00;
	s30 =	sor.u32 $0x2080, s0;
	s0 =	sshll.u32 s1, $0xA  }
0x24: {  	_ =	swait.ge [sflag:s21], $0x400;
	s0 =	sor.u32 $0x1000, s0  }
0x25: {  	[sflag:s21] =	ssyncset.done $0x0;
	v16 =	vmov s0  }
0x26: {  	[sflag:s21] =	ssyncadd.s32 $0xFFFFFC00  }
0x27: {  	s1 =	sshll.u32 s26, $0xA;
	v18 =	vld [tilespmem:s30+$0xFFFFFFF0]  }
0x28: {  	s28 =	sand.u32 $0xC00, s1;
	s29 =	sand.u32 $0x400, s1;
	v17 =	vld [tilespmem:s30+$0x20]  }
0x29: {  	s1 =	simm.s32 $0x0;
	s31 =	smov.u32 s30;
	s0 =	simm.s32 $0x40;
	v19 =	vld [tilespmem:s30+$0x0]  }
.LBB2_3:
0x2a: {  	p1 =	sne.s32 s0, $0xFC0;
	v20 =	vld.idx.msk [tilespmem:v16+s1+$0x0 ss:$0x1], $0xffff  }
0x2b: {  	v21 =	vld [tilespmem:s30+$0xFFFFFF80]  }
0x2c: {  	v22 =	vld [tilespmem:s30+$0xFFFFFF90]  }
0x2d: {  	v23 =	vld [tilespmem:s30+$0xFFFFFFA0]  }
0x2e: {  	v18 =	vmul.f32 $0.0e+00, v18;
	v24 =	vld [tilespmem:s30+$0xFFFFFFB0]  }
0x2f: {  	v17 =	vmul.f32 $0.0e+00, v17;
	v19 =	vmul.f32 $0.0e+00, v19;
	v25 =	vld [tilespmem:s30+$0xFFFFFFC0]  }
0x30: {  	v26 =	vperm.xlane v20, v0;
	v21 =	vmul.f32 $0.0e+00, v21;
	v27 =	vld [tilespmem:s30+$0xFFFFFFD0]  }
0x31: {  	v28 =	vperm.xlane v20, v1;
	v22 =	vmul.f32 $0.0e+00, v22;
	v29 =	vld [tilespmem:s30+$0xFFFFFFE0]  }
0x32: {  	v21 =	vadd.f32 v21, v26;
	v26 =	vperm.xlane v20, v2;
	v23 =	vmul.f32 $0.0e+00, v23  }
0x33: {  	v22 =	vadd.f32 v22, v28;
	v28 =	vperm.xlane v20, v3;
	v24 =	vmul.f32 $0.0e+00, v24;
	v30 =	vld [tilespmem:s30+$0x10]  }
0x34: {  	[tilespmem:s30+$0xFFFFFF80] =	vst v21;
	v21 =	vadd.f32 v23, v26;
	v23 =	vperm.xlane v20, v4;
	v25 =	vmul.f32 $0.0e+00, v25  }
0x35: {  	[tilespmem:s30+$0xFFFFFF90] =	vst v22;
	v22 =	vadd.f32 v24, v28;
	v24 =	vperm.xlane v20, v5;
	v26 =	vmul.f32 $0.0e+00, v27;
	v27 =	vld [tilespmem:s30+$0x30]  }
0x36: {  	[tilespmem:s30+$0xFFFFFFA0] =	vst v21;
	v21 =	vadd.f32 v25, v23;
	v23 =	vperm.xlane v20, v6;
	v25 =	vmul.f32 $0.0e+00, v29;
	v28 =	vld [tilespmem:s30+$0x40]  }
0x37: {  	[tilespmem:s30+$0xFFFFFFB0] =	vst v22;
	v22 =	vadd.f32 v26, v24;
	v24 =	vperm.xlane v20, v7;
	v26 =	vperm.xlane v20, v8;
	v29 =	vld [tilespmem:s30+$0x50]  }
0x38: {  	[tilespmem:s30+$0xFFFFFFC0] =	vst v21;
	v21 =	vadd.f32 v25, v23;
	v23 =	vperm.xlane v20, v9;
	v25 =	vmul.f32 $0.0e+00, v30;
	v30 =	vld [tilespmem:s30+$0x60]  }
0x39: {  	[tilespmem:s30+$0xFFFFFFD0] =	vst v22;
	v18 =	vadd.f32 v18, v24;
	v19 =	vadd.f32 v19, v26;
	v22 =	vperm.xlane v20, v10;
	v24 =	vld [tilespmem:s30+$0x70]  }
0x3a: {  	[tilespmem:s30+$0xFFFFFFE0] =	vst v21;
	v21 =	vadd.f32 v25, v23;
	v23 =	vperm.xlane v20, v11;
	v25 =	vmul.f32 $0.0e+00, v27  }
0x3b: {  	[tilespmem:s30+$0xFFFFFFF0] =	vst v18;
	v17 =	vadd.f32 v17, v22;
	v18 =	vperm.xlane v20, v12;
	v22 =	vmul.f32 $0.0e+00, v28  }
0x3c: {  	[tilespmem:s30+$0x0] =	vst v19;
	v19 =	vadd.f32 v25, v23;
	v23 =	vperm.xlane v20, v13;
	v25 =	vmul.f32 $0.0e+00, v29  }
0x3d: {  	[tilespmem:s30+$0x10] =	vst v21;
	v18 =	vadd.f32 v22, v18;
	v21 =	vperm.xlane v20, v14;
	v22 =	vmul.f32 $0.0e+00, v30  }
0x3e: {  	v20 =	vperm.xlane v20, v15;
	[tilespmem:s30+$0x20] =	vst v17;
	v17 =	vadd.f32 v25, v23;
	v23 =	vmul.f32 $0.0e+00, v24  }
.Ltmp0:
0x3f: {  	[tilespmem:s30+$0x30] =	vst v19;
	v19 =	vadd.f32 v22, v21;
	(pc) =	sbr.rel @p1 .LBB2_3-.Ltmp0, $4  }
0x40: {  	s30 =	sadd.s32 $0x100, s30;
	[tilespmem:s31+$0x40] =	vst v18;
	v20 =	vadd.f32 v23, v20  }
0x41: {  	v18 =	vld [tilespmem:s30+$0xFFFFFFF0];
	[tilespmem:s31+$0x50] =	vst v17  }
0x42: {  	v17 =	vld [tilespmem:s30+$0x20];
	[tilespmem:s31+$0x60] =	vst v19  }
0x43: {  	s1 =	sshra.s32 s0, $0x2;
	s0 =	sadd.s32 $0x40, s0;
	v19 =	vld [tilespmem:s30+$0x0];
	[tilespmem:s31+$0x70] =	vst v20;
	s31 =	smov.u32 s30  }
0x44: {  	_ =	sdelay $0x3  }
0x45: {  	v16 =	vld.idx.msk [tilespmem:v16+s1+$0x0 ss:$0x1], $0xffff  }
0x46: {  	v20 =	vld [tilespmem:s30+$0xFFFFFF80]  }
0x47: {  	v21 =	vld [tilespmem:s30+$0xFFFFFF90]  }
0x48: {  	v22 =	vld [tilespmem:s30+$0xFFFFFFA0]  }
0x49: {  	v23 =	vld [tilespmem:s30+$0xFFFFFFB0]  }
0x4a: {  	v24 =	vld [tilespmem:s30+$0xFFFFFFC0]  }
0x4b: {  	v26 =	vld [tilespmem:s30+$0xFFFFFFD0];
	v25 =	vperm.xlane v16, v0;
	v20 =	vmul.f32 $0.0e+00, v20  }
0x4c: {  	v28 =	vld [tilespmem:s30+$0xFFFFFFE0];
	v27 =	vperm.xlane v16, v1;
	v21 =	vmul.f32 $0.0e+00, v21  }
0x4d: {  	v62 =	vperm.xlane v16, v2;
	v22 =	vmul.f32 $0.0e+00, v22;
	v20 =	vadd.f32 v20, v25  }
0x4e: {  	v63 =	vperm.xlane v16, v3;
	v23 =	vmul.f32 $0.0e+00, v23;
	v21 =	vadd.f32 v21, v27  }
0x4f: {  	v29 =	vld [tilespmem:s30+$0x10];
	v33 =	vperm.xlane v16, v4;
	v24 =	vmul.f32 $0.0e+00, v24;
	v32 =	vadd.f32 v22, v62;
	[tilespmem:s30+$0xFFFFFF80] =	vst v20  }
0x50: {  	v35 =	vperm.xlane v16, v5;
	v36 =	vmul.f32 $0.0e+00, v26;
	v34 =	vadd.f32 v23, v63;
	[tilespmem:s30+$0xFFFFFF90] =	vst v21  }
0x51: {  	v37 =	vld [tilespmem:s30+$0x30];
	v39 =	vperm.xlane v16, v6;
	v40 =	vmul.f32 $0.0e+00, v28;
	v38 =	vadd.f32 v24, v33;
	[tilespmem:s30+$0xFFFFFFA0] =	vst v32  }
0x52: {  	v49 =	vld [tilespmem:s30+$0x60];
	v18 =	vmul.f32 $0.0e+00, v18;
	v43 =	vperm.xlane v16, v7;
	v42 =	vadd.f32 v36, v35;
	[tilespmem:s30+$0xFFFFFFB0] =	vst v34  }
0x53: {  	v41 =	vld [tilespmem:s30+$0x40];
	v19 =	vmul.f32 $0.0e+00, v19;
	v44 =	vperm.xlane v16, v8;
	v46 =	vadd.f32 v40, v39;
	[tilespmem:s30+$0xFFFFFFC0] =	vst v38  }
0x54: {  	v45 =	vld [tilespmem:s30+$0x50];
	v47 =	vperm.xlane v16, v9;
	v48 =	vmul.f32 $0.0e+00, v29;
	v18 =	vadd.f32 v18, v43;
	[tilespmem:s30+$0xFFFFFFD0] =	vst v42  }
0x55: {  	v51 =	vld [tilespmem:s30+$0x70];
	v17 =	vmul.f32 $0.0e+00, v17;
	v50 =	vperm.xlane v16, v10;
	v19 =	vadd.f32 v19, v44;
	[tilespmem:s30+$0xFFFFFFE0] =	vst v46  }
0x56: {  	v53 =	vperm.xlane v16, v11;
	v54 =	vmul.f32 $0.0e+00, v37;
	v52 =	vadd.f32 v48, v47;
	[tilespmem:s30+$0xFFFFFFF0] =	vst v18  }
0x57: {  	v60 =	vperm.xlane v16, v14;
	v61 =	vmul.f32 $0.0e+00, v49;
	v17 =	vadd.f32 v17, v50;
	[tilespmem:s30+$0x0] =	vst v19  }
0x58: {  	p1 =	sgt.u32 s26, $0x2E;
	v55 =	vperm.xlane v16, v12;
	v56 =	vmul.f32 $0.0e+00, v41;
	v57 =	vadd.f32 v54, v53;
	[tilespmem:s30+$0x10] =	vst v52  }
0x59: {  	s0 =	sadd.s32 @!p1 $0x2, s26;
	v58 =	vperm.xlane v16, v13;
	v59 =	vmul.f32 $0.0e+00, v45;
	v63 =	vadd.f32 v61, v60;
	[tilespmem:s30+$0x20] =	vst v17  }
0x5a: {  	s1 =	sadd.s32 @!p1 s9, s0;
	v16 =	vperm.xlane v16, v15;
	v62 =	vmul.f32 $0.0e+00, v51;
	v18 =	vadd.f32 v56, v55;
	[tilespmem:s30+$0x30] =	vst v57  }
0x5b: {  	s1 =	sshll.u32 @!p1 s1, $0xA;
	v17 =	vadd.f32 v59, v58;
	[tilespmem:s31+$0x60] =	vst v63  }
0x5c: {  	s1 =	sadd.s32 @!p1 s6, s1;
	v16 =	vadd.f32 v62, v16;
	[tilespmem:s31+$0x40] =	vst v18  }
0x5d: {  	s0 =	sshll.u32 @!p1 s0, $0xA;
	s1 =	sshrl.u32 @!p1 s1, $0x3;
	[tilespmem:s31+$0x50] =	vst v17  }
0x5e: {  	s0 =	sand.u32 @!p1 $0xC00, s0;
	s30 =	sadd.s32 @!p1 s4, s1;
	[tilespmem:s31+$0x70] =	vst v16;
	s31 =	simm.s32 @!p1 $0x0  }
0x5f: {  	[tilespmem:s0], [sflag:$0x1] =	stream.linear.gather @!p1 [hbm4b:s30+s31], $0x400, $0x38;
	[tilespmem:$0x16800] =	vst v63  }
0x60: {  	s26 =	sadd.s32 $0x1, s26;
	s1 =	sadd.s32 @!p1 s5, s1;
	s0 =	sor.u32 @!p1 $0x1000, s0  }
0x61: {  	[tilespmem:s0], [sflag:$0x1] =	stream.linear.gather @!p1 [hbm4b:s1+s31], $0x400, $0x38;
	[tilespmem:$0x16800] =	vst v63  }
0x62: {  	p1 =	sne.s32 s26, $0x31  }
.Ltmp1:
0x63: {  	s29 =	sshll.u32 s29, $0x4;
	(pc) =	sbr.rel @p1 .LBB2_2-.Ltmp1, $4  }
0x64: {  	s25 =	sadd.s32 $0x1, s25;
	s30 =	sadd.s32 $0x2000, s29  }
0x65: {  	[spmem:s2] =	stream.indirect.scatter.add.f32 [tilespmem:s30], [sflag:$0x2], $0x10, s28, s22, $0xb8;
	[tilespmem:$0x16800] =	vst v63  }
0x66: {  	p0 =	por !p0, !p0;
	s0 =	sadd.s32 $0x4000, s29;
	s31 =	sadd.s32 $0x200, s28  }
0x67: {  	[spmem:s2] =	stream.indirect.scatter.add.f32 [tilespmem:s0], [sflag:$0x2], $0x10, s31, s22, $0xb8;
	[tilespmem:$0x16800] =	vst v63  }
0x68: {  	_ =	swait.ge [sflag:s23], $0x4000  }
0x69: {  	[sflag:s23] =	ssyncset.done $0x0  }
0x6a: {  	[sflag:s23] =	ssyncadd.s32 $0xFFFFC000  }
0x6b: {  	_ =	swait.ge [sflag:s23], $0x4000  }
0x6c: {  	s24 =	sadd.s32 $0x1, s24;
	[sflag:s23] =	ssyncset.done $0x0  }
0x6d: {  	p0 =	sne.s32 s24, s15;
	[sflag:s23] =	ssyncadd.s32 $0xFFFFC000  }
.Ltmp2:
0x6e: {  	[bflag:$0x0] =	sbarrier.arrive $0xFFFF;
	(pc) =	sbr.rel @p0 .LBB2_1-.Ltmp2, $4  }
0x6f: {  	[hbm:s14], [sflag:s8] =	dma.local [spmem:s16], $0x1900  }
0x70: {  	_ =	swait.ge [sflag:s17], $0x1900  }
0x71: {  	[sflag:s17] =	ssyncset.done $0x0  }
0x72: {  	[sflag:s17] =	ssyncadd.s32 $0xFFFFE700  }
0x73: {  	_ =	sfence.sel $0x180000  }
0x74: {  	[bflag:$0x0] =	sbarrier.arrive $0xFFFF  }
0x75: {  	_ =	strace $0x90000047  }
0x76: {  	s0 =	stileid.u32;
	[bflag:$0x2] =	sbarrier.arrive $0xFFFF  }
0x77: {  	p0 =	sne.s32 s0, $0x0;
	s0 =	rddreg [dreg:$0x2]  }
0x78: {  	s0 =	sadd.s32 @!p0 $0x100000, s0  }
0x79: {  	[sflag:s0] =	ssyncadd.tile.s32 @!p0 $0x1;
	_ =	shalt  }
.Lfunc_end2:
_tile_overlayer_lowered:
.L_overlay_start_2:
0x7a: {  	(tag) =	ssettag $0x2  }
0x7b: {  	s0 =	rddreg [dreg:$0x0];
	s2 =	stileid.u32  }
0x7c: {  	s1 =	rddreg [dreg:$0x1];
	p0 =	sne.s32 s2, $0x0  }
0x7d: {  	s3 =	rddreg [dreg:$0x2];
	[bflag:$0x3] =	sbarrier.arrive $0xFFFF;
	s2 =	simm.s32 @!p0 $0x1C03  }
0x7e: {  	[timem:s3], [sflag:s2] =	dma.local @!p0 [hbm:s0], s1  }
0x7f: {  	s0 =	simm.s32 @!p0 $0x3  }
0x80: {  	_ =	swait.ge @!p0 [sflag:s0], s1  }
0x81: {  	s1 =	ssub.s32 @!p0 $0x0, s1;
	[sflag:s0] =	ssyncset.done @!p0 $0x0  }
0x82: {  	[sflag:s0] =	ssyncadd.s32 @!p0 s1  }
0x83: {  	[bflag:$0x3] =	sbarrier.arrive $0xFFFF  }
0x84: {  	_ =	shalt  }

</sc_bundles>
